<compile_context>
chip_gen: v7x
topology: tpu7x:2x2x1
jax: 0.10.2.dev20260603
libtpu: 0.0.44.dev20260713+nightly
codegen_flags: <defaults>
</compile_context>

<pallas_src>
import functools

import jax
import jax.numpy as jnp
from jax import lax
from jax.experimental import pallas as pl
from jax.experimental.pallas import tpu as pltpu
from jax.experimental.pallas import tpu_sc as plsc

_B, _S, _F, _D = 1024, 63, 26, 128
_NC, _NS = 2, 16
_NW = _NC * _NS
_BPW = _B // _NW


def _sc_lut_body(segs, x2_ref, wflat_ref, out_ref, xv, wv, rv, outv):
    wid = lax.axis_index("s") * _NC + lax.axis_index("c")
    pltpu.sync_copy(wflat_ref, wv)
    iota = lax.iota(jnp.int32, 16)

    def batch_body(bi, carry):
        b = wid * _BPW + bi
        pltpu.sync_copy(x2_ref.at[b], xv)
        for g in range(4):
            for k, (col, off) in enumerate(segs):
                idxv = iota * _F + (g * 16 * _F + col)
                colval = plsc.load_gather(xv, [idxv])
                r = (colval.astype(jnp.int32) + off) * _D
                rv[pl.ds(k * 64 + g * 16, 16)] = r

        def tok_body(t, c2):
            racc = []
            for k in range(5):
                bvec = lax.broadcast(t + k * 64, (16,))
                racc.append(plsc.load_gather(rv, [bvec]))
            for v in range(8):
                lane = iota + v * 16
                acc = plsc.load_gather(wv, [racc[0] + lane])
                for k in range(1, 5):
                    acc = acc + plsc.load_gather(wv, [racc[k] + lane])
                outv[t, pl.ds(v * 16, 16)] = acc
            return c2

        lax.fori_loop(0, _S, tok_body, 0)
        pltpu.sync_copy(outv, out_ref.at[b])
        return carry

    lax.fori_loop(0, _BPW, batch_body, 0)


def _tc_combine_kernel(x_ref, card_ref, lut_ref, w26_ref, out_ref, *, bb):
    w26 = w26_ref[...]
    for i in range(bb):
        coin = jnp.dot(x_ref[i], w26, preferred_element_type=jnp.float32)
        out_ref[i] = coin + card_ref[i] + lut_ref[i, :_S, :]


def kernel(x, card_emb_out, turn_table, pos_table, civ_table, face_table, action_table, coin_W, coin_b):
    B, S, F = x.shape
    D = card_emb_out.shape[-1]

    n = (S - 6) // 19
    lookup = {3: 0, 4: 4, 5: 9, 6: 15, 7: 22}
    o = lookup.get(n, -100)

    w_lut = jnp.concatenate(
        [turn_table, pos_table, civ_table, face_table, action_table], axis=0)
    w_lut = w_lut.at[:20].add(coin_b[None, :])
    wflat = w_lut.reshape(65 * D)
    segs = ((0, 0), (3, 20 + o), (4, 50), (5, 58), (2, 61))

    x2 = jnp.pad(x.reshape(B, S * F), ((0, 0), (0, 1664 - S * F)))

    sc_lut = pl.kernel(
        functools.partial(_sc_lut_body, segs),
        out_type=jax.ShapeDtypeStruct((B, 64, D), jnp.float32),
        mesh=plsc.VectorSubcoreMesh(core_axis_name="c", subcore_axis_name="s",
                                    num_cores=_NC, num_subcores=_NS),
        compiler_params=pltpu.CompilerParams(needs_layout_passes=False),
        scratch_types=[
            pltpu.VMEM((1664,), jnp.float32),
            pltpu.VMEM((65 * _D,), jnp.float32),
            pltpu.VMEM((5 * 64,), jnp.int32),
            pltpu.VMEM((64, _D), jnp.float32),
        ],
    )
    lut = sc_lut(x2, wflat)

    w26 = jnp.zeros((F, D), dtype=jnp.float32).at[6:].set(coin_W)
    bb = 128
    grid = B // bb
    return pl.pallas_call(
        functools.partial(_tc_combine_kernel, bb=bb),
        grid=(grid,),
        compiler_params=pltpu.CompilerParams(dimension_semantics=("parallel",)),
        in_specs=[
            pl.BlockSpec((bb, S, F), lambda i: (i, 0, 0)),
            pl.BlockSpec((bb, S, D), lambda i: (i, 0, 0)),
            pl.BlockSpec((bb, 64, D), lambda i: (i, 0, 0)),
            pl.BlockSpec(w26.shape, lambda i: (0, 0)),
        ],
        out_specs=pl.BlockSpec((bb, S, D), lambda i: (i, 0, 0)),
        out_shape=jax.ShapeDtypeStruct((B, S, D), jnp.float32),
    )(x, card_emb_out, lut, w26)

# --- scband reference (transcript-rebuilt; emitter-appended) ---
"""Pipeline reference for scband-total-embedding-36876589204230 (READ-ONLY COPY).

The authoritative reference and input builder live on the scoring server;
editing this copy changes nothing except your own understanding.
"""

import jax, jax.numpy as jnp
import numpy as np

B, S, F, D = 1024, 63, 26, 128

def setup_inputs(seed: int = 0) -> dict:
    key = jax.random.key(seed)
    ks = jax.random.split(key, 10)
    x = jax.random.uniform(ks[0], (B, S, F), dtype=jnp.float32)
    card_emb_out = jax.random.normal(ks[1], (B, S, D), dtype=jnp.float32)
    turn_table = jax.random.normal(ks[2], (20, D), dtype=jnp.float32) * 0.05
    pos_table = jax.random.normal(ks[3], (30, D), dtype=jnp.float32) * 0.05
    civ_table = jax.random.normal(ks[4], (8, D), dtype=jnp.float32) * 0.05
    face_table = jax.random.normal(ks[5], (3, D), dtype=jnp.float32) * 0.05
    action_table = jax.random.normal(ks[6], (4, D), dtype=jnp.float32) * 0.05
    coin_W = jax.random.normal(ks[7], (F - 6, D), dtype=jnp.float32) * 0.05
    coin_b = jnp.zeros((D,), dtype=jnp.float32)
    return {"x": x, "card_emb_out": card_emb_out, "turn_table": turn_table,
            "pos_table": pos_table, "civ_table": civ_table, "face_table": face_table,
            "action_table": action_table, "coin_W": coin_W, "coin_b": coin_b}

def reference(x, card_emb_out, turn_table, pos_table, civ_table, face_table, action_table, coin_W, coin_b):
    lookup_keys = jnp.array([3, 4, 5, 6, 7], dtype=jnp.int32)
    lookup_values = jnp.array([0, 4, 9, 15, 22], dtype=jnp.int32)
    lookup_default = jnp.int32(-100)
    n = jnp.int32((x.shape[-2] - 6) // 19)
    mask = jnp.equal(n, lookup_keys)
    index = jnp.argmax(mask.astype(jnp.int32))
    found = jnp.any(mask)
    value = jnp.take(lookup_values, index)
    o = jnp.where(found, value, lookup_default)
    xi = x.astype(jnp.int32)
    turn_emb_out = jnp.take(turn_table, xi[:, :, 0], axis=0)
    action_emb_out = jnp.take(action_table, xi[:, :, 2], axis=0)
    pos_emb_out = jnp.take(pos_table, xi[:, :, 3] + o, axis=0)
    civ_emb_out = jnp.take(civ_table, xi[:, :, 4], axis=0)
    face_emb_out = jnp.take(face_table, xi[:, :, 5], axis=0)
    coin_emb_out = jnp.dot(x[:, :, 6:], coin_W) + coin_b
    total_emb = (turn_emb_out.astype(jnp.float32) + card_emb_out.astype(jnp.float32)
                 + action_emb_out.astype(jnp.float32) + pos_emb_out.astype(jnp.float32)
                 + civ_emb_out.astype(jnp.float32) + face_emb_out.astype(jnp.float32)
                 + coin_emb_out.astype(jnp.float32))
    return total_emb

if __name__ == "__main__":
    import jax
    _d = setup_inputs()
    print(jax.jit(kernel)(*tuple(_d.values())))

</pallas_src>

<mosaic_0001>
#map = affine_map<(d0, d1) -> (0, 0)>
#map1 = affine_map<(d0, d1) -> (0)>
#map2 = affine_map<(d0, d1) -> (0, 0, 0)>
module attributes {stable_mosaic.version = 14 : i64} {
  func.func @_sc_lut_body(%arg0: i32, %arg1: i32, %arg2: memref<1024x1664xf32, #tpu.memory_space<hbm>>, %arg3: memref<8320xf32, #tpu.memory_space<hbm>>, %arg4: memref<1024x64x128xf32, #tpu.memory_space<hbm>>, %arg5: memref<1664xf32, #tpu.memory_space<vmem>>, %arg6: memref<8320xf32, #tpu.memory_space<vmem>>, %arg7: memref<320xi32, #tpu.memory_space<vmem>>, %arg8: memref<64x128xf32, #tpu.memory_space<vmem>>) attributes {dimension_semantics = [#tpu.dimension_semantics<core_parallel>, #tpu.dimension_semantics<subcore_parallel>], iteration_bounds = array<i64: 2, 16>, scalar_prefetch = 0 : i64, scratch_operands = 4 : i64, tpu.core_type = #tpu.core_type<sc_vector_subcore>, window_params = [{transform_indices = #map}, {transform_indices = #map1}, {transform_indices = #map2}]} {
    %mul3A = arith.constant 2 : i32
    %mul3A_0 = arith.muli %arg1, %mul3A : i32
    %add3A = arith.addi %mul3A_0, %arg0 : i32
    "tpu.region"() ({
      %run_scoped3A = tpu.sem_alloc : memref<!tpu.dma_semaphore, #tpu.memory_space<semaphore_mem>>
      tpu.enqueue_dma source(%arg3 : memref<8320xf32, #tpu.memory_space<hbm>>) target(%arg6 : memref<8320xf32, #tpu.memory_space<vmem>>) target_semaphore(%run_scoped3A : memref<!tpu.dma_semaphore, #tpu.memory_space<semaphore_mem>>)
      tpu.wait_dma2 semaphore(%run_scoped3A : memref<!tpu.dma_semaphore, #tpu.memory_space<semaphore_mem>>) src(%arg3 : memref<8320xf32, #tpu.memory_space<hbm>>) dst(%arg6 : memref<8320xf32, #tpu.memory_space<vmem>>)
      tpu.yield
    }) : () -> ()
    %iota3A = tpu.iota {dimensions = array<i32: 0>} : vector<16xi32>
    %scan3A = arith.constant 0 : i32
    %scan3A_1 = arith.constant 0 : i32
    %scan3A_2 = arith.constant 32 : i32
    %scan3A_3 = arith.addi %scan3A_1, %scan3A_2 : i32
    %scan3A_4 = arith.constant 1 : i32
    scf.for %scan3A_6 = %scan3A_1 to %scan3A_3 step %scan3A_4  : i32 {
      %mul3A_7 = arith.constant 32 : i32
      %mul3A_8 = arith.muli %add3A, %mul3A_7 : i32
      %add3A_9 = arith.addi %mul3A_8, %scan3A_6 : i32
      "tpu.region"() ({
        %run_scoped3A = tpu.sem_alloc : memref<!tpu.dma_semaphore, #tpu.memory_space<semaphore_mem>>
        %dma_start3A = arith.constant 0 : i32
        %dma_start3A_333 = tpu.memref_slice %arg2[%add3A_9, %dma_start3A] : memref<1024x1664xf32, #tpu.memory_space<hbm>> -> memref<1x1664xf32, #tpu.memory_space<hbm>>
        %dma_start3A_334 = tpu.memref_squeeze %dma_start3A_333 : memref<1x1664xf32, #tpu.memory_space<hbm>> -> memref<1664xf32, #tpu.memory_space<hbm>>
        %dma_start3A_335 = arith.constant 0 : i32
        %dma_start3A_336 = tpu.memref_slice %arg2[%add3A_9, %dma_start3A_335] : memref<1024x1664xf32, #tpu.memory_space<hbm>> -> memref<1x1664xf32, #tpu.memory_space<hbm>>
        %dma_start3A_337 = tpu.memref_squeeze %dma_start3A_336 : memref<1x1664xf32, #tpu.memory_space<hbm>> -> memref<1664xf32, #tpu.memory_space<hbm>>
        tpu.enqueue_dma source(%dma_start3A_337 : memref<1664xf32, #tpu.memory_space<hbm>>) target(%arg5 : memref<1664xf32, #tpu.memory_space<vmem>>) target_semaphore(%run_scoped3A : memref<!tpu.dma_semaphore, #tpu.memory_space<semaphore_mem>>)
        %dma_wait3A = arith.constant 0 : i32
        %dma_wait3A_338 = tpu.memref_slice %arg2[%add3A_9, %dma_wait3A] : memref<1024x1664xf32, #tpu.memory_space<hbm>> -> memref<1x1664xf32, #tpu.memory_space<hbm>>
        %dma_wait3A_339 = tpu.memref_squeeze %dma_wait3A_338 : memref<1x1664xf32, #tpu.memory_space<hbm>> -> memref<1664xf32, #tpu.memory_space<hbm>>
        %dma_wait3A_340 = arith.constant 0 : i32
        %dma_wait3A_341 = tpu.memref_slice %arg2[%add3A_9, %dma_wait3A_340] : memref<1024x1664xf32, #tpu.memory_space<hbm>> -> memref<1x1664xf32, #tpu.memory_space<hbm>>
        %dma_wait3A_342 = tpu.memref_squeeze %dma_wait3A_341 : memref<1x1664xf32, #tpu.memory_space<hbm>> -> memref<1664xf32, #tpu.memory_space<hbm>>
        tpu.wait_dma2 semaphore(%run_scoped3A : memref<!tpu.dma_semaphore, #tpu.memory_space<semaphore_mem>>) src(%dma_wait3A_342 : memref<1664xf32, #tpu.memory_space<hbm>>) dst(%arg5 : memref<1664xf32, #tpu.memory_space<vmem>>)
        tpu.yield
      }) : () -> ()
      %mul3A_10 = arith.constant 26 : i32
      %mul3A_11 = vector.broadcast %mul3A_10 : i32 to vector<16xi32>
      %mul3A_12 = arith.muli %iota3A, %mul3A_11 : vector<16xi32>
      %add3A_13 = arith.constant 0 : i32
      %add3A_14 = vector.broadcast %add3A_13 : i32 to vector<16xi32>
      %add3A_15 = arith.addi %mul3A_12, %add3A_14 : vector<16xi32>
      %gather3A = tpu.vector_load_idx %arg5[%add3A_15] : memref<1664xf32, #tpu.memory_space<vmem>>[vector<16xi32>], vector<16xf32>,
      %convert_element_type3A = arith.fptosi %gather3A : vector<16xf32> to vector<16xi32>
      %add3A_16 = arith.constant 0 : i32
      %add3A_17 = vector.broadcast %add3A_16 : i32 to vector<16xi32>
      %add3A_18 = arith.addi %convert_element_type3A, %add3A_17 : vector<16xi32>
      %mul3A_19 = arith.constant 128 : i32
      %mul3A_20 = vector.broadcast %mul3A_19 : i32 to vector<16xi32>
      %mul3A_21 = arith.muli %add3A_18, %mul3A_20 : vector<16xi32>
      %swap3A = arith.constant 0 : index
      %swap3A_22 = tpu.vector_load %arg7[%swap3A] {strides = array<i32>} : memref<320xi32, #tpu.memory_space<vmem>>, vector<16xi32>,
      tpu.vector_store %arg7[%swap3A], %mul3A_21 {strides = array<i32>} : memref<320xi32, #tpu.memory_space<vmem>>, vector<16xi32>,
      %mul3A_23 = arith.constant 26 : i32
      %mul3A_24 = vector.broadcast %mul3A_23 : i32 to vector<16xi32>
      %mul3A_25 = arith.muli %iota3A, %mul3A_24 : vector<16xi32>
      %add3A_26 = arith.constant 3 : i32
      %add3A_27 = vector.broadcast %add3A_26 : i32 to vector<16xi32>
      %add3A_28 = arith.addi %mul3A_25, %add3A_27 : vector<16xi32>
      %gather3A_29 = tpu.vector_load_idx %arg5[%add3A_28] : memref<1664xf32, #tpu.memory_space<vmem>>[vector<16xi32>], vector<16xf32>,
      %convert_element_type3A_30 = arith.fptosi %gather3A_29 : vector<16xf32> to vector<16xi32>
      %add3A_31 = arith.constant 20 : i32
      %add3A_32 = vector.broadcast %add3A_31 : i32 to vector<16xi32>
      %add3A_33 = arith.addi %convert_element_type3A_30, %add3A_32 : vector<16xi32>
      %mul3A_34 = arith.constant 128 : i32
      %mul3A_35 = vector.broadcast %mul3A_34 : i32 to vector<16xi32>
      %mul3A_36 = arith.muli %add3A_33, %mul3A_35 : vector<16xi32>
      %swap3A_37 = arith.constant 64 : index
      %swap3A_38 = tpu.vector_load %arg7[%swap3A_37] {strides = array<i32>} : memref<320xi32, #tpu.memory_space<vmem>>, vector<16xi32>,
      tpu.vector_store %arg7[%swap3A_37], %mul3A_36 {strides = array<i32>} : memref<320xi32, #tpu.memory_space<vmem>>, vector<16xi32>,
      %mul3A_39 = arith.constant 26 : i32
      %mul3A_40 = vector.broadcast %mul3A_39 : i32 to vector<16xi32>
      %mul3A_41 = arith.muli %iota3A, %mul3A_40 : vector<16xi32>
      %add3A_42 = arith.constant 4 : i32
      %add3A_43 = vector.broadcast %add3A_42 : i32 to vector<16xi32>
      %add3A_44 = arith.addi %mul3A_41, %add3A_43 : vector<16xi32>
      %gather3A_45 = tpu.vector_load_idx %arg5[%add3A_44] : memref<1664xf32, #tpu.memory_space<vmem>>[vector<16xi32>], vector<16xf32>,
      %convert_element_type3A_46 = arith.fptosi %gather3A_45 : vector<16xf32> to vector<16xi32>
      %add3A_47 = arith.constant 50 : i32
      %add3A_48 = vector.broadcast %add3A_47 : i32 to vector<16xi32>
      %add3A_49 = arith.addi %convert_element_type3A_46, %add3A_48 : vector<16xi32>
      %mul3A_50 = arith.constant 128 : i32
      %mul3A_51 = vector.broadcast %mul3A_50 : i32 to vector<16xi32>
      %mul3A_52 = arith.muli %add3A_49, %mul3A_51 : vector<16xi32>
      %swap3A_53 = arith.constant 128 : index
      %swap3A_54 = tpu.vector_load %arg7[%swap3A_53] {strides = array<i32>} : memref<320xi32, #tpu.memory_space<vmem>>, vector<16xi32>,
      tpu.vector_store %arg7[%swap3A_53], %mul3A_52 {strides = array<i32>} : memref<320xi32, #tpu.memory_space<vmem>>, vector<16xi32>,
      %mul3A_55 = arith.constant 26 : i32
      %mul3A_56 = vector.broadcast %mul3A_55 : i32 to vector<16xi32>
      %mul3A_57 = arith.muli %iota3A, %mul3A_56 : vector<16xi32>
      %add3A_58 = arith.constant 5 : i32
      %add3A_59 = vector.broadcast %add3A_58 : i32 to vector<16xi32>
      %add3A_60 = arith.addi %mul3A_57, %add3A_59 : vector<16xi32>
      %gather3A_61 = tpu.vector_load_idx %arg5[%add3A_60] : memref<1664xf32, #tpu.memory_space<vmem>>[vector<16xi32>], vector<16xf32>,
      %convert_element_type3A_62 = arith.fptosi %gather3A_61 : vector<16xf32> to vector<16xi32>
      %add3A_63 = arith.constant 58 : i32
      %add3A_64 = vector.broadcast %add3A_63 : i32 to vector<16xi32>
      %add3A_65 = arith.addi %convert_element_type3A_62, %add3A_64 : vector<16xi32>
      %mul3A_66 = arith.constant 128 : i32
      %mul3A_67 = vector.broadcast %mul3A_66 : i32 to vector<16xi32>
      %mul3A_68 = arith.muli %add3A_65, %mul3A_67 : vector<16xi32>
      %swap3A_69 = arith.constant 192 : index
      %swap3A_70 = tpu.vector_load %arg7[%swap3A_69] {strides = array<i32>} : memref<320xi32, #tpu.memory_space<vmem>>, vector<16xi32>,
      tpu.vector_store %arg7[%swap3A_69], %mul3A_68 {strides = array<i32>} : memref<320xi32, #tpu.memory_space<vmem>>, vector<16xi32>,
      %mul3A_71 = arith.constant 26 : i32
      %mul3A_72 = vector.broadcast %mul3A_71 : i32 to vector<16xi32>
      %mul3A_73 = arith.muli %iota3A, %mul3A_72 : vector<16xi32>
      %add3A_74 = arith.constant 2 : i32
      %add3A_75 = vector.broadcast %add3A_74 : i32 to vector<16xi32>
      %add3A_76 = arith.addi %mul3A_73, %add3A_75 : vector<16xi32>
      %gather3A_77 = tpu.vector_load_idx %arg5[%add3A_76] : memref<1664xf32, #tpu.memory_space<vmem>>[vector<16xi32>], vector<16xf32>,
      %convert_element_type3A_78 = arith.fptosi %gather3A_77 : vector<16xf32> to vector<16xi32>
      %add3A_79 = arith.constant 61 : i32
      %add3A_80 = vector.broadcast %add3A_79 : i32 to vector<16xi32>
      %add3A_81 = arith.addi %convert_element_type3A_78, %add3A_80 : vector<16xi32>
      %mul3A_82 = arith.constant 128 : i32
      %mul3A_83 = vector.broadcast %mul3A_82 : i32 to vector<16xi32>
      %mul3A_84 = arith.muli %add3A_81, %mul3A_83 : vector<16xi32>
      %swap3A_85 = arith.constant 256 : index
      %swap3A_86 = tpu.vector_load %arg7[%swap3A_85] {strides = array<i32>} : memref<320xi32, #tpu.memory_space<vmem>>, vector<16xi32>,
      tpu.vector_store %arg7[%swap3A_85], %mul3A_84 {strides = array<i32>} : memref<320xi32, #tpu.memory_space<vmem>>, vector<16xi32>,
      %mul3A_87 = arith.constant 26 : i32
      %mul3A_88 = vector.broadcast %mul3A_87 : i32 to vector<16xi32>
      %mul3A_89 = arith.muli %iota3A, %mul3A_88 : vector<16xi32>
      %add3A_90 = arith.constant 416 : i32
      %add3A_91 = vector.broadcast %add3A_90 : i32 to vector<16xi32>
      %add3A_92 = arith.addi %mul3A_89, %add3A_91 : vector<16xi32>
      %gather3A_93 = tpu.vector_load_idx %arg5[%add3A_92] : memref<1664xf32, #tpu.memory_space<vmem>>[vector<16xi32>], vector<16xf32>,
      %convert_element_type3A_94 = arith.fptosi %gather3A_93 : vector<16xf32> to vector<16xi32>
      %add3A_95 = arith.constant 0 : i32
      %add3A_96 = vector.broadcast %add3A_95 : i32 to vector<16xi32>
      %add3A_97 = arith.addi %convert_element_type3A_94, %add3A_96 : vector<16xi32>
      %mul3A_98 = arith.constant 128 : i32
      %mul3A_99 = vector.broadcast %mul3A_98 : i32 to vector<16xi32>
      %mul3A_100 = arith.muli %add3A_97, %mul3A_99 : vector<16xi32>
      %swap3A_101 = arith.constant 16 : index
      %swap3A_102 = tpu.vector_load %arg7[%swap3A_101] {strides = array<i32>} : memref<320xi32, #tpu.memory_space<vmem>>, vector<16xi32>,
      tpu.vector_store %arg7[%swap3A_101], %mul3A_100 {strides = array<i32>} : memref<320xi32, #tpu.memory_space<vmem>>, vector<16xi32>,
      %mul3A_103 = arith.constant 26 : i32
      %mul3A_104 = vector.broadcast %mul3A_103 : i32 to vector<16xi32>
      %mul3A_105 = arith.muli %iota3A, %mul3A_104 : vector<16xi32>
      %add3A_106 = arith.constant 419 : i32
      %add3A_107 = vector.broadcast %add3A_106 : i32 to vector<16xi32>
      %add3A_108 = arith.addi %mul3A_105, %add3A_107 : vector<16xi32>
      %gather3A_109 = tpu.vector_load_idx %arg5[%add3A_108] : memref<1664xf32, #tpu.memory_space<vmem>>[vector<16xi32>], vector<16xf32>,
      %convert_element_type3A_110 = arith.fptosi %gather3A_109 : vector<16xf32> to vector<16xi32>
      %add3A_111 = arith.constant 20 : i32
      %add3A_112 = vector.broadcast %add3A_111 : i32 to vector<16xi32>
      %add3A_113 = arith.addi %convert_element_type3A_110, %add3A_112 : vector<16xi32>
      %mul3A_114 = arith.constant 128 : i32
      %mul3A_115 = vector.broadcast %mul3A_114 : i32 to vector<16xi32>
      %mul3A_116 = arith.muli %add3A_113, %mul3A_115 : vector<16xi32>
      %swap3A_117 = arith.constant 80 : index
      %swap3A_118 = tpu.vector_load %arg7[%swap3A_117] {strides = array<i32>} : memref<320xi32, #tpu.memory_space<vmem>>, vector<16xi32>,
      tpu.vector_store %arg7[%swap3A_117], %mul3A_116 {strides = array<i32>} : memref<320xi32, #tpu.memory_space<vmem>>, vector<16xi32>,
      %mul3A_119 = arith.constant 26 : i32
      %mul3A_120 = vector.broadcast %mul3A_119 : i32 to vector<16xi32>
      %mul3A_121 = arith.muli %iota3A, %mul3A_120 : vector<16xi32>
      %add3A_122 = arith.constant 420 : i32
      %add3A_123 = vector.broadcast %add3A_122 : i32 to vector<16xi32>
      %add3A_124 = arith.addi %mul3A_121, %add3A_123 : vector<16xi32>
      %gather3A_125 = tpu.vector_load_idx %arg5[%add3A_124] : memref<1664xf32, #tpu.memory_space<vmem>>[vector<16xi32>], vector<16xf32>,
      %convert_element_type3A_126 = arith.fptosi %gather3A_125 : vector<16xf32> to vector<16xi32>
      %add3A_127 = arith.constant 50 : i32
      %add3A_128 = vector.broadcast %add3A_127 : i32 to vector<16xi32>
      %add3A_129 = arith.addi %convert_element_type3A_126, %add3A_128 : vector<16xi32>
      %mul3A_130 = arith.constant 128 : i32
      %mul3A_131 = vector.broadcast %mul3A_130 : i32 to vector<16xi32>
      %mul3A_132 = arith.muli %add3A_129, %mul3A_131 : vector<16xi32>
      %swap3A_133 = arith.constant 144 : index
      %swap3A_134 = tpu.vector_load %arg7[%swap3A_133] {strides = array<i32>} : memref<320xi32, #tpu.memory_space<vmem>>, vector<16xi32>,
      tpu.vector_store %arg7[%swap3A_133], %mul3A_132 {strides = array<i32>} : memref<320xi32, #tpu.memory_space<vmem>>, vector<16xi32>,
      %mul3A_135 = arith.constant 26 : i32
      %mul3A_136 = vector.broadcast %mul3A_135 : i32 to vector<16xi32>
      %mul3A_137 = arith.muli %iota3A, %mul3A_136 : vector<16xi32>
      %add3A_138 = arith.constant 421 : i32
      %add3A_139 = vector.broadcast %add3A_138 : i32 to vector<16xi32>
      %add3A_140 = arith.addi %mul3A_137, %add3A_139 : vector<16xi32>
      %gather3A_141 = tpu.vector_load_idx %arg5[%add3A_140] : memref<1664xf32, #tpu.memory_space<vmem>>[vector<16xi32>], vector<16xf32>,
      %convert_element_type3A_142 = arith.fptosi %gather3A_141 : vector<16xf32> to vector<16xi32>
      %add3A_143 = arith.constant 58 : i32
      %add3A_144 = vector.broadcast %add3A_143 : i32 to vector<16xi32>
      %add3A_145 = arith.addi %convert_element_type3A_142, %add3A_144 : vector<16xi32>
      %mul3A_146 = arith.constant 128 : i32
      %mul3A_147 = vector.broadcast %mul3A_146 : i32 to vector<16xi32>
      %mul3A_148 = arith.muli %add3A_145, %mul3A_147 : vector<16xi32>
      %swap3A_149 = arith.constant 208 : index
      %swap3A_150 = tpu.vector_load %arg7[%swap3A_149] {strides = array<i32>} : memref<320xi32, #tpu.memory_space<vmem>>, vector<16xi32>,
      tpu.vector_store %arg7[%swap3A_149], %mul3A_148 {strides = array<i32>} : memref<320xi32, #tpu.memory_space<vmem>>, vector<16xi32>,
      %mul3A_151 = arith.constant 26 : i32
      %mul3A_152 = vector.broadcast %mul3A_151 : i32 to vector<16xi32>
      %mul3A_153 = arith.muli %iota3A, %mul3A_152 : vector<16xi32>
      %add3A_154 = arith.constant 418 : i32
      %add3A_155 = vector.broadcast %add3A_154 : i32 to vector<16xi32>
      %add3A_156 = arith.addi %mul3A_153, %add3A_155 : vector<16xi32>
      %gather3A_157 = tpu.vector_load_idx %arg5[%add3A_156] : memref<1664xf32, #tpu.memory_space<vmem>>[vector<16xi32>], vector<16xf32>,
      %convert_element_type3A_158 = arith.fptosi %gather3A_157 : vector<16xf32> to vector<16xi32>
      %add3A_159 = arith.constant 61 : i32
      %add3A_160 = vector.broadcast %add3A_159 : i32 to vector<16xi32>
      %add3A_161 = arith.addi %convert_element_type3A_158, %add3A_160 : vector<16xi32>
      %mul3A_162 = arith.constant 128 : i32
      %mul3A_163 = vector.broadcast %mul3A_162 : i32 to vector<16xi32>
      %mul3A_164 = arith.muli %add3A_161, %mul3A_163 : vector<16xi32>
      %swap3A_165 = arith.constant 272 : index
      %swap3A_166 = tpu.vector_load %arg7[%swap3A_165] {strides = array<i32>} : memref<320xi32, #tpu.memory_space<vmem>>, vector<16xi32>,
      tpu.vector_store %arg7[%swap3A_165], %mul3A_164 {strides = array<i32>} : memref<320xi32, #tpu.memory_space<vmem>>, vector<16xi32>,
      %mul3A_167 = arith.constant 26 : i32
      %mul3A_168 = vector.broadcast %mul3A_167 : i32 to vector<16xi32>
      %mul3A_169 = arith.muli %iota3A, %mul3A_168 : vector<16xi32>
      %add3A_170 = arith.constant 832 : i32
      %add3A_171 = vector.broadcast %add3A_170 : i32 to vector<16xi32>
      %add3A_172 = arith.addi %mul3A_169, %add3A_171 : vector<16xi32>
      %gather3A_173 = tpu.vector_load_idx %arg5[%add3A_172] : memref<1664xf32, #tpu.memory_space<vmem>>[vector<16xi32>], vector<16xf32>,
      %convert_element_type3A_174 = arith.fptosi %gather3A_173 : vector<16xf32> to vector<16xi32>
      %add3A_175 = arith.constant 0 : i32
      %add3A_176 = vector.broadcast %add3A_175 : i32 to vector<16xi32>
      %add3A_177 = arith.addi %convert_element_type3A_174, %add3A_176 : vector<16xi32>
      %mul3A_178 = arith.constant 128 : i32
      %mul3A_179 = vector.broadcast %mul3A_178 : i32 to vector<16xi32>
      %mul3A_180 = arith.muli %add3A_177, %mul3A_179 : vector<16xi32>
      %swap3A_181 = arith.constant 32 : index
      %swap3A_182 = tpu.vector_load %arg7[%swap3A_181] {strides = array<i32>} : memref<320xi32, #tpu.memory_space<vmem>>, vector<16xi32>,
      tpu.vector_store %arg7[%swap3A_181], %mul3A_180 {strides = array<i32>} : memref<320xi32, #tpu.memory_space<vmem>>, vector<16xi32>,
      %mul3A_183 = arith.constant 26 : i32
      %mul3A_184 = vector.broadcast %mul3A_183 : i32 to vector<16xi32>
      %mul3A_185 = arith.muli %iota3A, %mul3A_184 : vector<16xi32>
      %add3A_186 = arith.constant 835 : i32
      %add3A_187 = vector.broadcast %add3A_186 : i32 to vector<16xi32>
      %add3A_188 = arith.addi %mul3A_185, %add3A_187 : vector<16xi32>
      %gather3A_189 = tpu.vector_load_idx %arg5[%add3A_188] : memref<1664xf32, #tpu.memory_space<vmem>>[vector<16xi32>], vector<16xf32>,
      %convert_element_type3A_190 = arith.fptosi %gather3A_189 : vector<16xf32> to vector<16xi32>
      %add3A_191 = arith.constant 20 : i32
      %add3A_192 = vector.broadcast %add3A_191 : i32 to vector<16xi32>
      %add3A_193 = arith.addi %convert_element_type3A_190, %add3A_192 : vector<16xi32>
      %mul3A_194 = arith.constant 128 : i32
      %mul3A_195 = vector.broadcast %mul3A_194 : i32 to vector<16xi32>
      %mul3A_196 = arith.muli %add3A_193, %mul3A_195 : vector<16xi32>
      %swap3A_197 = arith.constant 96 : index
      %swap3A_198 = tpu.vector_load %arg7[%swap3A_197] {strides = array<i32>} : memref<320xi32, #tpu.memory_space<vmem>>, vector<16xi32>,
      tpu.vector_store %arg7[%swap3A_197], %mul3A_196 {strides = array<i32>} : memref<320xi32, #tpu.memory_space<vmem>>, vector<16xi32>,
      %mul3A_199 = arith.constant 26 : i32
      %mul3A_200 = vector.broadcast %mul3A_199 : i32 to vector<16xi32>
      %mul3A_201 = arith.muli %iota3A, %mul3A_200 : vector<16xi32>
      %add3A_202 = arith.constant 836 : i32
      %add3A_203 = vector.broadcast %add3A_202 : i32 to vector<16xi32>
      %add3A_204 = arith.addi %mul3A_201, %add3A_203 : vector<16xi32>
      %gather3A_205 = tpu.vector_load_idx %arg5[%add3A_204] : memref<1664xf32, #tpu.memory_space<vmem>>[vector<16xi32>], vector<16xf32>,
      %convert_element_type3A_206 = arith.fptosi %gather3A_205 : vector<16xf32> to vector<16xi32>
      %add3A_207 = arith.constant 50 : i32
      %add3A_208 = vector.broadcast %add3A_207 : i32 to vector<16xi32>
      %add3A_209 = arith.addi %convert_element_type3A_206, %add3A_208 : vector<16xi32>
      %mul3A_210 = arith.constant 128 : i32
      %mul3A_211 = vector.broadcast %mul3A_210 : i32 to vector<16xi32>
      %mul3A_212 = arith.muli %add3A_209, %mul3A_211 : vector<16xi32>
      %swap3A_213 = arith.constant 160 : index
      %swap3A_214 = tpu.vector_load %arg7[%swap3A_213] {strides = array<i32>} : memref<320xi32, #tpu.memory_space<vmem>>, vector<16xi32>,
      tpu.vector_store %arg7[%swap3A_213], %mul3A_212 {strides = array<i32>} : memref<320xi32, #tpu.memory_space<vmem>>, vector<16xi32>,
      %mul3A_215 = arith.constant 26 : i32
      %mul3A_216 = vector.broadcast %mul3A_215 : i32 to vector<16xi32>
      %mul3A_217 = arith.muli %iota3A, %mul3A_216 : vector<16xi32>
      %add3A_218 = arith.constant 837 : i32
      %add3A_219 = vector.broadcast %add3A_218 : i32 to vector<16xi32>
      %add3A_220 = arith.addi %mul3A_217, %add3A_219 : vector<16xi32>
      %gather3A_221 = tpu.vector_load_idx %arg5[%add3A_220] : memref<1664xf32, #tpu.memory_space<vmem>>[vector<16xi32>], vector<16xf32>,
      %convert_element_type3A_222 = arith.fptosi %gather3A_221 : vector<16xf32> to vector<16xi32>
      %add3A_223 = arith.constant 58 : i32
      %add3A_224 = vector.broadcast %add3A_223 : i32 to vector<16xi32>
      %add3A_225 = arith.addi %convert_element_type3A_222, %add3A_224 : vector<16xi32>
      %mul3A_226 = arith.constant 128 : i32
      %mul3A_227 = vector.broadcast %mul3A_226 : i32 to vector<16xi32>
      %mul3A_228 = arith.muli %add3A_225, %mul3A_227 : vector<16xi32>
      %swap3A_229 = arith.constant 224 : index
      %swap3A_230 = tpu.vector_load %arg7[%swap3A_229] {strides = array<i32>} : memref<320xi32, #tpu.memory_space<vmem>>, vector<16xi32>,
      tpu.vector_store %arg7[%swap3A_229], %mul3A_228 {strides = array<i32>} : memref<320xi32, #tpu.memory_space<vmem>>, vector<16xi32>,
      %mul3A_231 = arith.constant 26 : i32
      %mul3A_232 = vector.broadcast %mul3A_231 : i32 to vector<16xi32>
      %mul3A_233 = arith.muli %iota3A, %mul3A_232 : vector<16xi32>
      %add3A_234 = arith.constant 834 : i32
      %add3A_235 = vector.broadcast %add3A_234 : i32 to vector<16xi32>
      %add3A_236 = arith.addi %mul3A_233, %add3A_235 : vector<16xi32>
      %gather3A_237 = tpu.vector_load_idx %arg5[%add3A_236] : memref<1664xf32, #tpu.memory_space<vmem>>[vector<16xi32>], vector<16xf32>,
      %convert_element_type3A_238 = arith.fptosi %gather3A_237 : vector<16xf32> to vector<16xi32>
      %add3A_239 = arith.constant 61 : i32
      %add3A_240 = vector.broadcast %add3A_239 : i32 to vector<16xi32>
      %add3A_241 = arith.addi %convert_element_type3A_238, %add3A_240 : vector<16xi32>
      %mul3A_242 = arith.constant 128 : i32
      %mul3A_243 = vector.broadcast %mul3A_242 : i32 to vector<16xi32>
      %mul3A_244 = arith.muli %add3A_241, %mul3A_243 : vector<16xi32>
      %swap3A_245 = arith.constant 288 : index
      %swap3A_246 = tpu.vector_load %arg7[%swap3A_245] {strides = array<i32>} : memref<320xi32, #tpu.memory_space<vmem>>, vector<16xi32>,
      tpu.vector_store %arg7[%swap3A_245], %mul3A_244 {strides = array<i32>} : memref<320xi32, #tpu.memory_space<vmem>>, vector<16xi32>,
      %mul3A_247 = arith.constant 26 : i32
      %mul3A_248 = vector.broadcast %mul3A_247 : i32 to vector<16xi32>
      %mul3A_249 = arith.muli %iota3A, %mul3A_248 : vector<16xi32>
      %add3A_250 = arith.constant 1248 : i32
      %add3A_251 = vector.broadcast %add3A_250 : i32 to vector<16xi32>
      %add3A_252 = arith.addi %mul3A_249, %add3A_251 : vector<16xi32>
      %gather3A_253 = tpu.vector_load_idx %arg5[%add3A_252] : memref<1664xf32, #tpu.memory_space<vmem>>[vector<16xi32>], vector<16xf32>,
      %convert_element_type3A_254 = arith.fptosi %gather3A_253 : vector<16xf32> to vector<16xi32>
      %add3A_255 = arith.constant 0 : i32
      %add3A_256 = vector.broadcast %add3A_255 : i32 to vector<16xi32>
      %add3A_257 = arith.addi %convert_element_type3A_254, %add3A_256 : vector<16xi32>
      %mul3A_258 = arith.constant 128 : i32
      %mul3A_259 = vector.broadcast %mul3A_258 : i32 to vector<16xi32>
      %mul3A_260 = arith.muli %add3A_257, %mul3A_259 : vector<16xi32>
      %swap3A_261 = arith.constant 48 : index
      %swap3A_262 = tpu.vector_load %arg7[%swap3A_261] {strides = array<i32>} : memref<320xi32, #tpu.memory_space<vmem>>, vector<16xi32>,
      tpu.vector_store %arg7[%swap3A_261], %mul3A_260 {strides = array<i32>} : memref<320xi32, #tpu.memory_space<vmem>>, vector<16xi32>,
      %mul3A_263 = arith.constant 26 : i32
      %mul3A_264 = vector.broadcast %mul3A_263 : i32 to vector<16xi32>
      %mul3A_265 = arith.muli %iota3A, %mul3A_264 : vector<16xi32>
      %add3A_266 = arith.constant 1251 : i32
      %add3A_267 = vector.broadcast %add3A_266 : i32 to vector<16xi32>
      %add3A_268 = arith.addi %mul3A_265, %add3A_267 : vector<16xi32>
      %gather3A_269 = tpu.vector_load_idx %arg5[%add3A_268] : memref<1664xf32, #tpu.memory_space<vmem>>[vector<16xi32>], vector<16xf32>,
      %convert_element_type3A_270 = arith.fptosi %gather3A_269 : vector<16xf32> to vector<16xi32>
      %add3A_271 = arith.constant 20 : i32
      %add3A_272 = vector.broadcast %add3A_271 : i32 to vector<16xi32>
      %add3A_273 = arith.addi %convert_element_type3A_270, %add3A_272 : vector<16xi32>
      %mul3A_274 = arith.constant 128 : i32
      %mul3A_275 = vector.broadcast %mul3A_274 : i32 to vector<16xi32>
      %mul3A_276 = arith.muli %add3A_273, %mul3A_275 : vector<16xi32>
      %swap3A_277 = arith.constant 112 : index
      %swap3A_278 = tpu.vector_load %arg7[%swap3A_277] {strides = array<i32>} : memref<320xi32, #tpu.memory_space<vmem>>, vector<16xi32>,
      tpu.vector_store %arg7[%swap3A_277], %mul3A_276 {strides = array<i32>} : memref<320xi32, #tpu.memory_space<vmem>>, vector<16xi32>,
      %mul3A_279 = arith.constant 26 : i32
      %mul3A_280 = vector.broadcast %mul3A_279 : i32 to vector<16xi32>
      %mul3A_281 = arith.muli %iota3A, %mul3A_280 : vector<16xi32>
      %add3A_282 = arith.constant 1252 : i32
      %add3A_283 = vector.broadcast %add3A_282 : i32 to vector<16xi32>
      %add3A_284 = arith.addi %mul3A_281, %add3A_283 : vector<16xi32>
      %gather3A_285 = tpu.vector_load_idx %arg5[%add3A_284] : memref<1664xf32, #tpu.memory_space<vmem>>[vector<16xi32>], vector<16xf32>,
      %convert_element_type3A_286 = arith.fptosi %gather3A_285 : vector<16xf32> to vector<16xi32>
      %add3A_287 = arith.constant 50 : i32
      %add3A_288 = vector.broadcast %add3A_287 : i32 to vector<16xi32>
      %add3A_289 = arith.addi %convert_element_type3A_286, %add3A_288 : vector<16xi32>
      %mul3A_290 = arith.constant 128 : i32
      %mul3A_291 = vector.broadcast %mul3A_290 : i32 to vector<16xi32>
      %mul3A_292 = arith.muli %add3A_289, %mul3A_291 : vector<16xi32>
      %swap3A_293 = arith.constant 176 : index
      %swap3A_294 = tpu.vector_load %arg7[%swap3A_293] {strides = array<i32>} : memref<320xi32, #tpu.memory_space<vmem>>, vector<16xi32>,
      tpu.vector_store %arg7[%swap3A_293], %mul3A_292 {strides = array<i32>} : memref<320xi32, #tpu.memory_space<vmem>>, vector<16xi32>,
      %mul3A_295 = arith.constant 26 : i32
      %mul3A_296 = vector.broadcast %mul3A_295 : i32 to vector<16xi32>
      %mul3A_297 = arith.muli %iota3A, %mul3A_296 : vector<16xi32>
      %add3A_298 = arith.constant 1253 : i32
      %add3A_299 = vector.broadcast %add3A_298 : i32 to vector<16xi32>
      %add3A_300 = arith.addi %mul3A_297, %add3A_299 : vector<16xi32>
      %gather3A_301 = tpu.vector_load_idx %arg5[%add3A_300] : memref<1664xf32, #tpu.memory_space<vmem>>[vector<16xi32>], vector<16xf32>,
      %convert_element_type3A_302 = arith.fptosi %gather3A_301 : vector<16xf32> to vector<16xi32>
      %add3A_303 = arith.constant 58 : i32
      %add3A_304 = vector.broadcast %add3A_303 : i32 to vector<16xi32>
      %add3A_305 = arith.addi %convert_element_type3A_302, %add3A_304 : vector<16xi32>
      %mul3A_306 = arith.constant 128 : i32
      %mul3A_307 = vector.broadcast %mul3A_306 : i32 to vector<16xi32>
      %mul3A_308 = arith.muli %add3A_305, %mul3A_307 : vector<16xi32>
      %swap3A_309 = arith.constant 240 : index
      %swap3A_310 = tpu.vector_load %arg7[%swap3A_309] {strides = array<i32>} : memref<320xi32, #tpu.memory_space<vmem>>, vector<16xi32>,
      tpu.vector_store %arg7[%swap3A_309], %mul3A_308 {strides = array<i32>} : memref<320xi32, #tpu.memory_space<vmem>>, vector<16xi32>,
      %mul3A_311 = arith.constant 26 : i32
      %mul3A_312 = vector.broadcast %mul3A_311 : i32 to vector<16xi32>
      %mul3A_313 = arith.muli %iota3A, %mul3A_312 : vector<16xi32>
      %add3A_314 = arith.constant 1250 : i32
      %add3A_315 = vector.broadcast %add3A_314 : i32 to vector<16xi32>
      %add3A_316 = arith.addi %mul3A_313, %add3A_315 : vector<16xi32>
      %gather3A_317 = tpu.vector_load_idx %arg5[%add3A_316] : memref<1664xf32, #tpu.memory_space<vmem>>[vector<16xi32>], vector<16xf32>,
      %convert_element_type3A_318 = arith.fptosi %gather3A_317 : vector<16xf32> to vector<16xi32>
      %add3A_319 = arith.constant 61 : i32
      %add3A_320 = vector.broadcast %add3A_319 : i32 to vector<16xi32>
      %add3A_321 = arith.addi %convert_element_type3A_318, %add3A_320 : vector<16xi32>
      %mul3A_322 = arith.constant 128 : i32
      %mul3A_323 = vector.broadcast %mul3A_322 : i32 to vector<16xi32>
      %mul3A_324 = arith.muli %add3A_321, %mul3A_323 : vector<16xi32>
      %swap3A_325 = arith.constant 304 : index
      %swap3A_326 = tpu.vector_load %arg7[%swap3A_325] {strides = array<i32>} : memref<320xi32, #tpu.memory_space<vmem>>, vector<16xi32>,
      tpu.vector_store %arg7[%swap3A_325], %mul3A_324 {strides = array<i32>} : memref<320xi32, #tpu.memory_space<vmem>>, vector<16xi32>,
      %scan3A_327 = arith.constant 0 : i32
      %scan3A_328 = arith.constant 0 : i32
      %scan3A_329 = arith.constant 63 : i32
      %scan3A_330 = arith.addi %scan3A_328, %scan3A_329 : i32
      %scan3A_331 = arith.constant 1 : i32
      scf.for %scan3A_333 = %scan3A_328 to %scan3A_330 step %scan3A_331  : i32 {
        %add3A_334 = arith.constant 0 : i32
        %add3A_335 = arith.addi %scan3A_333, %add3A_334 : i32
        %broadcast_in_dim3A = vector.broadcast %add3A_335 : i32 to vector<16xi32>
        %gather3A_336 = tpu.vector_load_idx %arg7[%broadcast_in_dim3A] : memref<320xi32, #tpu.memory_space<vmem>>[vector<16xi32>], vector<16xi32>,
        %add3A_337 = arith.constant 64 : i32
        %add3A_338 = arith.addi %scan3A_333, %add3A_337 : i32
        %broadcast_in_dim3A_339 = vector.broadcast %add3A_338 : i32 to vector<16xi32>
        %gather3A_340 = tpu.vector_load_idx %arg7[%broadcast_in_dim3A_339] : memref<320xi32, #tpu.memory_space<vmem>>[vector<16xi32>], vector<16xi32>,
        %add3A_341 = arith.constant 128 : i32
        %add3A_342 = arith.addi %scan3A_333, %add3A_341 : i32
        %broadcast_in_dim3A_343 = vector.broadcast %add3A_342 : i32 to vector<16xi32>
        %gather3A_344 = tpu.vector_load_idx %arg7[%broadcast_in_dim3A_343] : memref<320xi32, #tpu.memory_space<vmem>>[vector<16xi32>], vector<16xi32>,
        %add3A_345 = arith.constant 192 : i32
        %add3A_346 = arith.addi %scan3A_333, %add3A_345 : i32
        %broadcast_in_dim3A_347 = vector.broadcast %add3A_346 : i32 to vector<16xi32>
        %gather3A_348 = tpu.vector_load_idx %arg7[%broadcast_in_dim3A_347] : memref<320xi32, #tpu.memory_space<vmem>>[vector<16xi32>], vector<16xi32>,
        %add3A_349 = arith.constant 256 : i32
        %add3A_350 = arith.addi %scan3A_333, %add3A_349 : i32
        %broadcast_in_dim3A_351 = vector.broadcast %add3A_350 : i32 to vector<16xi32>
        %gather3A_352 = tpu.vector_load_idx %arg7[%broadcast_in_dim3A_351] : memref<320xi32, #tpu.memory_space<vmem>>[vector<16xi32>], vector<16xi32>,
        %add3A_353 = arith.constant 0 : i32
        %add3A_354 = vector.broadcast %add3A_353 : i32 to vector<16xi32>
        %add3A_355 = arith.addi %iota3A, %add3A_354 : vector<16xi32>
        %add3A_356 = arith.addi %gather3A_336, %add3A_355 : vector<16xi32>
        %gather3A_357 = tpu.vector_load_idx %arg6[%add3A_356] : memref<8320xf32, #tpu.memory_space<vmem>>[vector<16xi32>], vector<16xf32>,
        %add3A_358 = arith.addi %gather3A_340, %add3A_355 : vector<16xi32>
        %gather3A_359 = tpu.vector_load_idx %arg6[%add3A_358] : memref<8320xf32, #tpu.memory_space<vmem>>[vector<16xi32>], vector<16xf32>,
        %add3A_360 = arith.addf %gather3A_357, %gather3A_359 : vector<16xf32>
        %add3A_361 = arith.addi %gather3A_344, %add3A_355 : vector<16xi32>
        %gather3A_362 = tpu.vector_load_idx %arg6[%add3A_361] : memref<8320xf32, #tpu.memory_space<vmem>>[vector<16xi32>], vector<16xf32>,
        %add3A_363 = arith.addf %add3A_360, %gather3A_362 : vector<16xf32>
        %add3A_364 = arith.addi %gather3A_348, %add3A_355 : vector<16xi32>
        %gather3A_365 = tpu.vector_load_idx %arg6[%add3A_364] : memref<8320xf32, #tpu.memory_space<vmem>>[vector<16xi32>], vector<16xf32>,
        %add3A_366 = arith.addf %add3A_363, %gather3A_365 : vector<16xf32>
        %add3A_367 = arith.addi %gather3A_352, %add3A_355 : vector<16xi32>
        %gather3A_368 = tpu.vector_load_idx %arg6[%add3A_367] : memref<8320xf32, #tpu.memory_space<vmem>>[vector<16xi32>], vector<16xf32>,
        %add3A_369 = arith.addf %add3A_366, %gather3A_368 : vector<16xf32>
        %swap3A_370 = arith.index_cast %scan3A_333 : i32 to index
        %swap3A_371 = arith.constant 0 : index
        %swap3A_372 = tpu.vector_load %arg8[%swap3A_370, %swap3A_371] {strides = array<i32>} : memref<64x128xf32, #tpu.memory_space<vmem>>, vector<16xf32>,
        tpu.vector_store %arg8[%swap3A_370, %swap3A_371], %add3A_369 {strides = array<i32>} : memref<64x128xf32, #tpu.memory_space<vmem>>, vector<16xf32>,
        %add3A_373 = arith.constant 16 : i32
        %add3A_374 = vector.broadcast %add3A_373 : i32 to vector<16xi32>
        %add3A_375 = arith.addi %iota3A, %add3A_374 : vector<16xi32>
        %add3A_376 = arith.addi %gather3A_336, %add3A_375 : vector<16xi32>
        %gather3A_377 = tpu.vector_load_idx %arg6[%add3A_376] : memref<8320xf32, #tpu.memory_space<vmem>>[vector<16xi32>], vector<16xf32>,
        %add3A_378 = arith.addi %gather3A_340, %add3A_375 : vector<16xi32>
        %gather3A_379 = tpu.vector_load_idx %arg6[%add3A_378] : memref<8320xf32, #tpu.memory_space<vmem>>[vector<16xi32>], vector<16xf32>,
        %add3A_380 = arith.addf %gather3A_377, %gather3A_379 : vector<16xf32>
        %add3A_381 = arith.addi %gather3A_344, %add3A_375 : vector<16xi32>
        %gather3A_382 = tpu.vector_load_idx %arg6[%add3A_381] : memref<8320xf32, #tpu.memory_space<vmem>>[vector<16xi32>], vector<16xf32>,
        %add3A_383 = arith.addf %add3A_380, %gather3A_382 : vector<16xf32>
        %add3A_384 = arith.addi %gather3A_348, %add3A_375 : vector<16xi32>
        %gather3A_385 = tpu.vector_load_idx %arg6[%add3A_384] : memref<8320xf32, #tpu.memory_space<vmem>>[vector<16xi32>], vector<16xf32>,
        %add3A_386 = arith.addf %add3A_383, %gather3A_385 : vector<16xf32>
        %add3A_387 = arith.addi %gather3A_352, %add3A_375 : vector<16xi32>
        %gather3A_388 = tpu.vector_load_idx %arg6[%add3A_387] : memref<8320xf32, #tpu.memory_space<vmem>>[vector<16xi32>], vector<16xf32>,
        %add3A_389 = arith.addf %add3A_386, %gather3A_388 : vector<16xf32>
        %swap3A_390 = arith.index_cast %scan3A_333 : i32 to index
        %swap3A_391 = arith.constant 16 : index
        %swap3A_392 = tpu.vector_load %arg8[%swap3A_390, %swap3A_391] {strides = array<i32>} : memref<64x128xf32, #tpu.memory_space<vmem>>, vector<16xf32>,
        tpu.vector_store %arg8[%swap3A_390, %swap3A_391], %add3A_389 {strides = array<i32>} : memref<64x128xf32, #tpu.memory_space<vmem>>, vector<16xf32>,
        %add3A_393 = arith.constant 32 : i32
        %add3A_394 = vector.broadcast %add3A_393 : i32 to vector<16xi32>
        %add3A_395 = arith.addi %iota3A, %add3A_394 : vector<16xi32>
        %add3A_396 = arith.addi %gather3A_336, %add3A_395 : vector<16xi32>
        %gather3A_397 = tpu.vector_load_idx %arg6[%add3A_396] : memref<8320xf32, #tpu.memory_space<vmem>>[vector<16xi32>], vector<16xf32>,
        %add3A_398 = arith.addi %gather3A_340, %add3A_395 : vector<16xi32>
        %gather3A_399 = tpu.vector_load_idx %arg6[%add3A_398] : memref<8320xf32, #tpu.memory_space<vmem>>[vector<16xi32>], vector<16xf32>,
        %add3A_400 = arith.addf %gather3A_397, %gather3A_399 : vector<16xf32>
        %add3A_401 = arith.addi %gather3A_344, %add3A_395 : vector<16xi32>
        %gather3A_402 = tpu.vector_load_idx %arg6[%add3A_401] : memref<8320xf32, #tpu.memory_space<vmem>>[vector<16xi32>], vector<16xf32>,
        %add3A_403 = arith.addf %add3A_400, %gather3A_402 : vector<16xf32>
        %add3A_404 = arith.addi %gather3A_348, %add3A_395 : vector<16xi32>
        %gather3A_405 = tpu.vector_load_idx %arg6[%add3A_404] : memref<8320xf32, #tpu.memory_space<vmem>>[vector<16xi32>], vector<16xf32>,
        %add3A_406 = arith.addf %add3A_403, %gather3A_405 : vector<16xf32>
        %add3A_407 = arith.addi %gather3A_352, %add3A_395 : vector<16xi32>
        %gather3A_408 = tpu.vector_load_idx %arg6[%add3A_407] : memref<8320xf32, #tpu.memory_space<vmem>>[vector<16xi32>], vector<16xf32>,
        %add3A_409 = arith.addf %add3A_406, %gather3A_408 : vector<16xf32>
        %swap3A_410 = arith.index_cast %scan3A_333 : i32 to index
        %swap3A_411 = arith.constant 32 : index
        %swap3A_412 = tpu.vector_load %arg8[%swap3A_410, %swap3A_411] {strides = array<i32>} : memref<64x128xf32, #tpu.memory_space<vmem>>, vector<16xf32>,
        tpu.vector_store %arg8[%swap3A_410, %swap3A_411], %add3A_409 {strides = array<i32>} : memref<64x128xf32, #tpu.memory_space<vmem>>, vector<16xf32>,
        %add3A_413 = arith.constant 48 : i32
        %add3A_414 = vector.broadcast %add3A_413 : i32 to vector<16xi32>
        %add3A_415 = arith.addi %iota3A, %add3A_414 : vector<16xi32>
        %add3A_416 = arith.addi %gather3A_336, %add3A_415 : vector<16xi32>
        %gather3A_417 = tpu.vector_load_idx %arg6[%add3A_416] : memref<8320xf32, #tpu.memory_space<vmem>>[vector<16xi32>], vector<16xf32>,
        %add3A_418 = arith.addi %gather3A_340, %add3A_415 : vector<16xi32>
        %gather3A_419 = tpu.vector_load_idx %arg6[%add3A_418] : memref<8320xf32, #tpu.memory_space<vmem>>[vector<16xi32>], vector<16xf32>,
        %add3A_420 = arith.addf %gather3A_417, %gather3A_419 : vector<16xf32>
        %add3A_421 = arith.addi %gather3A_344, %add3A_415 : vector<16xi32>
        %gather3A_422 = tpu.vector_load_idx %arg6[%add3A_421] : memref<8320xf32, #tpu.memory_space<vmem>>[vector<16xi32>], vector<16xf32>,
        %add3A_423 = arith.addf %add3A_420, %gather3A_422 : vector<16xf32>
        %add3A_424 = arith.addi %gather3A_348, %add3A_415 : vector<16xi32>
        %gather3A_425 = tpu.vector_load_idx %arg6[%add3A_424] : memref<8320xf32, #tpu.memory_space<vmem>>[vector<16xi32>], vector<16xf32>,
        %add3A_426 = arith.addf %add3A_423, %gather3A_425 : vector<16xf32>
        %add3A_427 = arith.addi %gather3A_352, %add3A_415 : vector<16xi32>
        %gather3A_428 = tpu.vector_load_idx %arg6[%add3A_427] : memref<8320xf32, #tpu.memory_space<vmem>>[vector<16xi32>], vector<16xf32>,
        %add3A_429 = arith.addf %add3A_426, %gather3A_428 : vector<16xf32>
        %swap3A_430 = arith.index_cast %scan3A_333 : i32 to index
        %swap3A_431 = arith.constant 48 : index
        %swap3A_432 = tpu.vector_load %arg8[%swap3A_430, %swap3A_431] {strides = array<i32>} : memref<64x128xf32, #tpu.memory_space<vmem>>, vector<16xf32>,
        tpu.vector_store %arg8[%swap3A_430, %swap3A_431], %add3A_429 {strides = array<i32>} : memref<64x128xf32, #tpu.memory_space<vmem>>, vector<16xf32>,
        %add3A_433 = arith.constant 64 : i32
        %add3A_434 = vector.broadcast %add3A_433 : i32 to vector<16xi32>
        %add3A_435 = arith.addi %iota3A, %add3A_434 : vector<16xi32>
        %add3A_436 = arith.addi %gather3A_336, %add3A_435 : vector<16xi32>
        %gather3A_437 = tpu.vector_load_idx %arg6[%add3A_436] : memref<8320xf32, #tpu.memory_space<vmem>>[vector<16xi32>], vector<16xf32>,
        %add3A_438 = arith.addi %gather3A_340, %add3A_435 : vector<16xi32>
        %gather3A_439 = tpu.vector_load_idx %arg6[%add3A_438] : memref<8320xf32, #tpu.memory_space<vmem>>[vector<16xi32>], vector<16xf32>,
        %add3A_440 = arith.addf %gather3A_437, %gather3A_439 : vector<16xf32>
        %add3A_441 = arith.addi %gather3A_344, %add3A_435 : vector<16xi32>
        %gather3A_442 = tpu.vector_load_idx %arg6[%add3A_441] : memref<8320xf32, #tpu.memory_space<vmem>>[vector<16xi32>], vector<16xf32>,
        %add3A_443 = arith.addf %add3A_440, %gather3A_442 : vector<16xf32>
        %add3A_444 = arith.addi %gather3A_348, %add3A_435 : vector<16xi32>
        %gather3A_445 = tpu.vector_load_idx %arg6[%add3A_444] : memref<8320xf32, #tpu.memory_space<vmem>>[vector<16xi32>], vector<16xf32>,
        %add3A_446 = arith.addf %add3A_443, %gather3A_445 : vector<16xf32>
        %add3A_447 = arith.addi %gather3A_352, %add3A_435 : vector<16xi32>
        %gather3A_448 = tpu.vector_load_idx %arg6[%add3A_447] : memref<8320xf32, #tpu.memory_space<vmem>>[vector<16xi32>], vector<16xf32>,
        %add3A_449 = arith.addf %add3A_446, %gather3A_448 : vector<16xf32>
        %swap3A_450 = arith.index_cast %scan3A_333 : i32 to index
        %swap3A_451 = arith.constant 64 : index
        %swap3A_452 = tpu.vector_load %arg8[%swap3A_450, %swap3A_451] {strides = array<i32>} : memref<64x128xf32, #tpu.memory_space<vmem>>, vector<16xf32>,
        tpu.vector_store %arg8[%swap3A_450, %swap3A_451], %add3A_449 {strides = array<i32>} : memref<64x128xf32, #tpu.memory_space<vmem>>, vector<16xf32>,
        %add3A_453 = arith.constant 80 : i32
        %add3A_454 = vector.broadcast %add3A_453 : i32 to vector<16xi32>
        %add3A_455 = arith.addi %iota3A, %add3A_454 : vector<16xi32>
        %add3A_456 = arith.addi %gather3A_336, %add3A_455 : vector<16xi32>
        %gather3A_457 = tpu.vector_load_idx %arg6[%add3A_456] : memref<8320xf32, #tpu.memory_space<vmem>>[vector<16xi32>], vector<16xf32>,
        %add3A_458 = arith.addi %gather3A_340, %add3A_455 : vector<16xi32>
        %gather3A_459 = tpu.vector_load_idx %arg6[%add3A_458] : memref<8320xf32, #tpu.memory_space<vmem>>[vector<16xi32>], vector<16xf32>,
        %add3A_460 = arith.addf %gather3A_457, %gather3A_459 : vector<16xf32>
        %add3A_461 = arith.addi %gather3A_344, %add3A_455 : vector<16xi32>
        %gather3A_462 = tpu.vector_load_idx %arg6[%add3A_461] : memref<8320xf32, #tpu.memory_space<vmem>>[vector<16xi32>], vector<16xf32>,
        %add3A_463 = arith.addf %add3A_460, %gather3A_462 : vector<16xf32>
        %add3A_464 = arith.addi %gather3A_348, %add3A_455 : vector<16xi32>
        %gather3A_465 = tpu.vector_load_idx %arg6[%add3A_464] : memref<8320xf32, #tpu.memory_space<vmem>>[vector<16xi32>], vector<16xf32>,
        %add3A_466 = arith.addf %add3A_463, %gather3A_465 : vector<16xf32>
        %add3A_467 = arith.addi %gather3A_352, %add3A_455 : vector<16xi32>
        %gather3A_468 = tpu.vector_load_idx %arg6[%add3A_467] : memref<8320xf32, #tpu.memory_space<vmem>>[vector<16xi32>], vector<16xf32>,
        %add3A_469 = arith.addf %add3A_466, %gather3A_468 : vector<16xf32>
        %swap3A_470 = arith.index_cast %scan3A_333 : i32 to index
        %swap3A_471 = arith.constant 80 : index
        %swap3A_472 = tpu.vector_load %arg8[%swap3A_470, %swap3A_471] {strides = array<i32>} : memref<64x128xf32, #tpu.memory_space<vmem>>, vector<16xf32>,
        tpu.vector_store %arg8[%swap3A_470, %swap3A_471], %add3A_469 {strides = array<i32>} : memref<64x128xf32, #tpu.memory_space<vmem>>, vector<16xf32>,
        %add3A_473 = arith.constant 96 : i32
        %add3A_474 = vector.broadcast %add3A_473 : i32 to vector<16xi32>
        %add3A_475 = arith.addi %iota3A, %add3A_474 : vector<16xi32>
        %add3A_476 = arith.addi %gather3A_336, %add3A_475 : vector<16xi32>
        %gather3A_477 = tpu.vector_load_idx %arg6[%add3A_476] : memref<8320xf32, #tpu.memory_space<vmem>>[vector<16xi32>], vector<16xf32>,
        %add3A_478 = arith.addi %gather3A_340, %add3A_475 : vector<16xi32>
        %gather3A_479 = tpu.vector_load_idx %arg6[%add3A_478] : memref<8320xf32, #tpu.memory_space<vmem>>[vector<16xi32>], vector<16xf32>,
        %add3A_480 = arith.addf %gather3A_477, %gather3A_479 : vector<16xf32>
        %add3A_481 = arith.addi %gather3A_344, %add3A_475 : vector<16xi32>
        %gather3A_482 = tpu.vector_load_idx %arg6[%add3A_481] : memref<8320xf32, #tpu.memory_space<vmem>>[vector<16xi32>], vector<16xf32>,
        %add3A_483 = arith.addf %add3A_480, %gather3A_482 : vector<16xf32>
        %add3A_484 = arith.addi %gather3A_348, %add3A_475 : vector<16xi32>
        %gather3A_485 = tpu.vector_load_idx %arg6[%add3A_484] : memref<8320xf32, #tpu.memory_space<vmem>>[vector<16xi32>], vector<16xf32>,
        %add3A_486 = arith.addf %add3A_483, %gather3A_485 : vector<16xf32>
        %add3A_487 = arith.addi %gather3A_352, %add3A_475 : vector<16xi32>
        %gather3A_488 = tpu.vector_load_idx %arg6[%add3A_487] : memref<8320xf32, #tpu.memory_space<vmem>>[vector<16xi32>], vector<16xf32>,
        %add3A_489 = arith.addf %add3A_486, %gather3A_488 : vector<16xf32>
        %swap3A_490 = arith.index_cast %scan3A_333 : i32 to index
        %swap3A_491 = arith.constant 96 : index
        %swap3A_492 = tpu.vector_load %arg8[%swap3A_490, %swap3A_491] {strides = array<i32>} : memref<64x128xf32, #tpu.memory_space<vmem>>, vector<16xf32>,
        tpu.vector_store %arg8[%swap3A_490, %swap3A_491], %add3A_489 {strides = array<i32>} : memref<64x128xf32, #tpu.memory_space<vmem>>, vector<16xf32>,
        %add3A_493 = arith.constant 112 : i32
        %add3A_494 = vector.broadcast %add3A_493 : i32 to vector<16xi32>
        %add3A_495 = arith.addi %iota3A, %add3A_494 : vector<16xi32>
        %add3A_496 = arith.addi %gather3A_336, %add3A_495 : vector<16xi32>
        %gather3A_497 = tpu.vector_load_idx %arg6[%add3A_496] : memref<8320xf32, #tpu.memory_space<vmem>>[vector<16xi32>], vector<16xf32>,
        %add3A_498 = arith.addi %gather3A_340, %add3A_495 : vector<16xi32>
        %gather3A_499 = tpu.vector_load_idx %arg6[%add3A_498] : memref<8320xf32, #tpu.memory_space<vmem>>[vector<16xi32>], vector<16xf32>,
        %add3A_500 = arith.addf %gather3A_497, %gather3A_499 : vector<16xf32>
        %add3A_501 = arith.addi %gather3A_344, %add3A_495 : vector<16xi32>
        %gather3A_502 = tpu.vector_load_idx %arg6[%add3A_501] : memref<8320xf32, #tpu.memory_space<vmem>>[vector<16xi32>], vector<16xf32>,
        %add3A_503 = arith.addf %add3A_500, %gather3A_502 : vector<16xf32>
        %add3A_504 = arith.addi %gather3A_348, %add3A_495 : vector<16xi32>
        %gather3A_505 = tpu.vector_load_idx %arg6[%add3A_504] : memref<8320xf32, #tpu.memory_space<vmem>>[vector<16xi32>], vector<16xf32>,
        %add3A_506 = arith.addf %add3A_503, %gather3A_505 : vector<16xf32>
        %add3A_507 = arith.addi %gather3A_352, %add3A_495 : vector<16xi32>
        %gather3A_508 = tpu.vector_load_idx %arg6[%add3A_507] : memref<8320xf32, #tpu.memory_space<vmem>>[vector<16xi32>], vector<16xf32>,
        %add3A_509 = arith.addf %add3A_506, %gather3A_508 : vector<16xf32>
        %swap3A_510 = arith.index_cast %scan3A_333 : i32 to index
        %swap3A_511 = arith.constant 112 : index
        %swap3A_512 = tpu.vector_load %arg8[%swap3A_510, %swap3A_511] {strides = array<i32>} : memref<64x128xf32, #tpu.memory_space<vmem>>, vector<16xf32>,
        tpu.vector_store %arg8[%swap3A_510, %swap3A_511], %add3A_509 {strides = array<i32>} : memref<64x128xf32, #tpu.memory_space<vmem>>, vector<16xf32>,
      }
      %scan3A_332 = arith.constant 63 : i32
      "tpu.region"() ({
        %run_scoped3A = tpu.sem_alloc : memref<!tpu.dma_semaphore, #tpu.memory_space<semaphore_mem>>
        %dma_start3A = arith.constant 0 : i32
        %dma_start3A_333 = arith.constant 0 : i32
        %dma_start3A_334 = tpu.memref_slice %arg4[%add3A_9, %dma_start3A, %dma_start3A_333] : memref<1024x64x128xf32, #tpu.memory_space<hbm>> -> memref<1x64x128xf32, #tpu.memory_space<hbm>>
        %dma_start3A_335 = tpu.memref_squeeze %dma_start3A_334 : memref<1x64x128xf32, #tpu.memory_space<hbm>> -> memref<64x128xf32, #tpu.memory_space<hbm>>
        %dma_start3A_336 = arith.constant 0 : i32
        %dma_start3A_337 = arith.constant 0 : i32
        %dma_start3A_338 = tpu.memref_slice %arg4[%add3A_9, %dma_start3A_336, %dma_start3A_337] : memref<1024x64x128xf32, #tpu.memory_space<hbm>> -> memref<1x64x128xf32, #tpu.memory_space<hbm>>
        %dma_start3A_339 = tpu.memref_squeeze %dma_start3A_338 : memref<1x64x128xf32, #tpu.memory_space<hbm>> -> memref<64x128xf32, #tpu.memory_space<hbm>>
        tpu.enqueue_dma source(%arg8 : memref<64x128xf32, #tpu.memory_space<vmem>>) target(%dma_start3A_339 : memref<64x128xf32, #tpu.memory_space<hbm>>) target_semaphore(%run_scoped3A : memref<!tpu.dma_semaphore, #tpu.memory_space<semaphore_mem>>)
        %dma_wait3A = arith.constant 0 : i32
        %dma_wait3A_340 = arith.constant 0 : i32
        %dma_wait3A_341 = tpu.memref_slice %arg4[%add3A_9, %dma_wait3A, %dma_wait3A_340] : memref<1024x64x128xf32, #tpu.memory_space<hbm>> -> memref<1x64x128xf32, #tpu.memory_space<hbm>>
        %dma_wait3A_342 = tpu.memref_squeeze %dma_wait3A_341 : memref<1x64x128xf32, #tpu.memory_space<hbm>> -> memref<64x128xf32, #tpu.memory_space<hbm>>
        %dma_wait3A_343 = arith.constant 0 : i32
        %dma_wait3A_344 = arith.constant 0 : i32
        %dma_wait3A_345 = tpu.memref_slice %arg4[%add3A_9, %dma_wait3A_343, %dma_wait3A_344] : memref<1024x64x128xf32, #tpu.memory_space<hbm>> -> memref<1x64x128xf32, #tpu.memory_space<hbm>>
        %dma_wait3A_346 = tpu.memref_squeeze %dma_wait3A_345 : memref<1x64x128xf32, #tpu.memory_space<hbm>> -> memref<64x128xf32, #tpu.memory_space<hbm>>
        tpu.wait_dma2 semaphore(%run_scoped3A : memref<!tpu.dma_semaphore, #tpu.memory_space<semaphore_mem>>) src(%arg8 : memref<64x128xf32, #tpu.memory_space<vmem>>) dst(%dma_wait3A_346 : memref<64x128xf32, #tpu.memory_space<hbm>>)
        tpu.yield
      }) : () -> ()
    }
    %scan3A_5 = arith.constant 32 : i32
    return
  }
}

module attributes {stable_mosaic.version = 14 : i64} {
  func.func @_tc_combine_kernel(%arg0: i32, %arg1: memref<128x63x26xf32, #tpu.memory_space<vmem>>, %arg2: memref<128x63x128xf32, #tpu.memory_space<vmem>>, %arg3: memref<128x64x128xf32, #tpu.memory_space<vmem>>, %arg4: memref<26x128xf32, #tpu.memory_space<vmem>>, %arg5: memref<128x63x128xf32, #tpu.memory_space<vmem>>) attributes {dimension_semantics = [#tpu.dimension_semantics<parallel>], iteration_bounds = array<i64: 8>, scalar_prefetch = 0 : i64, scratch_operands = 0 : i64, tpu.core_type = #tpu.core_type<tc>, window_params = [{transform_indices = @transform_0, window_bounds = array<i64: 128, 63, 26>}, {transform_indices = @transform_1, window_bounds = array<i64: 128, 63, 128>}, {transform_indices = @transform_2, window_bounds = array<i64: 128, 64, 128>}, {pipeline_mode = #tpu.pipeline_mode<synchronous>, transform_indices = @transform_3, window_bounds = array<i64: 26, 128>}, {transform_indices = @transform_4, window_bounds = array<i64: 128, 63, 128>}]} {
    %get3A = arith.constant 0 : index
    %get3A_0 = arith.constant 0 : index
    %get3A_1 = vector.load %arg4[%get3A, %get3A_0] : memref<26x128xf32, #tpu.memory_space<vmem>>, vector<26x128xf32>
    %get3A_2 = arith.constant 0 : index
    %get3A_3 = arith.constant 0 : index
    %get3A_4 = arith.constant 0 : index
    %get3A_5 = vector.load %arg1[%get3A_2, %get3A_3, %get3A_4] : memref<128x63x26xf32, #tpu.memory_space<vmem>>, vector<1x63x26xf32>
    %get3A_6 = vector.shape_cast %get3A_5 : vector<1x63x26xf32> to vector<63x26xf32>
    %dot_general3A = arith.constant dense<0.000000e+00> : vector<63x128xf32>
    %dot_general3A_7 = tpu.matmul %get3A_6, %get3A_1, %dot_general3A {dimension_numbers = #tpu.dot_dimension_numbers<[1], [0], [0], [1], [0, 0, 1, 1], [], []>, transpose_lhs_hint = false} : vector<63x26xf32>, vector<26x128xf32>, vector<63x128xf32> -> vector<63x128xf32>
    %get3A_8 = arith.constant 0 : index
    %get3A_9 = arith.constant 0 : index
    %get3A_10 = arith.constant 0 : index
    %get3A_11 = vector.load %arg2[%get3A_8, %get3A_9, %get3A_10] : memref<128x63x128xf32, #tpu.memory_space<vmem>>, vector<1x63x128xf32>
    %get3A_12 = vector.shape_cast %get3A_11 : vector<1x63x128xf32> to vector<63x128xf32>
    %add3A = arith.addf %dot_general3A_7, %get3A_12 : vector<63x128xf32>
    %get3A_13 = arith.constant 0 : index
    %get3A_14 = arith.constant 0 : index
    %get3A_15 = arith.constant 0 : index
    %get3A_16 = vector.load %arg3[%get3A_13, %get3A_14, %get3A_15] : memref<128x64x128xf32, #tpu.memory_space<vmem>>, vector<1x63x128xf32>
    %get3A_17 = vector.shape_cast %get3A_16 : vector<1x63x128xf32> to vector<63x128xf32>
    %add3A_18 = arith.addf %add3A, %get3A_17 : vector<63x128xf32>
    %swap3A = arith.constant 0 : index
    %swap3A_19 = arith.constant 0 : index
    %swap3A_20 = arith.constant 0 : index
    %swap3A_21 = vector.load %arg5[%swap3A, %swap3A_19, %swap3A_20] : memref<128x63x128xf32, #tpu.memory_space<vmem>>, vector<1x63x128xf32>
    %swap3A_22 = vector.shape_cast %swap3A_21 : vector<1x63x128xf32> to vector<63x128xf32>
    %swap3A_23 = vector.shape_cast %add3A_18 : vector<63x128xf32> to vector<1x63x128xf32>
    tpu.vector_store %arg5[%swap3A, %swap3A_19, %swap3A_20], %swap3A_23 {strides = array<i32>} : memref<128x63x128xf32, #tpu.memory_space<vmem>>, vector<1x63x128xf32>,
    %get3A_24 = arith.constant 1 : index
    %get3A_25 = arith.constant 0 : index
    %get3A_26 = arith.constant 0 : index
    %get3A_27 = vector.load %arg1[%get3A_24, %get3A_25, %get3A_26] : memref<128x63x26xf32, #tpu.memory_space<vmem>>, vector<1x63x26xf32>
    %get3A_28 = vector.shape_cast %get3A_27 : vector<1x63x26xf32> to vector<63x26xf32>
    %dot_general3A_29 = arith.constant dense<0.000000e+00> : vector<63x128xf32>
    %dot_general3A_30 = tpu.matmul %get3A_28, %get3A_1, %dot_general3A_29 {dimension_numbers = #tpu.dot_dimension_numbers<[1], [0], [0], [1], [0, 0, 1, 1], [], []>, transpose_lhs_hint = false} : vector<63x26xf32>, vector<26x128xf32>, vector<63x128xf32> -> vector<63x128xf32>
    %get3A_31 = arith.constant 1 : index
    %get3A_32 = arith.constant 0 : index
    %get3A_33 = arith.constant 0 : index
    %get3A_34 = vector.load %arg2[%get3A_31, %get3A_32, %get3A_33] : memref<128x63x128xf32, #tpu.memory_space<vmem>>, vector<1x63x128xf32>
    %get3A_35 = vector.shape_cast %get3A_34 : vector<1x63x128xf32> to vector<63x128xf32>
    %add3A_36 = arith.addf %dot_general3A_30, %get3A_35 : vector<63x128xf32>
    %get3A_37 = arith.constant 1 : index
    %get3A_38 = arith.constant 0 : index
    %get3A_39 = arith.constant 0 : index
    %get3A_40 = vector.load %arg3[%get3A_37, %get3A_38, %get3A_39] : memref<128x64x128xf32, #tpu.memory_space<vmem>>, vector<1x63x128xf32>
    %get3A_41 = vector.shape_cast %get3A_40 : vector<1x63x128xf32> to vector<63x128xf32>
    %add3A_42 = arith.addf %add3A_36, %get3A_41 : vector<63x128xf32>
    %swap3A_43 = arith.constant 1 : index
    %swap3A_44 = arith.constant 0 : index
    %swap3A_45 = arith.constant 0 : index
    %swap3A_46 = vector.load %arg5[%swap3A_43, %swap3A_44, %swap3A_45] : memref<128x63x128xf32, #tpu.memory_space<vmem>>, vector<1x63x128xf32>
    %swap3A_47 = vector.shape_cast %swap3A_46 : vector<1x63x128xf32> to vector<63x128xf32>
    %swap3A_48 = vector.shape_cast %add3A_42 : vector<63x128xf32> to vector<1x63x128xf32>
    tpu.vector_store %arg5[%swap3A_43, %swap3A_44, %swap3A_45], %swap3A_48 {strides = array<i32>} : memref<128x63x128xf32, #tpu.memory_space<vmem>>, vector<1x63x128xf32>,
    %get3A_49 = arith.constant 2 : index
    %get3A_50 = arith.constant 0 : index
    %get3A_51 = arith.constant 0 : index
    %get3A_52 = vector.load %arg1[%get3A_49, %get3A_50, %get3A_51] : memref<128x63x26xf32, #tpu.memory_space<vmem>>, vector<1x63x26xf32>
    %get3A_53 = vector.shape_cast %get3A_52 : vector<1x63x26xf32> to vector<63x26xf32>
    %dot_general3A_54 = arith.constant dense<0.000000e+00> : vector<63x128xf32>
    %dot_general3A_55 = tpu.matmul %get3A_53, %get3A_1, %dot_general3A_54 {dimension_numbers = #tpu.dot_dimension_numbers<[1], [0], [0], [1], [0, 0, 1, 1], [], []>, transpose_lhs_hint = false} : vector<63x26xf32>, vector<26x128xf32>, vector<63x128xf32> -> vector<63x128xf32>
    %get3A_56 = arith.constant 2 : index
    %get3A_57 = arith.constant 0 : index
    %get3A_58 = arith.constant 0 : index
    %get3A_59 = vector.load %arg2[%get3A_56, %get3A_57, %get3A_58] : memref<128x63x128xf32, #tpu.memory_space<vmem>>, vector<1x63x128xf32>
    %get3A_60 = vector.shape_cast %get3A_59 : vector<1x63x128xf32> to vector<63x128xf32>
    %add3A_61 = arith.addf %dot_general3A_55, %get3A_60 : vector<63x128xf32>
    %get3A_62 = arith.constant 2 : index
    %get3A_63 = arith.constant 0 : index
    %get3A_64 = arith.constant 0 : index
    %get3A_65 = vector.load %arg3[%get3A_62, %get3A_63, %get3A_64] : memref<128x64x128xf32, #tpu.memory_space<vmem>>, vector<1x63x128xf32>
    %get3A_66 = vector.shape_cast %get3A_65 : vector<1x63x128xf32> to vector<63x128xf32>
    %add3A_67 = arith.addf %add3A_61, %get3A_66 : vector<63x128xf32>
    %swap3A_68 = arith.constant 2 : index
    %swap3A_69 = arith.constant 0 : index
    %swap3A_70 = arith.constant 0 : index
    %swap3A_71 = vector.load %arg5[%swap3A_68, %swap3A_69, %swap3A_70] : memref<128x63x128xf32, #tpu.memory_space<vmem>>, vector<1x63x128xf32>
    %swap3A_72 = vector.shape_cast %swap3A_71 : vector<1x63x128xf32> to vector<63x128xf32>
    %swap3A_73 = vector.shape_cast %add3A_67 : vector<63x128xf32> to vector<1x63x128xf32>
    tpu.vector_store %arg5[%swap3A_68, %swap3A_69, %swap3A_70], %swap3A_73 {strides = array<i32>} : memref<128x63x128xf32, #tpu.memory_space<vmem>>, vector<1x63x128xf32>,
    %get3A_74 = arith.constant 3 : index
    %get3A_75 = arith.constant 0 : index
    %get3A_76 = arith.constant 0 : index
    %get3A_77 = vector.load %arg1[%get3A_74, %get3A_75, %get3A_76] : memref<128x63x26xf32, #tpu.memory_space<vmem>>, vector<1x63x26xf32>
    %get3A_78 = vector.shape_cast %get3A_77 : vector<1x63x26xf32> to vector<63x26xf32>
    %dot_general3A_79 = arith.constant dense<0.000000e+00> : vector<63x128xf32>
    %dot_general3A_80 = tpu.matmul %get3A_78, %get3A_1, %dot_general3A_79 {dimension_numbers = #tpu.dot_dimension_numbers<[1], [0], [0], [1], [0, 0, 1, 1], [], []>, transpose_lhs_hint = false} : vector<63x26xf32>, vector<26x128xf32>, vector<63x128xf32> -> vector<63x128xf32>
    %get3A_81 = arith.constant 3 : index
    %get3A_82 = arith.constant 0 : index
    %get3A_83 = arith.constant 0 : index
    %get3A_84 = vector.load %arg2[%get3A_81, %get3A_82, %get3A_83] : memref<128x63x128xf32, #tpu.memory_space<vmem>>, vector<1x63x128xf32>
    %get3A_85 = vector.shape_cast %get3A_84 : vector<1x63x128xf32> to vector<63x128xf32>
    %add3A_86 = arith.addf %dot_general3A_80, %get3A_85 : vector<63x128xf32>
    %get3A_87 = arith.constant 3 : index
    %get3A_88 = arith.constant 0 : index
    %get3A_89 = arith.constant 0 : index
    %get3A_90 = vector.load %arg3[%get3A_87, %get3A_88, %get3A_89] : memref<128x64x128xf32, #tpu.memory_space<vmem>>, vector<1x63x128xf32>
    %get3A_91 = vector.shape_cast %get3A_90 : vector<1x63x128xf32> to vector<63x128xf32>
    %add3A_92 = arith.addf %add3A_86, %get3A_91 : vector<63x128xf32>
    %swap3A_93 = arith.constant 3 : index
    %swap3A_94 = arith.constant 0 : index
    %swap3A_95 = arith.constant 0 : index
    %swap3A_96 = vector.load %arg5[%swap3A_93, %swap3A_94, %swap3A_95] : memref<128x63x128xf32, #tpu.memory_space<vmem>>, vector<1x63x128xf32>
    %swap3A_97 = vector.shape_cast %swap3A_96 : vector<1x63x128xf32> to vector<63x128xf32>
    %swap3A_98 = vector.shape_cast %add3A_92 : vector<63x128xf32> to vector<1x63x128xf32>
    tpu.vector_store %arg5[%swap3A_93, %swap3A_94, %swap3A_95], %swap3A_98 {strides = array<i32>} : memref<128x63x128xf32, #tpu.memory_space<vmem>>, vector<1x63x128xf32>,
    %get3A_99 = arith.constant 4 : index
    %get3A_100 = arith.constant 0 : index
    %get3A_101 = arith.constant 0 : index
    %get3A_102 = vector.load %arg1[%get3A_99, %get3A_100, %get3A_101] : memref<128x63x26xf32, #tpu.memory_space<vmem>>, vector<1x63x26xf32>
    %get3A_103 = vector.shape_cast %get3A_102 : vector<1x63x26xf32> to vector<63x26xf32>
    %dot_general3A_104 = arith.constant dense<0.000000e+00> : vector<63x128xf32>
    %dot_general3A_105 = tpu.matmul %get3A_103, %get3A_1, %dot_general3A_104 {dimension_numbers = #tpu.dot_dimension_numbers<[1], [0], [0], [1], [0, 0, 1, 1], [], []>, transpose_lhs_hint = false} : vector<63x26xf32>, vector<26x128xf32>, vector<63x128xf32> -> vector<63x128xf32>
    %get3A_106 = arith.constant 4 : index
    %get3A_107 = arith.constant 0 : index
    %get3A_108 = arith.constant 0 : index
    %get3A_109 = vector.load %arg2[%get3A_106, %get3A_107, %get3A_108] : memref<128x63x128xf32, #tpu.memory_space<vmem>>, vector<1x63x128xf32>
    %get3A_110 = vector.shape_cast %get3A_109 : vector<1x63x128xf32> to vector<63x128xf32>
    %add3A_111 = arith.addf %dot_general3A_105, %get3A_110 : vector<63x128xf32>
    %get3A_112 = arith.constant 4 : index
    %get3A_113 = arith.constant 0 : index
    %get3A_114 = arith.constant 0 : index
    %get3A_115 = vector.load %arg3[%get3A_112, %get3A_113, %get3A_114] : memref<128x64x128xf32, #tpu.memory_space<vmem>>, vector<1x63x128xf32>
    %get3A_116 = vector.shape_cast %get3A_115 : vector<1x63x128xf32> to vector<63x128xf32>
    %add3A_117 = arith.addf %add3A_111, %get3A_116 : vector<63x128xf32>
    %swap3A_118 = arith.constant 4 : index
    %swap3A_119 = arith.constant 0 : index
    %swap3A_120 = arith.constant 0 : index
    %swap3A_121 = vector.load %arg5[%swap3A_118, %swap3A_119, %swap3A_120] : memref<128x63x128xf32, #tpu.memory_space<vmem>>, vector<1x63x128xf32>
    %swap3A_122 = vector.shape_cast %swap3A_121 : vector<1x63x128xf32> to vector<63x128xf32>
    %swap3A_123 = vector.shape_cast %add3A_117 : vector<63x128xf32> to vector<1x63x128xf32>
    tpu.vector_store %arg5[%swap3A_118, %swap3A_119, %swap3A_120], %swap3A_123 {strides = array<i32>} : memref<128x63x128xf32, #tpu.memory_space<vmem>>, vector<1x63x128xf32>,
    %get3A_124 = arith.constant 5 : index
    %get3A_125 = arith.constant 0 : index
    %get3A_126 = arith.constant 0 : index
    %get3A_127 = vector.load %arg1[%get3A_124, %get3A_125, %get3A_126] : memref<128x63x26xf32, #tpu.memory_space<vmem>>, vector<1x63x26xf32>
    %get3A_128 = vector.shape_cast %get3A_127 : vector<1x63x26xf32> to vector<63x26xf32>
    %dot_general3A_129 = arith.constant dense<0.000000e+00> : vector<63x128xf32>
    %dot_general3A_130 = tpu.matmul %get3A_128, %get3A_1, %dot_general3A_129 {dimension_numbers = #tpu.dot_dimension_numbers<[1], [0], [0], [1], [0, 0, 1, 1], [], []>, transpose_lhs_hint = false} : vector<63x26xf32>, vector<26x128xf32>, vector<63x128xf32> -> vector<63x128xf32>
    %get3A_131 = arith.constant 5 : index
    %get3A_132 = arith.constant 0 : index
    %get3A_133 = arith.constant 0 : index
    %get3A_134 = vector.load %arg2[%get3A_131, %get3A_132, %get3A_133] : memref<128x63x128xf32, #tpu.memory_space<vmem>>, vector<1x63x128xf32>
    %get3A_135 = vector.shape_cast %get3A_134 : vector<1x63x128xf32> to vector<63x128xf32>
    %add3A_136 = arith.addf %dot_general3A_130, %get3A_135 : vector<63x128xf32>
    %get3A_137 = arith.constant 5 : index
    %get3A_138 = arith.constant 0 : index
    %get3A_139 = arith.constant 0 : index
    %get3A_140 = vector.load %arg3[%get3A_137, %get3A_138, %get3A_139] : memref<128x64x128xf32, #tpu.memory_space<vmem>>, vector<1x63x128xf32>
    %get3A_141 = vector.shape_cast %get3A_140 : vector<1x63x128xf32> to vector<63x128xf32>
    %add3A_142 = arith.addf %add3A_136, %get3A_141 : vector<63x128xf32>
    %swap3A_143 = arith.constant 5 : index
    %swap3A_144 = arith.constant 0 : index
    %swap3A_145 = arith.constant 0 : index
    %swap3A_146 = vector.load %arg5[%swap3A_143, %swap3A_144, %swap3A_145] : memref<128x63x128xf32, #tpu.memory_space<vmem>>, vector<1x63x128xf32>
    %swap3A_147 = vector.shape_cast %swap3A_146 : vector<1x63x128xf32> to vector<63x128xf32>
    %swap3A_148 = vector.shape_cast %add3A_142 : vector<63x128xf32> to vector<1x63x128xf32>
    tpu.vector_store %arg5[%swap3A_143, %swap3A_144, %swap3A_145], %swap3A_148 {strides = array<i32>} : memref<128x63x128xf32, #tpu.memory_space<vmem>>, vector<1x63x128xf32>,
    %get3A_149 = arith.constant 6 : index
    %get3A_150 = arith.constant 0 : index
    %get3A_151 = arith.constant 0 : index
    %get3A_152 = vector.load %arg1[%get3A_149, %get3A_150, %get3A_151] : memref<128x63x26xf32, #tpu.memory_space<vmem>>, vector<1x63x26xf32>
    %get3A_153 = vector.shape_cast %get3A_152 : vector<1x63x26xf32> to vector<63x26xf32>
    %dot_general3A_154 = arith.constant dense<0.000000e+00> : vector<63x128xf32>
    %dot_general3A_155 = tpu.matmul %get3A_153, %get3A_1, %dot_general3A_154 {dimension_numbers = #tpu.dot_dimension_numbers<[1], [0], [0], [1], [0, 0, 1, 1], [], []>, transpose_lhs_hint = false} : vector<63x26xf32>, vector<26x128xf32>, vector<63x128xf32> -> vector<63x128xf32>
    %get3A_156 = arith.constant 6 : index
    %get3A_157 = arith.constant 0 : index
    %get3A_158 = arith.constant 0 : index
    %get3A_159 = vector.load %arg2[%get3A_156, %get3A_157, %get3A_158] : memref<128x63x128xf32, #tpu.memory_space<vmem>>, vector<1x63x128xf32>
    %get3A_160 = vector.shape_cast %get3A_159 : vector<1x63x128xf32> to vector<63x128xf32>
    %add3A_161 = arith.addf %dot_general3A_155, %get3A_160 : vector<63x128xf32>
    %get3A_162 = arith.constant 6 : index
    %get3A_163 = arith.constant 0 : index
    %get3A_164 = arith.constant 0 : index
    %get3A_165 = vector.load %arg3[%get3A_162, %get3A_163, %get3A_164] : memref<128x64x128xf32, #tpu.memory_space<vmem>>, vector<1x63x128xf32>
    %get3A_166 = vector.shape_cast %get3A_165 : vector<1x63x128xf32> to vector<63x128xf32>
    %add3A_167 = arith.addf %add3A_161, %get3A_166 : vector<63x128xf32>
    %swap3A_168 = arith.constant 6 : index
    %swap3A_169 = arith.constant 0 : index
    %swap3A_170 = arith.constant 0 : index
    %swap3A_171 = vector.load %arg5[%swap3A_168, %swap3A_169, %swap3A_170] : memref<128x63x128xf32, #tpu.memory_space<vmem>>, vector<1x63x128xf32>
    %swap3A_172 = vector.shape_cast %swap3A_171 : vector<1x63x128xf32> to vector<63x128xf32>
    %swap3A_173 = vector.shape_cast %add3A_167 : vector<63x128xf32> to vector<1x63x128xf32>
    tpu.vector_store %arg5[%swap3A_168, %swap3A_169, %swap3A_170], %swap3A_173 {strides = array<i32>} : memref<128x63x128xf32, #tpu.memory_space<vmem>>, vector<1x63x128xf32>,
    %get3A_174 = arith.constant 7 : index
    %get3A_175 = arith.constant 0 : index
    %get3A_176 = arith.constant 0 : index
    %get3A_177 = vector.load %arg1[%get3A_174, %get3A_175, %get3A_176] : memref<128x63x26xf32, #tpu.memory_space<vmem>>, vector<1x63x26xf32>
    %get3A_178 = vector.shape_cast %get3A_177 : vector<1x63x26xf32> to vector<63x26xf32>
    %dot_general3A_179 = arith.constant dense<0.000000e+00> : vector<63x128xf32>
    %dot_general3A_180 = tpu.matmul %get3A_178, %get3A_1, %dot_general3A_179 {dimension_numbers = #tpu.dot_dimension_numbers<[1], [0], [0], [1], [0, 0, 1, 1], [], []>, transpose_lhs_hint = false} : vector<63x26xf32>, vector<26x128xf32>, vector<63x128xf32> -> vector<63x128xf32>
    %get3A_181 = arith.constant 7 : index
    %get3A_182 = arith.constant 0 : index
    %get3A_183 = arith.constant 0 : index
    %get3A_184 = vector.load %arg2[%get3A_181, %get3A_182, %get3A_183] : memref<128x63x128xf32, #tpu.memory_space<vmem>>, vector<1x63x128xf32>
    %get3A_185 = vector.shape_cast %get3A_184 : vector<1x63x128xf32> to vector<63x128xf32>
    %add3A_186 = arith.addf %dot_general3A_180, %get3A_185 : vector<63x128xf32>
    %get3A_187 = arith.constant 7 : index
    %get3A_188 = arith.constant 0 : index
    %get3A_189 = arith.constant 0 : index
    %get3A_190 = vector.load %arg3[%get3A_187, %get3A_188, %get3A_189] : memref<128x64x128xf32, #tpu.memory_space<vmem>>, vector<1x63x128xf32>
    %get3A_191 = vector.shape_cast %get3A_190 : vector<1x63x128xf32> to vector<63x128xf32>
    %add3A_192 = arith.addf %add3A_186, %get3A_191 : vector<63x128xf32>
    %swap3A_193 = arith.constant 7 : index
    %swap3A_194 = arith.constant 0 : index
    %swap3A_195 = arith.constant 0 : index
    %swap3A_196 = vector.load %arg5[%swap3A_193, %swap3A_194, %swap3A_195] : memref<128x63x128xf32, #tpu.memory_space<vmem>>, vector<1x63x128xf32>
    %swap3A_197 = vector.shape_cast %swap3A_196 : vector<1x63x128xf32> to vector<63x128xf32>
    %swap3A_198 = vector.shape_cast %add3A_192 : vector<63x128xf32> to vector<1x63x128xf32>
    tpu.vector_store %arg5[%swap3A_193, %swap3A_194, %swap3A_195], %swap3A_198 {strides = array<i32>} : memref<128x63x128xf32, #tpu.memory_space<vmem>>, vector<1x63x128xf32>,
    %get3A_199 = arith.constant 8 : index
    %get3A_200 = arith.constant 0 : index
    %get3A_201 = arith.constant 0 : index
    %get3A_202 = vector.load %arg1[%get3A_199, %get3A_200, %get3A_201] : memref<128x63x26xf32, #tpu.memory_space<vmem>>, vector<1x63x26xf32>
    %get3A_203 = vector.shape_cast %get3A_202 : vector<1x63x26xf32> to vector<63x26xf32>
    %dot_general3A_204 = arith.constant dense<0.000000e+00> : vector<63x128xf32>
    %dot_general3A_205 = tpu.matmul %get3A_203, %get3A_1, %dot_general3A_204 {dimension_numbers = #tpu.dot_dimension_numbers<[1], [0], [0], [1], [0, 0, 1, 1], [], []>, transpose_lhs_hint = false} : vector<63x26xf32>, vector<26x128xf32>, vector<63x128xf32> -> vector<63x128xf32>
    %get3A_206 = arith.constant 8 : index
    %get3A_207 = arith.constant 0 : index
    %get3A_208 = arith.constant 0 : index
    %get3A_209 = vector.load %arg2[%get3A_206, %get3A_207, %get3A_208] : memref<128x63x128xf32, #tpu.memory_space<vmem>>, vector<1x63x128xf32>
    %get3A_210 = vector.shape_cast %get3A_209 : vector<1x63x128xf32> to vector<63x128xf32>
    %add3A_211 = arith.addf %dot_general3A_205, %get3A_210 : vector<63x128xf32>
    %get3A_212 = arith.constant 8 : index
    %get3A_213 = arith.constant 0 : index
    %get3A_214 = arith.constant 0 : index
    %get3A_215 = vector.load %arg3[%get3A_212, %get3A_213, %get3A_214] : memref<128x64x128xf32, #tpu.memory_space<vmem>>, vector<1x63x128xf32>
    %get3A_216 = vector.shape_cast %get3A_215 : vector<1x63x128xf32> to vector<63x128xf32>
    %add3A_217 = arith.addf %add3A_211, %get3A_216 : vector<63x128xf32>
    %swap3A_218 = arith.constant 8 : index
    %swap3A_219 = arith.constant 0 : index
    %swap3A_220 = arith.constant 0 : index
    %swap3A_221 = vector.load %arg5[%swap3A_218, %swap3A_219, %swap3A_220] : memref<128x63x128xf32, #tpu.memory_space<vmem>>, vector<1x63x128xf32>
    %swap3A_222 = vector.shape_cast %swap3A_221 : vector<1x63x128xf32> to vector<63x128xf32>
    %swap3A_223 = vector.shape_cast %add3A_217 : vector<63x128xf32> to vector<1x63x128xf32>
    tpu.vector_store %arg5[%swap3A_218, %swap3A_219, %swap3A_220], %swap3A_223 {strides = array<i32>} : memref<128x63x128xf32, #tpu.memory_space<vmem>>, vector<1x63x128xf32>,
    %get3A_224 = arith.constant 9 : index
    %get3A_225 = arith.constant 0 : index
    %get3A_226 = arith.constant 0 : index
    %get3A_227 = vector.load %arg1[%get3A_224, %get3A_225, %get3A_226] : memref<128x63x26xf32, #tpu.memory_space<vmem>>, vector<1x63x26xf32>
    %get3A_228 = vector.shape_cast %get3A_227 : vector<1x63x26xf32> to vector<63x26xf32>
    %dot_general3A_229 = arith.constant dense<0.000000e+00> : vector<63x128xf32>
    %dot_general3A_230 = tpu.matmul %get3A_228, %get3A_1, %dot_general3A_229 {dimension_numbers = #tpu.dot_dimension_numbers<[1], [0], [0], [1], [0, 0, 1, 1], [], []>, transpose_lhs_hint = false} : vector<63x26xf32>, vector<26x128xf32>, vector<63x128xf32> -> vector<63x128xf32>
    %get3A_231 = arith.constant 9 : index
    %get3A_232 = arith.constant 0 : index
    %get3A_233 = arith.constant 0 : index
    %get3A_234 = vector.load %arg2[%get3A_231, %get3A_232, %get3A_233] : memref<128x63x128xf32, #tpu.memory_space<vmem>>, vector<1x63x128xf32>
    %get3A_235 = vector.shape_cast %get3A_234 : vector<1x63x128xf32> to vector<63x128xf32>
    %add3A_236 = arith.addf %dot_general3A_230, %get3A_235 : vector<63x128xf32>
    %get3A_237 = arith.constant 9 : index
    %get3A_238 = arith.constant 0 : index
    %get3A_239 = arith.constant 0 : index
    %get3A_240 = vector.load %arg3[%get3A_237, %get3A_238, %get3A_239] : memref<128x64x128xf32, #tpu.memory_space<vmem>>, vector<1x63x128xf32>
    %get3A_241 = vector.shape_cast %get3A_240 : vector<1x63x128xf32> to vector<63x128xf32>
    %add3A_242 = arith.addf %add3A_236, %get3A_241 : vector<63x128xf32>
    %swap3A_243 = arith.constant 9 : index
    %swap3A_244 = arith.constant 0 : index
    %swap3A_245 = arith.constant 0 : index
    %swap3A_246 = vector.load %arg5[%swap3A_243, %swap3A_244, %swap3A_245] : memref<128x63x128xf32, #tpu.memory_space<vmem>>, vector<1x63x128xf32>
    %swap3A_247 = vector.shape_cast %swap3A_246 : vector<1x63x128xf32> to vector<63x128xf32>
    %swap3A_248 = vector.shape_cast %add3A_242 : vector<63x128xf32> to vector<1x63x128xf32>
    tpu.vector_store %arg5[%swap3A_243, %swap3A_244, %swap3A_245], %swap3A_248 {strides = array<i32>} : memref<128x63x128xf32, #tpu.memory_space<vmem>>, vector<1x63x128xf32>,
    %get3A_249 = arith.constant 10 : index
    %get3A_250 = arith.constant 0 : index
    %get3A_251 = arith.constant 0 : index
    %get3A_252 = vector.load %arg1[%get3A_249, %get3A_250, %get3A_251] : memref<128x63x26xf32, #tpu.memory_space<vmem>>, vector<1x63x26xf32>
    %get3A_253 = vector.shape_cast %get3A_252 : vector<1x63x26xf32> to vector<63x26xf32>
    %dot_general3A_254 = arith.constant dense<0.000000e+00> : vector<63x128xf32>
    %dot_general3A_255 = tpu.matmul %get3A_253, %get3A_1, %dot_general3A_254 {dimension_numbers = #tpu.dot_dimension_numbers<[1], [0], [0], [1], [0, 0, 1, 1], [], []>, transpose_lhs_hint = false} : vector<63x26xf32>, vector<26x128xf32>, vector<63x128xf32> -> vector<63x128xf32>
    %get3A_256 = arith.constant 10 : index
    %get3A_257 = arith.constant 0 : index
    %get3A_258 = arith.constant 0 : index
    %get3A_259 = vector.load %arg2[%get3A_256, %get3A_257, %get3A_258] : memref<128x63x128xf32, #tpu.memory_space<vmem>>, vector<1x63x128xf32>
    %get3A_260 = vector.shape_cast %get3A_259 : vector<1x63x128xf32> to vector<63x128xf32>
    %add3A_261 = arith.addf %dot_general3A_255, %get3A_260 : vector<63x128xf32>
    %get3A_262 = arith.constant 10 : index
    %get3A_263 = arith.constant 0 : index
    %get3A_264 = arith.constant 0 : index
    %get3A_265 = vector.load %arg3[%get3A_262, %get3A_263, %get3A_264] : memref<128x64x128xf32, #tpu.memory_space<vmem>>, vector<1x63x128xf32>
    %get3A_266 = vector.shape_cast %get3A_265 : vector<1x63x128xf32> to vector<63x128xf32>
    %add3A_267 = arith.addf %add3A_261, %get3A_266 : vector<63x128xf32>
    %swap3A_268 = arith.constant 10 : index
    %swap3A_269 = arith.constant 0 : index
    %swap3A_270 = arith.constant 0 : index
    %swap3A_271 = vector.load %arg5[%swap3A_268, %swap3A_269, %swap3A_270] : memref<128x63x128xf32, #tpu.memory_space<vmem>>, vector<1x63x128xf32>
    %swap3A_272 = vector.shape_cast %swap3A_271 : vector<1x63x128xf32> to vector<63x128xf32>
    %swap3A_273 = vector.shape_cast %add3A_267 : vector<63x128xf32> to vector<1x63x128xf32>
    tpu.vector_store %arg5[%swap3A_268, %swap3A_269, %swap3A_270], %swap3A_273 {strides = array<i32>} : memref<128x63x128xf32, #tpu.memory_space<vmem>>, vector<1x63x128xf32>,
    %get3A_274 = arith.constant 11 : index
    %get3A_275 = arith.constant 0 : index
    %get3A_276 = arith.constant 0 : index
    %get3A_277 = vector.load %arg1[%get3A_274, %get3A_275, %get3A_276] : memref<128x63x26xf32, #tpu.memory_space<vmem>>, vector<1x63x26xf32>
    %get3A_278 = vector.shape_cast %get3A_277 : vector<1x63x26xf32> to vector<63x26xf32>
    %dot_general3A_279 = arith.constant dense<0.000000e+00> : vector<63x128xf32>
    %dot_general3A_280 = tpu.matmul %get3A_278, %get3A_1, %dot_general3A_279 {dimension_numbers = #tpu.dot_dimension_numbers<[1], [0], [0], [1], [0, 0, 1, 1], [], []>, transpose_lhs_hint = false} : vector<63x26xf32>, vector<26x128xf32>, vector<63x128xf32> -> vector<63x128xf32>
    %get3A_281 = arith.constant 11 : index
    %get3A_282 = arith.constant 0 : index
    %get3A_283 = arith.constant 0 : index
    %get3A_284 = vector.load %arg2[%get3A_281, %get3A_282, %get3A_283] : memref<128x63x128xf32, #tpu.memory_space<vmem>>, vector<1x63x128xf32>
    %get3A_285 = vector.shape_cast %get3A_284 : vector<1x63x128xf32> to vector<63x128xf32>
    %add3A_286 = arith.addf %dot_general3A_280, %get3A_285 : vector<63x128xf32>
    %get3A_287 = arith.constant 11 : index
    %get3A_288 = arith.constant 0 : index
    %get3A_289 = arith.constant 0 : index
    %get3A_290 = vector.load %arg3[%get3A_287, %get3A_288, %get3A_289] : memref<128x64x128xf32, #tpu.memory_space<vmem>>, vector<1x63x128xf32>
    %get3A_291 = vector.shape_cast %get3A_290 : vector<1x63x128xf32> to vector<63x128xf32>
    %add3A_292 = arith.addf %add3A_286, %get3A_291 : vector<63x128xf32>
    %swap3A_293 = arith.constant 11 : index
    %swap3A_294 = arith.constant 0 : index
    %swap3A_295 = arith.constant 0 : index
    %swap3A_296 = vector.load %arg5[%swap3A_293, %swap3A_294, %swap3A_295] : memref<128x63x128xf32, #tpu.memory_space<vmem>>, vector<1x63x128xf32>
    %swap3A_297 = vector.shape_cast %swap3A_296 : vector<1x63x128xf32> to vector<63x128xf32>
    %swap3A_298 = vector.shape_cast %add3A_292 : vector<63x128xf32> to vector<1x63x128xf32>
    tpu.vector_store %arg5[%swap3A_293, %swap3A_294, %swap3A_295], %swap3A_298 {strides = array<i32>} : memref<128x63x128xf32, #tpu.memory_space<vmem>>, vector<1x63x128xf32>,
    %get3A_299 = arith.constant 12 : index
    %get3A_300 = arith.constant 0 : index
    %get3A_301 = arith.constant 0 : index
    %get3A_302 = vector.load %arg1[%get3A_299, %get3A_300, %get3A_301] : memref<128x63x26xf32, #tpu.memory_space<vmem>>, vector<1x63x26xf32>
    %get3A_303 = vector.shape_cast %get3A_302 : vector<1x63x26xf32> to vector<63x26xf32>
    %dot_general3A_304 = arith.constant dense<0.000000e+00> : vector<63x128xf32>
    %dot_general3A_305 = tpu.matmul %get3A_303, %get3A_1, %dot_general3A_304 {dimension_numbers = #tpu.dot_dimension_numbers<[1], [0], [0], [1], [0, 0, 1, 1], [], []>, transpose_lhs_hint = false} : vector<63x26xf32>, vector<26x128xf32>, vector<63x128xf32> -> vector<63x128xf32>
    %get3A_306 = arith.constant 12 : index
    %get3A_307 = arith.constant 0 : index
    %get3A_308 = arith.constant 0 : index
    %get3A_309 = vector.load %arg2[%get3A_306, %get3A_307, %get3A_308] : memref<128x63x128xf32, #tpu.memory_space<vmem>>, vector<1x63x128xf32>
    %get3A_310 = vector.shape_cast %get3A_309 : vector<1x63x128xf32> to vector<63x128xf32>
    %add3A_311 = arith.addf %dot_general3A_305, %get3A_310 : vector<63x128xf32>
    %get3A_312 = arith.constant 12 : index
    %get3A_313 = arith.constant 0 : index
    %get3A_314 = arith.constant 0 : index
    %get3A_315 = vector.load %arg3[%get3A_312, %get3A_313, %get3A_314] : memref<128x64x128xf32, #tpu.memory_space<vmem>>, vector<1x63x128xf32>
    %get3A_316 = vector.shape_cast %get3A_315 : vector<1x63x128xf32> to vector<63x128xf32>
    %add3A_317 = arith.addf %add3A_311, %get3A_316 : vector<63x128xf32>
    %swap3A_318 = arith.constant 12 : index
    %swap3A_319 = arith.constant 0 : index
    %swap3A_320 = arith.constant 0 : index
    %swap3A_321 = vector.load %arg5[%swap3A_318, %swap3A_319, %swap3A_320] : memref<128x63x128xf32, #tpu.memory_space<vmem>>, vector<1x63x128xf32>
    %swap3A_322 = vector.shape_cast %swap3A_321 : vector<1x63x128xf32> to vector<63x128xf32>
    %swap3A_323 = vector.shape_cast %add3A_317 : vector<63x128xf32> to vector<1x63x128xf32>
    tpu.vector_store %arg5[%swap3A_318, %swap3A_319, %swap3A_320], %swap3A_323 {strides = array<i32>} : memref<128x63x128xf32, #tpu.memory_space<vmem>>, vector<1x63x128xf32>,
    %get3A_324 = arith.constant 13 : index
    %get3A_325 = arith.constant 0 : index
    %get3A_326 = arith.constant 0 : index
    %get3A_327 = vector.load %arg1[%get3A_324, %get3A_325, %get3A_326] : memref<128x63x26xf32, #tpu.memory_space<vmem>>, vector<1x63x26xf32>
    %get3A_328 = vector.shape_cast %get3A_327 : vector<1x63x26xf32> to vector<63x26xf32>
    %dot_general3A_329 = arith.constant dense<0.000000e+00> : vector<63x128xf32>
    %dot_general3A_330 = tpu.matmul %get3A_328, %get3A_1, %dot_general3A_329 {dimension_numbers = #tpu.dot_dimension_numbers<[1], [0], [0], [1], [0, 0, 1, 1], [], []>, transpose_lhs_hint = false} : vector<63x26xf32>, vector<26x128xf32>, vector<63x128xf32> -> vector<63x128xf32>
    %get3A_331 = arith.constant 13 : index
    %get3A_332 = arith.constant 0 : index
    %get3A_333 = arith.constant 0 : index
    %get3A_334 = vector.load %arg2[%get3A_331, %get3A_332, %get3A_333] : memref<128x63x128xf32, #tpu.memory_space<vmem>>, vector<1x63x128xf32>
    %get3A_335 = vector.shape_cast %get3A_334 : vector<1x63x128xf32> to vector<63x128xf32>
    %add3A_336 = arith.addf %dot_general3A_330, %get3A_335 : vector<63x128xf32>
    %get3A_337 = arith.constant 13 : index
    %get3A_338 = arith.constant 0 : index
    %get3A_339 = arith.constant 0 : index
    %get3A_340 = vector.load %arg3[%get3A_337, %get3A_338, %get3A_339] : memref<128x64x128xf32, #tpu.memory_space<vmem>>, vector<1x63x128xf32>
    %get3A_341 = vector.shape_cast %get3A_340 : vector<1x63x128xf32> to vector<63x128xf32>
    %add3A_342 = arith.addf %add3A_336, %get3A_341 : vector<63x128xf32>
    %swap3A_343 = arith.constant 13 : index
    %swap3A_344 = arith.constant 0 : index
    %swap3A_345 = arith.constant 0 : index
    %swap3A_346 = vector.load %arg5[%swap3A_343, %swap3A_344, %swap3A_345] : memref<128x63x128xf32, #tpu.memory_space<vmem>>, vector<1x63x128xf32>
    %swap3A_347 = vector.shape_cast %swap3A_346 : vector<1x63x128xf32> to vector<63x128xf32>
    %swap3A_348 = vector.shape_cast %add3A_342 : vector<63x128xf32> to vector<1x63x128xf32>
    tpu.vector_store %arg5[%swap3A_343, %swap3A_344, %swap3A_345], %swap3A_348 {strides = array<i32>} : memref<128x63x128xf32, #tpu.memory_space<vmem>>, vector<1x63x128xf32>,
    %get3A_349 = arith.constant 14 : index
    %get3A_350 = arith.constant 0 : index
    %get3A_351 = arith.constant 0 : index
    %get3A_352 = vector.load %arg1[%get3A_349, %get3A_350, %get3A_351] : memref<128x63x26xf32, #tpu.memory_space<vmem>>, vector<1x63x26xf32>
    %get3A_353 = vector.shape_cast %get3A_352 : vector<1x63x26xf32> to vector<63x26xf32>
    %dot_general3A_354 = arith.constant dense<0.000000e+00> : vector<63x128xf32>
    %dot_general3A_355 = tpu.matmul %get3A_353, %get3A_1, %dot_general3A_354 {dimension_numbers = #tpu.dot_dimension_numbers<[1], [0], [0], [1], [0, 0, 1, 1], [], []>, transpose_lhs_hint = false} : vector<63x26xf32>, vector<26x128xf32>, vector<63x128xf32> -> vector<63x128xf32>
    %get3A_356 = arith.constant 14 : index
    %get3A_357 = arith.constant 0 : index
    %get3A_358 = arith.constant 0 : index
    %get3A_359 = vector.load %arg2[%get3A_356, %get3A_357, %get3A_358] : memref<128x63x128xf32, #tpu.memory_space<vmem>>, vector<1x63x128xf32>
    %get3A_360 = vector.shape_cast %get3A_359 : vector<1x63x128xf32> to vector<63x128xf32>
    %add3A_361 = arith.addf %dot_general3A_355, %get3A_360 : vector<63x128xf32>
    %get3A_362 = arith.constant 14 : index
    %get3A_363 = arith.constant 0 : index
    %get3A_364 = arith.constant 0 : index
    %get3A_365 = vector.load %arg3[%get3A_362, %get3A_363, %get3A_364] : memref<128x64x128xf32, #tpu.memory_space<vmem>>, vector<1x63x128xf32>
    %get3A_366 = vector.shape_cast %get3A_365 : vector<1x63x128xf32> to vector<63x128xf32>
    %add3A_367 = arith.addf %add3A_361, %get3A_366 : vector<63x128xf32>
    %swap3A_368 = arith.constant 14 : index
    %swap3A_369 = arith.constant 0 : index
    %swap3A_370 = arith.constant 0 : index
    %swap3A_371 = vector.load %arg5[%swap3A_368, %swap3A_369, %swap3A_370] : memref<128x63x128xf32, #tpu.memory_space<vmem>>, vector<1x63x128xf32>
    %swap3A_372 = vector.shape_cast %swap3A_371 : vector<1x63x128xf32> to vector<63x128xf32>
    %swap3A_373 = vector.shape_cast %add3A_367 : vector<63x128xf32> to vector<1x63x128xf32>
    tpu.vector_store %arg5[%swap3A_368, %swap3A_369, %swap3A_370], %swap3A_373 {strides = array<i32>} : memref<128x63x128xf32, #tpu.memory_space<vmem>>, vector<1x63x128xf32>,
    %get3A_374 = arith.constant 15 : index
    %get3A_375 = arith.constant 0 : index
    %get3A_376 = arith.constant 0 : index
    %get3A_377 = vector.load %arg1[%get3A_374, %get3A_375, %get3A_376] : memref<128x63x26xf32, #tpu.memory_space<vmem>>, vector<1x63x26xf32>
    %get3A_378 = vector.shape_cast %get3A_377 : vector<1x63x26xf32> to vector<63x26xf32>
    %dot_general3A_379 = arith.constant dense<0.000000e+00> : vector<63x128xf32>
    %dot_general3A_380 = tpu.matmul %get3A_378, %get3A_1, %dot_general3A_379 {dimension_numbers = #tpu.dot_dimension_numbers<[1], [0], [0], [1], [0, 0, 1, 1], [], []>, transpose_lhs_hint = false} : vector<63x26xf32>, vector<26x128xf32>, vector<63x128xf32> -> vector<63x128xf32>
    %get3A_381 = arith.constant 15 : index
    %get3A_382 = arith.constant 0 : index
    %get3A_383 = arith.constant 0 : index
    %get3A_384 = vector.load %arg2[%get3A_381, %get3A_382, %get3A_383] : memref<128x63x128xf32, #tpu.memory_space<vmem>>, vector<1x63x128xf32>
    %get3A_385 = vector.shape_cast %get3A_384 : vector<1x63x128xf32> to vector<63x128xf32>
    %add3A_386 = arith.addf %dot_general3A_380, %get3A_385 : vector<63x128xf32>
    %get3A_387 = arith.constant 15 : index
    %get3A_388 = arith.constant 0 : index
    %get3A_389 = arith.constant 0 : index
    %get3A_390 = vector.load %arg3[%get3A_387, %get3A_388, %get3A_389] : memref<128x64x128xf32, #tpu.memory_space<vmem>>, vector<1x63x128xf32>
    %get3A_391 = vector.shape_cast %get3A_390 : vector<1x63x128xf32> to vector<63x128xf32>
    %add3A_392 = arith.addf %add3A_386, %get3A_391 : vector<63x128xf32>
    %swap3A_393 = arith.constant 15 : index
    %swap3A_394 = arith.constant 0 : index
    %swap3A_395 = arith.constant 0 : index
    %swap3A_396 = vector.load %arg5[%swap3A_393, %swap3A_394, %swap3A_395] : memref<128x63x128xf32, #tpu.memory_space<vmem>>, vector<1x63x128xf32>
    %swap3A_397 = vector.shape_cast %swap3A_396 : vector<1x63x128xf32> to vector<63x128xf32>
    %swap3A_398 = vector.shape_cast %add3A_392 : vector<63x128xf32> to vector<1x63x128xf32>
    tpu.vector_store %arg5[%swap3A_393, %swap3A_394, %swap3A_395], %swap3A_398 {strides = array<i32>} : memref<128x63x128xf32, #tpu.memory_space<vmem>>, vector<1x63x128xf32>,
    %get3A_399 = arith.constant 16 : index
    %get3A_400 = arith.constant 0 : index
    %get3A_401 = arith.constant 0 : index
    %get3A_402 = vector.load %arg1[%get3A_399, %get3A_400, %get3A_401] : memref<128x63x26xf32, #tpu.memory_space<vmem>>, vector<1x63x26xf32>
    %get3A_403 = vector.shape_cast %get3A_402 : vector<1x63x26xf32> to vector<63x26xf32>
    %dot_general3A_404 = arith.constant dense<0.000000e+00> : vector<63x128xf32>
    %dot_general3A_405 = tpu.matmul %get3A_403, %get3A_1, %dot_general3A_404 {dimension_numbers = #tpu.dot_dimension_numbers<[1], [0], [0], [1], [0, 0, 1, 1], [], []>, transpose_lhs_hint = false} : vector<63x26xf32>, vector<26x128xf32>, vector<63x128xf32> -> vector<63x128xf32>
    %get3A_406 = arith.constant 16 : index
    %get3A_407 = arith.constant 0 : index
    %get3A_408 = arith.constant 0 : index
    %get3A_409 = vector.load %arg2[%get3A_406, %get3A_407, %get3A_408] : memref<128x63x128xf32, #tpu.memory_space<vmem>>, vector<1x63x128xf32>
    %get3A_410 = vector.shape_cast %get3A_409 : vector<1x63x128xf32> to vector<63x128xf32>
    %add3A_411 = arith.addf %dot_general3A_405, %get3A_410 : vector<63x128xf32>
    %get3A_412 = arith.constant 16 : index
    %get3A_413 = arith.constant 0 : index
    %get3A_414 = arith.constant 0 : index
    %get3A_415 = vector.load %arg3[%get3A_412, %get3A_413, %get3A_414] : memref<128x64x128xf32, #tpu.memory_space<vmem>>, vector<1x63x128xf32>
    %get3A_416 = vector.shape_cast %get3A_415 : vector<1x63x128xf32> to vector<63x128xf32>
    %add3A_417 = arith.addf %add3A_411, %get3A_416 : vector<63x128xf32>
    %swap3A_418 = arith.constant 16 : index
    %swap3A_419 = arith.constant 0 : index
    %swap3A_420 = arith.constant 0 : index
    %swap3A_421 = vector.load %arg5[%swap3A_418, %swap3A_419, %swap3A_420] : memref<128x63x128xf32, #tpu.memory_space<vmem>>, vector<1x63x128xf32>
    %swap3A_422 = vector.shape_cast %swap3A_421 : vector<1x63x128xf32> to vector<63x128xf32>
    %swap3A_423 = vector.shape_cast %add3A_417 : vector<63x128xf32> to vector<1x63x128xf32>
    tpu.vector_store %arg5[%swap3A_418, %swap3A_419, %swap3A_420], %swap3A_423 {strides = array<i32>} : memref<128x63x128xf32, #tpu.memory_space<vmem>>, vector<1x63x128xf32>,
    %get3A_424 = arith.constant 17 : index
    %get3A_425 = arith.constant 0 : index
    %get3A_426 = arith.constant 0 : index
    %get3A_427 = vector.load %arg1[%get3A_424, %get3A_425, %get3A_426] : memref<128x63x26xf32, #tpu.memory_space<vmem>>, vector<1x63x26xf32>
    %get3A_428 = vector.shape_cast %get3A_427 : vector<1x63x26xf32> to vector<63x26xf32>
    %dot_general3A_429 = arith.constant dense<0.000000e+00> : vector<63x128xf32>
    %dot_general3A_430 = tpu.matmul %get3A_428, %get3A_1, %dot_general3A_429 {dimension_numbers = #tpu.dot_dimension_numbers<[1], [0], [0], [1], [0, 0, 1, 1], [], []>, transpose_lhs_hint = false} : vector<63x26xf32>, vector<26x128xf32>, vector<63x128xf32> -> vector<63x128xf32>
    %get3A_431 = arith.constant 17 : index
    %get3A_432 = arith.constant 0 : index
    %get3A_433 = arith.constant 0 : index
    %get3A_434 = vector.load %arg2[%get3A_431, %get3A_432, %get3A_433] : memref<128x63x128xf32, #tpu.memory_space<vmem>>, vector<1x63x128xf32>
    %get3A_435 = vector.shape_cast %get3A_434 : vector<1x63x128xf32> to vector<63x128xf32>
    %add3A_436 = arith.addf %dot_general3A_430, %get3A_435 : vector<63x128xf32>
    %get3A_437 = arith.constant 17 : index
    %get3A_438 = arith.constant 0 : index
    %get3A_439 = arith.constant 0 : index
    %get3A_440 = vector.load %arg3[%get3A_437, %get3A_438, %get3A_439] : memref<128x64x128xf32, #tpu.memory_space<vmem>>, vector<1x63x128xf32>
    %get3A_441 = vector.shape_cast %get3A_440 : vector<1x63x128xf32> to vector<63x128xf32>
    %add3A_442 = arith.addf %add3A_436, %get3A_441 : vector<63x128xf32>
    %swap3A_443 = arith.constant 17 : index
    %swap3A_444 = arith.constant 0 : index
    %swap3A_445 = arith.constant 0 : index
    %swap3A_446 = vector.load %arg5[%swap3A_443, %swap3A_444, %swap3A_445] : memref<128x63x128xf32, #tpu.memory_space<vmem>>, vector<1x63x128xf32>
    %swap3A_447 = vector.shape_cast %swap3A_446 : vector<1x63x128xf32> to vector<63x128xf32>
    %swap3A_448 = vector.shape_cast %add3A_442 : vector<63x128xf32> to vector<1x63x128xf32>
    tpu.vector_store %arg5[%swap3A_443, %swap3A_444, %swap3A_445], %swap3A_448 {strides = array<i32>} : memref<128x63x128xf32, #tpu.memory_space<vmem>>, vector<1x63x128xf32>,
    %get3A_449 = arith.constant 18 : index
    %get3A_450 = arith.constant 0 : index
    %get3A_451 = arith.constant 0 : index
    %get3A_452 = vector.load %arg1[%get3A_449, %get3A_450, %get3A_451] : memref<128x63x26xf32, #tpu.memory_space<vmem>>, vector<1x63x26xf32>
    %get3A_453 = vector.shape_cast %get3A_452 : vector<1x63x26xf32> to vector<63x26xf32>
    %dot_general3A_454 = arith.constant dense<0.000000e+00> : vector<63x128xf32>
    %dot_general3A_455 = tpu.matmul %get3A_453, %get3A_1, %dot_general3A_454 {dimension_numbers = #tpu.dot_dimension_numbers<[1], [0], [0], [1], [0, 0, 1, 1], [], []>, transpose_lhs_hint = false} : vector<63x26xf32>, vector<26x128xf32>, vector<63x128xf32> -> vector<63x128xf32>
    %get3A_456 = arith.constant 18 : index
    %get3A_457 = arith.constant 0 : index
    %get3A_458 = arith.constant 0 : index
    %get3A_459 = vector.load %arg2[%get3A_456, %get3A_457, %get3A_458] : memref<128x63x128xf32, #tpu.memory_space<vmem>>, vector<1x63x128xf32>
    %get3A_460 = vector.shape_cast %get3A_459 : vector<1x63x128xf32> to vector<63x128xf32>
    %add3A_461 = arith.addf %dot_general3A_455, %get3A_460 : vector<63x128xf32>
    %get3A_462 = arith.constant 18 : index
    %get3A_463 = arith.constant 0 : index
    %get3A_464 = arith.constant 0 : index
    %get3A_465 = vector.load %arg3[%get3A_462, %get3A_463, %get3A_464] : memref<128x64x128xf32, #tpu.memory_space<vmem>>, vector<1x63x128xf32>
    %get3A_466 = vector.shape_cast %get3A_465 : vector<1x63x128xf32> to vector<63x128xf32>
    %add3A_467 = arith.addf %add3A_461, %get3A_466 : vector<63x128xf32>
    %swap3A_468 = arith.constant 18 : index
    %swap3A_469 = arith.constant 0 : index
    %swap3A_470 = arith.constant 0 : index
    %swap3A_471 = vector.load %arg5[%swap3A_468, %swap3A_469, %swap3A_470] : memref<128x63x128xf32, #tpu.memory_space<vmem>>, vector<1x63x128xf32>
    %swap3A_472 = vector.shape_cast %swap3A_471 : vector<1x63x128xf32> to vector<63x128xf32>
    %swap3A_473 = vector.shape_cast %add3A_467 : vector<63x128xf32> to vector<1x63x128xf32>
    tpu.vector_store %arg5[%swap3A_468, %swap3A_469, %swap3A_470], %swap3A_473 {strides = array<i32>} : memref<128x63x128xf32, #tpu.memory_space<vmem>>, vector<1x63x128xf32>,
    %get3A_474 = arith.constant 19 : index
    %get3A_475 = arith.constant 0 : index
    %get3A_476 = arith.constant 0 : index
    %get3A_477 = vector.load %arg1[%get3A_474, %get3A_475, %get3A_476] : memref<128x63x26xf32, #tpu.memory_space<vmem>>, vector<1x63x26xf32>
    %get3A_478 = vector.shape_cast %get3A_477 : vector<1x63x26xf32> to vector<63x26xf32>
    %dot_general3A_479 = arith.constant dense<0.000000e+00> : vector<63x128xf32>
    %dot_general3A_480 = tpu.matmul %get3A_478, %get3A_1, %dot_general3A_479 {dimension_numbers = #tpu.dot_dimension_numbers<[1], [0], [0], [1], [0, 0, 1, 1], [], []>, transpose_lhs_hint = false} : vector<63x26xf32>, vector<26x128xf32>, vector<63x128xf32> -> vector<63x128xf32>
    %get3A_481 = arith.constant 19 : index
    %get3A_482 = arith.constant 0 : index
    %get3A_483 = arith.constant 0 : index
    %get3A_484 = vector.load %arg2[%get3A_481, %get3A_482, %get3A_483] : memref<128x63x128xf32, #tpu.memory_space<vmem>>, vector<1x63x128xf32>
    %get3A_485 = vector.shape_cast %get3A_484 : vector<1x63x128xf32> to vector<63x128xf32>
    %add3A_486 = arith.addf %dot_general3A_480, %get3A_485 : vector<63x128xf32>
    %get3A_487 = arith.constant 19 : index
    %get3A_488 = arith.constant 0 : index
    %get3A_489 = arith.constant 0 : index
    %get3A_490 = vector.load %arg3[%get3A_487, %get3A_488, %get3A_489] : memref<128x64x128xf32, #tpu.memory_space<vmem>>, vector<1x63x128xf32>
    %get3A_491 = vector.shape_cast %get3A_490 : vector<1x63x128xf32> to vector<63x128xf32>
    %add3A_492 = arith.addf %add3A_486, %get3A_491 : vector<63x128xf32>
    %swap3A_493 = arith.constant 19 : index
    %swap3A_494 = arith.constant 0 : index
    %swap3A_495 = arith.constant 0 : index
    %swap3A_496 = vector.load %arg5[%swap3A_493, %swap3A_494, %swap3A_495] : memref<128x63x128xf32, #tpu.memory_space<vmem>>, vector<1x63x128xf32>
    %swap3A_497 = vector.shape_cast %swap3A_496 : vector<1x63x128xf32> to vector<63x128xf32>
    %swap3A_498 = vector.shape_cast %add3A_492 : vector<63x128xf32> to vector<1x63x128xf32>
    tpu.vector_store %arg5[%swap3A_493, %swap3A_494, %swap3A_495], %swap3A_498 {strides = array<i32>} : memref<128x63x128xf32, #tpu.memory_space<vmem>>, vector<1x63x128xf32>,
    %get3A_499 = arith.constant 20 : index
    %get3A_500 = arith.constant 0 : index
    %get3A_501 = arith.constant 0 : index
    %get3A_502 = vector.load %arg1[%get3A_499, %get3A_500, %get3A_501] : memref<128x63x26xf32, #tpu.memory_space<vmem>>, vector<1x63x26xf32>
    %get3A_503 = vector.shape_cast %get3A_502 : vector<1x63x26xf32> to vector<63x26xf32>
    %dot_general3A_504 = arith.constant dense<0.000000e+00> : vector<63x128xf32>
    %dot_general3A_505 = tpu.matmul %get3A_503, %get3A_1, %dot_general3A_504 {dimension_numbers = #tpu.dot_dimension_numbers<[1], [0], [0], [1], [0, 0, 1, 1], [], []>, transpose_lhs_hint = false} : vector<63x26xf32>, vector<26x128xf32>, vector<63x128xf32> -> vector<63x128xf32>
    %get3A_506 = arith.constant 20 : index
    %get3A_507 = arith.constant 0 : index
    %get3A_508 = arith.constant 0 : index
    %get3A_509 = vector.load %arg2[%get3A_506, %get3A_507, %get3A_508] : memref<128x63x128xf32, #tpu.memory_space<vmem>>, vector<1x63x128xf32>
    %get3A_510 = vector.shape_cast %get3A_509 : vector<1x63x128xf32> to vector<63x128xf32>
    %add3A_511 = arith.addf %dot_general3A_505, %get3A_510 : vector<63x128xf32>
    %get3A_512 = arith.constant 20 : index
    %get3A_513 = arith.constant 0 : index
    %get3A_514 = arith.constant 0 : index
    %get3A_515 = vector.load %arg3[%get3A_512, %get3A_513, %get3A_514] : memref<128x64x128xf32, #tpu.memory_space<vmem>>, vector<1x63x128xf32>
    %get3A_516 = vector.shape_cast %get3A_515 : vector<1x63x128xf32> to vector<63x128xf32>
    %add3A_517 = arith.addf %add3A_511, %get3A_516 : vector<63x128xf32>
    %swap3A_518 = arith.constant 20 : index
    %swap3A_519 = arith.constant 0 : index
    %swap3A_520 = arith.constant 0 : index
    %swap3A_521 = vector.load %arg5[%swap3A_518, %swap3A_519, %swap3A_520] : memref<128x63x128xf32, #tpu.memory_space<vmem>>, vector<1x63x128xf32>
    %swap3A_522 = vector.shape_cast %swap3A_521 : vector<1x63x128xf32> to vector<63x128xf32>
    %swap3A_523 = vector.shape_cast %add3A_517 : vector<63x128xf32> to vector<1x63x128xf32>
    tpu.vector_store %arg5[%swap3A_518, %swap3A_519, %swap3A_520], %swap3A_523 {strides = array<i32>} : memref<128x63x128xf32, #tpu.memory_space<vmem>>, vector<1x63x128xf32>,
    %get3A_524 = arith.constant 21 : index
    %get3A_525 = arith.constant 0 : index
    %get3A_526 = arith.constant 0 : index
    %get3A_527 = vector.load %arg1[%get3A_524, %get3A_525, %get3A_526] : memref<128x63x26xf32, #tpu.memory_space<vmem>>, vector<1x63x26xf32>
    %get3A_528 = vector.shape_cast %get3A_527 : vector<1x63x26xf32> to vector<63x26xf32>
    %dot_general3A_529 = arith.constant dense<0.000000e+00> : vector<63x128xf32>
    %dot_general3A_530 = tpu.matmul %get3A_528, %get3A_1, %dot_general3A_529 {dimension_numbers = #tpu.dot_dimension_numbers<[1], [0], [0], [1], [0, 0, 1, 1], [], []>, transpose_lhs_hint = false} : vector<63x26xf32>, vector<26x128xf32>, vector<63x128xf32> -> vector<63x128xf32>
    %get3A_531 = arith.constant 21 : index
    %get3A_532 = arith.constant 0 : index
    %get3A_533 = arith.constant 0 : index
    %get3A_534 = vector.load %arg2[%get3A_531, %get3A_532, %get3A_533] : memref<128x63x128xf32, #tpu.memory_space<vmem>>, vector<1x63x128xf32>
    %get3A_535 = vector.shape_cast %get3A_534 : vector<1x63x128xf32> to vector<63x128xf32>
    %add3A_536 = arith.addf %dot_general3A_530, %get3A_535 : vector<63x128xf32>
    %get3A_537 = arith.constant 21 : index
    %get3A_538 = arith.constant 0 : index
    %get3A_539 = arith.constant 0 : index
    %get3A_540 = vector.load %arg3[%get3A_537, %get3A_538, %get3A_539] : memref<128x64x128xf32, #tpu.memory_space<vmem>>, vector<1x63x128xf32>
    %get3A_541 = vector.shape_cast %get3A_540 : vector<1x63x128xf32> to vector<63x128xf32>
    %add3A_542 = arith.addf %add3A_536, %get3A_541 : vector<63x128xf32>
    %swap3A_543 = arith.constant 21 : index
    %swap3A_544 = arith.constant 0 : index
    %swap3A_545 = arith.constant 0 : index
    %swap3A_546 = vector.load %arg5[%swap3A_543, %swap3A_544, %swap3A_545] : memref<128x63x128xf32, #tpu.memory_space<vmem>>, vector<1x63x128xf32>
    %swap3A_547 = vector.shape_cast %swap3A_546 : vector<1x63x128xf32> to vector<63x128xf32>
    %swap3A_548 = vector.shape_cast %add3A_542 : vector<63x128xf32> to vector<1x63x128xf32>
    tpu.vector_store %arg5[%swap3A_543, %swap3A_544, %swap3A_545], %swap3A_548 {strides = array<i32>} : memref<128x63x128xf32, #tpu.memory_space<vmem>>, vector<1x63x128xf32>,
    %get3A_549 = arith.constant 22 : index
    %get3A_550 = arith.constant 0 : index
    %get3A_551 = arith.constant 0 : index
    %get3A_552 = vector.load %arg1[%get3A_549, %get3A_550, %get3A_551] : memref<128x63x26xf32, #tpu.memory_space<vmem>>, vector<1x63x26xf32>
    %get3A_553 = vector.shape_cast %get3A_552 : vector<1x63x26xf32> to vector<63x26xf32>
    %dot_general3A_554 = arith.constant dense<0.000000e+00> : vector<63x128xf32>
    %dot_general3A_555 = tpu.matmul %get3A_553, %get3A_1, %dot_general3A_554 {dimension_numbers = #tpu.dot_dimension_numbers<[1], [0], [0], [1], [0, 0, 1, 1], [], []>, transpose_lhs_hint = false} : vector<63x26xf32>, vector<26x128xf32>, vector<63x128xf32> -> vector<63x128xf32>
    %get3A_556 = arith.constant 22 : index
    %get3A_557 = arith.constant 0 : index
    %get3A_558 = arith.constant 0 : index
    %get3A_559 = vector.load %arg2[%get3A_556, %get3A_557, %get3A_558] : memref<128x63x128xf32, #tpu.memory_space<vmem>>, vector<1x63x128xf32>
    %get3A_560 = vector.shape_cast %get3A_559 : vector<1x63x128xf32> to vector<63x128xf32>
    %add3A_561 = arith.addf %dot_general3A_555, %get3A_560 : vector<63x128xf32>
    %get3A_562 = arith.constant 22 : index
    %get3A_563 = arith.constant 0 : index
    %get3A_564 = arith.constant 0 : index
    %get3A_565 = vector.load %arg3[%get3A_562, %get3A_563, %get3A_564] : memref<128x64x128xf32, #tpu.memory_space<vmem>>, vector<1x63x128xf32>
    %get3A_566 = vector.shape_cast %get3A_565 : vector<1x63x128xf32> to vector<63x128xf32>
    %add3A_567 = arith.addf %add3A_561, %get3A_566 : vector<63x128xf32>
    %swap3A_568 = arith.constant 22 : index
    %swap3A_569 = arith.constant 0 : index
    %swap3A_570 = arith.constant 0 : index
    %swap3A_571 = vector.load %arg5[%swap3A_568, %swap3A_569, %swap3A_570] : memref<128x63x128xf32, #tpu.memory_space<vmem>>, vector<1x63x128xf32>
    %swap3A_572 = vector.shape_cast %swap3A_571 : vector<1x63x128xf32> to vector<63x128xf32>
    %swap3A_573 = vector.shape_cast %add3A_567 : vector<63x128xf32> to vector<1x63x128xf32>
    tpu.vector_store %arg5[%swap3A_568, %swap3A_569, %swap3A_570], %swap3A_573 {strides = array<i32>} : memref<128x63x128xf32, #tpu.memory_space<vmem>>, vector<1x63x128xf32>,
    %get3A_574 = arith.constant 23 : index
    %get3A_575 = arith.constant 0 : index
    %get3A_576 = arith.constant 0 : index
    %get3A_577 = vector.load %arg1[%get3A_574, %get3A_575, %get3A_576] : memref<128x63x26xf32, #tpu.memory_space<vmem>>, vector<1x63x26xf32>
    %get3A_578 = vector.shape_cast %get3A_577 : vector<1x63x26xf32> to vector<63x26xf32>
    %dot_general3A_579 = arith.constant dense<0.000000e+00> : vector<63x128xf32>
    %dot_general3A_580 = tpu.matmul %get3A_578, %get3A_1, %dot_general3A_579 {dimension_numbers = #tpu.dot_dimension_numbers<[1], [0], [0], [1], [0, 0, 1, 1], [], []>, transpose_lhs_hint = false} : vector<63x26xf32>, vector<26x128xf32>, vector<63x128xf32> -> vector<63x128xf32>
    %get3A_581 = arith.constant 23 : index
    %get3A_582 = arith.constant 0 : index
    %get3A_583 = arith.constant 0 : index
    %get3A_584 = vector.load %arg2[%get3A_581, %get3A_582, %get3A_583] : memref<128x63x128xf32, #tpu.memory_space<vmem>>, vector<1x63x128xf32>
    %get3A_585 = vector.shape_cast %get3A_584 : vector<1x63x128xf32> to vector<63x128xf32>
    %add3A_586 = arith.addf %dot_general3A_580, %get3A_585 : vector<63x128xf32>
    %get3A_587 = arith.constant 23 : index
    %get3A_588 = arith.constant 0 : index
    %get3A_589 = arith.constant 0 : index
    %get3A_590 = vector.load %arg3[%get3A_587, %get3A_588, %get3A_589] : memref<128x64x128xf32, #tpu.memory_space<vmem>>, vector<1x63x128xf32>
    %get3A_591 = vector.shape_cast %get3A_590 : vector<1x63x128xf32> to vector<63x128xf32>
    %add3A_592 = arith.addf %add3A_586, %get3A_591 : vector<63x128xf32>
    %swap3A_593 = arith.constant 23 : index
    %swap3A_594 = arith.constant 0 : index
    %swap3A_595 = arith.constant 0 : index
    %swap3A_596 = vector.load %arg5[%swap3A_593, %swap3A_594, %swap3A_595] : memref<128x63x128xf32, #tpu.memory_space<vmem>>, vector<1x63x128xf32>
    %swap3A_597 = vector.shape_cast %swap3A_596 : vector<1x63x128xf32> to vector<63x128xf32>
    %swap3A_598 = vector.shape_cast %add3A_592 : vector<63x128xf32> to vector<1x63x128xf32>
    tpu.vector_store %arg5[%swap3A_593, %swap3A_594, %swap3A_595], %swap3A_598 {strides = array<i32>} : memref<128x63x128xf32, #tpu.memory_space<vmem>>, vector<1x63x128xf32>,
    %get3A_599 = arith.constant 24 : index
    %get3A_600 = arith.constant 0 : index
    %get3A_601 = arith.constant 0 : index
    %get3A_602 = vector.load %arg1[%get3A_599, %get3A_600, %get3A_601] : memref<128x63x26xf32, #tpu.memory_space<vmem>>, vector<1x63x26xf32>
    %get3A_603 = vector.shape_cast %get3A_602 : vector<1x63x26xf32> to vector<63x26xf32>
    %dot_general3A_604 = arith.constant dense<0.000000e+00> : vector<63x128xf32>
    %dot_general3A_605 = tpu.matmul %get3A_603, %get3A_1, %dot_general3A_604 {dimension_numbers = #tpu.dot_dimension_numbers<[1], [0], [0], [1], [0, 0, 1, 1], [], []>, transpose_lhs_hint = false} : vector<63x26xf32>, vector<26x128xf32>, vector<63x128xf32> -> vector<63x128xf32>
    %get3A_606 = arith.constant 24 : index
    %get3A_607 = arith.constant 0 : index
    %get3A_608 = arith.constant 0 : index
    %get3A_609 = vector.load %arg2[%get3A_606, %get3A_607, %get3A_608] : memref<128x63x128xf32, #tpu.memory_space<vmem>>, vector<1x63x128xf32>
    %get3A_610 = vector.shape_cast %get3A_609 : vector<1x63x128xf32> to vector<63x128xf32>
    %add3A_611 = arith.addf %dot_general3A_605, %get3A_610 : vector<63x128xf32>
    %get3A_612 = arith.constant 24 : index
    %get3A_613 = arith.constant 0 : index
    %get3A_614 = arith.constant 0 : index
    %get3A_615 = vector.load %arg3[%get3A_612, %get3A_613, %get3A_614] : memref<128x64x128xf32, #tpu.memory_space<vmem>>, vector<1x63x128xf32>
    %get3A_616 = vector.shape_cast %get3A_615 : vector<1x63x128xf32> to vector<63x128xf32>
    %add3A_617 = arith.addf %add3A_611, %get3A_616 : vector<63x128xf32>
    %swap3A_618 = arith.constant 24 : index
    %swap3A_619 = arith.constant 0 : index
    %swap3A_620 = arith.constant 0 : index
    %swap3A_621 = vector.load %arg5[%swap3A_618, %swap3A_619, %swap3A_620] : memref<128x63x128xf32, #tpu.memory_space<vmem>>, vector<1x63x128xf32>
    %swap3A_622 = vector.shape_cast %swap3A_621 : vector<1x63x128xf32> to vector<63x128xf32>
    %swap3A_623 = vector.shape_cast %add3A_617 : vector<63x128xf32> to vector<1x63x128xf32>
    tpu.vector_store %arg5[%swap3A_618, %swap3A_619, %swap3A_620], %swap3A_623 {strides = array<i32>} : memref<128x63x128xf32, #tpu.memory_space<vmem>>, vector<1x63x128xf32>,
    %get3A_624 = arith.constant 25 : index
    %get3A_625 = arith.constant 0 : index
    %get3A_626 = arith.constant 0 : index
    %get3A_627 = vector.load %arg1[%get3A_624, %get3A_625, %get3A_626] : memref<128x63x26xf32, #tpu.memory_space<vmem>>, vector<1x63x26xf32>
    %get3A_628 = vector.shape_cast %get3A_627 : vector<1x63x26xf32> to vector<63x26xf32>
    %dot_general3A_629 = arith.constant dense<0.000000e+00> : vector<63x128xf32>
    %dot_general3A_630 = tpu.matmul %get3A_628, %get3A_1, %dot_general3A_629 {dimension_numbers = #tpu.dot_dimension_numbers<[1], [0], [0], [1], [0, 0, 1, 1], [], []>, transpose_lhs_hint = false} : vector<63x26xf32>, vector<26x128xf32>, vector<63x128xf32> -> vector<63x128xf32>
    %get3A_631 = arith.constant 25 : index
    %get3A_632 = arith.constant 0 : index
    %get3A_633 = arith.constant 0 : index
    %get3A_634 = vector.load %arg2[%get3A_631, %get3A_632, %get3A_633] : memref<128x63x128xf32, #tpu.memory_space<vmem>>, vector<1x63x128xf32>
    %get3A_635 = vector.shape_cast %get3A_634 : vector<1x63x128xf32> to vector<63x128xf32>
    %add3A_636 = arith.addf %dot_general3A_630, %get3A_635 : vector<63x128xf32>
    %get3A_637 = arith.constant 25 : index
    %get3A_638 = arith.constant 0 : index
    %get3A_639 = arith.constant 0 : index
    %get3A_640 = vector.load %arg3[%get3A_637, %get3A_638, %get3A_639] : memref<128x64x128xf32, #tpu.memory_space<vmem>>, vector<1x63x128xf32>
    %get3A_641 = vector.shape_cast %get3A_640 : vector<1x63x128xf32> to vector<63x128xf32>
    %add3A_642 = arith.addf %add3A_636, %get3A_641 : vector<63x128xf32>
    %swap3A_643 = arith.constant 25 : index
    %swap3A_644 = arith.constant 0 : index
    %swap3A_645 = arith.constant 0 : index
    %swap3A_646 = vector.load %arg5[%swap3A_643, %swap3A_644, %swap3A_645] : memref<128x63x128xf32, #tpu.memory_space<vmem>>, vector<1x63x128xf32>
    %swap3A_647 = vector.shape_cast %swap3A_646 : vector<1x63x128xf32> to vector<63x128xf32>
    %swap3A_648 = vector.shape_cast %add3A_642 : vector<63x128xf32> to vector<1x63x128xf32>
    tpu.vector_store %arg5[%swap3A_643, %swap3A_644, %swap3A_645], %swap3A_648 {strides = array<i32>} : memref<128x63x128xf32, #tpu.memory_space<vmem>>, vector<1x63x128xf32>,
    %get3A_649 = arith.constant 26 : index
    %get3A_650 = arith.constant 0 : index
    %get3A_651 = arith.constant 0 : index
    %get3A_652 = vector.load %arg1[%get3A_649, %get3A_650, %get3A_651] : memref<128x63x26xf32, #tpu.memory_space<vmem>>, vector<1x63x26xf32>
    %get3A_653 = vector.shape_cast %get3A_652 : vector<1x63x26xf32> to vector<63x26xf32>
    %dot_general3A_654 = arith.constant dense<0.000000e+00> : vector<63x128xf32>
    %dot_general3A_655 = tpu.matmul %get3A_653, %get3A_1, %dot_general3A_654 {dimension_numbers = #tpu.dot_dimension_numbers<[1], [0], [0], [1], [0, 0, 1, 1], [], []>, transpose_lhs_hint = false} : vector<63x26xf32>, vector<26x128xf32>, vector<63x128xf32> -> vector<63x128xf32>
    %get3A_656 = arith.constant 26 : index
    %get3A_657 = arith.constant 0 : index
    %get3A_658 = arith.constant 0 : index
    %get3A_659 = vector.load %arg2[%get3A_656, %get3A_657, %get3A_658] : memref<128x63x128xf32, #tpu.memory_space<vmem>>, vector<1x63x128xf32>
    %get3A_660 = vector.shape_cast %get3A_659 : vector<1x63x128xf32> to vector<63x128xf32>
    %add3A_661 = arith.addf %dot_general3A_655, %get3A_660 : vector<63x128xf32>
    %get3A_662 = arith.constant 26 : index
    %get3A_663 = arith.constant 0 : index
    %get3A_664 = arith.constant 0 : index
    %get3A_665 = vector.load %arg3[%get3A_662, %get3A_663, %get3A_664] : memref<128x64x128xf32, #tpu.memory_space<vmem>>, vector<1x63x128xf32>
    %get3A_666 = vector.shape_cast %get3A_665 : vector<1x63x128xf32> to vector<63x128xf32>
    %add3A_667 = arith.addf %add3A_661, %get3A_666 : vector<63x128xf32>
    %swap3A_668 = arith.constant 26 : index
    %swap3A_669 = arith.constant 0 : index
    %swap3A_670 = arith.constant 0 : index
    %swap3A_671 = vector.load %arg5[%swap3A_668, %swap3A_669, %swap3A_670] : memref<128x63x128xf32, #tpu.memory_space<vmem>>, vector<1x63x128xf32>
    %swap3A_672 = vector.shape_cast %swap3A_671 : vector<1x63x128xf32> to vector<63x128xf32>
    %swap3A_673 = vector.shape_cast %add3A_667 : vector<63x128xf32> to vector<1x63x128xf32>
    tpu.vector_store %arg5[%swap3A_668, %swap3A_669, %swap3A_670], %swap3A_673 {strides = array<i32>} : memref<128x63x128xf32, #tpu.memory_space<vmem>>, vector<1x63x128xf32>,
    %get3A_674 = arith.constant 27 : index
    %get3A_675 = arith.constant 0 : index
    %get3A_676 = arith.constant 0 : index
    %get3A_677 = vector.load %arg1[%get3A_674, %get3A_675, %get3A_676] : memref<128x63x26xf32, #tpu.memory_space<vmem>>, vector<1x63x26xf32>
    %get3A_678 = vector.shape_cast %get3A_677 : vector<1x63x26xf32> to vector<63x26xf32>
    %dot_general3A_679 = arith.constant dense<0.000000e+00> : vector<63x128xf32>
    %dot_general3A_680 = tpu.matmul %get3A_678, %get3A_1, %dot_general3A_679 {dimension_numbers = #tpu.dot_dimension_numbers<[1], [0], [0], [1], [0, 0, 1, 1], [], []>, transpose_lhs_hint = false} : vector<63x26xf32>, vector<26x128xf32>, vector<63x128xf32> -> vector<63x128xf32>
    %get3A_681 = arith.constant 27 : index
    %get3A_682 = arith.constant 0 : index
    %get3A_683 = arith.constant 0 : index
    %get3A_684 = vector.load %arg2[%get3A_681, %get3A_682, %get3A_683] : memref<128x63x128xf32, #tpu.memory_space<vmem>>, vector<1x63x128xf32>
    %get3A_685 = vector.shape_cast %get3A_684 : vector<1x63x128xf32> to vector<63x128xf32>
    %add3A_686 = arith.addf %dot_general3A_680, %get3A_685 : vector<63x128xf32>
    %get3A_687 = arith.constant 27 : index
    %get3A_688 = arith.constant 0 : index
    %get3A_689 = arith.constant 0 : index
    %get3A_690 = vector.load %arg3[%get3A_687, %get3A_688, %get3A_689] : memref<128x64x128xf32, #tpu.memory_space<vmem>>, vector<1x63x128xf32>
    %get3A_691 = vector.shape_cast %get3A_690 : vector<1x63x128xf32> to vector<63x128xf32>
    %add3A_692 = arith.addf %add3A_686, %get3A_691 : vector<63x128xf32>
    %swap3A_693 = arith.constant 27 : index
    %swap3A_694 = arith.constant 0 : index
    %swap3A_695 = arith.constant 0 : index
    %swap3A_696 = vector.load %arg5[%swap3A_693, %swap3A_694, %swap3A_695] : memref<128x63x128xf32, #tpu.memory_space<vmem>>, vector<1x63x128xf32>
    %swap3A_697 = vector.shape_cast %swap3A_696 : vector<1x63x128xf32> to vector<63x128xf32>
    %swap3A_698 = vector.shape_cast %add3A_692 : vector<63x128xf32> to vector<1x63x128xf32>
    tpu.vector_store %arg5[%swap3A_693, %swap3A_694, %swap3A_695], %swap3A_698 {strides = array<i32>} : memref<128x63x128xf32, #tpu.memory_space<vmem>>, vector<1x63x128xf32>,
    %get3A_699 = arith.constant 28 : index
    %get3A_700 = arith.constant 0 : index
    %get3A_701 = arith.constant 0 : index
    %get3A_702 = vector.load %arg1[%get3A_699, %get3A_700, %get3A_701] : memref<128x63x26xf32, #tpu.memory_space<vmem>>, vector<1x63x26xf32>
    %get3A_703 = vector.shape_cast %get3A_702 : vector<1x63x26xf32> to vector<63x26xf32>
    %dot_general3A_704 = arith.constant dense<0.000000e+00> : vector<63x128xf32>
    %dot_general3A_705 = tpu.matmul %get3A_703, %get3A_1, %dot_general3A_704 {dimension_numbers = #tpu.dot_dimension_numbers<[1], [0], [0], [1], [0, 0, 1, 1], [], []>, transpose_lhs_hint = false} : vector<63x26xf32>, vector<26x128xf32>, vector<63x128xf32> -> vector<63x128xf32>
    %get3A_706 = arith.constant 28 : index
    %get3A_707 = arith.constant 0 : index
    %get3A_708 = arith.constant 0 : index
    %get3A_709 = vector.load %arg2[%get3A_706, %get3A_707, %get3A_708] : memref<128x63x128xf32, #tpu.memory_space<vmem>>, vector<1x63x128xf32>
    %get3A_710 = vector.shape_cast %get3A_709 : vector<1x63x128xf32> to vector<63x128xf32>
    %add3A_711 = arith.addf %dot_general3A_705, %get3A_710 : vector<63x128xf32>
    %get3A_712 = arith.constant 28 : index
    %get3A_713 = arith.constant 0 : index
    %get3A_714 = arith.constant 0 : index
    %get3A_715 = vector.load %arg3[%get3A_712, %get3A_713, %get3A_714] : memref<128x64x128xf32, #tpu.memory_space<vmem>>, vector<1x63x128xf32>
    %get3A_716 = vector.shape_cast %get3A_715 : vector<1x63x128xf32> to vector<63x128xf32>
    %add3A_717 = arith.addf %add3A_711, %get3A_716 : vector<63x128xf32>
    %swap3A_718 = arith.constant 28 : index
    %swap3A_719 = arith.constant 0 : index
    %swap3A_720 = arith.constant 0 : index
    %swap3A_721 = vector.load %arg5[%swap3A_718, %swap3A_719, %swap3A_720] : memref<128x63x128xf32, #tpu.memory_space<vmem>>, vector<1x63x128xf32>
    %swap3A_722 = vector.shape_cast %swap3A_721 : vector<1x63x128xf32> to vector<63x128xf32>
    %swap3A_723 = vector.shape_cast %add3A_717 : vector<63x128xf32> to vector<1x63x128xf32>
    tpu.vector_store %arg5[%swap3A_718, %swap3A_719, %swap3A_720], %swap3A_723 {strides = array<i32>} : memref<128x63x128xf32, #tpu.memory_space<vmem>>, vector<1x63x128xf32>,
    %get3A_724 = arith.constant 29 : index
    %get3A_725 = arith.constant 0 : index
    %get3A_726 = arith.constant 0 : index
    %get3A_727 = vector.load %arg1[%get3A_724, %get3A_725, %get3A_726] : memref<128x63x26xf32, #tpu.memory_space<vmem>>, vector<1x63x26xf32>
    %get3A_728 = vector.shape_cast %get3A_727 : vector<1x63x26xf32> to vector<63x26xf32>
    %dot_general3A_729 = arith.constant dense<0.000000e+00> : vector<63x128xf32>
    %dot_general3A_730 = tpu.matmul %get3A_728, %get3A_1, %dot_general3A_729 {dimension_numbers = #tpu.dot_dimension_numbers<[1], [0], [0], [1], [0, 0, 1, 1], [], []>, transpose_lhs_hint = false} : vector<63x26xf32>, vector<26x128xf32>, vector<63x128xf32> -> vector<63x128xf32>
    %get3A_731 = arith.constant 29 : index
    %get3A_732 = arith.constant 0 : index
    %get3A_733 = arith.constant 0 : index
    %get3A_734 = vector.load %arg2[%get3A_731, %get3A_732, %get3A_733] : memref<128x63x128xf32, #tpu.memory_space<vmem>>, vector<1x63x128xf32>
    %get3A_735 = vector.shape_cast %get3A_734 : vector<1x63x128xf32> to vector<63x128xf32>
    %add3A_736 = arith.addf %dot_general3A_730, %get3A_735 : vector<63x128xf32>
    %get3A_737 = arith.constant 29 : index
    %get3A_738 = arith.constant 0 : index
    %get3A_739 = arith.constant 0 : index
    %get3A_740 = vector.load %arg3[%get3A_737, %get3A_738, %get3A_739] : memref<128x64x128xf32, #tpu.memory_space<vmem>>, vector<1x63x128xf32>
    %get3A_741 = vector.shape_cast %get3A_740 : vector<1x63x128xf32> to vector<63x128xf32>
    %add3A_742 = arith.addf %add3A_736, %get3A_741 : vector<63x128xf32>
    %swap3A_743 = arith.constant 29 : index
    %swap3A_744 = arith.constant 0 : index
    %swap3A_745 = arith.constant 0 : index
    %swap3A_746 = vector.load %arg5[%swap3A_743, %swap3A_744, %swap3A_745] : memref<128x63x128xf32, #tpu.memory_space<vmem>>, vector<1x63x128xf32>
    %swap3A_747 = vector.shape_cast %swap3A_746 : vector<1x63x128xf32> to vector<63x128xf32>
    %swap3A_748 = vector.shape_cast %add3A_742 : vector<63x128xf32> to vector<1x63x128xf32>
    tpu.vector_store %arg5[%swap3A_743, %swap3A_744, %swap3A_745], %swap3A_748 {strides = array<i32>} : memref<128x63x128xf32, #tpu.memory_space<vmem>>, vector<1x63x128xf32>,
    %get3A_749 = arith.constant 30 : index
    %get3A_750 = arith.constant 0 : index
    %get3A_751 = arith.constant 0 : index
    %get3A_752 = vector.load %arg1[%get3A_749, %get3A_750, %get3A_751] : memref<128x63x26xf32, #tpu.memory_space<vmem>>, vector<1x63x26xf32>
    %get3A_753 = vector.shape_cast %get3A_752 : vector<1x63x26xf32> to vector<63x26xf32>
    %dot_general3A_754 = arith.constant dense<0.000000e+00> : vector<63x128xf32>
    %dot_general3A_755 = tpu.matmul %get3A_753, %get3A_1, %dot_general3A_754 {dimension_numbers = #tpu.dot_dimension_numbers<[1], [0], [0], [1], [0, 0, 1, 1], [], []>, transpose_lhs_hint = false} : vector<63x26xf32>, vector<26x128xf32>, vector<63x128xf32> -> vector<63x128xf32>
    %get3A_756 = arith.constant 30 : index
    %get3A_757 = arith.constant 0 : index
    %get3A_758 = arith.constant 0 : index
    %get3A_759 = vector.load %arg2[%get3A_756, %get3A_757, %get3A_758] : memref<128x63x128xf32, #tpu.memory_space<vmem>>, vector<1x63x128xf32>
    %get3A_760 = vector.shape_cast %get3A_759 : vector<1x63x128xf32> to vector<63x128xf32>
    %add3A_761 = arith.addf %dot_general3A_755, %get3A_760 : vector<63x128xf32>
    %get3A_762 = arith.constant 30 : index
    %get3A_763 = arith.constant 0 : index
    %get3A_764 = arith.constant 0 : index
    %get3A_765 = vector.load %arg3[%get3A_762, %get3A_763, %get3A_764] : memref<128x64x128xf32, #tpu.memory_space<vmem>>, vector<1x63x128xf32>
    %get3A_766 = vector.shape_cast %get3A_765 : vector<1x63x128xf32> to vector<63x128xf32>
    %add3A_767 = arith.addf %add3A_761, %get3A_766 : vector<63x128xf32>
    %swap3A_768 = arith.constant 30 : index
    %swap3A_769 = arith.constant 0 : index
    %swap3A_770 = arith.constant 0 : index
    %swap3A_771 = vector.load %arg5[%swap3A_768, %swap3A_769, %swap3A_770] : memref<128x63x128xf32, #tpu.memory_space<vmem>>, vector<1x63x128xf32>
    %swap3A_772 = vector.shape_cast %swap3A_771 : vector<1x63x128xf32> to vector<63x128xf32>
    %swap3A_773 = vector.shape_cast %add3A_767 : vector<63x128xf32> to vector<1x63x128xf32>
    tpu.vector_store %arg5[%swap3A_768, %swap3A_769, %swap3A_770], %swap3A_773 {strides = array<i32>} : memref<128x63x128xf32, #tpu.memory_space<vmem>>, vector<1x63x128xf32>,
    %get3A_774 = arith.constant 31 : index
    %get3A_775 = arith.constant 0 : index
    %get3A_776 = arith.constant 0 : index
    %get3A_777 = vector.load %arg1[%get3A_774, %get3A_775, %get3A_776] : memref<128x63x26xf32, #tpu.memory_space<vmem>>, vector<1x63x26xf32>
    %get3A_778 = vector.shape_cast %get3A_777 : vector<1x63x26xf32> to vector<63x26xf32>
    %dot_general3A_779 = arith.constant dense<0.000000e+00> : vector<63x128xf32>
    %dot_general3A_780 = tpu.matmul %get3A_778, %get3A_1, %dot_general3A_779 {dimension_numbers = #tpu.dot_dimension_numbers<[1], [0], [0], [1], [0, 0, 1, 1], [], []>, transpose_lhs_hint = false} : vector<63x26xf32>, vector<26x128xf32>, vector<63x128xf32> -> vector<63x128xf32>
    %get3A_781 = arith.constant 31 : index
    %get3A_782 = arith.constant 0 : index
    %get3A_783 = arith.constant 0 : index
    %get3A_784 = vector.load %arg2[%get3A_781, %get3A_782, %get3A_783] : memref<128x63x128xf32, #tpu.memory_space<vmem>>, vector<1x63x128xf32>
    %get3A_785 = vector.shape_cast %get3A_784 : vector<1x63x128xf32> to vector<63x128xf32>
    %add3A_786 = arith.addf %dot_general3A_780, %get3A_785 : vector<63x128xf32>
    %get3A_787 = arith.constant 31 : index
    %get3A_788 = arith.constant 0 : index
    %get3A_789 = arith.constant 0 : index
    %get3A_790 = vector.load %arg3[%get3A_787, %get3A_788, %get3A_789] : memref<128x64x128xf32, #tpu.memory_space<vmem>>, vector<1x63x128xf32>
    %get3A_791 = vector.shape_cast %get3A_790 : vector<1x63x128xf32> to vector<63x128xf32>
    %add3A_792 = arith.addf %add3A_786, %get3A_791 : vector<63x128xf32>
    %swap3A_793 = arith.constant 31 : index
    %swap3A_794 = arith.constant 0 : index
    %swap3A_795 = arith.constant 0 : index
    %swap3A_796 = vector.load %arg5[%swap3A_793, %swap3A_794, %swap3A_795] : memref<128x63x128xf32, #tpu.memory_space<vmem>>, vector<1x63x128xf32>
    %swap3A_797 = vector.shape_cast %swap3A_796 : vector<1x63x128xf32> to vector<63x128xf32>
    %swap3A_798 = vector.shape_cast %add3A_792 : vector<63x128xf32> to vector<1x63x128xf32>
    tpu.vector_store %arg5[%swap3A_793, %swap3A_794, %swap3A_795], %swap3A_798 {strides = array<i32>} : memref<128x63x128xf32, #tpu.memory_space<vmem>>, vector<1x63x128xf32>,
    %get3A_799 = arith.constant 32 : index
    %get3A_800 = arith.constant 0 : index
    %get3A_801 = arith.constant 0 : index
    %get3A_802 = vector.load %arg1[%get3A_799, %get3A_800, %get3A_801] : memref<128x63x26xf32, #tpu.memory_space<vmem>>, vector<1x63x26xf32>
    %get3A_803 = vector.shape_cast %get3A_802 : vector<1x63x26xf32> to vector<63x26xf32>
    %dot_general3A_804 = arith.constant dense<0.000000e+00> : vector<63x128xf32>
    %dot_general3A_805 = tpu.matmul %get3A_803, %get3A_1, %dot_general3A_804 {dimension_numbers = #tpu.dot_dimension_numbers<[1], [0], [0], [1], [0, 0, 1, 1], [], []>, transpose_lhs_hint = false} : vector<63x26xf32>, vector<26x128xf32>, vector<63x128xf32> -> vector<63x128xf32>
    %get3A_806 = arith.constant 32 : index
    %get3A_807 = arith.constant 0 : index
    %get3A_808 = arith.constant 0 : index
    %get3A_809 = vector.load %arg2[%get3A_806, %get3A_807, %get3A_808] : memref<128x63x128xf32, #tpu.memory_space<vmem>>, vector<1x63x128xf32>
    %get3A_810 = vector.shape_cast %get3A_809 : vector<1x63x128xf32> to vector<63x128xf32>
    %add3A_811 = arith.addf %dot_general3A_805, %get3A_810 : vector<63x128xf32>
    %get3A_812 = arith.constant 32 : index
    %get3A_813 = arith.constant 0 : index
    %get3A_814 = arith.constant 0 : index
    %get3A_815 = vector.load %arg3[%get3A_812, %get3A_813, %get3A_814] : memref<128x64x128xf32, #tpu.memory_space<vmem>>, vector<1x63x128xf32>
    %get3A_816 = vector.shape_cast %get3A_815 : vector<1x63x128xf32> to vector<63x128xf32>
    %add3A_817 = arith.addf %add3A_811, %get3A_816 : vector<63x128xf32>
    %swap3A_818 = arith.constant 32 : index
    %swap3A_819 = arith.constant 0 : index
    %swap3A_820 = arith.constant 0 : index
    %swap3A_821 = vector.load %arg5[%swap3A_818, %swap3A_819, %swap3A_820] : memref<128x63x128xf32, #tpu.memory_space<vmem>>, vector<1x63x128xf32>
    %swap3A_822 = vector.shape_cast %swap3A_821 : vector<1x63x128xf32> to vector<63x128xf32>
    %swap3A_823 = vector.shape_cast %add3A_817 : vector<63x128xf32> to vector<1x63x128xf32>
    tpu.vector_store %arg5[%swap3A_818, %swap3A_819, %swap3A_820], %swap3A_823 {strides = array<i32>} : memref<128x63x128xf32, #tpu.memory_space<vmem>>, vector<1x63x128xf32>,
    %get3A_824 = arith.constant 33 : index
    %get3A_825 = arith.constant 0 : index
    %get3A_826 = arith.constant 0 : index
    %get3A_827 = vector.load %arg1[%get3A_824, %get3A_825, %get3A_826] : memref<128x63x26xf32, #tpu.memory_space<vmem>>, vector<1x63x26xf32>
    %get3A_828 = vector.shape_cast %get3A_827 : vector<1x63x26xf32> to vector<63x26xf32>
    %dot_general3A_829 = arith.constant dense<0.000000e+00> : vector<63x128xf32>
    %dot_general3A_830 = tpu.matmul %get3A_828, %get3A_1, %dot_general3A_829 {dimension_numbers = #tpu.dot_dimension_numbers<[1], [0], [0], [1], [0, 0, 1, 1], [], []>, transpose_lhs_hint = false} : vector<63x26xf32>, vector<26x128xf32>, vector<63x128xf32> -> vector<63x128xf32>
    %get3A_831 = arith.constant 33 : index
    %get3A_832 = arith.constant 0 : index
    %get3A_833 = arith.constant 0 : index
    %get3A_834 = vector.load %arg2[%get3A_831, %get3A_832, %get3A_833] : memref<128x63x128xf32, #tpu.memory_space<vmem>>, vector<1x63x128xf32>
    %get3A_835 = vector.shape_cast %get3A_834 : vector<1x63x128xf32> to vector<63x128xf32>
    %add3A_836 = arith.addf %dot_general3A_830, %get3A_835 : vector<63x128xf32>
    %get3A_837 = arith.constant 33 : index
    %get3A_838 = arith.constant 0 : index
    %get3A_839 = arith.constant 0 : index
    %get3A_840 = vector.load %arg3[%get3A_837, %get3A_838, %get3A_839] : memref<128x64x128xf32, #tpu.memory_space<vmem>>, vector<1x63x128xf32>
    %get3A_841 = vector.shape_cast %get3A_840 : vector<1x63x128xf32> to vector<63x128xf32>
    %add3A_842 = arith.addf %add3A_836, %get3A_841 : vector<63x128xf32>
    %swap3A_843 = arith.constant 33 : index
    %swap3A_844 = arith.constant 0 : index
    %swap3A_845 = arith.constant 0 : index
    %swap3A_846 = vector.load %arg5[%swap3A_843, %swap3A_844, %swap3A_845] : memref<128x63x128xf32, #tpu.memory_space<vmem>>, vector<1x63x128xf32>
    %swap3A_847 = vector.shape_cast %swap3A_846 : vector<1x63x128xf32> to vector<63x128xf32>
    %swap3A_848 = vector.shape_cast %add3A_842 : vector<63x128xf32> to vector<1x63x128xf32>
    tpu.vector_store %arg5[%swap3A_843, %swap3A_844, %swap3A_845], %swap3A_848 {strides = array<i32>} : memref<128x63x128xf32, #tpu.memory_space<vmem>>, vector<1x63x128xf32>,
    %get3A_849 = arith.constant 34 : index
    %get3A_850 = arith.constant 0 : index
    %get3A_851 = arith.constant 0 : index
    %get3A_852 = vector.load %arg1[%get3A_849, %get3A_850, %get3A_851] : memref<128x63x26xf32, #tpu.memory_space<vmem>>, vector<1x63x26xf32>
    %get3A_853 = vector.shape_cast %get3A_852 : vector<1x63x26xf32> to vector<63x26xf32>
    %dot_general3A_854 = arith.constant dense<0.000000e+00> : vector<63x128xf32>
    %dot_general3A_855 = tpu.matmul %get3A_853, %get3A_1, %dot_general3A_854 {dimension_numbers = #tpu.dot_dimension_numbers<[1], [0], [0], [1], [0, 0, 1, 1], [], []>, transpose_lhs_hint = false} : vector<63x26xf32>, vector<26x128xf32>, vector<63x128xf32> -> vector<63x128xf32>
    %get3A_856 = arith.constant 34 : index
    %get3A_857 = arith.constant 0 : index
    %get3A_858 = arith.constant 0 : index
    %get3A_859 = vector.load %arg2[%get3A_856, %get3A_857, %get3A_858] : memref<128x63x128xf32, #tpu.memory_space<vmem>>, vector<1x63x128xf32>
    %get3A_860 = vector.shape_cast %get3A_859 : vector<1x63x128xf32> to vector<63x128xf32>
    %add3A_861 = arith.addf %dot_general3A_855, %get3A_860 : vector<63x128xf32>
    %get3A_862 = arith.constant 34 : index
    %get3A_863 = arith.constant 0 : index
    %get3A_864 = arith.constant 0 : index
    %get3A_865 = vector.load %arg3[%get3A_862, %get3A_863, %get3A_864] : memref<128x64x128xf32, #tpu.memory_space<vmem>>, vector<1x63x128xf32>
    %get3A_866 = vector.shape_cast %get3A_865 : vector<1x63x128xf32> to vector<63x128xf32>
    %add3A_867 = arith.addf %add3A_861, %get3A_866 : vector<63x128xf32>
    %swap3A_868 = arith.constant 34 : index
    %swap3A_869 = arith.constant 0 : index
    %swap3A_870 = arith.constant 0 : index
    %swap3A_871 = vector.load %arg5[%swap3A_868, %swap3A_869, %swap3A_870] : memref<128x63x128xf32, #tpu.memory_space<vmem>>, vector<1x63x128xf32>
    %swap3A_872 = vector.shape_cast %swap3A_871 : vector<1x63x128xf32> to vector<63x128xf32>
    %swap3A_873 = vector.shape_cast %add3A_867 : vector<63x128xf32> to vector<1x63x128xf32>
    tpu.vector_store %arg5[%swap3A_868, %swap3A_869, %swap3A_870], %swap3A_873 {strides = array<i32>} : memref<128x63x128xf32, #tpu.memory_space<vmem>>, vector<1x63x128xf32>,
    %get3A_874 = arith.constant 35 : index
    %get3A_875 = arith.constant 0 : index
    %get3A_876 = arith.constant 0 : index
    %get3A_877 = vector.load %arg1[%get3A_874, %get3A_875, %get3A_876] : memref<128x63x26xf32, #tpu.memory_space<vmem>>, vector<1x63x26xf32>
    %get3A_878 = vector.shape_cast %get3A_877 : vector<1x63x26xf32> to vector<63x26xf32>
    %dot_general3A_879 = arith.constant dense<0.000000e+00> : vector<63x128xf32>
    %dot_general3A_880 = tpu.matmul %get3A_878, %get3A_1, %dot_general3A_879 {dimension_numbers = #tpu.dot_dimension_numbers<[1], [0], [0], [1], [0, 0, 1, 1], [], []>, transpose_lhs_hint = false} : vector<63x26xf32>, vector<26x128xf32>, vector<63x128xf32> -> vector<63x128xf32>
    %get3A_881 = arith.constant 35 : index
    %get3A_882 = arith.constant 0 : index
    %get3A_883 = arith.constant 0 : index
    %get3A_884 = vector.load %arg2[%get3A_881, %get3A_882, %get3A_883] : memref<128x63x128xf32, #tpu.memory_space<vmem>>, vector<1x63x128xf32>
    %get3A_885 = vector.shape_cast %get3A_884 : vector<1x63x128xf32> to vector<63x128xf32>
    %add3A_886 = arith.addf %dot_general3A_880, %get3A_885 : vector<63x128xf32>
    %get3A_887 = arith.constant 35 : index
    %get3A_888 = arith.constant 0 : index
    %get3A_889 = arith.constant 0 : index
    %get3A_890 = vector.load %arg3[%get3A_887, %get3A_888, %get3A_889] : memref<128x64x128xf32, #tpu.memory_space<vmem>>, vector<1x63x128xf32>
    %get3A_891 = vector.shape_cast %get3A_890 : vector<1x63x128xf32> to vector<63x128xf32>
    %add3A_892 = arith.addf %add3A_886, %get3A_891 : vector<63x128xf32>
    %swap3A_893 = arith.constant 35 : index
    %swap3A_894 = arith.constant 0 : index
    %swap3A_895 = arith.constant 0 : index
    %swap3A_896 = vector.load %arg5[%swap3A_893, %swap3A_894, %swap3A_895] : memref<128x63x128xf32, #tpu.memory_space<vmem>>, vector<1x63x128xf32>
    %swap3A_897 = vector.shape_cast %swap3A_896 : vector<1x63x128xf32> to vector<63x128xf32>
    %swap3A_898 = vector.shape_cast %add3A_892 : vector<63x128xf32> to vector<1x63x128xf32>
    tpu.vector_store %arg5[%swap3A_893, %swap3A_894, %swap3A_895], %swap3A_898 {strides = array<i32>} : memref<128x63x128xf32, #tpu.memory_space<vmem>>, vector<1x63x128xf32>,
    %get3A_899 = arith.constant 36 : index
    %get3A_900 = arith.constant 0 : index
    %get3A_901 = arith.constant 0 : index
    %get3A_902 = vector.load %arg1[%get3A_899, %get3A_900, %get3A_901] : memref<128x63x26xf32, #tpu.memory_space<vmem>>, vector<1x63x26xf32>
    %get3A_903 = vector.shape_cast %get3A_902 : vector<1x63x26xf32> to vector<63x26xf32>
    %dot_general3A_904 = arith.constant dense<0.000000e+00> : vector<63x128xf32>
    %dot_general3A_905 = tpu.matmul %get3A_903, %get3A_1, %dot_general3A_904 {dimension_numbers = #tpu.dot_dimension_numbers<[1], [0], [0], [1], [0, 0, 1, 1], [], []>, transpose_lhs_hint = false} : vector<63x26xf32>, vector<26x128xf32>, vector<63x128xf32> -> vector<63x128xf32>
    %get3A_906 = arith.constant 36 : index
    %get3A_907 = arith.constant 0 : index
    %get3A_908 = arith.constant 0 : index
    %get3A_909 = vector.load %arg2[%get3A_906, %get3A_907, %get3A_908] : memref<128x63x128xf32, #tpu.memory_space<vmem>>, vector<1x63x128xf32>
    %get3A_910 = vector.shape_cast %get3A_909 : vector<1x63x128xf32> to vector<63x128xf32>
    %add3A_911 = arith.addf %dot_general3A_905, %get3A_910 : vector<63x128xf32>
    %get3A_912 = arith.constant 36 : index
    %get3A_913 = arith.constant 0 : index
    %get3A_914 = arith.constant 0 : index
    %get3A_915 = vector.load %arg3[%get3A_912, %get3A_913, %get3A_914] : memref<128x64x128xf32, #tpu.memory_space<vmem>>, vector<1x63x128xf32>
    %get3A_916 = vector.shape_cast %get3A_915 : vector<1x63x128xf32> to vector<63x128xf32>
    %add3A_917 = arith.addf %add3A_911, %get3A_916 : vector<63x128xf32>
    %swap3A_918 = arith.constant 36 : index
    %swap3A_919 = arith.constant 0 : index
    %swap3A_920 = arith.constant 0 : index
    %swap3A_921 = vector.load %arg5[%swap3A_918, %swap3A_919, %swap3A_920] : memref<128x63x128xf32, #tpu.memory_space<vmem>>, vector<1x63x128xf32>
    %swap3A_922 = vector.shape_cast %swap3A_921 : vector<1x63x128xf32> to vector<63x128xf32>
    %swap3A_923 = vector.shape_cast %add3A_917 : vector<63x128xf32> to vector<1x63x128xf32>
    tpu.vector_store %arg5[%swap3A_918, %swap3A_919, %swap3A_920], %swap3A_923 {strides = array<i32>} : memref<128x63x128xf32, #tpu.memory_space<vmem>>, vector<1x63x128xf32>,
    %get3A_924 = arith.constant 37 : index
    %get3A_925 = arith.constant 0 : index
    %get3A_926 = arith.constant 0 : index
    %get3A_927 = vector.load %arg1[%get3A_924, %get3A_925, %get3A_926] : memref<128x63x26xf32, #tpu.memory_space<vmem>>, vector<1x63x26xf32>
    %get3A_928 = vector.shape_cast %get3A_927 : vector<1x63x26xf32> to vector<63x26xf32>
    %dot_general3A_929 = arith.constant dense<0.000000e+00> : vector<63x128xf32>
    %dot_general3A_930 = tpu.matmul %get3A_928, %get3A_1, %dot_general3A_929 {dimension_numbers = #tpu.dot_dimension_numbers<[1], [0], [0], [1], [0, 0, 1, 1], [], []>, transpose_lhs_hint = false} : vector<63x26xf32>, vector<26x128xf32>, vector<63x128xf32> -> vector<63x128xf32>
    %get3A_931 = arith.constant 37 : index
    %get3A_932 = arith.constant 0 : index
    %get3A_933 = arith.constant 0 : index
    %get3A_934 = vector.load %arg2[%get3A_931, %get3A_932, %get3A_933] : memref<128x63x128xf32, #tpu.memory_space<vmem>>, vector<1x63x128xf32>
    %get3A_935 = vector.shape_cast %get3A_934 : vector<1x63x128xf32> to vector<63x128xf32>
    %add3A_936 = arith.addf %dot_general3A_930, %get3A_935 : vector<63x128xf32>
    %get3A_937 = arith.constant 37 : index
    %get3A_938 = arith.constant 0 : index
    %get3A_939 = arith.constant 0 : index
    %get3A_940 = vector.load %arg3[%get3A_937, %get3A_938, %get3A_939] : memref<128x64x128xf32, #tpu.memory_space<vmem>>, vector<1x63x128xf32>
    %get3A_941 = vector.shape_cast %get3A_940 : vector<1x63x128xf32> to vector<63x128xf32>
    %add3A_942 = arith.addf %add3A_936, %get3A_941 : vector<63x128xf32>
    %swap3A_943 = arith.constant 37 : index
    %swap3A_944 = arith.constant 0 : index
    %swap3A_945 = arith.constant 0 : index
    %swap3A_946 = vector.load %arg5[%swap3A_943, %swap3A_944, %swap3A_945] : memref<128x63x128xf32, #tpu.memory_space<vmem>>, vector<1x63x128xf32>
    %swap3A_947 = vector.shape_cast %swap3A_946 : vector<1x63x128xf32> to vector<63x128xf32>
    %swap3A_948 = vector.shape_cast %add3A_942 : vector<63x128xf32> to vector<1x63x128xf32>
    tpu.vector_store %arg5[%swap3A_943, %swap3A_944, %swap3A_945], %swap3A_948 {strides = array<i32>} : memref<128x63x128xf32, #tpu.memory_space<vmem>>, vector<1x63x128xf32>,
    %get3A_949 = arith.constant 38 : index
    %get3A_950 = arith.constant 0 : index
    %get3A_951 = arith.constant 0 : index
    %get3A_952 = vector.load %arg1[%get3A_949, %get3A_950, %get3A_951] : memref<128x63x26xf32, #tpu.memory_space<vmem>>, vector<1x63x26xf32>
    %get3A_953 = vector.shape_cast %get3A_952 : vector<1x63x26xf32> to vector<63x26xf32>
    %dot_general3A_954 = arith.constant dense<0.000000e+00> : vector<63x128xf32>
    %dot_general3A_955 = tpu.matmul %get3A_953, %get3A_1, %dot_general3A_954 {dimension_numbers = #tpu.dot_dimension_numbers<[1], [0], [0], [1], [0, 0, 1, 1], [], []>, transpose_lhs_hint = false} : vector<63x26xf32>, vector<26x128xf32>, vector<63x128xf32> -> vector<63x128xf32>
    %get3A_956 = arith.constant 38 : index
    %get3A_957 = arith.constant 0 : index
    %get3A_958 = arith.constant 0 : index
    %get3A_959 = vector.load %arg2[%get3A_956, %get3A_957, %get3A_958] : memref<128x63x128xf32, #tpu.memory_space<vmem>>, vector<1x63x128xf32>
    %get3A_960 = vector.shape_cast %get3A_959 : vector<1x63x128xf32> to vector<63x128xf32>
    %add3A_961 = arith.addf %dot_general3A_955, %get3A_960 : vector<63x128xf32>
    %get3A_962 = arith.constant 38 : index
    %get3A_963 = arith.constant 0 : index
    %get3A_964 = arith.constant 0 : index
    %get3A_965 = vector.load %arg3[%get3A_962, %get3A_963, %get3A_964] : memref<128x64x128xf32, #tpu.memory_space<vmem>>, vector<1x63x128xf32>
    %get3A_966 = vector.shape_cast %get3A_965 : vector<1x63x128xf32> to vector<63x128xf32>
    %add3A_967 = arith.addf %add3A_961, %get3A_966 : vector<63x128xf32>
    %swap3A_968 = arith.constant 38 : index
    %swap3A_969 = arith.constant 0 : index
    %swap3A_970 = arith.constant 0 : index
    %swap3A_971 = vector.load %arg5[%swap3A_968, %swap3A_969, %swap3A_970] : memref<128x63x128xf32, #tpu.memory_space<vmem>>, vector<1x63x128xf32>
    %swap3A_972 = vector.shape_cast %swap3A_971 : vector<1x63x128xf32> to vector<63x128xf32>
    %swap3A_973 = vector.shape_cast %add3A_967 : vector<63x128xf32> to vector<1x63x128xf32>
    tpu.vector_store %arg5[%swap3A_968, %swap3A_969, %swap3A_970], %swap3A_973 {strides = array<i32>} : memref<128x63x128xf32, #tpu.memory_space<vmem>>, vector<1x63x128xf32>,
    %get3A_974 = arith.constant 39 : index
    %get3A_975 = arith.constant 0 : index
    %get3A_976 = arith.constant 0 : index
    %get3A_977 = vector.load %arg1[%get3A_974, %get3A_975, %get3A_976] : memref<128x63x26xf32, #tpu.memory_space<vmem>>, vector<1x63x26xf32>
    %get3A_978 = vector.shape_cast %get3A_977 : vector<1x63x26xf32> to vector<63x26xf32>
    %dot_general3A_979 = arith.constant dense<0.000000e+00> : vector<63x128xf32>
    %dot_general3A_980 = tpu.matmul %get3A_978, %get3A_1, %dot_general3A_979 {dimension_numbers = #tpu.dot_dimension_numbers<[1], [0], [0], [1], [0, 0, 1, 1], [], []>, transpose_lhs_hint = false} : vector<63x26xf32>, vector<26x128xf32>, vector<63x128xf32> -> vector<63x128xf32>
    %get3A_981 = arith.constant 39 : index
    %get3A_982 = arith.constant 0 : index
    %get3A_983 = arith.constant 0 : index
    %get3A_984 = vector.load %arg2[%get3A_981, %get3A_982, %get3A_983] : memref<128x63x128xf32, #tpu.memory_space<vmem>>, vector<1x63x128xf32>
    %get3A_985 = vector.shape_cast %get3A_984 : vector<1x63x128xf32> to vector<63x128xf32>
    %add3A_986 = arith.addf %dot_general3A_980, %get3A_985 : vector<63x128xf32>
    %get3A_987 = arith.constant 39 : index
    %get3A_988 = arith.constant 0 : index
    %get3A_989 = arith.constant 0 : index
    %get3A_990 = vector.load %arg3[%get3A_987, %get3A_988, %get3A_989] : memref<128x64x128xf32, #tpu.memory_space<vmem>>, vector<1x63x128xf32>
    %get3A_991 = vector.shape_cast %get3A_990 : vector<1x63x128xf32> to vector<63x128xf32>
    %add3A_992 = arith.addf %add3A_986, %get3A_991 : vector<63x128xf32>
    %swap3A_993 = arith.constant 39 : index
    %swap3A_994 = arith.constant 0 : index
    %swap3A_995 = arith.constant 0 : index
    %swap3A_996 = vector.load %arg5[%swap3A_993, %swap3A_994, %swap3A_995] : memref<128x63x128xf32, #tpu.memory_space<vmem>>, vector<1x63x128xf32>
    %swap3A_997 = vector.shape_cast %swap3A_996 : vector<1x63x128xf32> to vector<63x128xf32>
    %swap3A_998 = vector.shape_cast %add3A_992 : vector<63x128xf32> to vector<1x63x128xf32>
    tpu.vector_store %arg5[%swap3A_993, %swap3A_994, %swap3A_995], %swap3A_998 {strides = array<i32>} : memref<128x63x128xf32, #tpu.memory_space<vmem>>, vector<1x63x128xf32>,
    %get3A_999 = arith.constant 40 : index
    %get3A_1000 = arith.constant 0 : index
    %get3A_1001 = arith.constant 0 : index
    %get3A_1002 = vector.load %arg1[%get3A_999, %get3A_1000, %get3A_1001] : memref<128x63x26xf32, #tpu.memory_space<vmem>>, vector<1x63x26xf32>
    %get3A_1003 = vector.shape_cast %get3A_1002 : vector<1x63x26xf32> to vector<63x26xf32>
    %dot_general3A_1004 = arith.constant dense<0.000000e+00> : vector<63x128xf32>
    %dot_general3A_1005 = tpu.matmul %get3A_1003, %get3A_1, %dot_general3A_1004 {dimension_numbers = #tpu.dot_dimension_numbers<[1], [0], [0], [1], [0, 0, 1, 1], [], []>, transpose_lhs_hint = false} : vector<63x26xf32>, vector<26x128xf32>, vector<63x128xf32> -> vector<63x128xf32>
    %get3A_1006 = arith.constant 40 : index
    %get3A_1007 = arith.constant 0 : index
    %get3A_1008 = arith.constant 0 : index
    %get3A_1009 = vector.load %arg2[%get3A_1006, %get3A_1007, %get3A_1008] : memref<128x63x128xf32, #tpu.memory_space<vmem>>, vector<1x63x128xf32>
    %get3A_1010 = vector.shape_cast %get3A_1009 : vector<1x63x128xf32> to vector<63x128xf32>
    %add3A_1011 = arith.addf %dot_general3A_1005, %get3A_1010 : vector<63x128xf32>
    %get3A_1012 = arith.constant 40 : index
    %get3A_1013 = arith.constant 0 : index
    %get3A_1014 = arith.constant 0 : index
    %get3A_1015 = vector.load %arg3[%get3A_1012, %get3A_1013, %get3A_1014] : memref<128x64x128xf32, #tpu.memory_space<vmem>>, vector<1x63x128xf32>
    %get3A_1016 = vector.shape_cast %get3A_1015 : vector<1x63x128xf32> to vector<63x128xf32>
    %add3A_1017 = arith.addf %add3A_1011, %get3A_1016 : vector<63x128xf32>
    %swap3A_1018 = arith.constant 40 : index
    %swap3A_1019 = arith.constant 0 : index
    %swap3A_1020 = arith.constant 0 : index
    %swap3A_1021 = vector.load %arg5[%swap3A_1018, %swap3A_1019, %swap3A_1020] : memref<128x63x128xf32, #tpu.memory_space<vmem>>, vector<1x63x128xf32>
    %swap3A_1022 = vector.shape_cast %swap3A_1021 : vector<1x63x128xf32> to vector<63x128xf32>
    %swap3A_1023 = vector.shape_cast %add3A_1017 : vector<63x128xf32> to vector<1x63x128xf32>
    tpu.vector_store %arg5[%swap3A_1018, %swap3A_1019, %swap3A_1020], %swap3A_1023 {strides = array<i32>} : memref<128x63x128xf32, #tpu.memory_space<vmem>>, vector<1x63x128xf32>,
    %get3A_1024 = arith.constant 41 : index
    %get3A_1025 = arith.constant 0 : index
    %get3A_1026 = arith.constant 0 : index
    %get3A_1027 = vector.load %arg1[%get3A_1024, %get3A_1025, %get3A_1026] : memref<128x63x26xf32, #tpu.memory_space<vmem>>, vector<1x63x26xf32>
    %get3A_1028 = vector.shape_cast %get3A_1027 : vector<1x63x26xf32> to vector<63x26xf32>
    %dot_general3A_1029 = arith.constant dense<0.000000e+00> : vector<63x128xf32>
    %dot_general3A_1030 = tpu.matmul %get3A_1028, %get3A_1, %dot_general3A_1029 {dimension_numbers = #tpu.dot_dimension_numbers<[1], [0], [0], [1], [0, 0, 1, 1], [], []>, transpose_lhs_hint = false} : vector<63x26xf32>, vector<26x128xf32>, vector<63x128xf32> -> vector<63x128xf32>
    %get3A_1031 = arith.constant 41 : index
    %get3A_1032 = arith.constant 0 : index
    %get3A_1033 = arith.constant 0 : index
    %get3A_1034 = vector.load %arg2[%get3A_1031, %get3A_1032, %get3A_1033] : memref<128x63x128xf32, #tpu.memory_space<vmem>>, vector<1x63x128xf32>
    %get3A_1035 = vector.shape_cast %get3A_1034 : vector<1x63x128xf32> to vector<63x128xf32>
    %add3A_1036 = arith.addf %dot_general3A_1030, %get3A_1035 : vector<63x128xf32>
    %get3A_1037 = arith.constant 41 : index
    %get3A_1038 = arith.constant 0 : index
    %get3A_1039 = arith.constant 0 : index
    %get3A_1040 = vector.load %arg3[%get3A_1037, %get3A_1038, %get3A_1039] : memref<128x64x128xf32, #tpu.memory_space<vmem>>, vector<1x63x128xf32>
    %get3A_1041 = vector.shape_cast %get3A_1040 : vector<1x63x128xf32> to vector<63x128xf32>
    %add3A_1042 = arith.addf %add3A_1036, %get3A_1041 : vector<63x128xf32>
    %swap3A_1043 = arith.constant 41 : index
    %swap3A_1044 = arith.constant 0 : index
    %swap3A_1045 = arith.constant 0 : index
    %swap3A_1046 = vector.load %arg5[%swap3A_1043, %swap3A_1044, %swap3A_1045] : memref<128x63x128xf32, #tpu.memory_space<vmem>>, vector<1x63x128xf32>
    %swap3A_1047 = vector.shape_cast %swap3A_1046 : vector<1x63x128xf32> to vector<63x128xf32>
    %swap3A_1048 = vector.shape_cast %add3A_1042 : vector<63x128xf32> to vector<1x63x128xf32>
    tpu.vector_store %arg5[%swap3A_1043, %swap3A_1044, %swap3A_1045], %swap3A_1048 {strides = array<i32>} : memref<128x63x128xf32, #tpu.memory_space<vmem>>, vector<1x63x128xf32>,
    %get3A_1049 = arith.constant 42 : index
    %get3A_1050 = arith.constant 0 : index
    %get3A_1051 = arith.constant 0 : index
    %get3A_1052 = vector.load %arg1[%get3A_1049, %get3A_1050, %get3A_1051] : memref<128x63x26xf32, #tpu.memory_space<vmem>>, vector<1x63x26xf32>
    %get3A_1053 = vector.shape_cast %get3A_1052 : vector<1x63x26xf32> to vector<63x26xf32>
    %dot_general3A_1054 = arith.constant dense<0.000000e+00> : vector<63x128xf32>
    %dot_general3A_1055 = tpu.matmul %get3A_1053, %get3A_1, %dot_general3A_1054 {dimension_numbers = #tpu.dot_dimension_numbers<[1], [0], [0], [1], [0, 0, 1, 1], [], []>, transpose_lhs_hint = false} : vector<63x26xf32>, vector<26x128xf32>, vector<63x128xf32> -> vector<63x128xf32>
    %get3A_1056 = arith.constant 42 : index
    %get3A_1057 = arith.constant 0 : index
    %get3A_1058 = arith.constant 0 : index
    %get3A_1059 = vector.load %arg2[%get3A_1056, %get3A_1057, %get3A_1058] : memref<128x63x128xf32, #tpu.memory_space<vmem>>, vector<1x63x128xf32>
    %get3A_1060 = vector.shape_cast %get3A_1059 : vector<1x63x128xf32> to vector<63x128xf32>
    %add3A_1061 = arith.addf %dot_general3A_1055, %get3A_1060 : vector<63x128xf32>
    %get3A_1062 = arith.constant 42 : index
    %get3A_1063 = arith.constant 0 : index
    %get3A_1064 = arith.constant 0 : index
    %get3A_1065 = vector.load %arg3[%get3A_1062, %get3A_1063, %get3A_1064] : memref<128x64x128xf32, #tpu.memory_space<vmem>>, vector<1x63x128xf32>
    %get3A_1066 = vector.shape_cast %get3A_1065 : vector<1x63x128xf32> to vector<63x128xf32>
    %add3A_1067 = arith.addf %add3A_1061, %get3A_1066 : vector<63x128xf32>
    %swap3A_1068 = arith.constant 42 : index
    %swap3A_1069 = arith.constant 0 : index
    %swap3A_1070 = arith.constant 0 : index
    %swap3A_1071 = vector.load %arg5[%swap3A_1068, %swap3A_1069, %swap3A_1070] : memref<128x63x128xf32, #tpu.memory_space<vmem>>, vector<1x63x128xf32>
    %swap3A_1072 = vector.shape_cast %swap3A_1071 : vector<1x63x128xf32> to vector<63x128xf32>
    %swap3A_1073 = vector.shape_cast %add3A_1067 : vector<63x128xf32> to vector<1x63x128xf32>
    tpu.vector_store %arg5[%swap3A_1068, %swap3A_1069, %swap3A_1070], %swap3A_1073 {strides = array<i32>} : memref<128x63x128xf32, #tpu.memory_space<vmem>>, vector<1x63x128xf32>,
    %get3A_1074 = arith.constant 43 : index
    %get3A_1075 = arith.constant 0 : index
    %get3A_1076 = arith.constant 0 : index
    %get3A_1077 = vector.load %arg1[%get3A_1074, %get3A_1075, %get3A_1076] : memref<128x63x26xf32, #tpu.memory_space<vmem>>, vector<1x63x26xf32>
    %get3A_1078 = vector.shape_cast %get3A_1077 : vector<1x63x26xf32> to vector<63x26xf32>
    %dot_general3A_1079 = arith.constant dense<0.000000e+00> : vector<63x128xf32>
    %dot_general3A_1080 = tpu.matmul %get3A_1078, %get3A_1, %dot_general3A_1079 {dimension_numbers = #tpu.dot_dimension_numbers<[1], [0], [0], [1], [0, 0, 1, 1], [], []>, transpose_lhs_hint = false} : vector<63x26xf32>, vector<26x128xf32>, vector<63x128xf32> -> vector<63x128xf32>
    %get3A_1081 = arith.constant 43 : index
    %get3A_1082 = arith.constant 0 : index
    %get3A_1083 = arith.constant 0 : index
    %get3A_1084 = vector.load %arg2[%get3A_1081, %get3A_1082, %get3A_1083] : memref<128x63x128xf32, #tpu.memory_space<vmem>>, vector<1x63x128xf32>
    %get3A_1085 = vector.shape_cast %get3A_1084 : vector<1x63x128xf32> to vector<63x128xf32>
    %add3A_1086 = arith.addf %dot_general3A_1080, %get3A_1085 : vector<63x128xf32>
    %get3A_1087 = arith.constant 43 : index
    %get3A_1088 = arith.constant 0 : index
    %get3A_1089 = arith.constant 0 : index
    %get3A_1090 = vector.load %arg3[%get3A_1087, %get3A_1088, %get3A_1089] : memref<128x64x128xf32, #tpu.memory_space<vmem>>, vector<1x63x128xf32>
    %get3A_1091 = vector.shape_cast %get3A_1090 : vector<1x63x128xf32> to vector<63x128xf32>
    %add3A_1092 = arith.addf %add3A_1086, %get3A_1091 : vector<63x128xf32>
    %swap3A_1093 = arith.constant 43 : index
    %swap3A_1094 = arith.constant 0 : index
    %swap3A_1095 = arith.constant 0 : index
    %swap3A_1096 = vector.load %arg5[%swap3A_1093, %swap3A_1094, %swap3A_1095] : memref<128x63x128xf32, #tpu.memory_space<vmem>>, vector<1x63x128xf32>
    %swap3A_1097 = vector.shape_cast %swap3A_1096 : vector<1x63x128xf32> to vector<63x128xf32>
    %swap3A_1098 = vector.shape_cast %add3A_1092 : vector<63x128xf32> to vector<1x63x128xf32>
    tpu.vector_store %arg5[%swap3A_1093, %swap3A_1094, %swap3A_1095], %swap3A_1098 {strides = array<i32>} : memref<128x63x128xf32, #tpu.memory_space<vmem>>, vector<1x63x128xf32>,
    %get3A_1099 = arith.constant 44 : index
    %get3A_1100 = arith.constant 0 : index
    %get3A_1101 = arith.constant 0 : index
    %get3A_1102 = vector.load %arg1[%get3A_1099, %get3A_1100, %get3A_1101] : memref<128x63x26xf32, #tpu.memory_space<vmem>>, vector<1x63x26xf32>
    %get3A_1103 = vector.shape_cast %get3A_1102 : vector<1x63x26xf32> to vector<63x26xf32>
    %dot_general3A_1104 = arith.constant dense<0.000000e+00> : vector<63x128xf32>
    %dot_general3A_1105 = tpu.matmul %get3A_1103, %get3A_1, %dot_general3A_1104 {dimension_numbers = #tpu.dot_dimension_numbers<[1], [0], [0], [1], [0, 0, 1, 1], [], []>, transpose_lhs_hint = false} : vector<63x26xf32>, vector<26x128xf32>, vector<63x128xf32> -> vector<63x128xf32>
    %get3A_1106 = arith.constant 44 : index
    %get3A_1107 = arith.constant 0 : index
    %get3A_1108 = arith.constant 0 : index
    %get3A_1109 = vector.load %arg2[%get3A_1106, %get3A_1107, %get3A_1108] : memref<128x63x128xf32, #tpu.memory_space<vmem>>, vector<1x63x128xf32>
    %get3A_1110 = vector.shape_cast %get3A_1109 : vector<1x63x128xf32> to vector<63x128xf32>
    %add3A_1111 = arith.addf %dot_general3A_1105, %get3A_1110 : vector<63x128xf32>
    %get3A_1112 = arith.constant 44 : index
    %get3A_1113 = arith.constant 0 : index
    %get3A_1114 = arith.constant 0 : index
    %get3A_1115 = vector.load %arg3[%get3A_1112, %get3A_1113, %get3A_1114] : memref<128x64x128xf32, #tpu.memory_space<vmem>>, vector<1x63x128xf32>
    %get3A_1116 = vector.shape_cast %get3A_1115 : vector<1x63x128xf32> to vector<63x128xf32>
    %add3A_1117 = arith.addf %add3A_1111, %get3A_1116 : vector<63x128xf32>
    %swap3A_1118 = arith.constant 44 : index
    %swap3A_1119 = arith.constant 0 : index
    %swap3A_1120 = arith.constant 0 : index
    %swap3A_1121 = vector.load %arg5[%swap3A_1118, %swap3A_1119, %swap3A_1120] : memref<128x63x128xf32, #tpu.memory_space<vmem>>, vector<1x63x128xf32>
    %swap3A_1122 = vector.shape_cast %swap3A_1121 : vector<1x63x128xf32> to vector<63x128xf32>
    %swap3A_1123 = vector.shape_cast %add3A_1117 : vector<63x128xf32> to vector<1x63x128xf32>
    tpu.vector_store %arg5[%swap3A_1118, %swap3A_1119, %swap3A_1120], %swap3A_1123 {strides = array<i32>} : memref<128x63x128xf32, #tpu.memory_space<vmem>>, vector<1x63x128xf32>,
    %get3A_1124 = arith.constant 45 : index
    %get3A_1125 = arith.constant 0 : index
    %get3A_1126 = arith.constant 0 : index
    %get3A_1127 = vector.load %arg1[%get3A_1124, %get3A_1125, %get3A_1126] : memref<128x63x26xf32, #tpu.memory_space<vmem>>, vector<1x63x26xf32>
    %get3A_1128 = vector.shape_cast %get3A_1127 : vector<1x63x26xf32> to vector<63x26xf32>
    %dot_general3A_1129 = arith.constant dense<0.000000e+00> : vector<63x128xf32>
    %dot_general3A_1130 = tpu.matmul %get3A_1128, %get3A_1, %dot_general3A_1129 {dimension_numbers = #tpu.dot_dimension_numbers<[1], [0], [0], [1], [0, 0, 1, 1], [], []>, transpose_lhs_hint = false} : vector<63x26xf32>, vector<26x128xf32>, vector<63x128xf32> -> vector<63x128xf32>
    %get3A_1131 = arith.constant 45 : index
    %get3A_1132 = arith.constant 0 : index
    %get3A_1133 = arith.constant 0 : index
    %get3A_1134 = vector.load %arg2[%get3A_1131, %get3A_1132, %get3A_1133] : memref<128x63x128xf32, #tpu.memory_space<vmem>>, vector<1x63x128xf32>
    %get3A_1135 = vector.shape_cast %get3A_1134 : vector<1x63x128xf32> to vector<63x128xf32>
    %add3A_1136 = arith.addf %dot_general3A_1130, %get3A_1135 : vector<63x128xf32>
    %get3A_1137 = arith.constant 45 : index
    %get3A_1138 = arith.constant 0 : index
    %get3A_1139 = arith.constant 0 : index
    %get3A_1140 = vector.load %arg3[%get3A_1137, %get3A_1138, %get3A_1139] : memref<128x64x128xf32, #tpu.memory_space<vmem>>, vector<1x63x128xf32>
    %get3A_1141 = vector.shape_cast %get3A_1140 : vector<1x63x128xf32> to vector<63x128xf32>
    %add3A_1142 = arith.addf %add3A_1136, %get3A_1141 : vector<63x128xf32>
    %swap3A_1143 = arith.constant 45 : index
    %swap3A_1144 = arith.constant 0 : index
    %swap3A_1145 = arith.constant 0 : index
    %swap3A_1146 = vector.load %arg5[%swap3A_1143, %swap3A_1144, %swap3A_1145] : memref<128x63x128xf32, #tpu.memory_space<vmem>>, vector<1x63x128xf32>
    %swap3A_1147 = vector.shape_cast %swap3A_1146 : vector<1x63x128xf32> to vector<63x128xf32>
    %swap3A_1148 = vector.shape_cast %add3A_1142 : vector<63x128xf32> to vector<1x63x128xf32>
    tpu.vector_store %arg5[%swap3A_1143, %swap3A_1144, %swap3A_1145], %swap3A_1148 {strides = array<i32>} : memref<128x63x128xf32, #tpu.memory_space<vmem>>, vector<1x63x128xf32>,
    %get3A_1149 = arith.constant 46 : index
    %get3A_1150 = arith.constant 0 : index
    %get3A_1151 = arith.constant 0 : index
    %get3A_1152 = vector.load %arg1[%get3A_1149, %get3A_1150, %get3A_1151] : memref<128x63x26xf32, #tpu.memory_space<vmem>>, vector<1x63x26xf32>
    %get3A_1153 = vector.shape_cast %get3A_1152 : vector<1x63x26xf32> to vector<63x26xf32>
    %dot_general3A_1154 = arith.constant dense<0.000000e+00> : vector<63x128xf32>
    %dot_general3A_1155 = tpu.matmul %get3A_1153, %get3A_1, %dot_general3A_1154 {dimension_numbers = #tpu.dot_dimension_numbers<[1], [0], [0], [1], [0, 0, 1, 1], [], []>, transpose_lhs_hint = false} : vector<63x26xf32>, vector<26x128xf32>, vector<63x128xf32> -> vector<63x128xf32>
    %get3A_1156 = arith.constant 46 : index
    %get3A_1157 = arith.constant 0 : index
    %get3A_1158 = arith.constant 0 : index
    %get3A_1159 = vector.load %arg2[%get3A_1156, %get3A_1157, %get3A_1158] : memref<128x63x128xf32, #tpu.memory_space<vmem>>, vector<1x63x128xf32>
    %get3A_1160 = vector.shape_cast %get3A_1159 : vector<1x63x128xf32> to vector<63x128xf32>
    %add3A_1161 = arith.addf %dot_general3A_1155, %get3A_1160 : vector<63x128xf32>
    %get3A_1162 = arith.constant 46 : index
    %get3A_1163 = arith.constant 0 : index
    %get3A_1164 = arith.constant 0 : index
    %get3A_1165 = vector.load %arg3[%get3A_1162, %get3A_1163, %get3A_1164] : memref<128x64x128xf32, #tpu.memory_space<vmem>>, vector<1x63x128xf32>
    %get3A_1166 = vector.shape_cast %get3A_1165 : vector<1x63x128xf32> to vector<63x128xf32>
    %add3A_1167 = arith.addf %add3A_1161, %get3A_1166 : vector<63x128xf32>
    %swap3A_1168 = arith.constant 46 : index
    %swap3A_1169 = arith.constant 0 : index
    %swap3A_1170 = arith.constant 0 : index
    %swap3A_1171 = vector.load %arg5[%swap3A_1168, %swap3A_1169, %swap3A_1170] : memref<128x63x128xf32, #tpu.memory_space<vmem>>, vector<1x63x128xf32>
    %swap3A_1172 = vector.shape_cast %swap3A_1171 : vector<1x63x128xf32> to vector<63x128xf32>
    %swap3A_1173 = vector.shape_cast %add3A_1167 : vector<63x128xf32> to vector<1x63x128xf32>
    tpu.vector_store %arg5[%swap3A_1168, %swap3A_1169, %swap3A_1170], %swap3A_1173 {strides = array<i32>} : memref<128x63x128xf32, #tpu.memory_space<vmem>>, vector<1x63x128xf32>,
    %get3A_1174 = arith.constant 47 : index
    %get3A_1175 = arith.constant 0 : index
    %get3A_1176 = arith.constant 0 : index
    %get3A_1177 = vector.load %arg1[%get3A_1174, %get3A_1175, %get3A_1176] : memref<128x63x26xf32, #tpu.memory_space<vmem>>, vector<1x63x26xf32>
    %get3A_1178 = vector.shape_cast %get3A_1177 : vector<1x63x26xf32> to vector<63x26xf32>
    %dot_general3A_1179 = arith.constant dense<0.000000e+00> : vector<63x128xf32>
    %dot_general3A_1180 = tpu.matmul %get3A_1178, %get3A_1, %dot_general3A_1179 {dimension_numbers = #tpu.dot_dimension_numbers<[1], [0], [0], [1], [0, 0, 1, 1], [], []>, transpose_lhs_hint = false} : vector<63x26xf32>, vector<26x128xf32>, vector<63x128xf32> -> vector<63x128xf32>
    %get3A_1181 = arith.constant 47 : index
    %get3A_1182 = arith.constant 0 : index
    %get3A_1183 = arith.constant 0 : index
    %get3A_1184 = vector.load %arg2[%get3A_1181, %get3A_1182, %get3A_1183] : memref<128x63x128xf32, #tpu.memory_space<vmem>>, vector<1x63x128xf32>
    %get3A_1185 = vector.shape_cast %get3A_1184 : vector<1x63x128xf32> to vector<63x128xf32>
    %add3A_1186 = arith.addf %dot_general3A_1180, %get3A_1185 : vector<63x128xf32>
    %get3A_1187 = arith.constant 47 : index
    %get3A_1188 = arith.constant 0 : index
    %get3A_1189 = arith.constant 0 : index
    %get3A_1190 = vector.load %arg3[%get3A_1187, %get3A_1188, %get3A_1189] : memref<128x64x128xf32, #tpu.memory_space<vmem>>, vector<1x63x128xf32>
    %get3A_1191 = vector.shape_cast %get3A_1190 : vector<1x63x128xf32> to vector<63x128xf32>
    %add3A_1192 = arith.addf %add3A_1186, %get3A_1191 : vector<63x128xf32>
    %swap3A_1193 = arith.constant 47 : index
    %swap3A_1194 = arith.constant 0 : index
    %swap3A_1195 = arith.constant 0 : index
    %swap3A_1196 = vector.load %arg5[%swap3A_1193, %swap3A_1194, %swap3A_1195] : memref<128x63x128xf32, #tpu.memory_space<vmem>>, vector<1x63x128xf32>
    %swap3A_1197 = vector.shape_cast %swap3A_1196 : vector<1x63x128xf32> to vector<63x128xf32>
    %swap3A_1198 = vector.shape_cast %add3A_1192 : vector<63x128xf32> to vector<1x63x128xf32>
    tpu.vector_store %arg5[%swap3A_1193, %swap3A_1194, %swap3A_1195], %swap3A_1198 {strides = array<i32>} : memref<128x63x128xf32, #tpu.memory_space<vmem>>, vector<1x63x128xf32>,
    %get3A_1199 = arith.constant 48 : index
    %get3A_1200 = arith.constant 0 : index
    %get3A_1201 = arith.constant 0 : index
    %get3A_1202 = vector.load %arg1[%get3A_1199, %get3A_1200, %get3A_1201] : memref<128x63x26xf32, #tpu.memory_space<vmem>>, vector<1x63x26xf32>
    %get3A_1203 = vector.shape_cast %get3A_1202 : vector<1x63x26xf32> to vector<63x26xf32>
    %dot_general3A_1204 = arith.constant dense<0.000000e+00> : vector<63x128xf32>
    %dot_general3A_1205 = tpu.matmul %get3A_1203, %get3A_1, %dot_general3A_1204 {dimension_numbers = #tpu.dot_dimension_numbers<[1], [0], [0], [1], [0, 0, 1, 1], [], []>, transpose_lhs_hint = false} : vector<63x26xf32>, vector<26x128xf32>, vector<63x128xf32> -> vector<63x128xf32>
    %get3A_1206 = arith.constant 48 : index
    %get3A_1207 = arith.constant 0 : index
    %get3A_1208 = arith.constant 0 : index
    %get3A_1209 = vector.load %arg2[%get3A_1206, %get3A_1207, %get3A_1208] : memref<128x63x128xf32, #tpu.memory_space<vmem>>, vector<1x63x128xf32>
    %get3A_1210 = vector.shape_cast %get3A_1209 : vector<1x63x128xf32> to vector<63x128xf32>
    %add3A_1211 = arith.addf %dot_general3A_1205, %get3A_1210 : vector<63x128xf32>
    %get3A_1212 = arith.constant 48 : index
    %get3A_1213 = arith.constant 0 : index
    %get3A_1214 = arith.constant 0 : index
    %get3A_1215 = vector.load %arg3[%get3A_1212, %get3A_1213, %get3A_1214] : memref<128x64x128xf32, #tpu.memory_space<vmem>>, vector<1x63x128xf32>
    %get3A_1216 = vector.shape_cast %get3A_1215 : vector<1x63x128xf32> to vector<63x128xf32>
    %add3A_1217 = arith.addf %add3A_1211, %get3A_1216 : vector<63x128xf32>
    %swap3A_1218 = arith.constant 48 : index
    %swap3A_1219 = arith.constant 0 : index
    %swap3A_1220 = arith.constant 0 : index
    %swap3A_1221 = vector.load %arg5[%swap3A_1218, %swap3A_1219, %swap3A_1220] : memref<128x63x128xf32, #tpu.memory_space<vmem>>, vector<1x63x128xf32>
    %swap3A_1222 = vector.shape_cast %swap3A_1221 : vector<1x63x128xf32> to vector<63x128xf32>
    %swap3A_1223 = vector.shape_cast %add3A_1217 : vector<63x128xf32> to vector<1x63x128xf32>
    tpu.vector_store %arg5[%swap3A_1218, %swap3A_1219, %swap3A_1220], %swap3A_1223 {strides = array<i32>} : memref<128x63x128xf32, #tpu.memory_space<vmem>>, vector<1x63x128xf32>,
    %get3A_1224 = arith.constant 49 : index
    %get3A_1225 = arith.constant 0 : index
    %get3A_1226 = arith.constant 0 : index
    %get3A_1227 = vector.load %arg1[%get3A_1224, %get3A_1225, %get3A_1226] : memref<128x63x26xf32, #tpu.memory_space<vmem>>, vector<1x63x26xf32>
    %get3A_1228 = vector.shape_cast %get3A_1227 : vector<1x63x26xf32> to vector<63x26xf32>
    %dot_general3A_1229 = arith.constant dense<0.000000e+00> : vector<63x128xf32>
    %dot_general3A_1230 = tpu.matmul %get3A_1228, %get3A_1, %dot_general3A_1229 {dimension_numbers = #tpu.dot_dimension_numbers<[1], [0], [0], [1], [0, 0, 1, 1], [], []>, transpose_lhs_hint = false} : vector<63x26xf32>, vector<26x128xf32>, vector<63x128xf32> -> vector<63x128xf32>
    %get3A_1231 = arith.constant 49 : index
    %get3A_1232 = arith.constant 0 : index
    %get3A_1233 = arith.constant 0 : index
    %get3A_1234 = vector.load %arg2[%get3A_1231, %get3A_1232, %get3A_1233] : memref<128x63x128xf32, #tpu.memory_space<vmem>>, vector<1x63x128xf32>
    %get3A_1235 = vector.shape_cast %get3A_1234 : vector<1x63x128xf32> to vector<63x128xf32>
    %add3A_1236 = arith.addf %dot_general3A_1230, %get3A_1235 : vector<63x128xf32>
    %get3A_1237 = arith.constant 49 : index
    %get3A_1238 = arith.constant 0 : index
    %get3A_1239 = arith.constant 0 : index
    %get3A_1240 = vector.load %arg3[%get3A_1237, %get3A_1238, %get3A_1239] : memref<128x64x128xf32, #tpu.memory_space<vmem>>, vector<1x63x128xf32>
    %get3A_1241 = vector.shape_cast %get3A_1240 : vector<1x63x128xf32> to vector<63x128xf32>
    %add3A_1242 = arith.addf %add3A_1236, %get3A_1241 : vector<63x128xf32>
    %swap3A_1243 = arith.constant 49 : index
    %swap3A_1244 = arith.constant 0 : index
    %swap3A_1245 = arith.constant 0 : index
    %swap3A_1246 = vector.load %arg5[%swap3A_1243, %swap3A_1244, %swap3A_1245] : memref<128x63x128xf32, #tpu.memory_space<vmem>>, vector<1x63x128xf32>
    %swap3A_1247 = vector.shape_cast %swap3A_1246 : vector<1x63x128xf32> to vector<63x128xf32>
    %swap3A_1248 = vector.shape_cast %add3A_1242 : vector<63x128xf32> to vector<1x63x128xf32>
    tpu.vector_store %arg5[%swap3A_1243, %swap3A_1244, %swap3A_1245], %swap3A_1248 {strides = array<i32>} : memref<128x63x128xf32, #tpu.memory_space<vmem>>, vector<1x63x128xf32>,
    %get3A_1249 = arith.constant 50 : index
    %get3A_1250 = arith.constant 0 : index
    %get3A_1251 = arith.constant 0 : index
    %get3A_1252 = vector.load %arg1[%get3A_1249, %get3A_1250, %get3A_1251] : memref<128x63x26xf32, #tpu.memory_space<vmem>>, vector<1x63x26xf32>
    %get3A_1253 = vector.shape_cast %get3A_1252 : vector<1x63x26xf32> to vector<63x26xf32>
    %dot_general3A_1254 = arith.constant dense<0.000000e+00> : vector<63x128xf32>
    %dot_general3A_1255 = tpu.matmul %get3A_1253, %get3A_1, %dot_general3A_1254 {dimension_numbers = #tpu.dot_dimension_numbers<[1], [0], [0], [1], [0, 0, 1, 1], [], []>, transpose_lhs_hint = false} : vector<63x26xf32>, vector<26x128xf32>, vector<63x128xf32> -> vector<63x128xf32>
    %get3A_1256 = arith.constant 50 : index
    %get3A_1257 = arith.constant 0 : index
    %get3A_1258 = arith.constant 0 : index
    %get3A_1259 = vector.load %arg2[%get3A_1256, %get3A_1257, %get3A_1258] : memref<128x63x128xf32, #tpu.memory_space<vmem>>, vector<1x63x128xf32>
    %get3A_1260 = vector.shape_cast %get3A_1259 : vector<1x63x128xf32> to vector<63x128xf32>
    %add3A_1261 = arith.addf %dot_general3A_1255, %get3A_1260 : vector<63x128xf32>
    %get3A_1262 = arith.constant 50 : index
    %get3A_1263 = arith.constant 0 : index
    %get3A_1264 = arith.constant 0 : index
    %get3A_1265 = vector.load %arg3[%get3A_1262, %get3A_1263, %get3A_1264] : memref<128x64x128xf32, #tpu.memory_space<vmem>>, vector<1x63x128xf32>
    %get3A_1266 = vector.shape_cast %get3A_1265 : vector<1x63x128xf32> to vector<63x128xf32>
    %add3A_1267 = arith.addf %add3A_1261, %get3A_1266 : vector<63x128xf32>
    %swap3A_1268 = arith.constant 50 : index
    %swap3A_1269 = arith.constant 0 : index
    %swap3A_1270 = arith.constant 0 : index
    %swap3A_1271 = vector.load %arg5[%swap3A_1268, %swap3A_1269, %swap3A_1270] : memref<128x63x128xf32, #tpu.memory_space<vmem>>, vector<1x63x128xf32>
    %swap3A_1272 = vector.shape_cast %swap3A_1271 : vector<1x63x128xf32> to vector<63x128xf32>
    %swap3A_1273 = vector.shape_cast %add3A_1267 : vector<63x128xf32> to vector<1x63x128xf32>
    tpu.vector_store %arg5[%swap3A_1268, %swap3A_1269, %swap3A_1270], %swap3A_1273 {strides = array<i32>} : memref<128x63x128xf32, #tpu.memory_space<vmem>>, vector<1x63x128xf32>,
    %get3A_1274 = arith.constant 51 : index
    %get3A_1275 = arith.constant 0 : index
    %get3A_1276 = arith.constant 0 : index
    %get3A_1277 = vector.load %arg1[%get3A_1274, %get3A_1275, %get3A_1276] : memref<128x63x26xf32, #tpu.memory_space<vmem>>, vector<1x63x26xf32>
    %get3A_1278 = vector.shape_cast %get3A_1277 : vector<1x63x26xf32> to vector<63x26xf32>
    %dot_general3A_1279 = arith.constant dense<0.000000e+00> : vector<63x128xf32>
    %dot_general3A_1280 = tpu.matmul %get3A_1278, %get3A_1, %dot_general3A_1279 {dimension_numbers = #tpu.dot_dimension_numbers<[1], [0], [0], [1], [0, 0, 1, 1], [], []>, transpose_lhs_hint = false} : vector<63x26xf32>, vector<26x128xf32>, vector<63x128xf32> -> vector<63x128xf32>
    %get3A_1281 = arith.constant 51 : index
    %get3A_1282 = arith.constant 0 : index
    %get3A_1283 = arith.constant 0 : index
    %get3A_1284 = vector.load %arg2[%get3A_1281, %get3A_1282, %get3A_1283] : memref<128x63x128xf32, #tpu.memory_space<vmem>>, vector<1x63x128xf32>
    %get3A_1285 = vector.shape_cast %get3A_1284 : vector<1x63x128xf32> to vector<63x128xf32>
    %add3A_1286 = arith.addf %dot_general3A_1280, %get3A_1285 : vector<63x128xf32>
    %get3A_1287 = arith.constant 51 : index
    %get3A_1288 = arith.constant 0 : index
    %get3A_1289 = arith.constant 0 : index
    %get3A_1290 = vector.load %arg3[%get3A_1287, %get3A_1288, %get3A_1289] : memref<128x64x128xf32, #tpu.memory_space<vmem>>, vector<1x63x128xf32>
    %get3A_1291 = vector.shape_cast %get3A_1290 : vector<1x63x128xf32> to vector<63x128xf32>
    %add3A_1292 = arith.addf %add3A_1286, %get3A_1291 : vector<63x128xf32>
    %swap3A_1293 = arith.constant 51 : index
    %swap3A_1294 = arith.constant 0 : index
    %swap3A_1295 = arith.constant 0 : index
    %swap3A_1296 = vector.load %arg5[%swap3A_1293, %swap3A_1294, %swap3A_1295] : memref<128x63x128xf32, #tpu.memory_space<vmem>>, vector<1x63x128xf32>
    %swap3A_1297 = vector.shape_cast %swap3A_1296 : vector<1x63x128xf32> to vector<63x128xf32>
    %swap3A_1298 = vector.shape_cast %add3A_1292 : vector<63x128xf32> to vector<1x63x128xf32>
    tpu.vector_store %arg5[%swap3A_1293, %swap3A_1294, %swap3A_1295], %swap3A_1298 {strides = array<i32>} : memref<128x63x128xf32, #tpu.memory_space<vmem>>, vector<1x63x128xf32>,
    %get3A_1299 = arith.constant 52 : index
    %get3A_1300 = arith.constant 0 : index
    %get3A_1301 = arith.constant 0 : index
    %get3A_1302 = vector.load %arg1[%get3A_1299, %get3A_1300, %get3A_1301] : memref<128x63x26xf32, #tpu.memory_space<vmem>>, vector<1x63x26xf32>
    %get3A_1303 = vector.shape_cast %get3A_1302 : vector<1x63x26xf32> to vector<63x26xf32>
    %dot_general3A_1304 = arith.constant dense<0.000000e+00> : vector<63x128xf32>
    %dot_general3A_1305 = tpu.matmul %get3A_1303, %get3A_1, %dot_general3A_1304 {dimension_numbers = #tpu.dot_dimension_numbers<[1], [0], [0], [1], [0, 0, 1, 1], [], []>, transpose_lhs_hint = false} : vector<63x26xf32>, vector<26x128xf32>, vector<63x128xf32> -> vector<63x128xf32>
    %get3A_1306 = arith.constant 52 : index
    %get3A_1307 = arith.constant 0 : index
    %get3A_1308 = arith.constant 0 : index
    %get3A_1309 = vector.load %arg2[%get3A_1306, %get3A_1307, %get3A_1308] : memref<128x63x128xf32, #tpu.memory_space<vmem>>, vector<1x63x128xf32>
    %get3A_1310 = vector.shape_cast %get3A_1309 : vector<1x63x128xf32> to vector<63x128xf32>
    %add3A_1311 = arith.addf %dot_general3A_1305, %get3A_1310 : vector<63x128xf32>
    %get3A_1312 = arith.constant 52 : index
    %get3A_1313 = arith.constant 0 : index
    %get3A_1314 = arith.constant 0 : index
    %get3A_1315 = vector.load %arg3[%get3A_1312, %get3A_1313, %get3A_1314] : memref<128x64x128xf32, #tpu.memory_space<vmem>>, vector<1x63x128xf32>
    %get3A_1316 = vector.shape_cast %get3A_1315 : vector<1x63x128xf32> to vector<63x128xf32>
    %add3A_1317 = arith.addf %add3A_1311, %get3A_1316 : vector<63x128xf32>
    %swap3A_1318 = arith.constant 52 : index
    %swap3A_1319 = arith.constant 0 : index
    %swap3A_1320 = arith.constant 0 : index
    %swap3A_1321 = vector.load %arg5[%swap3A_1318, %swap3A_1319, %swap3A_1320] : memref<128x63x128xf32, #tpu.memory_space<vmem>>, vector<1x63x128xf32>
    %swap3A_1322 = vector.shape_cast %swap3A_1321 : vector<1x63x128xf32> to vector<63x128xf32>
    %swap3A_1323 = vector.shape_cast %add3A_1317 : vector<63x128xf32> to vector<1x63x128xf32>
    tpu.vector_store %arg5[%swap3A_1318, %swap3A_1319, %swap3A_1320], %swap3A_1323 {strides = array<i32>} : memref<128x63x128xf32, #tpu.memory_space<vmem>>, vector<1x63x128xf32>,
    %get3A_1324 = arith.constant 53 : index
    %get3A_1325 = arith.constant 0 : index
    %get3A_1326 = arith.constant 0 : index
    %get3A_1327 = vector.load %arg1[%get3A_1324, %get3A_1325, %get3A_1326] : memref<128x63x26xf32, #tpu.memory_space<vmem>>, vector<1x63x26xf32>
    %get3A_1328 = vector.shape_cast %get3A_1327 : vector<1x63x26xf32> to vector<63x26xf32>
    %dot_general3A_1329 = arith.constant dense<0.000000e+00> : vector<63x128xf32>
    %dot_general3A_1330 = tpu.matmul %get3A_1328, %get3A_1, %dot_general3A_1329 {dimension_numbers = #tpu.dot_dimension_numbers<[1], [0], [0], [1], [0, 0, 1, 1], [], []>, transpose_lhs_hint = false} : vector<63x26xf32>, vector<26x128xf32>, vector<63x128xf32> -> vector<63x128xf32>
    %get3A_1331 = arith.constant 53 : index
    %get3A_1332 = arith.constant 0 : index
    %get3A_1333 = arith.constant 0 : index
    %get3A_1334 = vector.load %arg2[%get3A_1331, %get3A_1332, %get3A_1333] : memref<128x63x128xf32, #tpu.memory_space<vmem>>, vector<1x63x128xf32>
    %get3A_1335 = vector.shape_cast %get3A_1334 : vector<1x63x128xf32> to vector<63x128xf32>
    %add3A_1336 = arith.addf %dot_general3A_1330, %get3A_1335 : vector<63x128xf32>
    %get3A_1337 = arith.constant 53 : index
    %get3A_1338 = arith.constant 0 : index
    %get3A_1339 = arith.constant 0 : index
    %get3A_1340 = vector.load %arg3[%get3A_1337, %get3A_1338, %get3A_1339] : memref<128x64x128xf32, #tpu.memory_space<vmem>>, vector<1x63x128xf32>
    %get3A_1341 = vector.shape_cast %get3A_1340 : vector<1x63x128xf32> to vector<63x128xf32>
    %add3A_1342 = arith.addf %add3A_1336, %get3A_1341 : vector<63x128xf32>
    %swap3A_1343 = arith.constant 53 : index
    %swap3A_1344 = arith.constant 0 : index
    %swap3A_1345 = arith.constant 0 : index
    %swap3A_1346 = vector.load %arg5[%swap3A_1343, %swap3A_1344, %swap3A_1345] : memref<128x63x128xf32, #tpu.memory_space<vmem>>, vector<1x63x128xf32>
    %swap3A_1347 = vector.shape_cast %swap3A_1346 : vector<1x63x128xf32> to vector<63x128xf32>
    %swap3A_1348 = vector.shape_cast %add3A_1342 : vector<63x128xf32> to vector<1x63x128xf32>
    tpu.vector_store %arg5[%swap3A_1343, %swap3A_1344, %swap3A_1345], %swap3A_1348 {strides = array<i32>} : memref<128x63x128xf32, #tpu.memory_space<vmem>>, vector<1x63x128xf32>,
    %get3A_1349 = arith.constant 54 : index
    %get3A_1350 = arith.constant 0 : index
    %get3A_1351 = arith.constant 0 : index
    %get3A_1352 = vector.load %arg1[%get3A_1349, %get3A_1350, %get3A_1351] : memref<128x63x26xf32, #tpu.memory_space<vmem>>, vector<1x63x26xf32>
    %get3A_1353 = vector.shape_cast %get3A_1352 : vector<1x63x26xf32> to vector<63x26xf32>
    %dot_general3A_1354 = arith.constant dense<0.000000e+00> : vector<63x128xf32>
    %dot_general3A_1355 = tpu.matmul %get3A_1353, %get3A_1, %dot_general3A_1354 {dimension_numbers = #tpu.dot_dimension_numbers<[1], [0], [0], [1], [0, 0, 1, 1], [], []>, transpose_lhs_hint = false} : vector<63x26xf32>, vector<26x128xf32>, vector<63x128xf32> -> vector<63x128xf32>
    %get3A_1356 = arith.constant 54 : index
    %get3A_1357 = arith.constant 0 : index
    %get3A_1358 = arith.constant 0 : index
    %get3A_1359 = vector.load %arg2[%get3A_1356, %get3A_1357, %get3A_1358] : memref<128x63x128xf32, #tpu.memory_space<vmem>>, vector<1x63x128xf32>
    %get3A_1360 = vector.shape_cast %get3A_1359 : vector<1x63x128xf32> to vector<63x128xf32>
    %add3A_1361 = arith.addf %dot_general3A_1355, %get3A_1360 : vector<63x128xf32>
    %get3A_1362 = arith.constant 54 : index
    %get3A_1363 = arith.constant 0 : index
    %get3A_1364 = arith.constant 0 : index
    %get3A_1365 = vector.load %arg3[%get3A_1362, %get3A_1363, %get3A_1364] : memref<128x64x128xf32, #tpu.memory_space<vmem>>, vector<1x63x128xf32>
    %get3A_1366 = vector.shape_cast %get3A_1365 : vector<1x63x128xf32> to vector<63x128xf32>
    %add3A_1367 = arith.addf %add3A_1361, %get3A_1366 : vector<63x128xf32>
    %swap3A_1368 = arith.constant 54 : index
    %swap3A_1369 = arith.constant 0 : index
    %swap3A_1370 = arith.constant 0 : index
    %swap3A_1371 = vector.load %arg5[%swap3A_1368, %swap3A_1369, %swap3A_1370] : memref<128x63x128xf32, #tpu.memory_space<vmem>>, vector<1x63x128xf32>
    %swap3A_1372 = vector.shape_cast %swap3A_1371 : vector<1x63x128xf32> to vector<63x128xf32>
    %swap3A_1373 = vector.shape_cast %add3A_1367 : vector<63x128xf32> to vector<1x63x128xf32>
    tpu.vector_store %arg5[%swap3A_1368, %swap3A_1369, %swap3A_1370], %swap3A_1373 {strides = array<i32>} : memref<128x63x128xf32, #tpu.memory_space<vmem>>, vector<1x63x128xf32>,
    %get3A_1374 = arith.constant 55 : index
    %get3A_1375 = arith.constant 0 : index
    %get3A_1376 = arith.constant 0 : index
    %get3A_1377 = vector.load %arg1[%get3A_1374, %get3A_1375, %get3A_1376] : memref<128x63x26xf32, #tpu.memory_space<vmem>>, vector<1x63x26xf32>
    %get3A_1378 = vector.shape_cast %get3A_1377 : vector<1x63x26xf32> to vector<63x26xf32>
    %dot_general3A_1379 = arith.constant dense<0.000000e+00> : vector<63x128xf32>
    %dot_general3A_1380 = tpu.matmul %get3A_1378, %get3A_1, %dot_general3A_1379 {dimension_numbers = #tpu.dot_dimension_numbers<[1], [0], [0], [1], [0, 0, 1, 1], [], []>, transpose_lhs_hint = false} : vector<63x26xf32>, vector<26x128xf32>, vector<63x128xf32> -> vector<63x128xf32>
    %get3A_1381 = arith.constant 55 : index
    %get3A_1382 = arith.constant 0 : index
    %get3A_1383 = arith.constant 0 : index
    %get3A_1384 = vector.load %arg2[%get3A_1381, %get3A_1382, %get3A_1383] : memref<128x63x128xf32, #tpu.memory_space<vmem>>, vector<1x63x128xf32>
    %get3A_1385 = vector.shape_cast %get3A_1384 : vector<1x63x128xf32> to vector<63x128xf32>
    %add3A_1386 = arith.addf %dot_general3A_1380, %get3A_1385 : vector<63x128xf32>
    %get3A_1387 = arith.constant 55 : index
    %get3A_1388 = arith.constant 0 : index
    %get3A_1389 = arith.constant 0 : index
    %get3A_1390 = vector.load %arg3[%get3A_1387, %get3A_1388, %get3A_1389] : memref<128x64x128xf32, #tpu.memory_space<vmem>>, vector<1x63x128xf32>
    %get3A_1391 = vector.shape_cast %get3A_1390 : vector<1x63x128xf32> to vector<63x128xf32>
    %add3A_1392 = arith.addf %add3A_1386, %get3A_1391 : vector<63x128xf32>
    %swap3A_1393 = arith.constant 55 : index
    %swap3A_1394 = arith.constant 0 : index
    %swap3A_1395 = arith.constant 0 : index
    %swap3A_1396 = vector.load %arg5[%swap3A_1393, %swap3A_1394, %swap3A_1395] : memref<128x63x128xf32, #tpu.memory_space<vmem>>, vector<1x63x128xf32>
    %swap3A_1397 = vector.shape_cast %swap3A_1396 : vector<1x63x128xf32> to vector<63x128xf32>
    %swap3A_1398 = vector.shape_cast %add3A_1392 : vector<63x128xf32> to vector<1x63x128xf32>
    tpu.vector_store %arg5[%swap3A_1393, %swap3A_1394, %swap3A_1395], %swap3A_1398 {strides = array<i32>} : memref<128x63x128xf32, #tpu.memory_space<vmem>>, vector<1x63x128xf32>,
    %get3A_1399 = arith.constant 56 : index
    %get3A_1400 = arith.constant 0 : index
    %get3A_1401 = arith.constant 0 : index
    %get3A_1402 = vector.load %arg1[%get3A_1399, %get3A_1400, %get3A_1401] : memref<128x63x26xf32, #tpu.memory_space<vmem>>, vector<1x63x26xf32>
    %get3A_1403 = vector.shape_cast %get3A_1402 : vector<1x63x26xf32> to vector<63x26xf32>
    %dot_general3A_1404 = arith.constant dense<0.000000e+00> : vector<63x128xf32>
    %dot_general3A_1405 = tpu.matmul %get3A_1403, %get3A_1, %dot_general3A_1404 {dimension_numbers = #tpu.dot_dimension_numbers<[1], [0], [0], [1], [0, 0, 1, 1], [], []>, transpose_lhs_hint = false} : vector<63x26xf32>, vector<26x128xf32>, vector<63x128xf32> -> vector<63x128xf32>
    %get3A_1406 = arith.constant 56 : index
    %get3A_1407 = arith.constant 0 : index
    %get3A_1408 = arith.constant 0 : index
    %get3A_1409 = vector.load %arg2[%get3A_1406, %get3A_1407, %get3A_1408] : memref<128x63x128xf32, #tpu.memory_space<vmem>>, vector<1x63x128xf32>
    %get3A_1410 = vector.shape_cast %get3A_1409 : vector<1x63x128xf32> to vector<63x128xf32>
    %add3A_1411 = arith.addf %dot_general3A_1405, %get3A_1410 : vector<63x128xf32>
    %get3A_1412 = arith.constant 56 : index
    %get3A_1413 = arith.constant 0 : index
    %get3A_1414 = arith.constant 0 : index
    %get3A_1415 = vector.load %arg3[%get3A_1412, %get3A_1413, %get3A_1414] : memref<128x64x128xf32, #tpu.memory_space<vmem>>, vector<1x63x128xf32>
    %get3A_1416 = vector.shape_cast %get3A_1415 : vector<1x63x128xf32> to vector<63x128xf32>
    %add3A_1417 = arith.addf %add3A_1411, %get3A_1416 : vector<63x128xf32>
    %swap3A_1418 = arith.constant 56 : index
    %swap3A_1419 = arith.constant 0 : index
    %swap3A_1420 = arith.constant 0 : index
    %swap3A_1421 = vector.load %arg5[%swap3A_1418, %swap3A_1419, %swap3A_1420] : memref<128x63x128xf32, #tpu.memory_space<vmem>>, vector<1x63x128xf32>
    %swap3A_1422 = vector.shape_cast %swap3A_1421 : vector<1x63x128xf32> to vector<63x128xf32>
    %swap3A_1423 = vector.shape_cast %add3A_1417 : vector<63x128xf32> to vector<1x63x128xf32>
    tpu.vector_store %arg5[%swap3A_1418, %swap3A_1419, %swap3A_1420], %swap3A_1423 {strides = array<i32>} : memref<128x63x128xf32, #tpu.memory_space<vmem>>, vector<1x63x128xf32>,
    %get3A_1424 = arith.constant 57 : index
    %get3A_1425 = arith.constant 0 : index
    %get3A_1426 = arith.constant 0 : index
    %get3A_1427 = vector.load %arg1[%get3A_1424, %get3A_1425, %get3A_1426] : memref<128x63x26xf32, #tpu.memory_space<vmem>>, vector<1x63x26xf32>
    %get3A_1428 = vector.shape_cast %get3A_1427 : vector<1x63x26xf32> to vector<63x26xf32>
    %dot_general3A_1429 = arith.constant dense<0.000000e+00> : vector<63x128xf32>
    %dot_general3A_1430 = tpu.matmul %get3A_1428, %get3A_1, %dot_general3A_1429 {dimension_numbers = #tpu.dot_dimension_numbers<[1], [0], [0], [1], [0, 0, 1, 1], [], []>, transpose_lhs_hint = false} : vector<63x26xf32>, vector<26x128xf32>, vector<63x128xf32> -> vector<63x128xf32>
    %get3A_1431 = arith.constant 57 : index
    %get3A_1432 = arith.constant 0 : index
    %get3A_1433 = arith.constant 0 : index
    %get3A_1434 = vector.load %arg2[%get3A_1431, %get3A_1432, %get3A_1433] : memref<128x63x128xf32, #tpu.memory_space<vmem>>, vector<1x63x128xf32>
    %get3A_1435 = vector.shape_cast %get3A_1434 : vector<1x63x128xf32> to vector<63x128xf32>
    %add3A_1436 = arith.addf %dot_general3A_1430, %get3A_1435 : vector<63x128xf32>
    %get3A_1437 = arith.constant 57 : index
    %get3A_1438 = arith.constant 0 : index
    %get3A_1439 = arith.constant 0 : index
    %get3A_1440 = vector.load %arg3[%get3A_1437, %get3A_1438, %get3A_1439] : memref<128x64x128xf32, #tpu.memory_space<vmem>>, vector<1x63x128xf32>
    %get3A_1441 = vector.shape_cast %get3A_1440 : vector<1x63x128xf32> to vector<63x128xf32>
    %add3A_1442 = arith.addf %add3A_1436, %get3A_1441 : vector<63x128xf32>
    %swap3A_1443 = arith.constant 57 : index
    %swap3A_1444 = arith.constant 0 : index
    %swap3A_1445 = arith.constant 0 : index
    %swap3A_1446 = vector.load %arg5[%swap3A_1443, %swap3A_1444, %swap3A_1445] : memref<128x63x128xf32, #tpu.memory_space<vmem>>, vector<1x63x128xf32>
    %swap3A_1447 = vector.shape_cast %swap3A_1446 : vector<1x63x128xf32> to vector<63x128xf32>
    %swap3A_1448 = vector.shape_cast %add3A_1442 : vector<63x128xf32> to vector<1x63x128xf32>
    tpu.vector_store %arg5[%swap3A_1443, %swap3A_1444, %swap3A_1445], %swap3A_1448 {strides = array<i32>} : memref<128x63x128xf32, #tpu.memory_space<vmem>>, vector<1x63x128xf32>,
    %get3A_1449 = arith.constant 58 : index
    %get3A_1450 = arith.constant 0 : index
    %get3A_1451 = arith.constant 0 : index
    %get3A_1452 = vector.load %arg1[%get3A_1449, %get3A_1450, %get3A_1451] : memref<128x63x26xf32, #tpu.memory_space<vmem>>, vector<1x63x26xf32>
    %get3A_1453 = vector.shape_cast %get3A_1452 : vector<1x63x26xf32> to vector<63x26xf32>
    %dot_general3A_1454 = arith.constant dense<0.000000e+00> : vector<63x128xf32>
    %dot_general3A_1455 = tpu.matmul %get3A_1453, %get3A_1, %dot_general3A_1454 {dimension_numbers = #tpu.dot_dimension_numbers<[1], [0], [0], [1], [0, 0, 1, 1], [], []>, transpose_lhs_hint = false} : vector<63x26xf32>, vector<26x128xf32>, vector<63x128xf32> -> vector<63x128xf32>
    %get3A_1456 = arith.constant 58 : index
    %get3A_1457 = arith.constant 0 : index
    %get3A_1458 = arith.constant 0 : index
    %get3A_1459 = vector.load %arg2[%get3A_1456, %get3A_1457, %get3A_1458] : memref<128x63x128xf32, #tpu.memory_space<vmem>>, vector<1x63x128xf32>
    %get3A_1460 = vector.shape_cast %get3A_1459 : vector<1x63x128xf32> to vector<63x128xf32>
    %add3A_1461 = arith.addf %dot_general3A_1455, %get3A_1460 : vector<63x128xf32>
    %get3A_1462 = arith.constant 58 : index
    %get3A_1463 = arith.constant 0 : index
    %get3A_1464 = arith.constant 0 : index
    %get3A_1465 = vector.load %arg3[%get3A_1462, %get3A_1463, %get3A_1464] : memref<128x64x128xf32, #tpu.memory_space<vmem>>, vector<1x63x128xf32>
    %get3A_1466 = vector.shape_cast %get3A_1465 : vector<1x63x128xf32> to vector<63x128xf32>
    %add3A_1467 = arith.addf %add3A_1461, %get3A_1466 : vector<63x128xf32>
    %swap3A_1468 = arith.constant 58 : index
    %swap3A_1469 = arith.constant 0 : index
    %swap3A_1470 = arith.constant 0 : index
    %swap3A_1471 = vector.load %arg5[%swap3A_1468, %swap3A_1469, %swap3A_1470] : memref<128x63x128xf32, #tpu.memory_space<vmem>>, vector<1x63x128xf32>
    %swap3A_1472 = vector.shape_cast %swap3A_1471 : vector<1x63x128xf32> to vector<63x128xf32>
    %swap3A_1473 = vector.shape_cast %add3A_1467 : vector<63x128xf32> to vector<1x63x128xf32>
    tpu.vector_store %arg5[%swap3A_1468, %swap3A_1469, %swap3A_1470], %swap3A_1473 {strides = array<i32>} : memref<128x63x128xf32, #tpu.memory_space<vmem>>, vector<1x63x128xf32>,
    %get3A_1474 = arith.constant 59 : index
    %get3A_1475 = arith.constant 0 : index
    %get3A_1476 = arith.constant 0 : index
    %get3A_1477 = vector.load %arg1[%get3A_1474, %get3A_1475, %get3A_1476] : memref<128x63x26xf32, #tpu.memory_space<vmem>>, vector<1x63x26xf32>
    %get3A_1478 = vector.shape_cast %get3A_1477 : vector<1x63x26xf32> to vector<63x26xf32>
    %dot_general3A_1479 = arith.constant dense<0.000000e+00> : vector<63x128xf32>
    %dot_general3A_1480 = tpu.matmul %get3A_1478, %get3A_1, %dot_general3A_1479 {dimension_numbers = #tpu.dot_dimension_numbers<[1], [0], [0], [1], [0, 0, 1, 1], [], []>, transpose_lhs_hint = false} : vector<63x26xf32>, vector<26x128xf32>, vector<63x128xf32> -> vector<63x128xf32>
    %get3A_1481 = arith.constant 59 : index
    %get3A_1482 = arith.constant 0 : index
    %get3A_1483 = arith.constant 0 : index
    %get3A_1484 = vector.load %arg2[%get3A_1481, %get3A_1482, %get3A_1483] : memref<128x63x128xf32, #tpu.memory_space<vmem>>, vector<1x63x128xf32>
    %get3A_1485 = vector.shape_cast %get3A_1484 : vector<1x63x128xf32> to vector<63x128xf32>
    %add3A_1486 = arith.addf %dot_general3A_1480, %get3A_1485 : vector<63x128xf32>
    %get3A_1487 = arith.constant 59 : index
    %get3A_1488 = arith.constant 0 : index
    %get3A_1489 = arith.constant 0 : index
    %get3A_1490 = vector.load %arg3[%get3A_1487, %get3A_1488, %get3A_1489] : memref<128x64x128xf32, #tpu.memory_space<vmem>>, vector<1x63x128xf32>
    %get3A_1491 = vector.shape_cast %get3A_1490 : vector<1x63x128xf32> to vector<63x128xf32>
    %add3A_1492 = arith.addf %add3A_1486, %get3A_1491 : vector<63x128xf32>
    %swap3A_1493 = arith.constant 59 : index
    %swap3A_1494 = arith.constant 0 : index
    %swap3A_1495 = arith.constant 0 : index
    %swap3A_1496 = vector.load %arg5[%swap3A_1493, %swap3A_1494, %swap3A_1495] : memref<128x63x128xf32, #tpu.memory_space<vmem>>, vector<1x63x128xf32>
    %swap3A_1497 = vector.shape_cast %swap3A_1496 : vector<1x63x128xf32> to vector<63x128xf32>
    %swap3A_1498 = vector.shape_cast %add3A_1492 : vector<63x128xf32> to vector<1x63x128xf32>
    tpu.vector_store %arg5[%swap3A_1493, %swap3A_1494, %swap3A_1495], %swap3A_1498 {strides = array<i32>} : memref<128x63x128xf32, #tpu.memory_space<vmem>>, vector<1x63x128xf32>,
    %get3A_1499 = arith.constant 60 : index
    %get3A_1500 = arith.constant 0 : index
    %get3A_1501 = arith.constant 0 : index
    %get3A_1502 = vector.load %arg1[%get3A_1499, %get3A_1500, %get3A_1501] : memref<128x63x26xf32, #tpu.memory_space<vmem>>, vector<1x63x26xf32>
    %get3A_1503 = vector.shape_cast %get3A_1502 : vector<1x63x26xf32> to vector<63x26xf32>
    %dot_general3A_1504 = arith.constant dense<0.000000e+00> : vector<63x128xf32>
    %dot_general3A_1505 = tpu.matmul %get3A_1503, %get3A_1, %dot_general3A_1504 {dimension_numbers = #tpu.dot_dimension_numbers<[1], [0], [0], [1], [0, 0, 1, 1], [], []>, transpose_lhs_hint = false} : vector<63x26xf32>, vector<26x128xf32>, vector<63x128xf32> -> vector<63x128xf32>
    %get3A_1506 = arith.constant 60 : index
    %get3A_1507 = arith.constant 0 : index
    %get3A_1508 = arith.constant 0 : index
    %get3A_1509 = vector.load %arg2[%get3A_1506, %get3A_1507, %get3A_1508] : memref<128x63x128xf32, #tpu.memory_space<vmem>>, vector<1x63x128xf32>
    %get3A_1510 = vector.shape_cast %get3A_1509 : vector<1x63x128xf32> to vector<63x128xf32>
    %add3A_1511 = arith.addf %dot_general3A_1505, %get3A_1510 : vector<63x128xf32>
    %get3A_1512 = arith.constant 60 : index
    %get3A_1513 = arith.constant 0 : index
    %get3A_1514 = arith.constant 0 : index
    %get3A_1515 = vector.load %arg3[%get3A_1512, %get3A_1513, %get3A_1514] : memref<128x64x128xf32, #tpu.memory_space<vmem>>, vector<1x63x128xf32>
    %get3A_1516 = vector.shape_cast %get3A_1515 : vector<1x63x128xf32> to vector<63x128xf32>
    %add3A_1517 = arith.addf %add3A_1511, %get3A_1516 : vector<63x128xf32>
    %swap3A_1518 = arith.constant 60 : index
    %swap3A_1519 = arith.constant 0 : index
    %swap3A_1520 = arith.constant 0 : index
    %swap3A_1521 = vector.load %arg5[%swap3A_1518, %swap3A_1519, %swap3A_1520] : memref<128x63x128xf32, #tpu.memory_space<vmem>>, vector<1x63x128xf32>
    %swap3A_1522 = vector.shape_cast %swap3A_1521 : vector<1x63x128xf32> to vector<63x128xf32>
    %swap3A_1523 = vector.shape_cast %add3A_1517 : vector<63x128xf32> to vector<1x63x128xf32>
    tpu.vector_store %arg5[%swap3A_1518, %swap3A_1519, %swap3A_1520], %swap3A_1523 {strides = array<i32>} : memref<128x63x128xf32, #tpu.memory_space<vmem>>, vector<1x63x128xf32>,
    %get3A_1524 = arith.constant 61 : index
    %get3A_1525 = arith.constant 0 : index
    %get3A_1526 = arith.constant 0 : index
    %get3A_1527 = vector.load %arg1[%get3A_1524, %get3A_1525, %get3A_1526] : memref<128x63x26xf32, #tpu.memory_space<vmem>>, vector<1x63x26xf32>
    %get3A_1528 = vector.shape_cast %get3A_1527 : vector<1x63x26xf32> to vector<63x26xf32>
    %dot_general3A_1529 = arith.constant dense<0.000000e+00> : vector<63x128xf32>
    %dot_general3A_1530 = tpu.matmul %get3A_1528, %get3A_1, %dot_general3A_1529 {dimension_numbers = #tpu.dot_dimension_numbers<[1], [0], [0], [1], [0, 0, 1, 1], [], []>, transpose_lhs_hint = false} : vector<63x26xf32>, vector<26x128xf32>, vector<63x128xf32> -> vector<63x128xf32>
    %get3A_1531 = arith.constant 61 : index
    %get3A_1532 = arith.constant 0 : index
    %get3A_1533 = arith.constant 0 : index
    %get3A_1534 = vector.load %arg2[%get3A_1531, %get3A_1532, %get3A_1533] : memref<128x63x128xf32, #tpu.memory_space<vmem>>, vector<1x63x128xf32>
    %get3A_1535 = vector.shape_cast %get3A_1534 : vector<1x63x128xf32> to vector<63x128xf32>
    %add3A_1536 = arith.addf %dot_general3A_1530, %get3A_1535 : vector<63x128xf32>
    %get3A_1537 = arith.constant 61 : index
    %get3A_1538 = arith.constant 0 : index
    %get3A_1539 = arith.constant 0 : index
    %get3A_1540 = vector.load %arg3[%get3A_1537, %get3A_1538, %get3A_1539] : memref<128x64x128xf32, #tpu.memory_space<vmem>>, vector<1x63x128xf32>
    %get3A_1541 = vector.shape_cast %get3A_1540 : vector<1x63x128xf32> to vector<63x128xf32>
    %add3A_1542 = arith.addf %add3A_1536, %get3A_1541 : vector<63x128xf32>
    %swap3A_1543 = arith.constant 61 : index
    %swap3A_1544 = arith.constant 0 : index
    %swap3A_1545 = arith.constant 0 : index
    %swap3A_1546 = vector.load %arg5[%swap3A_1543, %swap3A_1544, %swap3A_1545] : memref<128x63x128xf32, #tpu.memory_space<vmem>>, vector<1x63x128xf32>
    %swap3A_1547 = vector.shape_cast %swap3A_1546 : vector<1x63x128xf32> to vector<63x128xf32>
    %swap3A_1548 = vector.shape_cast %add3A_1542 : vector<63x128xf32> to vector<1x63x128xf32>
    tpu.vector_store %arg5[%swap3A_1543, %swap3A_1544, %swap3A_1545], %swap3A_1548 {strides = array<i32>} : memref<128x63x128xf32, #tpu.memory_space<vmem>>, vector<1x63x128xf32>,
    %get3A_1549 = arith.constant 62 : index
    %get3A_1550 = arith.constant 0 : index
    %get3A_1551 = arith.constant 0 : index
    %get3A_1552 = vector.load %arg1[%get3A_1549, %get3A_1550, %get3A_1551] : memref<128x63x26xf32, #tpu.memory_space<vmem>>, vector<1x63x26xf32>
    %get3A_1553 = vector.shape_cast %get3A_1552 : vector<1x63x26xf32> to vector<63x26xf32>
    %dot_general3A_1554 = arith.constant dense<0.000000e+00> : vector<63x128xf32>
    %dot_general3A_1555 = tpu.matmul %get3A_1553, %get3A_1, %dot_general3A_1554 {dimension_numbers = #tpu.dot_dimension_numbers<[1], [0], [0], [1], [0, 0, 1, 1], [], []>, transpose_lhs_hint = false} : vector<63x26xf32>, vector<26x128xf32>, vector<63x128xf32> -> vector<63x128xf32>
    %get3A_1556 = arith.constant 62 : index
    %get3A_1557 = arith.constant 0 : index
    %get3A_1558 = arith.constant 0 : index
    %get3A_1559 = vector.load %arg2[%get3A_1556, %get3A_1557, %get3A_1558] : memref<128x63x128xf32, #tpu.memory_space<vmem>>, vector<1x63x128xf32>
    %get3A_1560 = vector.shape_cast %get3A_1559 : vector<1x63x128xf32> to vector<63x128xf32>
    %add3A_1561 = arith.addf %dot_general3A_1555, %get3A_1560 : vector<63x128xf32>
    %get3A_1562 = arith.constant 62 : index
    %get3A_1563 = arith.constant 0 : index
    %get3A_1564 = arith.constant 0 : index
    %get3A_1565 = vector.load %arg3[%get3A_1562, %get3A_1563, %get3A_1564] : memref<128x64x128xf32, #tpu.memory_space<vmem>>, vector<1x63x128xf32>
    %get3A_1566 = vector.shape_cast %get3A_1565 : vector<1x63x128xf32> to vector<63x128xf32>
    %add3A_1567 = arith.addf %add3A_1561, %get3A_1566 : vector<63x128xf32>
    %swap3A_1568 = arith.constant 62 : index
    %swap3A_1569 = arith.constant 0 : index
    %swap3A_1570 = arith.constant 0 : index
    %swap3A_1571 = vector.load %arg5[%swap3A_1568, %swap3A_1569, %swap3A_1570] : memref<128x63x128xf32, #tpu.memory_space<vmem>>, vector<1x63x128xf32>
    %swap3A_1572 = vector.shape_cast %swap3A_1571 : vector<1x63x128xf32> to vector<63x128xf32>
    %swap3A_1573 = vector.shape_cast %add3A_1567 : vector<63x128xf32> to vector<1x63x128xf32>
    tpu.vector_store %arg5[%swap3A_1568, %swap3A_1569, %swap3A_1570], %swap3A_1573 {strides = array<i32>} : memref<128x63x128xf32, #tpu.memory_space<vmem>>, vector<1x63x128xf32>,
    %get3A_1574 = arith.constant 63 : index
    %get3A_1575 = arith.constant 0 : index
    %get3A_1576 = arith.constant 0 : index
    %get3A_1577 = vector.load %arg1[%get3A_1574, %get3A_1575, %get3A_1576] : memref<128x63x26xf32, #tpu.memory_space<vmem>>, vector<1x63x26xf32>
    %get3A_1578 = vector.shape_cast %get3A_1577 : vector<1x63x26xf32> to vector<63x26xf32>
    %dot_general3A_1579 = arith.constant dense<0.000000e+00> : vector<63x128xf32>
    %dot_general3A_1580 = tpu.matmul %get3A_1578, %get3A_1, %dot_general3A_1579 {dimension_numbers = #tpu.dot_dimension_numbers<[1], [0], [0], [1], [0, 0, 1, 1], [], []>, transpose_lhs_hint = false} : vector<63x26xf32>, vector<26x128xf32>, vector<63x128xf32> -> vector<63x128xf32>
    %get3A_1581 = arith.constant 63 : index
    %get3A_1582 = arith.constant 0 : index
    %get3A_1583 = arith.constant 0 : index
    %get3A_1584 = vector.load %arg2[%get3A_1581, %get3A_1582, %get3A_1583] : memref<128x63x128xf32, #tpu.memory_space<vmem>>, vector<1x63x128xf32>
    %get3A_1585 = vector.shape_cast %get3A_1584 : vector<1x63x128xf32> to vector<63x128xf32>
    %add3A_1586 = arith.addf %dot_general3A_1580, %get3A_1585 : vector<63x128xf32>
    %get3A_1587 = arith.constant 63 : index
    %get3A_1588 = arith.constant 0 : index
    %get3A_1589 = arith.constant 0 : index
    %get3A_1590 = vector.load %arg3[%get3A_1587, %get3A_1588, %get3A_1589] : memref<128x64x128xf32, #tpu.memory_space<vmem>>, vector<1x63x128xf32>
    %get3A_1591 = vector.shape_cast %get3A_1590 : vector<1x63x128xf32> to vector<63x128xf32>
    %add3A_1592 = arith.addf %add3A_1586, %get3A_1591 : vector<63x128xf32>
    %swap3A_1593 = arith.constant 63 : index
    %swap3A_1594 = arith.constant 0 : index
    %swap3A_1595 = arith.constant 0 : index
    %swap3A_1596 = vector.load %arg5[%swap3A_1593, %swap3A_1594, %swap3A_1595] : memref<128x63x128xf32, #tpu.memory_space<vmem>>, vector<1x63x128xf32>
    %swap3A_1597 = vector.shape_cast %swap3A_1596 : vector<1x63x128xf32> to vector<63x128xf32>
    %swap3A_1598 = vector.shape_cast %add3A_1592 : vector<63x128xf32> to vector<1x63x128xf32>
    tpu.vector_store %arg5[%swap3A_1593, %swap3A_1594, %swap3A_1595], %swap3A_1598 {strides = array<i32>} : memref<128x63x128xf32, #tpu.memory_space<vmem>>, vector<1x63x128xf32>,
    %get3A_1599 = arith.constant 64 : index
    %get3A_1600 = arith.constant 0 : index
    %get3A_1601 = arith.constant 0 : index
    %get3A_1602 = vector.load %arg1[%get3A_1599, %get3A_1600, %get3A_1601] : memref<128x63x26xf32, #tpu.memory_space<vmem>>, vector<1x63x26xf32>
    %get3A_1603 = vector.shape_cast %get3A_1602 : vector<1x63x26xf32> to vector<63x26xf32>
    %dot_general3A_1604 = arith.constant dense<0.000000e+00> : vector<63x128xf32>
    %dot_general3A_1605 = tpu.matmul %get3A_1603, %get3A_1, %dot_general3A_1604 {dimension_numbers = #tpu.dot_dimension_numbers<[1], [0], [0], [1], [0, 0, 1, 1], [], []>, transpose_lhs_hint = false} : vector<63x26xf32>, vector<26x128xf32>, vector<63x128xf32> -> vector<63x128xf32>
    %get3A_1606 = arith.constant 64 : index
    %get3A_1607 = arith.constant 0 : index
    %get3A_1608 = arith.constant 0 : index
    %get3A_1609 = vector.load %arg2[%get3A_1606, %get3A_1607, %get3A_1608] : memref<128x63x128xf32, #tpu.memory_space<vmem>>, vector<1x63x128xf32>
    %get3A_1610 = vector.shape_cast %get3A_1609 : vector<1x63x128xf32> to vector<63x128xf32>
    %add3A_1611 = arith.addf %dot_general3A_1605, %get3A_1610 : vector<63x128xf32>
    %get3A_1612 = arith.constant 64 : index
    %get3A_1613 = arith.constant 0 : index
    %get3A_1614 = arith.constant 0 : index
    %get3A_1615 = vector.load %arg3[%get3A_1612, %get3A_1613, %get3A_1614] : memref<128x64x128xf32, #tpu.memory_space<vmem>>, vector<1x63x128xf32>
    %get3A_1616 = vector.shape_cast %get3A_1615 : vector<1x63x128xf32> to vector<63x128xf32>
    %add3A_1617 = arith.addf %add3A_1611, %get3A_1616 : vector<63x128xf32>
    %swap3A_1618 = arith.constant 64 : index
    %swap3A_1619 = arith.constant 0 : index
    %swap3A_1620 = arith.constant 0 : index
    %swap3A_1621 = vector.load %arg5[%swap3A_1618, %swap3A_1619, %swap3A_1620] : memref<128x63x128xf32, #tpu.memory_space<vmem>>, vector<1x63x128xf32>
    %swap3A_1622 = vector.shape_cast %swap3A_1621 : vector<1x63x128xf32> to vector<63x128xf32>
    %swap3A_1623 = vector.shape_cast %add3A_1617 : vector<63x128xf32> to vector<1x63x128xf32>
    tpu.vector_store %arg5[%swap3A_1618, %swap3A_1619, %swap3A_1620], %swap3A_1623 {strides = array<i32>} : memref<128x63x128xf32, #tpu.memory_space<vmem>>, vector<1x63x128xf32>,
    %get3A_1624 = arith.constant 65 : index
    %get3A_1625 = arith.constant 0 : index
    %get3A_1626 = arith.constant 0 : index
    %get3A_1627 = vector.load %arg1[%get3A_1624, %get3A_1625, %get3A_1626] : memref<128x63x26xf32, #tpu.memory_space<vmem>>, vector<1x63x26xf32>
    %get3A_1628 = vector.shape_cast %get3A_1627 : vector<1x63x26xf32> to vector<63x26xf32>
    %dot_general3A_1629 = arith.constant dense<0.000000e+00> : vector<63x128xf32>
    %dot_general3A_1630 = tpu.matmul %get3A_1628, %get3A_1, %dot_general3A_1629 {dimension_numbers = #tpu.dot_dimension_numbers<[1], [0], [0], [1], [0, 0, 1, 1], [], []>, transpose_lhs_hint = false} : vector<63x26xf32>, vector<26x128xf32>, vector<63x128xf32> -> vector<63x128xf32>
    %get3A_1631 = arith.constant 65 : index
    %get3A_1632 = arith.constant 0 : index
    %get3A_1633 = arith.constant 0 : index
    %get3A_1634 = vector.load %arg2[%get3A_1631, %get3A_1632, %get3A_1633] : memref<128x63x128xf32, #tpu.memory_space<vmem>>, vector<1x63x128xf32>
    %get3A_1635 = vector.shape_cast %get3A_1634 : vector<1x63x128xf32> to vector<63x128xf32>
    %add3A_1636 = arith.addf %dot_general3A_1630, %get3A_1635 : vector<63x128xf32>
    %get3A_1637 = arith.constant 65 : index
    %get3A_1638 = arith.constant 0 : index
    %get3A_1639 = arith.constant 0 : index
    %get3A_1640 = vector.load %arg3[%get3A_1637, %get3A_1638, %get3A_1639] : memref<128x64x128xf32, #tpu.memory_space<vmem>>, vector<1x63x128xf32>
    %get3A_1641 = vector.shape_cast %get3A_1640 : vector<1x63x128xf32> to vector<63x128xf32>
    %add3A_1642 = arith.addf %add3A_1636, %get3A_1641 : vector<63x128xf32>
    %swap3A_1643 = arith.constant 65 : index
    %swap3A_1644 = arith.constant 0 : index
    %swap3A_1645 = arith.constant 0 : index
    %swap3A_1646 = vector.load %arg5[%swap3A_1643, %swap3A_1644, %swap3A_1645] : memref<128x63x128xf32, #tpu.memory_space<vmem>>, vector<1x63x128xf32>
    %swap3A_1647 = vector.shape_cast %swap3A_1646 : vector<1x63x128xf32> to vector<63x128xf32>
    %swap3A_1648 = vector.shape_cast %add3A_1642 : vector<63x128xf32> to vector<1x63x128xf32>
    tpu.vector_store %arg5[%swap3A_1643, %swap3A_1644, %swap3A_1645], %swap3A_1648 {strides = array<i32>} : memref<128x63x128xf32, #tpu.memory_space<vmem>>, vector<1x63x128xf32>,
    %get3A_1649 = arith.constant 66 : index
    %get3A_1650 = arith.constant 0 : index
    %get3A_1651 = arith.constant 0 : index
    %get3A_1652 = vector.load %arg1[%get3A_1649, %get3A_1650, %get3A_1651] : memref<128x63x26xf32, #tpu.memory_space<vmem>>, vector<1x63x26xf32>
    %get3A_1653 = vector.shape_cast %get3A_1652 : vector<1x63x26xf32> to vector<63x26xf32>
    %dot_general3A_1654 = arith.constant dense<0.000000e+00> : vector<63x128xf32>
    %dot_general3A_1655 = tpu.matmul %get3A_1653, %get3A_1, %dot_general3A_1654 {dimension_numbers = #tpu.dot_dimension_numbers<[1], [0], [0], [1], [0, 0, 1, 1], [], []>, transpose_lhs_hint = false} : vector<63x26xf32>, vector<26x128xf32>, vector<63x128xf32> -> vector<63x128xf32>
    %get3A_1656 = arith.constant 66 : index
    %get3A_1657 = arith.constant 0 : index
    %get3A_1658 = arith.constant 0 : index
    %get3A_1659 = vector.load %arg2[%get3A_1656, %get3A_1657, %get3A_1658] : memref<128x63x128xf32, #tpu.memory_space<vmem>>, vector<1x63x128xf32>
    %get3A_1660 = vector.shape_cast %get3A_1659 : vector<1x63x128xf32> to vector<63x128xf32>
    %add3A_1661 = arith.addf %dot_general3A_1655, %get3A_1660 : vector<63x128xf32>
    %get3A_1662 = arith.constant 66 : index
    %get3A_1663 = arith.constant 0 : index
    %get3A_1664 = arith.constant 0 : index
    %get3A_1665 = vector.load %arg3[%get3A_1662, %get3A_1663, %get3A_1664] : memref<128x64x128xf32, #tpu.memory_space<vmem>>, vector<1x63x128xf32>
    %get3A_1666 = vector.shape_cast %get3A_1665 : vector<1x63x128xf32> to vector<63x128xf32>
    %add3A_1667 = arith.addf %add3A_1661, %get3A_1666 : vector<63x128xf32>
    %swap3A_1668 = arith.constant 66 : index
    %swap3A_1669 = arith.constant 0 : index
    %swap3A_1670 = arith.constant 0 : index
    %swap3A_1671 = vector.load %arg5[%swap3A_1668, %swap3A_1669, %swap3A_1670] : memref<128x63x128xf32, #tpu.memory_space<vmem>>, vector<1x63x128xf32>
    %swap3A_1672 = vector.shape_cast %swap3A_1671 : vector<1x63x128xf32> to vector<63x128xf32>
    %swap3A_1673 = vector.shape_cast %add3A_1667 : vector<63x128xf32> to vector<1x63x128xf32>
    tpu.vector_store %arg5[%swap3A_1668, %swap3A_1669, %swap3A_1670], %swap3A_1673 {strides = array<i32>} : memref<128x63x128xf32, #tpu.memory_space<vmem>>, vector<1x63x128xf32>,
    %get3A_1674 = arith.constant 67 : index
    %get3A_1675 = arith.constant 0 : index
    %get3A_1676 = arith.constant 0 : index
    %get3A_1677 = vector.load %arg1[%get3A_1674, %get3A_1675, %get3A_1676] : memref<128x63x26xf32, #tpu.memory_space<vmem>>, vector<1x63x26xf32>
    %get3A_1678 = vector.shape_cast %get3A_1677 : vector<1x63x26xf32> to vector<63x26xf32>
    %dot_general3A_1679 = arith.constant dense<0.000000e+00> : vector<63x128xf32>
    %dot_general3A_1680 = tpu.matmul %get3A_1678, %get3A_1, %dot_general3A_1679 {dimension_numbers = #tpu.dot_dimension_numbers<[1], [0], [0], [1], [0, 0, 1, 1], [], []>, transpose_lhs_hint = false} : vector<63x26xf32>, vector<26x128xf32>, vector<63x128xf32> -> vector<63x128xf32>
    %get3A_1681 = arith.constant 67 : index
    %get3A_1682 = arith.constant 0 : index
    %get3A_1683 = arith.constant 0 : index
    %get3A_1684 = vector.load %arg2[%get3A_1681, %get3A_1682, %get3A_1683] : memref<128x63x128xf32, #tpu.memory_space<vmem>>, vector<1x63x128xf32>
    %get3A_1685 = vector.shape_cast %get3A_1684 : vector<1x63x128xf32> to vector<63x128xf32>
    %add3A_1686 = arith.addf %dot_general3A_1680, %get3A_1685 : vector<63x128xf32>
    %get3A_1687 = arith.constant 67 : index
    %get3A_1688 = arith.constant 0 : index
    %get3A_1689 = arith.constant 0 : index
    %get3A_1690 = vector.load %arg3[%get3A_1687, %get3A_1688, %get3A_1689] : memref<128x64x128xf32, #tpu.memory_space<vmem>>, vector<1x63x128xf32>
    %get3A_1691 = vector.shape_cast %get3A_1690 : vector<1x63x128xf32> to vector<63x128xf32>
    %add3A_1692 = arith.addf %add3A_1686, %get3A_1691 : vector<63x128xf32>
    %swap3A_1693 = arith.constant 67 : index
    %swap3A_1694 = arith.constant 0 : index
    %swap3A_1695 = arith.constant 0 : index
    %swap3A_1696 = vector.load %arg5[%swap3A_1693, %swap3A_1694, %swap3A_1695] : memref<128x63x128xf32, #tpu.memory_space<vmem>>, vector<1x63x128xf32>
    %swap3A_1697 = vector.shape_cast %swap3A_1696 : vector<1x63x128xf32> to vector<63x128xf32>
    %swap3A_1698 = vector.shape_cast %add3A_1692 : vector<63x128xf32> to vector<1x63x128xf32>
    tpu.vector_store %arg5[%swap3A_1693, %swap3A_1694, %swap3A_1695], %swap3A_1698 {strides = array<i32>} : memref<128x63x128xf32, #tpu.memory_space<vmem>>, vector<1x63x128xf32>,
    %get3A_1699 = arith.constant 68 : index
    %get3A_1700 = arith.constant 0 : index
    %get3A_1701 = arith.constant 0 : index
    %get3A_1702 = vector.load %arg1[%get3A_1699, %get3A_1700, %get3A_1701] : memref<128x63x26xf32, #tpu.memory_space<vmem>>, vector<1x63x26xf32>
    %get3A_1703 = vector.shape_cast %get3A_1702 : vector<1x63x26xf32> to vector<63x26xf32>
    %dot_general3A_1704 = arith.constant dense<0.000000e+00> : vector<63x128xf32>
    %dot_general3A_1705 = tpu.matmul %get3A_1703, %get3A_1, %dot_general3A_1704 {dimension_numbers = #tpu.dot_dimension_numbers<[1], [0], [0], [1], [0, 0, 1, 1], [], []>, transpose_lhs_hint = false} : vector<63x26xf32>, vector<26x128xf32>, vector<63x128xf32> -> vector<63x128xf32>
    %get3A_1706 = arith.constant 68 : index
    %get3A_1707 = arith.constant 0 : index
    %get3A_1708 = arith.constant 0 : index
    %get3A_1709 = vector.load %arg2[%get3A_1706, %get3A_1707, %get3A_1708] : memref<128x63x128xf32, #tpu.memory_space<vmem>>, vector<1x63x128xf32>
    %get3A_1710 = vector.shape_cast %get3A_1709 : vector<1x63x128xf32> to vector<63x128xf32>
    %add3A_1711 = arith.addf %dot_general3A_1705, %get3A_1710 : vector<63x128xf32>
    %get3A_1712 = arith.constant 68 : index
    %get3A_1713 = arith.constant 0 : index
    %get3A_1714 = arith.constant 0 : index
    %get3A_1715 = vector.load %arg3[%get3A_1712, %get3A_1713, %get3A_1714] : memref<128x64x128xf32, #tpu.memory_space<vmem>>, vector<1x63x128xf32>
    %get3A_1716 = vector.shape_cast %get3A_1715 : vector<1x63x128xf32> to vector<63x128xf32>
    %add3A_1717 = arith.addf %add3A_1711, %get3A_1716 : vector<63x128xf32>
    %swap3A_1718 = arith.constant 68 : index
    %swap3A_1719 = arith.constant 0 : index
    %swap3A_1720 = arith.constant 0 : index
    %swap3A_1721 = vector.load %arg5[%swap3A_1718, %swap3A_1719, %swap3A_1720] : memref<128x63x128xf32, #tpu.memory_space<vmem>>, vector<1x63x128xf32>
    %swap3A_1722 = vector.shape_cast %swap3A_1721 : vector<1x63x128xf32> to vector<63x128xf32>
    %swap3A_1723 = vector.shape_cast %add3A_1717 : vector<63x128xf32> to vector<1x63x128xf32>
    tpu.vector_store %arg5[%swap3A_1718, %swap3A_1719, %swap3A_1720], %swap3A_1723 {strides = array<i32>} : memref<128x63x128xf32, #tpu.memory_space<vmem>>, vector<1x63x128xf32>,
    %get3A_1724 = arith.constant 69 : index
    %get3A_1725 = arith.constant 0 : index
    %get3A_1726 = arith.constant 0 : index
    %get3A_1727 = vector.load %arg1[%get3A_1724, %get3A_1725, %get3A_1726] : memref<128x63x26xf32, #tpu.memory_space<vmem>>, vector<1x63x26xf32>
    %get3A_1728 = vector.shape_cast %get3A_1727 : vector<1x63x26xf32> to vector<63x26xf32>
    %dot_general3A_1729 = arith.constant dense<0.000000e+00> : vector<63x128xf32>
    %dot_general3A_1730 = tpu.matmul %get3A_1728, %get3A_1, %dot_general3A_1729 {dimension_numbers = #tpu.dot_dimension_numbers<[1], [0], [0], [1], [0, 0, 1, 1], [], []>, transpose_lhs_hint = false} : vector<63x26xf32>, vector<26x128xf32>, vector<63x128xf32> -> vector<63x128xf32>
    %get3A_1731 = arith.constant 69 : index
    %get3A_1732 = arith.constant 0 : index
    %get3A_1733 = arith.constant 0 : index
    %get3A_1734 = vector.load %arg2[%get3A_1731, %get3A_1732, %get3A_1733] : memref<128x63x128xf32, #tpu.memory_space<vmem>>, vector<1x63x128xf32>
    %get3A_1735 = vector.shape_cast %get3A_1734 : vector<1x63x128xf32> to vector<63x128xf32>
    %add3A_1736 = arith.addf %dot_general3A_1730, %get3A_1735 : vector<63x128xf32>
    %get3A_1737 = arith.constant 69 : index
    %get3A_1738 = arith.constant 0 : index
    %get3A_1739 = arith.constant 0 : index
    %get3A_1740 = vector.load %arg3[%get3A_1737, %get3A_1738, %get3A_1739] : memref<128x64x128xf32, #tpu.memory_space<vmem>>, vector<1x63x128xf32>
    %get3A_1741 = vector.shape_cast %get3A_1740 : vector<1x63x128xf32> to vector<63x128xf32>
    %add3A_1742 = arith.addf %add3A_1736, %get3A_1741 : vector<63x128xf32>
    %swap3A_1743 = arith.constant 69 : index
    %swap3A_1744 = arith.constant 0 : index
    %swap3A_1745 = arith.constant 0 : index
    %swap3A_1746 = vector.load %arg5[%swap3A_1743, %swap3A_1744, %swap3A_1745] : memref<128x63x128xf32, #tpu.memory_space<vmem>>, vector<1x63x128xf32>
    %swap3A_1747 = vector.shape_cast %swap3A_1746 : vector<1x63x128xf32> to vector<63x128xf32>
    %swap3A_1748 = vector.shape_cast %add3A_1742 : vector<63x128xf32> to vector<1x63x128xf32>
    tpu.vector_store %arg5[%swap3A_1743, %swap3A_1744, %swap3A_1745], %swap3A_1748 {strides = array<i32>} : memref<128x63x128xf32, #tpu.memory_space<vmem>>, vector<1x63x128xf32>,
    %get3A_1749 = arith.constant 70 : index
    %get3A_1750 = arith.constant 0 : index
    %get3A_1751 = arith.constant 0 : index
    %get3A_1752 = vector.load %arg1[%get3A_1749, %get3A_1750, %get3A_1751] : memref<128x63x26xf32, #tpu.memory_space<vmem>>, vector<1x63x26xf32>
    %get3A_1753 = vector.shape_cast %get3A_1752 : vector<1x63x26xf32> to vector<63x26xf32>
    %dot_general3A_1754 = arith.constant dense<0.000000e+00> : vector<63x128xf32>
    %dot_general3A_1755 = tpu.matmul %get3A_1753, %get3A_1, %dot_general3A_1754 {dimension_numbers = #tpu.dot_dimension_numbers<[1], [0], [0], [1], [0, 0, 1, 1], [], []>, transpose_lhs_hint = false} : vector<63x26xf32>, vector<26x128xf32>, vector<63x128xf32> -> vector<63x128xf32>
    %get3A_1756 = arith.constant 70 : index
    %get3A_1757 = arith.constant 0 : index
    %get3A_1758 = arith.constant 0 : index
    %get3A_1759 = vector.load %arg2[%get3A_1756, %get3A_1757, %get3A_1758] : memref<128x63x128xf32, #tpu.memory_space<vmem>>, vector<1x63x128xf32>
    %get3A_1760 = vector.shape_cast %get3A_1759 : vector<1x63x128xf32> to vector<63x128xf32>
    %add3A_1761 = arith.addf %dot_general3A_1755, %get3A_1760 : vector<63x128xf32>
    %get3A_1762 = arith.constant 70 : index
    %get3A_1763 = arith.constant 0 : index
    %get3A_1764 = arith.constant 0 : index
    %get3A_1765 = vector.load %arg3[%get3A_1762, %get3A_1763, %get3A_1764] : memref<128x64x128xf32, #tpu.memory_space<vmem>>, vector<1x63x128xf32>
    %get3A_1766 = vector.shape_cast %get3A_1765 : vector<1x63x128xf32> to vector<63x128xf32>
    %add3A_1767 = arith.addf %add3A_1761, %get3A_1766 : vector<63x128xf32>
    %swap3A_1768 = arith.constant 70 : index
    %swap3A_1769 = arith.constant 0 : index
    %swap3A_1770 = arith.constant 0 : index
    %swap3A_1771 = vector.load %arg5[%swap3A_1768, %swap3A_1769, %swap3A_1770] : memref<128x63x128xf32, #tpu.memory_space<vmem>>, vector<1x63x128xf32>
    %swap3A_1772 = vector.shape_cast %swap3A_1771 : vector<1x63x128xf32> to vector<63x128xf32>
    %swap3A_1773 = vector.shape_cast %add3A_1767 : vector<63x128xf32> to vector<1x63x128xf32>
    tpu.vector_store %arg5[%swap3A_1768, %swap3A_1769, %swap3A_1770], %swap3A_1773 {strides = array<i32>} : memref<128x63x128xf32, #tpu.memory_space<vmem>>, vector<1x63x128xf32>,
    %get3A_1774 = arith.constant 71 : index
    %get3A_1775 = arith.constant 0 : index
    %get3A_1776 = arith.constant 0 : index
    %get3A_1777 = vector.load %arg1[%get3A_1774, %get3A_1775, %get3A_1776] : memref<128x63x26xf32, #tpu.memory_space<vmem>>, vector<1x63x26xf32>
    %get3A_1778 = vector.shape_cast %get3A_1777 : vector<1x63x26xf32> to vector<63x26xf32>
    %dot_general3A_1779 = arith.constant dense<0.000000e+00> : vector<63x128xf32>
    %dot_general3A_1780 = tpu.matmul %get3A_1778, %get3A_1, %dot_general3A_1779 {dimension_numbers = #tpu.dot_dimension_numbers<[1], [0], [0], [1], [0, 0, 1, 1], [], []>, transpose_lhs_hint = false} : vector<63x26xf32>, vector<26x128xf32>, vector<63x128xf32> -> vector<63x128xf32>
    %get3A_1781 = arith.constant 71 : index
    %get3A_1782 = arith.constant 0 : index
    %get3A_1783 = arith.constant 0 : index
    %get3A_1784 = vector.load %arg2[%get3A_1781, %get3A_1782, %get3A_1783] : memref<128x63x128xf32, #tpu.memory_space<vmem>>, vector<1x63x128xf32>
    %get3A_1785 = vector.shape_cast %get3A_1784 : vector<1x63x128xf32> to vector<63x128xf32>
    %add3A_1786 = arith.addf %dot_general3A_1780, %get3A_1785 : vector<63x128xf32>
    %get3A_1787 = arith.constant 71 : index
    %get3A_1788 = arith.constant 0 : index
    %get3A_1789 = arith.constant 0 : index
    %get3A_1790 = vector.load %arg3[%get3A_1787, %get3A_1788, %get3A_1789] : memref<128x64x128xf32, #tpu.memory_space<vmem>>, vector<1x63x128xf32>
    %get3A_1791 = vector.shape_cast %get3A_1790 : vector<1x63x128xf32> to vector<63x128xf32>
    %add3A_1792 = arith.addf %add3A_1786, %get3A_1791 : vector<63x128xf32>
    %swap3A_1793 = arith.constant 71 : index
    %swap3A_1794 = arith.constant 0 : index
    %swap3A_1795 = arith.constant 0 : index
    %swap3A_1796 = vector.load %arg5[%swap3A_1793, %swap3A_1794, %swap3A_1795] : memref<128x63x128xf32, #tpu.memory_space<vmem>>, vector<1x63x128xf32>
    %swap3A_1797 = vector.shape_cast %swap3A_1796 : vector<1x63x128xf32> to vector<63x128xf32>
    %swap3A_1798 = vector.shape_cast %add3A_1792 : vector<63x128xf32> to vector<1x63x128xf32>
    tpu.vector_store %arg5[%swap3A_1793, %swap3A_1794, %swap3A_1795], %swap3A_1798 {strides = array<i32>} : memref<128x63x128xf32, #tpu.memory_space<vmem>>, vector<1x63x128xf32>,
    %get3A_1799 = arith.constant 72 : index
    %get3A_1800 = arith.constant 0 : index
    %get3A_1801 = arith.constant 0 : index
    %get3A_1802 = vector.load %arg1[%get3A_1799, %get3A_1800, %get3A_1801] : memref<128x63x26xf32, #tpu.memory_space<vmem>>, vector<1x63x26xf32>
    %get3A_1803 = vector.shape_cast %get3A_1802 : vector<1x63x26xf32> to vector<63x26xf32>
    %dot_general3A_1804 = arith.constant dense<0.000000e+00> : vector<63x128xf32>
    %dot_general3A_1805 = tpu.matmul %get3A_1803, %get3A_1, %dot_general3A_1804 {dimension_numbers = #tpu.dot_dimension_numbers<[1], [0], [0], [1], [0, 0, 1, 1], [], []>, transpose_lhs_hint = false} : vector<63x26xf32>, vector<26x128xf32>, vector<63x128xf32> -> vector<63x128xf32>
    %get3A_1806 = arith.constant 72 : index
    %get3A_1807 = arith.constant 0 : index
    %get3A_1808 = arith.constant 0 : index
    %get3A_1809 = vector.load %arg2[%get3A_1806, %get3A_1807, %get3A_1808] : memref<128x63x128xf32, #tpu.memory_space<vmem>>, vector<1x63x128xf32>
    %get3A_1810 = vector.shape_cast %get3A_1809 : vector<1x63x128xf32> to vector<63x128xf32>
    %add3A_1811 = arith.addf %dot_general3A_1805, %get3A_1810 : vector<63x128xf32>
    %get3A_1812 = arith.constant 72 : index
    %get3A_1813 = arith.constant 0 : index
    %get3A_1814 = arith.constant 0 : index
    %get3A_1815 = vector.load %arg3[%get3A_1812, %get3A_1813, %get3A_1814] : memref<128x64x128xf32, #tpu.memory_space<vmem>>, vector<1x63x128xf32>
    %get3A_1816 = vector.shape_cast %get3A_1815 : vector<1x63x128xf32> to vector<63x128xf32>
    %add3A_1817 = arith.addf %add3A_1811, %get3A_1816 : vector<63x128xf32>
    %swap3A_1818 = arith.constant 72 : index
    %swap3A_1819 = arith.constant 0 : index
    %swap3A_1820 = arith.constant 0 : index
    %swap3A_1821 = vector.load %arg5[%swap3A_1818, %swap3A_1819, %swap3A_1820] : memref<128x63x128xf32, #tpu.memory_space<vmem>>, vector<1x63x128xf32>
    %swap3A_1822 = vector.shape_cast %swap3A_1821 : vector<1x63x128xf32> to vector<63x128xf32>
    %swap3A_1823 = vector.shape_cast %add3A_1817 : vector<63x128xf32> to vector<1x63x128xf32>
    tpu.vector_store %arg5[%swap3A_1818, %swap3A_1819, %swap3A_1820], %swap3A_1823 {strides = array<i32>} : memref<128x63x128xf32, #tpu.memory_space<vmem>>, vector<1x63x128xf32>,
    %get3A_1824 = arith.constant 73 : index
    %get3A_1825 = arith.constant 0 : index
    %get3A_1826 = arith.constant 0 : index
    %get3A_1827 = vector.load %arg1[%get3A_1824, %get3A_1825, %get3A_1826] : memref<128x63x26xf32, #tpu.memory_space<vmem>>, vector<1x63x26xf32>
    %get3A_1828 = vector.shape_cast %get3A_1827 : vector<1x63x26xf32> to vector<63x26xf32>
    %dot_general3A_1829 = arith.constant dense<0.000000e+00> : vector<63x128xf32>
    %dot_general3A_1830 = tpu.matmul %get3A_1828, %get3A_1, %dot_general3A_1829 {dimension_numbers = #tpu.dot_dimension_numbers<[1], [0], [0], [1], [0, 0, 1, 1], [], []>, transpose_lhs_hint = false} : vector<63x26xf32>, vector<26x128xf32>, vector<63x128xf32> -> vector<63x128xf32>
    %get3A_1831 = arith.constant 73 : index
    %get3A_1832 = arith.constant 0 : index
    %get3A_1833 = arith.constant 0 : index
    %get3A_1834 = vector.load %arg2[%get3A_1831, %get3A_1832, %get3A_1833] : memref<128x63x128xf32, #tpu.memory_space<vmem>>, vector<1x63x128xf32>
    %get3A_1835 = vector.shape_cast %get3A_1834 : vector<1x63x128xf32> to vector<63x128xf32>
    %add3A_1836 = arith.addf %dot_general3A_1830, %get3A_1835 : vector<63x128xf32>
    %get3A_1837 = arith.constant 73 : index
    %get3A_1838 = arith.constant 0 : index
    %get3A_1839 = arith.constant 0 : index
    %get3A_1840 = vector.load %arg3[%get3A_1837, %get3A_1838, %get3A_1839] : memref<128x64x128xf32, #tpu.memory_space<vmem>>, vector<1x63x128xf32>
    %get3A_1841 = vector.shape_cast %get3A_1840 : vector<1x63x128xf32> to vector<63x128xf32>
    %add3A_1842 = arith.addf %add3A_1836, %get3A_1841 : vector<63x128xf32>
    %swap3A_1843 = arith.constant 73 : index
    %swap3A_1844 = arith.constant 0 : index
    %swap3A_1845 = arith.constant 0 : index
    %swap3A_1846 = vector.load %arg5[%swap3A_1843, %swap3A_1844, %swap3A_1845] : memref<128x63x128xf32, #tpu.memory_space<vmem>>, vector<1x63x128xf32>
    %swap3A_1847 = vector.shape_cast %swap3A_1846 : vector<1x63x128xf32> to vector<63x128xf32>
    %swap3A_1848 = vector.shape_cast %add3A_1842 : vector<63x128xf32> to vector<1x63x128xf32>
    tpu.vector_store %arg5[%swap3A_1843, %swap3A_1844, %swap3A_1845], %swap3A_1848 {strides = array<i32>} : memref<128x63x128xf32, #tpu.memory_space<vmem>>, vector<1x63x128xf32>,
    %get3A_1849 = arith.constant 74 : index
    %get3A_1850 = arith.constant 0 : index
    %get3A_1851 = arith.constant 0 : index
    %get3A_1852 = vector.load %arg1[%get3A_1849, %get3A_1850, %get3A_1851] : memref<128x63x26xf32, #tpu.memory_space<vmem>>, vector<1x63x26xf32>
    %get3A_1853 = vector.shape_cast %get3A_1852 : vector<1x63x26xf32> to vector<63x26xf32>
    %dot_general3A_1854 = arith.constant dense<0.000000e+00> : vector<63x128xf32>
    %dot_general3A_1855 = tpu.matmul %get3A_1853, %get3A_1, %dot_general3A_1854 {dimension_numbers = #tpu.dot_dimension_numbers<[1], [0], [0], [1], [0, 0, 1, 1], [], []>, transpose_lhs_hint = false} : vector<63x26xf32>, vector<26x128xf32>, vector<63x128xf32> -> vector<63x128xf32>
    %get3A_1856 = arith.constant 74 : index
    %get3A_1857 = arith.constant 0 : index
    %get3A_1858 = arith.constant 0 : index
    %get3A_1859 = vector.load %arg2[%get3A_1856, %get3A_1857, %get3A_1858] : memref<128x63x128xf32, #tpu.memory_space<vmem>>, vector<1x63x128xf32>
    %get3A_1860 = vector.shape_cast %get3A_1859 : vector<1x63x128xf32> to vector<63x128xf32>
    %add3A_1861 = arith.addf %dot_general3A_1855, %get3A_1860 : vector<63x128xf32>
    %get3A_1862 = arith.constant 74 : index
    %get3A_1863 = arith.constant 0 : index
    %get3A_1864 = arith.constant 0 : index
    %get3A_1865 = vector.load %arg3[%get3A_1862, %get3A_1863, %get3A_1864] : memref<128x64x128xf32, #tpu.memory_space<vmem>>, vector<1x63x128xf32>
    %get3A_1866 = vector.shape_cast %get3A_1865 : vector<1x63x128xf32> to vector<63x128xf32>
    %add3A_1867 = arith.addf %add3A_1861, %get3A_1866 : vector<63x128xf32>
    %swap3A_1868 = arith.constant 74 : index
    %swap3A_1869 = arith.constant 0 : index
    %swap3A_1870 = arith.constant 0 : index
    %swap3A_1871 = vector.load %arg5[%swap3A_1868, %swap3A_1869, %swap3A_1870] : memref<128x63x128xf32, #tpu.memory_space<vmem>>, vector<1x63x128xf32>
    %swap3A_1872 = vector.shape_cast %swap3A_1871 : vector<1x63x128xf32> to vector<63x128xf32>
    %swap3A_1873 = vector.shape_cast %add3A_1867 : vector<63x128xf32> to vector<1x63x128xf32>
    tpu.vector_store %arg5[%swap3A_1868, %swap3A_1869, %swap3A_1870], %swap3A_1873 {strides = array<i32>} : memref<128x63x128xf32, #tpu.memory_space<vmem>>, vector<1x63x128xf32>,
    %get3A_1874 = arith.constant 75 : index
    %get3A_1875 = arith.constant 0 : index
    %get3A_1876 = arith.constant 0 : index
    %get3A_1877 = vector.load %arg1[%get3A_1874, %get3A_1875, %get3A_1876] : memref<128x63x26xf32, #tpu.memory_space<vmem>>, vector<1x63x26xf32>
    %get3A_1878 = vector.shape_cast %get3A_1877 : vector<1x63x26xf32> to vector<63x26xf32>
    %dot_general3A_1879 = arith.constant dense<0.000000e+00> : vector<63x128xf32>
    %dot_general3A_1880 = tpu.matmul %get3A_1878, %get3A_1, %dot_general3A_1879 {dimension_numbers = #tpu.dot_dimension_numbers<[1], [0], [0], [1], [0, 0, 1, 1], [], []>, transpose_lhs_hint = false} : vector<63x26xf32>, vector<26x128xf32>, vector<63x128xf32> -> vector<63x128xf32>
    %get3A_1881 = arith.constant 75 : index
    %get3A_1882 = arith.constant 0 : index
    %get3A_1883 = arith.constant 0 : index
    %get3A_1884 = vector.load %arg2[%get3A_1881, %get3A_1882, %get3A_1883] : memref<128x63x128xf32, #tpu.memory_space<vmem>>, vector<1x63x128xf32>
    %get3A_1885 = vector.shape_cast %get3A_1884 : vector<1x63x128xf32> to vector<63x128xf32>
    %add3A_1886 = arith.addf %dot_general3A_1880, %get3A_1885 : vector<63x128xf32>
    %get3A_1887 = arith.constant 75 : index
    %get3A_1888 = arith.constant 0 : index
    %get3A_1889 = arith.constant 0 : index
    %get3A_1890 = vector.load %arg3[%get3A_1887, %get3A_1888, %get3A_1889] : memref<128x64x128xf32, #tpu.memory_space<vmem>>, vector<1x63x128xf32>
    %get3A_1891 = vector.shape_cast %get3A_1890 : vector<1x63x128xf32> to vector<63x128xf32>
    %add3A_1892 = arith.addf %add3A_1886, %get3A_1891 : vector<63x128xf32>
    %swap3A_1893 = arith.constant 75 : index
    %swap3A_1894 = arith.constant 0 : index
    %swap3A_1895 = arith.constant 0 : index
    %swap3A_1896 = vector.load %arg5[%swap3A_1893, %swap3A_1894, %swap3A_1895] : memref<128x63x128xf32, #tpu.memory_space<vmem>>, vector<1x63x128xf32>
    %swap3A_1897 = vector.shape_cast %swap3A_1896 : vector<1x63x128xf32> to vector<63x128xf32>
    %swap3A_1898 = vector.shape_cast %add3A_1892 : vector<63x128xf32> to vector<1x63x128xf32>
    tpu.vector_store %arg5[%swap3A_1893, %swap3A_1894, %swap3A_1895], %swap3A_1898 {strides = array<i32>} : memref<128x63x128xf32, #tpu.memory_space<vmem>>, vector<1x63x128xf32>,
    %get3A_1899 = arith.constant 76 : index
    %get3A_1900 = arith.constant 0 : index
    %get3A_1901 = arith.constant 0 : index
    %get3A_1902 = vector.load %arg1[%get3A_1899, %get3A_1900, %get3A_1901] : memref<128x63x26xf32, #tpu.memory_space<vmem>>, vector<1x63x26xf32>
    %get3A_1903 = vector.shape_cast %get3A_1902 : vector<1x63x26xf32> to vector<63x26xf32>
    %dot_general3A_1904 = arith.constant dense<0.000000e+00> : vector<63x128xf32>
    %dot_general3A_1905 = tpu.matmul %get3A_1903, %get3A_1, %dot_general3A_1904 {dimension_numbers = #tpu.dot_dimension_numbers<[1], [0], [0], [1], [0, 0, 1, 1], [], []>, transpose_lhs_hint = false} : vector<63x26xf32>, vector<26x128xf32>, vector<63x128xf32> -> vector<63x128xf32>
    %get3A_1906 = arith.constant 76 : index
    %get3A_1907 = arith.constant 0 : index
    %get3A_1908 = arith.constant 0 : index
    %get3A_1909 = vector.load %arg2[%get3A_1906, %get3A_1907, %get3A_1908] : memref<128x63x128xf32, #tpu.memory_space<vmem>>, vector<1x63x128xf32>
    %get3A_1910 = vector.shape_cast %get3A_1909 : vector<1x63x128xf32> to vector<63x128xf32>
    %add3A_1911 = arith.addf %dot_general3A_1905, %get3A_1910 : vector<63x128xf32>
    %get3A_1912 = arith.constant 76 : index
    %get3A_1913 = arith.constant 0 : index
    %get3A_1914 = arith.constant 0 : index
    %get3A_1915 = vector.load %arg3[%get3A_1912, %get3A_1913, %get3A_1914] : memref<128x64x128xf32, #tpu.memory_space<vmem>>, vector<1x63x128xf32>
    %get3A_1916 = vector.shape_cast %get3A_1915 : vector<1x63x128xf32> to vector<63x128xf32>
    %add3A_1917 = arith.addf %add3A_1911, %get3A_1916 : vector<63x128xf32>
    %swap3A_1918 = arith.constant 76 : index
    %swap3A_1919 = arith.constant 0 : index
    %swap3A_1920 = arith.constant 0 : index
    %swap3A_1921 = vector.load %arg5[%swap3A_1918, %swap3A_1919, %swap3A_1920] : memref<128x63x128xf32, #tpu.memory_space<vmem>>, vector<1x63x128xf32>
    %swap3A_1922 = vector.shape_cast %swap3A_1921 : vector<1x63x128xf32> to vector<63x128xf32>
    %swap3A_1923 = vector.shape_cast %add3A_1917 : vector<63x128xf32> to vector<1x63x128xf32>
    tpu.vector_store %arg5[%swap3A_1918, %swap3A_1919, %swap3A_1920], %swap3A_1923 {strides = array<i32>} : memref<128x63x128xf32, #tpu.memory_space<vmem>>, vector<1x63x128xf32>,
    %get3A_1924 = arith.constant 77 : index
    %get3A_1925 = arith.constant 0 : index
    %get3A_1926 = arith.constant 0 : index
    %get3A_1927 = vector.load %arg1[%get3A_1924, %get3A_1925, %get3A_1926] : memref<128x63x26xf32, #tpu.memory_space<vmem>>, vector<1x63x26xf32>
    %get3A_1928 = vector.shape_cast %get3A_1927 : vector<1x63x26xf32> to vector<63x26xf32>
    %dot_general3A_1929 = arith.constant dense<0.000000e+00> : vector<63x128xf32>
    %dot_general3A_1930 = tpu.matmul %get3A_1928, %get3A_1, %dot_general3A_1929 {dimension_numbers = #tpu.dot_dimension_numbers<[1], [0], [0], [1], [0, 0, 1, 1], [], []>, transpose_lhs_hint = false} : vector<63x26xf32>, vector<26x128xf32>, vector<63x128xf32> -> vector<63x128xf32>
    %get3A_1931 = arith.constant 77 : index
    %get3A_1932 = arith.constant 0 : index
    %get3A_1933 = arith.constant 0 : index
    %get3A_1934 = vector.load %arg2[%get3A_1931, %get3A_1932, %get3A_1933] : memref<128x63x128xf32, #tpu.memory_space<vmem>>, vector<1x63x128xf32>
    %get3A_1935 = vector.shape_cast %get3A_1934 : vector<1x63x128xf32> to vector<63x128xf32>
    %add3A_1936 = arith.addf %dot_general3A_1930, %get3A_1935 : vector<63x128xf32>
    %get3A_1937 = arith.constant 77 : index
    %get3A_1938 = arith.constant 0 : index
    %get3A_1939 = arith.constant 0 : index
    %get3A_1940 = vector.load %arg3[%get3A_1937, %get3A_1938, %get3A_1939] : memref<128x64x128xf32, #tpu.memory_space<vmem>>, vector<1x63x128xf32>
    %get3A_1941 = vector.shape_cast %get3A_1940 : vector<1x63x128xf32> to vector<63x128xf32>
    %add3A_1942 = arith.addf %add3A_1936, %get3A_1941 : vector<63x128xf32>
    %swap3A_1943 = arith.constant 77 : index
    %swap3A_1944 = arith.constant 0 : index
    %swap3A_1945 = arith.constant 0 : index
    %swap3A_1946 = vector.load %arg5[%swap3A_1943, %swap3A_1944, %swap3A_1945] : memref<128x63x128xf32, #tpu.memory_space<vmem>>, vector<1x63x128xf32>
    %swap3A_1947 = vector.shape_cast %swap3A_1946 : vector<1x63x128xf32> to vector<63x128xf32>
    %swap3A_1948 = vector.shape_cast %add3A_1942 : vector<63x128xf32> to vector<1x63x128xf32>
    tpu.vector_store %arg5[%swap3A_1943, %swap3A_1944, %swap3A_1945], %swap3A_1948 {strides = array<i32>} : memref<128x63x128xf32, #tpu.memory_space<vmem>>, vector<1x63x128xf32>,
    %get3A_1949 = arith.constant 78 : index
    %get3A_1950 = arith.constant 0 : index
    %get3A_1951 = arith.constant 0 : index
    %get3A_1952 = vector.load %arg1[%get3A_1949, %get3A_1950, %get3A_1951] : memref<128x63x26xf32, #tpu.memory_space<vmem>>, vector<1x63x26xf32>
    %get3A_1953 = vector.shape_cast %get3A_1952 : vector<1x63x26xf32> to vector<63x26xf32>
    %dot_general3A_1954 = arith.constant dense<0.000000e+00> : vector<63x128xf32>
    %dot_general3A_1955 = tpu.matmul %get3A_1953, %get3A_1, %dot_general3A_1954 {dimension_numbers = #tpu.dot_dimension_numbers<[1], [0], [0], [1], [0, 0, 1, 1], [], []>, transpose_lhs_hint = false} : vector<63x26xf32>, vector<26x128xf32>, vector<63x128xf32> -> vector<63x128xf32>
    %get3A_1956 = arith.constant 78 : index
    %get3A_1957 = arith.constant 0 : index
    %get3A_1958 = arith.constant 0 : index
    %get3A_1959 = vector.load %arg2[%get3A_1956, %get3A_1957, %get3A_1958] : memref<128x63x128xf32, #tpu.memory_space<vmem>>, vector<1x63x128xf32>
    %get3A_1960 = vector.shape_cast %get3A_1959 : vector<1x63x128xf32> to vector<63x128xf32>
    %add3A_1961 = arith.addf %dot_general3A_1955, %get3A_1960 : vector<63x128xf32>
    %get3A_1962 = arith.constant 78 : index
    %get3A_1963 = arith.constant 0 : index
    %get3A_1964 = arith.constant 0 : index
    %get3A_1965 = vector.load %arg3[%get3A_1962, %get3A_1963, %get3A_1964] : memref<128x64x128xf32, #tpu.memory_space<vmem>>, vector<1x63x128xf32>
    %get3A_1966 = vector.shape_cast %get3A_1965 : vector<1x63x128xf32> to vector<63x128xf32>
    %add3A_1967 = arith.addf %add3A_1961, %get3A_1966 : vector<63x128xf32>
    %swap3A_1968 = arith.constant 78 : index
    %swap3A_1969 = arith.constant 0 : index
    %swap3A_1970 = arith.constant 0 : index
    %swap3A_1971 = vector.load %arg5[%swap3A_1968, %swap3A_1969, %swap3A_1970] : memref<128x63x128xf32, #tpu.memory_space<vmem>>, vector<1x63x128xf32>
    %swap3A_1972 = vector.shape_cast %swap3A_1971 : vector<1x63x128xf32> to vector<63x128xf32>
    %swap3A_1973 = vector.shape_cast %add3A_1967 : vector<63x128xf32> to vector<1x63x128xf32>
    tpu.vector_store %arg5[%swap3A_1968, %swap3A_1969, %swap3A_1970], %swap3A_1973 {strides = array<i32>} : memref<128x63x128xf32, #tpu.memory_space<vmem>>, vector<1x63x128xf32>,
    %get3A_1974 = arith.constant 79 : index
    %get3A_1975 = arith.constant 0 : index
    %get3A_1976 = arith.constant 0 : index
    %get3A_1977 = vector.load %arg1[%get3A_1974, %get3A_1975, %get3A_1976] : memref<128x63x26xf32, #tpu.memory_space<vmem>>, vector<1x63x26xf32>
    %get3A_1978 = vector.shape_cast %get3A_1977 : vector<1x63x26xf32> to vector<63x26xf32>
    %dot_general3A_1979 = arith.constant dense<0.000000e+00> : vector<63x128xf32>
    %dot_general3A_1980 = tpu.matmul %get3A_1978, %get3A_1, %dot_general3A_1979 {dimension_numbers = #tpu.dot_dimension_numbers<[1], [0], [0], [1], [0, 0, 1, 1], [], []>, transpose_lhs_hint = false} : vector<63x26xf32>, vector<26x128xf32>, vector<63x128xf32> -> vector<63x128xf32>
    %get3A_1981 = arith.constant 79 : index
    %get3A_1982 = arith.constant 0 : index
    %get3A_1983 = arith.constant 0 : index
    %get3A_1984 = vector.load %arg2[%get3A_1981, %get3A_1982, %get3A_1983] : memref<128x63x128xf32, #tpu.memory_space<vmem>>, vector<1x63x128xf32>
    %get3A_1985 = vector.shape_cast %get3A_1984 : vector<1x63x128xf32> to vector<63x128xf32>
    %add3A_1986 = arith.addf %dot_general3A_1980, %get3A_1985 : vector<63x128xf32>
    %get3A_1987 = arith.constant 79 : index
    %get3A_1988 = arith.constant 0 : index
    %get3A_1989 = arith.constant 0 : index
    %get3A_1990 = vector.load %arg3[%get3A_1987, %get3A_1988, %get3A_1989] : memref<128x64x128xf32, #tpu.memory_space<vmem>>, vector<1x63x128xf32>
    %get3A_1991 = vector.shape_cast %get3A_1990 : vector<1x63x128xf32> to vector<63x128xf32>
    %add3A_1992 = arith.addf %add3A_1986, %get3A_1991 : vector<63x128xf32>
    %swap3A_1993 = arith.constant 79 : index
    %swap3A_1994 = arith.constant 0 : index
    %swap3A_1995 = arith.constant 0 : index
    %swap3A_1996 = vector.load %arg5[%swap3A_1993, %swap3A_1994, %swap3A_1995] : memref<128x63x128xf32, #tpu.memory_space<vmem>>, vector<1x63x128xf32>
    %swap3A_1997 = vector.shape_cast %swap3A_1996 : vector<1x63x128xf32> to vector<63x128xf32>
    %swap3A_1998 = vector.shape_cast %add3A_1992 : vector<63x128xf32> to vector<1x63x128xf32>
    tpu.vector_store %arg5[%swap3A_1993, %swap3A_1994, %swap3A_1995], %swap3A_1998 {strides = array<i32>} : memref<128x63x128xf32, #tpu.memory_space<vmem>>, vector<1x63x128xf32>,
    %get3A_1999 = arith.constant 80 : index
    %get3A_2000 = arith.constant 0 : index
    %get3A_2001 = arith.constant 0 : index
    %get3A_2002 = vector.load %arg1[%get3A_1999, %get3A_2000, %get3A_2001] : memref<128x63x26xf32, #tpu.memory_space<vmem>>, vector<1x63x26xf32>
    %get3A_2003 = vector.shape_cast %get3A_2002 : vector<1x63x26xf32> to vector<63x26xf32>
    %dot_general3A_2004 = arith.constant dense<0.000000e+00> : vector<63x128xf32>
    %dot_general3A_2005 = tpu.matmul %get3A_2003, %get3A_1, %dot_general3A_2004 {dimension_numbers = #tpu.dot_dimension_numbers<[1], [0], [0], [1], [0, 0, 1, 1], [], []>, transpose_lhs_hint = false} : vector<63x26xf32>, vector<26x128xf32>, vector<63x128xf32> -> vector<63x128xf32>
    %get3A_2006 = arith.constant 80 : index
    %get3A_2007 = arith.constant 0 : index
    %get3A_2008 = arith.constant 0 : index
    %get3A_2009 = vector.load %arg2[%get3A_2006, %get3A_2007, %get3A_2008] : memref<128x63x128xf32, #tpu.memory_space<vmem>>, vector<1x63x128xf32>
    %get3A_2010 = vector.shape_cast %get3A_2009 : vector<1x63x128xf32> to vector<63x128xf32>
    %add3A_2011 = arith.addf %dot_general3A_2005, %get3A_2010 : vector<63x128xf32>
    %get3A_2012 = arith.constant 80 : index
    %get3A_2013 = arith.constant 0 : index
    %get3A_2014 = arith.constant 0 : index
    %get3A_2015 = vector.load %arg3[%get3A_2012, %get3A_2013, %get3A_2014] : memref<128x64x128xf32, #tpu.memory_space<vmem>>, vector<1x63x128xf32>
    %get3A_2016 = vector.shape_cast %get3A_2015 : vector<1x63x128xf32> to vector<63x128xf32>
    %add3A_2017 = arith.addf %add3A_2011, %get3A_2016 : vector<63x128xf32>
    %swap3A_2018 = arith.constant 80 : index
    %swap3A_2019 = arith.constant 0 : index
    %swap3A_2020 = arith.constant 0 : index
    %swap3A_2021 = vector.load %arg5[%swap3A_2018, %swap3A_2019, %swap3A_2020] : memref<128x63x128xf32, #tpu.memory_space<vmem>>, vector<1x63x128xf32>
    %swap3A_2022 = vector.shape_cast %swap3A_2021 : vector<1x63x128xf32> to vector<63x128xf32>
    %swap3A_2023 = vector.shape_cast %add3A_2017 : vector<63x128xf32> to vector<1x63x128xf32>
    tpu.vector_store %arg5[%swap3A_2018, %swap3A_2019, %swap3A_2020], %swap3A_2023 {strides = array<i32>} : memref<128x63x128xf32, #tpu.memory_space<vmem>>, vector<1x63x128xf32>,
    %get3A_2024 = arith.constant 81 : index
    %get3A_2025 = arith.constant 0 : index
    %get3A_2026 = arith.constant 0 : index
    %get3A_2027 = vector.load %arg1[%get3A_2024, %get3A_2025, %get3A_2026] : memref<128x63x26xf32, #tpu.memory_space<vmem>>, vector<1x63x26xf32>
    %get3A_2028 = vector.shape_cast %get3A_2027 : vector<1x63x26xf32> to vector<63x26xf32>
    %dot_general3A_2029 = arith.constant dense<0.000000e+00> : vector<63x128xf32>
    %dot_general3A_2030 = tpu.matmul %get3A_2028, %get3A_1, %dot_general3A_2029 {dimension_numbers = #tpu.dot_dimension_numbers<[1], [0], [0], [1], [0, 0, 1, 1], [], []>, transpose_lhs_hint = false} : vector<63x26xf32>, vector<26x128xf32>, vector<63x128xf32> -> vector<63x128xf32>
    %get3A_2031 = arith.constant 81 : index
    %get3A_2032 = arith.constant 0 : index
    %get3A_2033 = arith.constant 0 : index
    %get3A_2034 = vector.load %arg2[%get3A_2031, %get3A_2032, %get3A_2033] : memref<128x63x128xf32, #tpu.memory_space<vmem>>, vector<1x63x128xf32>
    %get3A_2035 = vector.shape_cast %get3A_2034 : vector<1x63x128xf32> to vector<63x128xf32>
    %add3A_2036 = arith.addf %dot_general3A_2030, %get3A_2035 : vector<63x128xf32>
    %get3A_2037 = arith.constant 81 : index
    %get3A_2038 = arith.constant 0 : index
    %get3A_2039 = arith.constant 0 : index
    %get3A_2040 = vector.load %arg3[%get3A_2037, %get3A_2038, %get3A_2039] : memref<128x64x128xf32, #tpu.memory_space<vmem>>, vector<1x63x128xf32>
    %get3A_2041 = vector.shape_cast %get3A_2040 : vector<1x63x128xf32> to vector<63x128xf32>
    %add3A_2042 = arith.addf %add3A_2036, %get3A_2041 : vector<63x128xf32>
    %swap3A_2043 = arith.constant 81 : index
    %swap3A_2044 = arith.constant 0 : index
    %swap3A_2045 = arith.constant 0 : index
    %swap3A_2046 = vector.load %arg5[%swap3A_2043, %swap3A_2044, %swap3A_2045] : memref<128x63x128xf32, #tpu.memory_space<vmem>>, vector<1x63x128xf32>
    %swap3A_2047 = vector.shape_cast %swap3A_2046 : vector<1x63x128xf32> to vector<63x128xf32>
    %swap3A_2048 = vector.shape_cast %add3A_2042 : vector<63x128xf32> to vector<1x63x128xf32>
    tpu.vector_store %arg5[%swap3A_2043, %swap3A_2044, %swap3A_2045], %swap3A_2048 {strides = array<i32>} : memref<128x63x128xf32, #tpu.memory_space<vmem>>, vector<1x63x128xf32>,
    %get3A_2049 = arith.constant 82 : index
    %get3A_2050 = arith.constant 0 : index
    %get3A_2051 = arith.constant 0 : index
    %get3A_2052 = vector.load %arg1[%get3A_2049, %get3A_2050, %get3A_2051] : memref<128x63x26xf32, #tpu.memory_space<vmem>>, vector<1x63x26xf32>
    %get3A_2053 = vector.shape_cast %get3A_2052 : vector<1x63x26xf32> to vector<63x26xf32>
    %dot_general3A_2054 = arith.constant dense<0.000000e+00> : vector<63x128xf32>
    %dot_general3A_2055 = tpu.matmul %get3A_2053, %get3A_1, %dot_general3A_2054 {dimension_numbers = #tpu.dot_dimension_numbers<[1], [0], [0], [1], [0, 0, 1, 1], [], []>, transpose_lhs_hint = false} : vector<63x26xf32>, vector<26x128xf32>, vector<63x128xf32> -> vector<63x128xf32>
    %get3A_2056 = arith.constant 82 : index
    %get3A_2057 = arith.constant 0 : index
    %get3A_2058 = arith.constant 0 : index
    %get3A_2059 = vector.load %arg2[%get3A_2056, %get3A_2057, %get3A_2058] : memref<128x63x128xf32, #tpu.memory_space<vmem>>, vector<1x63x128xf32>
    %get3A_2060 = vector.shape_cast %get3A_2059 : vector<1x63x128xf32> to vector<63x128xf32>
    %add3A_2061 = arith.addf %dot_general3A_2055, %get3A_2060 : vector<63x128xf32>
    %get3A_2062 = arith.constant 82 : index
    %get3A_2063 = arith.constant 0 : index
    %get3A_2064 = arith.constant 0 : index
    %get3A_2065 = vector.load %arg3[%get3A_2062, %get3A_2063, %get3A_2064] : memref<128x64x128xf32, #tpu.memory_space<vmem>>, vector<1x63x128xf32>
    %get3A_2066 = vector.shape_cast %get3A_2065 : vector<1x63x128xf32> to vector<63x128xf32>
    %add3A_2067 = arith.addf %add3A_2061, %get3A_2066 : vector<63x128xf32>
    %swap3A_2068 = arith.constant 82 : index
    %swap3A_2069 = arith.constant 0 : index
    %swap3A_2070 = arith.constant 0 : index
    %swap3A_2071 = vector.load %arg5[%swap3A_2068, %swap3A_2069, %swap3A_2070] : memref<128x63x128xf32, #tpu.memory_space<vmem>>, vector<1x63x128xf32>
    %swap3A_2072 = vector.shape_cast %swap3A_2071 : vector<1x63x128xf32> to vector<63x128xf32>
    %swap3A_2073 = vector.shape_cast %add3A_2067 : vector<63x128xf32> to vector<1x63x128xf32>
    tpu.vector_store %arg5[%swap3A_2068, %swap3A_2069, %swap3A_2070], %swap3A_2073 {strides = array<i32>} : memref<128x63x128xf32, #tpu.memory_space<vmem>>, vector<1x63x128xf32>,
    %get3A_2074 = arith.constant 83 : index
    %get3A_2075 = arith.constant 0 : index
    %get3A_2076 = arith.constant 0 : index
    %get3A_2077 = vector.load %arg1[%get3A_2074, %get3A_2075, %get3A_2076] : memref<128x63x26xf32, #tpu.memory_space<vmem>>, vector<1x63x26xf32>
    %get3A_2078 = vector.shape_cast %get3A_2077 : vector<1x63x26xf32> to vector<63x26xf32>
    %dot_general3A_2079 = arith.constant dense<0.000000e+00> : vector<63x128xf32>
    %dot_general3A_2080 = tpu.matmul %get3A_2078, %get3A_1, %dot_general3A_2079 {dimension_numbers = #tpu.dot_dimension_numbers<[1], [0], [0], [1], [0, 0, 1, 1], [], []>, transpose_lhs_hint = false} : vector<63x26xf32>, vector<26x128xf32>, vector<63x128xf32> -> vector<63x128xf32>
    %get3A_2081 = arith.constant 83 : index
    %get3A_2082 = arith.constant 0 : index
    %get3A_2083 = arith.constant 0 : index
    %get3A_2084 = vector.load %arg2[%get3A_2081, %get3A_2082, %get3A_2083] : memref<128x63x128xf32, #tpu.memory_space<vmem>>, vector<1x63x128xf32>
    %get3A_2085 = vector.shape_cast %get3A_2084 : vector<1x63x128xf32> to vector<63x128xf32>
    %add3A_2086 = arith.addf %dot_general3A_2080, %get3A_2085 : vector<63x128xf32>
    %get3A_2087 = arith.constant 83 : index
    %get3A_2088 = arith.constant 0 : index
    %get3A_2089 = arith.constant 0 : index
    %get3A_2090 = vector.load %arg3[%get3A_2087, %get3A_2088, %get3A_2089] : memref<128x64x128xf32, #tpu.memory_space<vmem>>, vector<1x63x128xf32>
    %get3A_2091 = vector.shape_cast %get3A_2090 : vector<1x63x128xf32> to vector<63x128xf32>
    %add3A_2092 = arith.addf %add3A_2086, %get3A_2091 : vector<63x128xf32>
    %swap3A_2093 = arith.constant 83 : index
    %swap3A_2094 = arith.constant 0 : index
    %swap3A_2095 = arith.constant 0 : index
    %swap3A_2096 = vector.load %arg5[%swap3A_2093, %swap3A_2094, %swap3A_2095] : memref<128x63x128xf32, #tpu.memory_space<vmem>>, vector<1x63x128xf32>
    %swap3A_2097 = vector.shape_cast %swap3A_2096 : vector<1x63x128xf32> to vector<63x128xf32>
    %swap3A_2098 = vector.shape_cast %add3A_2092 : vector<63x128xf32> to vector<1x63x128xf32>
    tpu.vector_store %arg5[%swap3A_2093, %swap3A_2094, %swap3A_2095], %swap3A_2098 {strides = array<i32>} : memref<128x63x128xf32, #tpu.memory_space<vmem>>, vector<1x63x128xf32>,
    %get3A_2099 = arith.constant 84 : index
    %get3A_2100 = arith.constant 0 : index
    %get3A_2101 = arith.constant 0 : index
    %get3A_2102 = vector.load %arg1[%get3A_2099, %get3A_2100, %get3A_2101] : memref<128x63x26xf32, #tpu.memory_space<vmem>>, vector<1x63x26xf32>
    %get3A_2103 = vector.shape_cast %get3A_2102 : vector<1x63x26xf32> to vector<63x26xf32>
    %dot_general3A_2104 = arith.constant dense<0.000000e+00> : vector<63x128xf32>
    %dot_general3A_2105 = tpu.matmul %get3A_2103, %get3A_1, %dot_general3A_2104 {dimension_numbers = #tpu.dot_dimension_numbers<[1], [0], [0], [1], [0, 0, 1, 1], [], []>, transpose_lhs_hint = false} : vector<63x26xf32>, vector<26x128xf32>, vector<63x128xf32> -> vector<63x128xf32>
    %get3A_2106 = arith.constant 84 : index
    %get3A_2107 = arith.constant 0 : index
    %get3A_2108 = arith.constant 0 : index
    %get3A_2109 = vector.load %arg2[%get3A_2106, %get3A_2107, %get3A_2108] : memref<128x63x128xf32, #tpu.memory_space<vmem>>, vector<1x63x128xf32>
    %get3A_2110 = vector.shape_cast %get3A_2109 : vector<1x63x128xf32> to vector<63x128xf32>
    %add3A_2111 = arith.addf %dot_general3A_2105, %get3A_2110 : vector<63x128xf32>
    %get3A_2112 = arith.constant 84 : index
    %get3A_2113 = arith.constant 0 : index
    %get3A_2114 = arith.constant 0 : index
    %get3A_2115 = vector.load %arg3[%get3A_2112, %get3A_2113, %get3A_2114] : memref<128x64x128xf32, #tpu.memory_space<vmem>>, vector<1x63x128xf32>
    %get3A_2116 = vector.shape_cast %get3A_2115 : vector<1x63x128xf32> to vector<63x128xf32>
    %add3A_2117 = arith.addf %add3A_2111, %get3A_2116 : vector<63x128xf32>
    %swap3A_2118 = arith.constant 84 : index
    %swap3A_2119 = arith.constant 0 : index
    %swap3A_2120 = arith.constant 0 : index
    %swap3A_2121 = vector.load %arg5[%swap3A_2118, %swap3A_2119, %swap3A_2120] : memref<128x63x128xf32, #tpu.memory_space<vmem>>, vector<1x63x128xf32>
    %swap3A_2122 = vector.shape_cast %swap3A_2121 : vector<1x63x128xf32> to vector<63x128xf32>
    %swap3A_2123 = vector.shape_cast %add3A_2117 : vector<63x128xf32> to vector<1x63x128xf32>
    tpu.vector_store %arg5[%swap3A_2118, %swap3A_2119, %swap3A_2120], %swap3A_2123 {strides = array<i32>} : memref<128x63x128xf32, #tpu.memory_space<vmem>>, vector<1x63x128xf32>,
    %get3A_2124 = arith.constant 85 : index
    %get3A_2125 = arith.constant 0 : index
    %get3A_2126 = arith.constant 0 : index
    %get3A_2127 = vector.load %arg1[%get3A_2124, %get3A_2125, %get3A_2126] : memref<128x63x26xf32, #tpu.memory_space<vmem>>, vector<1x63x26xf32>
    %get3A_2128 = vector.shape_cast %get3A_2127 : vector<1x63x26xf32> to vector<63x26xf32>
    %dot_general3A_2129 = arith.constant dense<0.000000e+00> : vector<63x128xf32>
    %dot_general3A_2130 = tpu.matmul %get3A_2128, %get3A_1, %dot_general3A_2129 {dimension_numbers = #tpu.dot_dimension_numbers<[1], [0], [0], [1], [0, 0, 1, 1], [], []>, transpose_lhs_hint = false} : vector<63x26xf32>, vector<26x128xf32>, vector<63x128xf32> -> vector<63x128xf32>
    %get3A_2131 = arith.constant 85 : index
    %get3A_2132 = arith.constant 0 : index
    %get3A_2133 = arith.constant 0 : index
    %get3A_2134 = vector.load %arg2[%get3A_2131, %get3A_2132, %get3A_2133] : memref<128x63x128xf32, #tpu.memory_space<vmem>>, vector<1x63x128xf32>
    %get3A_2135 = vector.shape_cast %get3A_2134 : vector<1x63x128xf32> to vector<63x128xf32>
    %add3A_2136 = arith.addf %dot_general3A_2130, %get3A_2135 : vector<63x128xf32>
    %get3A_2137 = arith.constant 85 : index
    %get3A_2138 = arith.constant 0 : index
    %get3A_2139 = arith.constant 0 : index
    %get3A_2140 = vector.load %arg3[%get3A_2137, %get3A_2138, %get3A_2139] : memref<128x64x128xf32, #tpu.memory_space<vmem>>, vector<1x63x128xf32>
    %get3A_2141 = vector.shape_cast %get3A_2140 : vector<1x63x128xf32> to vector<63x128xf32>
    %add3A_2142 = arith.addf %add3A_2136, %get3A_2141 : vector<63x128xf32>
    %swap3A_2143 = arith.constant 85 : index
    %swap3A_2144 = arith.constant 0 : index
    %swap3A_2145 = arith.constant 0 : index
    %swap3A_2146 = vector.load %arg5[%swap3A_2143, %swap3A_2144, %swap3A_2145] : memref<128x63x128xf32, #tpu.memory_space<vmem>>, vector<1x63x128xf32>
    %swap3A_2147 = vector.shape_cast %swap3A_2146 : vector<1x63x128xf32> to vector<63x128xf32>
    %swap3A_2148 = vector.shape_cast %add3A_2142 : vector<63x128xf32> to vector<1x63x128xf32>
    tpu.vector_store %arg5[%swap3A_2143, %swap3A_2144, %swap3A_2145], %swap3A_2148 {strides = array<i32>} : memref<128x63x128xf32, #tpu.memory_space<vmem>>, vector<1x63x128xf32>,
    %get3A_2149 = arith.constant 86 : index
    %get3A_2150 = arith.constant 0 : index
    %get3A_2151 = arith.constant 0 : index
    %get3A_2152 = vector.load %arg1[%get3A_2149, %get3A_2150, %get3A_2151] : memref<128x63x26xf32, #tpu.memory_space<vmem>>, vector<1x63x26xf32>
    %get3A_2153 = vector.shape_cast %get3A_2152 : vector<1x63x26xf32> to vector<63x26xf32>
    %dot_general3A_2154 = arith.constant dense<0.000000e+00> : vector<63x128xf32>
    %dot_general3A_2155 = tpu.matmul %get3A_2153, %get3A_1, %dot_general3A_2154 {dimension_numbers = #tpu.dot_dimension_numbers<[1], [0], [0], [1], [0, 0, 1, 1], [], []>, transpose_lhs_hint = false} : vector<63x26xf32>, vector<26x128xf32>, vector<63x128xf32> -> vector<63x128xf32>
    %get3A_2156 = arith.constant 86 : index
    %get3A_2157 = arith.constant 0 : index
    %get3A_2158 = arith.constant 0 : index
    %get3A_2159 = vector.load %arg2[%get3A_2156, %get3A_2157, %get3A_2158] : memref<128x63x128xf32, #tpu.memory_space<vmem>>, vector<1x63x128xf32>
    %get3A_2160 = vector.shape_cast %get3A_2159 : vector<1x63x128xf32> to vector<63x128xf32>
    %add3A_2161 = arith.addf %dot_general3A_2155, %get3A_2160 : vector<63x128xf32>
    %get3A_2162 = arith.constant 86 : index
    %get3A_2163 = arith.constant 0 : index
    %get3A_2164 = arith.constant 0 : index
    %get3A_2165 = vector.load %arg3[%get3A_2162, %get3A_2163, %get3A_2164] : memref<128x64x128xf32, #tpu.memory_space<vmem>>, vector<1x63x128xf32>
    %get3A_2166 = vector.shape_cast %get3A_2165 : vector<1x63x128xf32> to vector<63x128xf32>
    %add3A_2167 = arith.addf %add3A_2161, %get3A_2166 : vector<63x128xf32>
    %swap3A_2168 = arith.constant 86 : index
    %swap3A_2169 = arith.constant 0 : index
    %swap3A_2170 = arith.constant 0 : index
    %swap3A_2171 = vector.load %arg5[%swap3A_2168, %swap3A_2169, %swap3A_2170] : memref<128x63x128xf32, #tpu.memory_space<vmem>>, vector<1x63x128xf32>
    %swap3A_2172 = vector.shape_cast %swap3A_2171 : vector<1x63x128xf32> to vector<63x128xf32>
    %swap3A_2173 = vector.shape_cast %add3A_2167 : vector<63x128xf32> to vector<1x63x128xf32>
    tpu.vector_store %arg5[%swap3A_2168, %swap3A_2169, %swap3A_2170], %swap3A_2173 {strides = array<i32>} : memref<128x63x128xf32, #tpu.memory_space<vmem>>, vector<1x63x128xf32>,
    %get3A_2174 = arith.constant 87 : index
    %get3A_2175 = arith.constant 0 : index
    %get3A_2176 = arith.constant 0 : index
    %get3A_2177 = vector.load %arg1[%get3A_2174, %get3A_2175, %get3A_2176] : memref<128x63x26xf32, #tpu.memory_space<vmem>>, vector<1x63x26xf32>
    %get3A_2178 = vector.shape_cast %get3A_2177 : vector<1x63x26xf32> to vector<63x26xf32>
    %dot_general3A_2179 = arith.constant dense<0.000000e+00> : vector<63x128xf32>
    %dot_general3A_2180 = tpu.matmul %get3A_2178, %get3A_1, %dot_general3A_2179 {dimension_numbers = #tpu.dot_dimension_numbers<[1], [0], [0], [1], [0, 0, 1, 1], [], []>, transpose_lhs_hint = false} : vector<63x26xf32>, vector<26x128xf32>, vector<63x128xf32> -> vector<63x128xf32>
    %get3A_2181 = arith.constant 87 : index
    %get3A_2182 = arith.constant 0 : index
    %get3A_2183 = arith.constant 0 : index
    %get3A_2184 = vector.load %arg2[%get3A_2181, %get3A_2182, %get3A_2183] : memref<128x63x128xf32, #tpu.memory_space<vmem>>, vector<1x63x128xf32>
    %get3A_2185 = vector.shape_cast %get3A_2184 : vector<1x63x128xf32> to vector<63x128xf32>
    %add3A_2186 = arith.addf %dot_general3A_2180, %get3A_2185 : vector<63x128xf32>
    %get3A_2187 = arith.constant 87 : index
    %get3A_2188 = arith.constant 0 : index
    %get3A_2189 = arith.constant 0 : index
    %get3A_2190 = vector.load %arg3[%get3A_2187, %get3A_2188, %get3A_2189] : memref<128x64x128xf32, #tpu.memory_space<vmem>>, vector<1x63x128xf32>
    %get3A_2191 = vector.shape_cast %get3A_2190 : vector<1x63x128xf32> to vector<63x128xf32>
    %add3A_2192 = arith.addf %add3A_2186, %get3A_2191 : vector<63x128xf32>
    %swap3A_2193 = arith.constant 87 : index
    %swap3A_2194 = arith.constant 0 : index
    %swap3A_2195 = arith.constant 0 : index
    %swap3A_2196 = vector.load %arg5[%swap3A_2193, %swap3A_2194, %swap3A_2195] : memref<128x63x128xf32, #tpu.memory_space<vmem>>, vector<1x63x128xf32>
    %swap3A_2197 = vector.shape_cast %swap3A_2196 : vector<1x63x128xf32> to vector<63x128xf32>
    %swap3A_2198 = vector.shape_cast %add3A_2192 : vector<63x128xf32> to vector<1x63x128xf32>
    tpu.vector_store %arg5[%swap3A_2193, %swap3A_2194, %swap3A_2195], %swap3A_2198 {strides = array<i32>} : memref<128x63x128xf32, #tpu.memory_space<vmem>>, vector<1x63x128xf32>,
    %get3A_2199 = arith.constant 88 : index
    %get3A_2200 = arith.constant 0 : index
    %get3A_2201 = arith.constant 0 : index
    %get3A_2202 = vector.load %arg1[%get3A_2199, %get3A_2200, %get3A_2201] : memref<128x63x26xf32, #tpu.memory_space<vmem>>, vector<1x63x26xf32>
    %get3A_2203 = vector.shape_cast %get3A_2202 : vector<1x63x26xf32> to vector<63x26xf32>
    %dot_general3A_2204 = arith.constant dense<0.000000e+00> : vector<63x128xf32>
    %dot_general3A_2205 = tpu.matmul %get3A_2203, %get3A_1, %dot_general3A_2204 {dimension_numbers = #tpu.dot_dimension_numbers<[1], [0], [0], [1], [0, 0, 1, 1], [], []>, transpose_lhs_hint = false} : vector<63x26xf32>, vector<26x128xf32>, vector<63x128xf32> -> vector<63x128xf32>
    %get3A_2206 = arith.constant 88 : index
    %get3A_2207 = arith.constant 0 : index
    %get3A_2208 = arith.constant 0 : index
    %get3A_2209 = vector.load %arg2[%get3A_2206, %get3A_2207, %get3A_2208] : memref<128x63x128xf32, #tpu.memory_space<vmem>>, vector<1x63x128xf32>
    %get3A_2210 = vector.shape_cast %get3A_2209 : vector<1x63x128xf32> to vector<63x128xf32>
    %add3A_2211 = arith.addf %dot_general3A_2205, %get3A_2210 : vector<63x128xf32>
    %get3A_2212 = arith.constant 88 : index
    %get3A_2213 = arith.constant 0 : index
    %get3A_2214 = arith.constant 0 : index
    %get3A_2215 = vector.load %arg3[%get3A_2212, %get3A_2213, %get3A_2214] : memref<128x64x128xf32, #tpu.memory_space<vmem>>, vector<1x63x128xf32>
    %get3A_2216 = vector.shape_cast %get3A_2215 : vector<1x63x128xf32> to vector<63x128xf32>
    %add3A_2217 = arith.addf %add3A_2211, %get3A_2216 : vector<63x128xf32>
    %swap3A_2218 = arith.constant 88 : index
    %swap3A_2219 = arith.constant 0 : index
    %swap3A_2220 = arith.constant 0 : index
    %swap3A_2221 = vector.load %arg5[%swap3A_2218, %swap3A_2219, %swap3A_2220] : memref<128x63x128xf32, #tpu.memory_space<vmem>>, vector<1x63x128xf32>
    %swap3A_2222 = vector.shape_cast %swap3A_2221 : vector<1x63x128xf32> to vector<63x128xf32>
    %swap3A_2223 = vector.shape_cast %add3A_2217 : vector<63x128xf32> to vector<1x63x128xf32>
    tpu.vector_store %arg5[%swap3A_2218, %swap3A_2219, %swap3A_2220], %swap3A_2223 {strides = array<i32>} : memref<128x63x128xf32, #tpu.memory_space<vmem>>, vector<1x63x128xf32>,
    %get3A_2224 = arith.constant 89 : index
    %get3A_2225 = arith.constant 0 : index
    %get3A_2226 = arith.constant 0 : index
    %get3A_2227 = vector.load %arg1[%get3A_2224, %get3A_2225, %get3A_2226] : memref<128x63x26xf32, #tpu.memory_space<vmem>>, vector<1x63x26xf32>
    %get3A_2228 = vector.shape_cast %get3A_2227 : vector<1x63x26xf32> to vector<63x26xf32>
    %dot_general3A_2229 = arith.constant dense<0.000000e+00> : vector<63x128xf32>
    %dot_general3A_2230 = tpu.matmul %get3A_2228, %get3A_1, %dot_general3A_2229 {dimension_numbers = #tpu.dot_dimension_numbers<[1], [0], [0], [1], [0, 0, 1, 1], [], []>, transpose_lhs_hint = false} : vector<63x26xf32>, vector<26x128xf32>, vector<63x128xf32> -> vector<63x128xf32>
    %get3A_2231 = arith.constant 89 : index
    %get3A_2232 = arith.constant 0 : index
    %get3A_2233 = arith.constant 0 : index
    %get3A_2234 = vector.load %arg2[%get3A_2231, %get3A_2232, %get3A_2233] : memref<128x63x128xf32, #tpu.memory_space<vmem>>, vector<1x63x128xf32>
    %get3A_2235 = vector.shape_cast %get3A_2234 : vector<1x63x128xf32> to vector<63x128xf32>
    %add3A_2236 = arith.addf %dot_general3A_2230, %get3A_2235 : vector<63x128xf32>
    %get3A_2237 = arith.constant 89 : index
    %get3A_2238 = arith.constant 0 : index
    %get3A_2239 = arith.constant 0 : index
    %get3A_2240 = vector.load %arg3[%get3A_2237, %get3A_2238, %get3A_2239] : memref<128x64x128xf32, #tpu.memory_space<vmem>>, vector<1x63x128xf32>
    %get3A_2241 = vector.shape_cast %get3A_2240 : vector<1x63x128xf32> to vector<63x128xf32>
    %add3A_2242 = arith.addf %add3A_2236, %get3A_2241 : vector<63x128xf32>
    %swap3A_2243 = arith.constant 89 : index
    %swap3A_2244 = arith.constant 0 : index
    %swap3A_2245 = arith.constant 0 : index
    %swap3A_2246 = vector.load %arg5[%swap3A_2243, %swap3A_2244, %swap3A_2245] : memref<128x63x128xf32, #tpu.memory_space<vmem>>, vector<1x63x128xf32>
    %swap3A_2247 = vector.shape_cast %swap3A_2246 : vector<1x63x128xf32> to vector<63x128xf32>
    %swap3A_2248 = vector.shape_cast %add3A_2242 : vector<63x128xf32> to vector<1x63x128xf32>
    tpu.vector_store %arg5[%swap3A_2243, %swap3A_2244, %swap3A_2245], %swap3A_2248 {strides = array<i32>} : memref<128x63x128xf32, #tpu.memory_space<vmem>>, vector<1x63x128xf32>,
    %get3A_2249 = arith.constant 90 : index
    %get3A_2250 = arith.constant 0 : index
    %get3A_2251 = arith.constant 0 : index
    %get3A_2252 = vector.load %arg1[%get3A_2249, %get3A_2250, %get3A_2251] : memref<128x63x26xf32, #tpu.memory_space<vmem>>, vector<1x63x26xf32>
    %get3A_2253 = vector.shape_cast %get3A_2252 : vector<1x63x26xf32> to vector<63x26xf32>
    %dot_general3A_2254 = arith.constant dense<0.000000e+00> : vector<63x128xf32>
    %dot_general3A_2255 = tpu.matmul %get3A_2253, %get3A_1, %dot_general3A_2254 {dimension_numbers = #tpu.dot_dimension_numbers<[1], [0], [0], [1], [0, 0, 1, 1], [], []>, transpose_lhs_hint = false} : vector<63x26xf32>, vector<26x128xf32>, vector<63x128xf32> -> vector<63x128xf32>
    %get3A_2256 = arith.constant 90 : index
    %get3A_2257 = arith.constant 0 : index
    %get3A_2258 = arith.constant 0 : index
    %get3A_2259 = vector.load %arg2[%get3A_2256, %get3A_2257, %get3A_2258] : memref<128x63x128xf32, #tpu.memory_space<vmem>>, vector<1x63x128xf32>
    %get3A_2260 = vector.shape_cast %get3A_2259 : vector<1x63x128xf32> to vector<63x128xf32>
    %add3A_2261 = arith.addf %dot_general3A_2255, %get3A_2260 : vector<63x128xf32>
    %get3A_2262 = arith.constant 90 : index
    %get3A_2263 = arith.constant 0 : index
    %get3A_2264 = arith.constant 0 : index
    %get3A_2265 = vector.load %arg3[%get3A_2262, %get3A_2263, %get3A_2264] : memref<128x64x128xf32, #tpu.memory_space<vmem>>, vector<1x63x128xf32>
    %get3A_2266 = vector.shape_cast %get3A_2265 : vector<1x63x128xf32> to vector<63x128xf32>
    %add3A_2267 = arith.addf %add3A_2261, %get3A_2266 : vector<63x128xf32>
    %swap3A_2268 = arith.constant 90 : index
    %swap3A_2269 = arith.constant 0 : index
    %swap3A_2270 = arith.constant 0 : index
    %swap3A_2271 = vector.load %arg5[%swap3A_2268, %swap3A_2269, %swap3A_2270] : memref<128x63x128xf32, #tpu.memory_space<vmem>>, vector<1x63x128xf32>
    %swap3A_2272 = vector.shape_cast %swap3A_2271 : vector<1x63x128xf32> to vector<63x128xf32>
    %swap3A_2273 = vector.shape_cast %add3A_2267 : vector<63x128xf32> to vector<1x63x128xf32>
    tpu.vector_store %arg5[%swap3A_2268, %swap3A_2269, %swap3A_2270], %swap3A_2273 {strides = array<i32>} : memref<128x63x128xf32, #tpu.memory_space<vmem>>, vector<1x63x128xf32>,
    %get3A_2274 = arith.constant 91 : index
    %get3A_2275 = arith.constant 0 : index
    %get3A_2276 = arith.constant 0 : index
    %get3A_2277 = vector.load %arg1[%get3A_2274, %get3A_2275, %get3A_2276] : memref<128x63x26xf32, #tpu.memory_space<vmem>>, vector<1x63x26xf32>
    %get3A_2278 = vector.shape_cast %get3A_2277 : vector<1x63x26xf32> to vector<63x26xf32>
    %dot_general3A_2279 = arith.constant dense<0.000000e+00> : vector<63x128xf32>
    %dot_general3A_2280 = tpu.matmul %get3A_2278, %get3A_1, %dot_general3A_2279 {dimension_numbers = #tpu.dot_dimension_numbers<[1], [0], [0], [1], [0, 0, 1, 1], [], []>, transpose_lhs_hint = false} : vector<63x26xf32>, vector<26x128xf32>, vector<63x128xf32> -> vector<63x128xf32>
    %get3A_2281 = arith.constant 91 : index
    %get3A_2282 = arith.constant 0 : index
    %get3A_2283 = arith.constant 0 : index
    %get3A_2284 = vector.load %arg2[%get3A_2281, %get3A_2282, %get3A_2283] : memref<128x63x128xf32, #tpu.memory_space<vmem>>, vector<1x63x128xf32>
    %get3A_2285 = vector.shape_cast %get3A_2284 : vector<1x63x128xf32> to vector<63x128xf32>
    %add3A_2286 = arith.addf %dot_general3A_2280, %get3A_2285 : vector<63x128xf32>
    %get3A_2287 = arith.constant 91 : index
    %get3A_2288 = arith.constant 0 : index
    %get3A_2289 = arith.constant 0 : index
    %get3A_2290 = vector.load %arg3[%get3A_2287, %get3A_2288, %get3A_2289] : memref<128x64x128xf32, #tpu.memory_space<vmem>>, vector<1x63x128xf32>
    %get3A_2291 = vector.shape_cast %get3A_2290 : vector<1x63x128xf32> to vector<63x128xf32>
    %add3A_2292 = arith.addf %add3A_2286, %get3A_2291 : vector<63x128xf32>
    %swap3A_2293 = arith.constant 91 : index
    %swap3A_2294 = arith.constant 0 : index
    %swap3A_2295 = arith.constant 0 : index
    %swap3A_2296 = vector.load %arg5[%swap3A_2293, %swap3A_2294, %swap3A_2295] : memref<128x63x128xf32, #tpu.memory_space<vmem>>, vector<1x63x128xf32>
    %swap3A_2297 = vector.shape_cast %swap3A_2296 : vector<1x63x128xf32> to vector<63x128xf32>
    %swap3A_2298 = vector.shape_cast %add3A_2292 : vector<63x128xf32> to vector<1x63x128xf32>
    tpu.vector_store %arg5[%swap3A_2293, %swap3A_2294, %swap3A_2295], %swap3A_2298 {strides = array<i32>} : memref<128x63x128xf32, #tpu.memory_space<vmem>>, vector<1x63x128xf32>,
    %get3A_2299 = arith.constant 92 : index
    %get3A_2300 = arith.constant 0 : index
    %get3A_2301 = arith.constant 0 : index
    %get3A_2302 = vector.load %arg1[%get3A_2299, %get3A_2300, %get3A_2301] : memref<128x63x26xf32, #tpu.memory_space<vmem>>, vector<1x63x26xf32>
    %get3A_2303 = vector.shape_cast %get3A_2302 : vector<1x63x26xf32> to vector<63x26xf32>
    %dot_general3A_2304 = arith.constant dense<0.000000e+00> : vector<63x128xf32>
    %dot_general3A_2305 = tpu.matmul %get3A_2303, %get3A_1, %dot_general3A_2304 {dimension_numbers = #tpu.dot_dimension_numbers<[1], [0], [0], [1], [0, 0, 1, 1], [], []>, transpose_lhs_hint = false} : vector<63x26xf32>, vector<26x128xf32>, vector<63x128xf32> -> vector<63x128xf32>
    %get3A_2306 = arith.constant 92 : index
    %get3A_2307 = arith.constant 0 : index
    %get3A_2308 = arith.constant 0 : index
    %get3A_2309 = vector.load %arg2[%get3A_2306, %get3A_2307, %get3A_2308] : memref<128x63x128xf32, #tpu.memory_space<vmem>>, vector<1x63x128xf32>
    %get3A_2310 = vector.shape_cast %get3A_2309 : vector<1x63x128xf32> to vector<63x128xf32>
    %add3A_2311 = arith.addf %dot_general3A_2305, %get3A_2310 : vector<63x128xf32>
    %get3A_2312 = arith.constant 92 : index
    %get3A_2313 = arith.constant 0 : index
    %get3A_2314 = arith.constant 0 : index
    %get3A_2315 = vector.load %arg3[%get3A_2312, %get3A_2313, %get3A_2314] : memref<128x64x128xf32, #tpu.memory_space<vmem>>, vector<1x63x128xf32>
    %get3A_2316 = vector.shape_cast %get3A_2315 : vector<1x63x128xf32> to vector<63x128xf32>
    %add3A_2317 = arith.addf %add3A_2311, %get3A_2316 : vector<63x128xf32>
    %swap3A_2318 = arith.constant 92 : index
    %swap3A_2319 = arith.constant 0 : index
    %swap3A_2320 = arith.constant 0 : index
    %swap3A_2321 = vector.load %arg5[%swap3A_2318, %swap3A_2319, %swap3A_2320] : memref<128x63x128xf32, #tpu.memory_space<vmem>>, vector<1x63x128xf32>
    %swap3A_2322 = vector.shape_cast %swap3A_2321 : vector<1x63x128xf32> to vector<63x128xf32>
    %swap3A_2323 = vector.shape_cast %add3A_2317 : vector<63x128xf32> to vector<1x63x128xf32>
    tpu.vector_store %arg5[%swap3A_2318, %swap3A_2319, %swap3A_2320], %swap3A_2323 {strides = array<i32>} : memref<128x63x128xf32, #tpu.memory_space<vmem>>, vector<1x63x128xf32>,
    %get3A_2324 = arith.constant 93 : index
    %get3A_2325 = arith.constant 0 : index
    %get3A_2326 = arith.constant 0 : index
    %get3A_2327 = vector.load %arg1[%get3A_2324, %get3A_2325, %get3A_2326] : memref<128x63x26xf32, #tpu.memory_space<vmem>>, vector<1x63x26xf32>
    %get3A_2328 = vector.shape_cast %get3A_2327 : vector<1x63x26xf32> to vector<63x26xf32>
    %dot_general3A_2329 = arith.constant dense<0.000000e+00> : vector<63x128xf32>
    %dot_general3A_2330 = tpu.matmul %get3A_2328, %get3A_1, %dot_general3A_2329 {dimension_numbers = #tpu.dot_dimension_numbers<[1], [0], [0], [1], [0, 0, 1, 1], [], []>, transpose_lhs_hint = false} : vector<63x26xf32>, vector<26x128xf32>, vector<63x128xf32> -> vector<63x128xf32>
    %get3A_2331 = arith.constant 93 : index
    %get3A_2332 = arith.constant 0 : index
    %get3A_2333 = arith.constant 0 : index
    %get3A_2334 = vector.load %arg2[%get3A_2331, %get3A_2332, %get3A_2333] : memref<128x63x128xf32, #tpu.memory_space<vmem>>, vector<1x63x128xf32>
    %get3A_2335 = vector.shape_cast %get3A_2334 : vector<1x63x128xf32> to vector<63x128xf32>
    %add3A_2336 = arith.addf %dot_general3A_2330, %get3A_2335 : vector<63x128xf32>
    %get3A_2337 = arith.constant 93 : index
    %get3A_2338 = arith.constant 0 : index
    %get3A_2339 = arith.constant 0 : index
    %get3A_2340 = vector.load %arg3[%get3A_2337, %get3A_2338, %get3A_2339] : memref<128x64x128xf32, #tpu.memory_space<vmem>>, vector<1x63x128xf32>
    %get3A_2341 = vector.shape_cast %get3A_2340 : vector<1x63x128xf32> to vector<63x128xf32>
    %add3A_2342 = arith.addf %add3A_2336, %get3A_2341 : vector<63x128xf32>
    %swap3A_2343 = arith.constant 93 : index
    %swap3A_2344 = arith.constant 0 : index
    %swap3A_2345 = arith.constant 0 : index
    %swap3A_2346 = vector.load %arg5[%swap3A_2343, %swap3A_2344, %swap3A_2345] : memref<128x63x128xf32, #tpu.memory_space<vmem>>, vector<1x63x128xf32>
    %swap3A_2347 = vector.shape_cast %swap3A_2346 : vector<1x63x128xf32> to vector<63x128xf32>
    %swap3A_2348 = vector.shape_cast %add3A_2342 : vector<63x128xf32> to vector<1x63x128xf32>
    tpu.vector_store %arg5[%swap3A_2343, %swap3A_2344, %swap3A_2345], %swap3A_2348 {strides = array<i32>} : memref<128x63x128xf32, #tpu.memory_space<vmem>>, vector<1x63x128xf32>,
    %get3A_2349 = arith.constant 94 : index
    %get3A_2350 = arith.constant 0 : index
    %get3A_2351 = arith.constant 0 : index
    %get3A_2352 = vector.load %arg1[%get3A_2349, %get3A_2350, %get3A_2351] : memref<128x63x26xf32, #tpu.memory_space<vmem>>, vector<1x63x26xf32>
    %get3A_2353 = vector.shape_cast %get3A_2352 : vector<1x63x26xf32> to vector<63x26xf32>
    %dot_general3A_2354 = arith.constant dense<0.000000e+00> : vector<63x128xf32>
    %dot_general3A_2355 = tpu.matmul %get3A_2353, %get3A_1, %dot_general3A_2354 {dimension_numbers = #tpu.dot_dimension_numbers<[1], [0], [0], [1], [0, 0, 1, 1], [], []>, transpose_lhs_hint = false} : vector<63x26xf32>, vector<26x128xf32>, vector<63x128xf32> -> vector<63x128xf32>
    %get3A_2356 = arith.constant 94 : index
    %get3A_2357 = arith.constant 0 : index
    %get3A_2358 = arith.constant 0 : index
    %get3A_2359 = vector.load %arg2[%get3A_2356, %get3A_2357, %get3A_2358] : memref<128x63x128xf32, #tpu.memory_space<vmem>>, vector<1x63x128xf32>
    %get3A_2360 = vector.shape_cast %get3A_2359 : vector<1x63x128xf32> to vector<63x128xf32>
    %add3A_2361 = arith.addf %dot_general3A_2355, %get3A_2360 : vector<63x128xf32>
    %get3A_2362 = arith.constant 94 : index
    %get3A_2363 = arith.constant 0 : index
    %get3A_2364 = arith.constant 0 : index
    %get3A_2365 = vector.load %arg3[%get3A_2362, %get3A_2363, %get3A_2364] : memref<128x64x128xf32, #tpu.memory_space<vmem>>, vector<1x63x128xf32>
    %get3A_2366 = vector.shape_cast %get3A_2365 : vector<1x63x128xf32> to vector<63x128xf32>
    %add3A_2367 = arith.addf %add3A_2361, %get3A_2366 : vector<63x128xf32>
    %swap3A_2368 = arith.constant 94 : index
    %swap3A_2369 = arith.constant 0 : index
    %swap3A_2370 = arith.constant 0 : index
    %swap3A_2371 = vector.load %arg5[%swap3A_2368, %swap3A_2369, %swap3A_2370] : memref<128x63x128xf32, #tpu.memory_space<vmem>>, vector<1x63x128xf32>
    %swap3A_2372 = vector.shape_cast %swap3A_2371 : vector<1x63x128xf32> to vector<63x128xf32>
    %swap3A_2373 = vector.shape_cast %add3A_2367 : vector<63x128xf32> to vector<1x63x128xf32>
    tpu.vector_store %arg5[%swap3A_2368, %swap3A_2369, %swap3A_2370], %swap3A_2373 {strides = array<i32>} : memref<128x63x128xf32, #tpu.memory_space<vmem>>, vector<1x63x128xf32>,
    %get3A_2374 = arith.constant 95 : index
    %get3A_2375 = arith.constant 0 : index
    %get3A_2376 = arith.constant 0 : index
    %get3A_2377 = vector.load %arg1[%get3A_2374, %get3A_2375, %get3A_2376] : memref<128x63x26xf32, #tpu.memory_space<vmem>>, vector<1x63x26xf32>
    %get3A_2378 = vector.shape_cast %get3A_2377 : vector<1x63x26xf32> to vector<63x26xf32>
    %dot_general3A_2379 = arith.constant dense<0.000000e+00> : vector<63x128xf32>
    %dot_general3A_2380 = tpu.matmul %get3A_2378, %get3A_1, %dot_general3A_2379 {dimension_numbers = #tpu.dot_dimension_numbers<[1], [0], [0], [1], [0, 0, 1, 1], [], []>, transpose_lhs_hint = false} : vector<63x26xf32>, vector<26x128xf32>, vector<63x128xf32> -> vector<63x128xf32>
    %get3A_2381 = arith.constant 95 : index
    %get3A_2382 = arith.constant 0 : index
    %get3A_2383 = arith.constant 0 : index
    %get3A_2384 = vector.load %arg2[%get3A_2381, %get3A_2382, %get3A_2383] : memref<128x63x128xf32, #tpu.memory_space<vmem>>, vector<1x63x128xf32>
    %get3A_2385 = vector.shape_cast %get3A_2384 : vector<1x63x128xf32> to vector<63x128xf32>
    %add3A_2386 = arith.addf %dot_general3A_2380, %get3A_2385 : vector<63x128xf32>
    %get3A_2387 = arith.constant 95 : index
    %get3A_2388 = arith.constant 0 : index
    %get3A_2389 = arith.constant 0 : index
    %get3A_2390 = vector.load %arg3[%get3A_2387, %get3A_2388, %get3A_2389] : memref<128x64x128xf32, #tpu.memory_space<vmem>>, vector<1x63x128xf32>
    %get3A_2391 = vector.shape_cast %get3A_2390 : vector<1x63x128xf32> to vector<63x128xf32>
    %add3A_2392 = arith.addf %add3A_2386, %get3A_2391 : vector<63x128xf32>
    %swap3A_2393 = arith.constant 95 : index
    %swap3A_2394 = arith.constant 0 : index
    %swap3A_2395 = arith.constant 0 : index
    %swap3A_2396 = vector.load %arg5[%swap3A_2393, %swap3A_2394, %swap3A_2395] : memref<128x63x128xf32, #tpu.memory_space<vmem>>, vector<1x63x128xf32>
    %swap3A_2397 = vector.shape_cast %swap3A_2396 : vector<1x63x128xf32> to vector<63x128xf32>
    %swap3A_2398 = vector.shape_cast %add3A_2392 : vector<63x128xf32> to vector<1x63x128xf32>
    tpu.vector_store %arg5[%swap3A_2393, %swap3A_2394, %swap3A_2395], %swap3A_2398 {strides = array<i32>} : memref<128x63x128xf32, #tpu.memory_space<vmem>>, vector<1x63x128xf32>,
    %get3A_2399 = arith.constant 96 : index
    %get3A_2400 = arith.constant 0 : index
    %get3A_2401 = arith.constant 0 : index
    %get3A_2402 = vector.load %arg1[%get3A_2399, %get3A_2400, %get3A_2401] : memref<128x63x26xf32, #tpu.memory_space<vmem>>, vector<1x63x26xf32>
    %get3A_2403 = vector.shape_cast %get3A_2402 : vector<1x63x26xf32> to vector<63x26xf32>
    %dot_general3A_2404 = arith.constant dense<0.000000e+00> : vector<63x128xf32>
    %dot_general3A_2405 = tpu.matmul %get3A_2403, %get3A_1, %dot_general3A_2404 {dimension_numbers = #tpu.dot_dimension_numbers<[1], [0], [0], [1], [0, 0, 1, 1], [], []>, transpose_lhs_hint = false} : vector<63x26xf32>, vector<26x128xf32>, vector<63x128xf32> -> vector<63x128xf32>
    %get3A_2406 = arith.constant 96 : index
    %get3A_2407 = arith.constant 0 : index
    %get3A_2408 = arith.constant 0 : index
    %get3A_2409 = vector.load %arg2[%get3A_2406, %get3A_2407, %get3A_2408] : memref<128x63x128xf32, #tpu.memory_space<vmem>>, vector<1x63x128xf32>
    %get3A_2410 = vector.shape_cast %get3A_2409 : vector<1x63x128xf32> to vector<63x128xf32>
    %add3A_2411 = arith.addf %dot_general3A_2405, %get3A_2410 : vector<63x128xf32>
    %get3A_2412 = arith.constant 96 : index
    %get3A_2413 = arith.constant 0 : index
    %get3A_2414 = arith.constant 0 : index
    %get3A_2415 = vector.load %arg3[%get3A_2412, %get3A_2413, %get3A_2414] : memref<128x64x128xf32, #tpu.memory_space<vmem>>, vector<1x63x128xf32>
    %get3A_2416 = vector.shape_cast %get3A_2415 : vector<1x63x128xf32> to vector<63x128xf32>
    %add3A_2417 = arith.addf %add3A_2411, %get3A_2416 : vector<63x128xf32>
    %swap3A_2418 = arith.constant 96 : index
    %swap3A_2419 = arith.constant 0 : index
    %swap3A_2420 = arith.constant 0 : index
    %swap3A_2421 = vector.load %arg5[%swap3A_2418, %swap3A_2419, %swap3A_2420] : memref<128x63x128xf32, #tpu.memory_space<vmem>>, vector<1x63x128xf32>
    %swap3A_2422 = vector.shape_cast %swap3A_2421 : vector<1x63x128xf32> to vector<63x128xf32>
    %swap3A_2423 = vector.shape_cast %add3A_2417 : vector<63x128xf32> to vector<1x63x128xf32>
    tpu.vector_store %arg5[%swap3A_2418, %swap3A_2419, %swap3A_2420], %swap3A_2423 {strides = array<i32>} : memref<128x63x128xf32, #tpu.memory_space<vmem>>, vector<1x63x128xf32>,
    %get3A_2424 = arith.constant 97 : index
    %get3A_2425 = arith.constant 0 : index
    %get3A_2426 = arith.constant 0 : index
    %get3A_2427 = vector.load %arg1[%get3A_2424, %get3A_2425, %get3A_2426] : memref<128x63x26xf32, #tpu.memory_space<vmem>>, vector<1x63x26xf32>
    %get3A_2428 = vector.shape_cast %get3A_2427 : vector<1x63x26xf32> to vector<63x26xf32>
    %dot_general3A_2429 = arith.constant dense<0.000000e+00> : vector<63x128xf32>
    %dot_general3A_2430 = tpu.matmul %get3A_2428, %get3A_1, %dot_general3A_2429 {dimension_numbers = #tpu.dot_dimension_numbers<[1], [0], [0], [1], [0, 0, 1, 1], [], []>, transpose_lhs_hint = false} : vector<63x26xf32>, vector<26x128xf32>, vector<63x128xf32> -> vector<63x128xf32>
    %get3A_2431 = arith.constant 97 : index
    %get3A_2432 = arith.constant 0 : index
    %get3A_2433 = arith.constant 0 : index
    %get3A_2434 = vector.load %arg2[%get3A_2431, %get3A_2432, %get3A_2433] : memref<128x63x128xf32, #tpu.memory_space<vmem>>, vector<1x63x128xf32>
    %get3A_2435 = vector.shape_cast %get3A_2434 : vector<1x63x128xf32> to vector<63x128xf32>
    %add3A_2436 = arith.addf %dot_general3A_2430, %get3A_2435 : vector<63x128xf32>
    %get3A_2437 = arith.constant 97 : index
    %get3A_2438 = arith.constant 0 : index
    %get3A_2439 = arith.constant 0 : index
    %get3A_2440 = vector.load %arg3[%get3A_2437, %get3A_2438, %get3A_2439] : memref<128x64x128xf32, #tpu.memory_space<vmem>>, vector<1x63x128xf32>
    %get3A_2441 = vector.shape_cast %get3A_2440 : vector<1x63x128xf32> to vector<63x128xf32>
    %add3A_2442 = arith.addf %add3A_2436, %get3A_2441 : vector<63x128xf32>
    %swap3A_2443 = arith.constant 97 : index
    %swap3A_2444 = arith.constant 0 : index
    %swap3A_2445 = arith.constant 0 : index
    %swap3A_2446 = vector.load %arg5[%swap3A_2443, %swap3A_2444, %swap3A_2445] : memref<128x63x128xf32, #tpu.memory_space<vmem>>, vector<1x63x128xf32>
    %swap3A_2447 = vector.shape_cast %swap3A_2446 : vector<1x63x128xf32> to vector<63x128xf32>
    %swap3A_2448 = vector.shape_cast %add3A_2442 : vector<63x128xf32> to vector<1x63x128xf32>
    tpu.vector_store %arg5[%swap3A_2443, %swap3A_2444, %swap3A_2445], %swap3A_2448 {strides = array<i32>} : memref<128x63x128xf32, #tpu.memory_space<vmem>>, vector<1x63x128xf32>,
    %get3A_2449 = arith.constant 98 : index
    %get3A_2450 = arith.constant 0 : index
    %get3A_2451 = arith.constant 0 : index
    %get3A_2452 = vector.load %arg1[%get3A_2449, %get3A_2450, %get3A_2451] : memref<128x63x26xf32, #tpu.memory_space<vmem>>, vector<1x63x26xf32>
    %get3A_2453 = vector.shape_cast %get3A_2452 : vector<1x63x26xf32> to vector<63x26xf32>
    %dot_general3A_2454 = arith.constant dense<0.000000e+00> : vector<63x128xf32>
    %dot_general3A_2455 = tpu.matmul %get3A_2453, %get3A_1, %dot_general3A_2454 {dimension_numbers = #tpu.dot_dimension_numbers<[1], [0], [0], [1], [0, 0, 1, 1], [], []>, transpose_lhs_hint = false} : vector<63x26xf32>, vector<26x128xf32>, vector<63x128xf32> -> vector<63x128xf32>
    %get3A_2456 = arith.constant 98 : index
    %get3A_2457 = arith.constant 0 : index
    %get3A_2458 = arith.constant 0 : index
    %get3A_2459 = vector.load %arg2[%get3A_2456, %get3A_2457, %get3A_2458] : memref<128x63x128xf32, #tpu.memory_space<vmem>>, vector<1x63x128xf32>
    %get3A_2460 = vector.shape_cast %get3A_2459 : vector<1x63x128xf32> to vector<63x128xf32>
    %add3A_2461 = arith.addf %dot_general3A_2455, %get3A_2460 : vector<63x128xf32>
    %get3A_2462 = arith.constant 98 : index
    %get3A_2463 = arith.constant 0 : index
    %get3A_2464 = arith.constant 0 : index
    %get3A_2465 = vector.load %arg3[%get3A_2462, %get3A_2463, %get3A_2464] : memref<128x64x128xf32, #tpu.memory_space<vmem>>, vector<1x63x128xf32>
    %get3A_2466 = vector.shape_cast %get3A_2465 : vector<1x63x128xf32> to vector<63x128xf32>
    %add3A_2467 = arith.addf %add3A_2461, %get3A_2466 : vector<63x128xf32>
    %swap3A_2468 = arith.constant 98 : index
    %swap3A_2469 = arith.constant 0 : index
    %swap3A_2470 = arith.constant 0 : index
    %swap3A_2471 = vector.load %arg5[%swap3A_2468, %swap3A_2469, %swap3A_2470] : memref<128x63x128xf32, #tpu.memory_space<vmem>>, vector<1x63x128xf32>
    %swap3A_2472 = vector.shape_cast %swap3A_2471 : vector<1x63x128xf32> to vector<63x128xf32>
    %swap3A_2473 = vector.shape_cast %add3A_2467 : vector<63x128xf32> to vector<1x63x128xf32>
    tpu.vector_store %arg5[%swap3A_2468, %swap3A_2469, %swap3A_2470], %swap3A_2473 {strides = array<i32>} : memref<128x63x128xf32, #tpu.memory_space<vmem>>, vector<1x63x128xf32>,
    %get3A_2474 = arith.constant 99 : index
    %get3A_2475 = arith.constant 0 : index
    %get3A_2476 = arith.constant 0 : index
    %get3A_2477 = vector.load %arg1[%get3A_2474, %get3A_2475, %get3A_2476] : memref<128x63x26xf32, #tpu.memory_space<vmem>>, vector<1x63x26xf32>
    %get3A_2478 = vector.shape_cast %get3A_2477 : vector<1x63x26xf32> to vector<63x26xf32>
    %dot_general3A_2479 = arith.constant dense<0.000000e+00> : vector<63x128xf32>
    %dot_general3A_2480 = tpu.matmul %get3A_2478, %get3A_1, %dot_general3A_2479 {dimension_numbers = #tpu.dot_dimension_numbers<[1], [0], [0], [1], [0, 0, 1, 1], [], []>, transpose_lhs_hint = false} : vector<63x26xf32>, vector<26x128xf32>, vector<63x128xf32> -> vector<63x128xf32>
    %get3A_2481 = arith.constant 99 : index
    %get3A_2482 = arith.constant 0 : index
    %get3A_2483 = arith.constant 0 : index
    %get3A_2484 = vector.load %arg2[%get3A_2481, %get3A_2482, %get3A_2483] : memref<128x63x128xf32, #tpu.memory_space<vmem>>, vector<1x63x128xf32>
    %get3A_2485 = vector.shape_cast %get3A_2484 : vector<1x63x128xf32> to vector<63x128xf32>
    %add3A_2486 = arith.addf %dot_general3A_2480, %get3A_2485 : vector<63x128xf32>
    %get3A_2487 = arith.constant 99 : index
    %get3A_2488 = arith.constant 0 : index
    %get3A_2489 = arith.constant 0 : index
    %get3A_2490 = vector.load %arg3[%get3A_2487, %get3A_2488, %get3A_2489] : memref<128x64x128xf32, #tpu.memory_space<vmem>>, vector<1x63x128xf32>
    %get3A_2491 = vector.shape_cast %get3A_2490 : vector<1x63x128xf32> to vector<63x128xf32>
    %add3A_2492 = arith.addf %add3A_2486, %get3A_2491 : vector<63x128xf32>
    %swap3A_2493 = arith.constant 99 : index
    %swap3A_2494 = arith.constant 0 : index
    %swap3A_2495 = arith.constant 0 : index
    %swap3A_2496 = vector.load %arg5[%swap3A_2493, %swap3A_2494, %swap3A_2495] : memref<128x63x128xf32, #tpu.memory_space<vmem>>, vector<1x63x128xf32>
    %swap3A_2497 = vector.shape_cast %swap3A_2496 : vector<1x63x128xf32> to vector<63x128xf32>
    %swap3A_2498 = vector.shape_cast %add3A_2492 : vector<63x128xf32> to vector<1x63x128xf32>
    tpu.vector_store %arg5[%swap3A_2493, %swap3A_2494, %swap3A_2495], %swap3A_2498 {strides = array<i32>} : memref<128x63x128xf32, #tpu.memory_space<vmem>>, vector<1x63x128xf32>,
    %get3A_2499 = arith.constant 100 : index
    %get3A_2500 = arith.constant 0 : index
    %get3A_2501 = arith.constant 0 : index
    %get3A_2502 = vector.load %arg1[%get3A_2499, %get3A_2500, %get3A_2501] : memref<128x63x26xf32, #tpu.memory_space<vmem>>, vector<1x63x26xf32>
    %get3A_2503 = vector.shape_cast %get3A_2502 : vector<1x63x26xf32> to vector<63x26xf32>
    %dot_general3A_2504 = arith.constant dense<0.000000e+00> : vector<63x128xf32>
    %dot_general3A_2505 = tpu.matmul %get3A_2503, %get3A_1, %dot_general3A_2504 {dimension_numbers = #tpu.dot_dimension_numbers<[1], [0], [0], [1], [0, 0, 1, 1], [], []>, transpose_lhs_hint = false} : vector<63x26xf32>, vector<26x128xf32>, vector<63x128xf32> -> vector<63x128xf32>
    %get3A_2506 = arith.constant 100 : index
    %get3A_2507 = arith.constant 0 : index
    %get3A_2508 = arith.constant 0 : index
    %get3A_2509 = vector.load %arg2[%get3A_2506, %get3A_2507, %get3A_2508] : memref<128x63x128xf32, #tpu.memory_space<vmem>>, vector<1x63x128xf32>
    %get3A_2510 = vector.shape_cast %get3A_2509 : vector<1x63x128xf32> to vector<63x128xf32>
    %add3A_2511 = arith.addf %dot_general3A_2505, %get3A_2510 : vector<63x128xf32>
    %get3A_2512 = arith.constant 100 : index
    %get3A_2513 = arith.constant 0 : index
    %get3A_2514 = arith.constant 0 : index
    %get3A_2515 = vector.load %arg3[%get3A_2512, %get3A_2513, %get3A_2514] : memref<128x64x128xf32, #tpu.memory_space<vmem>>, vector<1x63x128xf32>
    %get3A_2516 = vector.shape_cast %get3A_2515 : vector<1x63x128xf32> to vector<63x128xf32>
    %add3A_2517 = arith.addf %add3A_2511, %get3A_2516 : vector<63x128xf32>
    %swap3A_2518 = arith.constant 100 : index
    %swap3A_2519 = arith.constant 0 : index
    %swap3A_2520 = arith.constant 0 : index
    %swap3A_2521 = vector.load %arg5[%swap3A_2518, %swap3A_2519, %swap3A_2520] : memref<128x63x128xf32, #tpu.memory_space<vmem>>, vector<1x63x128xf32>
    %swap3A_2522 = vector.shape_cast %swap3A_2521 : vector<1x63x128xf32> to vector<63x128xf32>
    %swap3A_2523 = vector.shape_cast %add3A_2517 : vector<63x128xf32> to vector<1x63x128xf32>
    tpu.vector_store %arg5[%swap3A_2518, %swap3A_2519, %swap3A_2520], %swap3A_2523 {strides = array<i32>} : memref<128x63x128xf32, #tpu.memory_space<vmem>>, vector<1x63x128xf32>,
    %get3A_2524 = arith.constant 101 : index
    %get3A_2525 = arith.constant 0 : index
    %get3A_2526 = arith.constant 0 : index
    %get3A_2527 = vector.load %arg1[%get3A_2524, %get3A_2525, %get3A_2526] : memref<128x63x26xf32, #tpu.memory_space<vmem>>, vector<1x63x26xf32>
    %get3A_2528 = vector.shape_cast %get3A_2527 : vector<1x63x26xf32> to vector<63x26xf32>
    %dot_general3A_2529 = arith.constant dense<0.000000e+00> : vector<63x128xf32>
    %dot_general3A_2530 = tpu.matmul %get3A_2528, %get3A_1, %dot_general3A_2529 {dimension_numbers = #tpu.dot_dimension_numbers<[1], [0], [0], [1], [0, 0, 1, 1], [], []>, transpose_lhs_hint = false} : vector<63x26xf32>, vector<26x128xf32>, vector<63x128xf32> -> vector<63x128xf32>
    %get3A_2531 = arith.constant 101 : index
    %get3A_2532 = arith.constant 0 : index
    %get3A_2533 = arith.constant 0 : index
    %get3A_2534 = vector.load %arg2[%get3A_2531, %get3A_2532, %get3A_2533] : memref<128x63x128xf32, #tpu.memory_space<vmem>>, vector<1x63x128xf32>
    %get3A_2535 = vector.shape_cast %get3A_2534 : vector<1x63x128xf32> to vector<63x128xf32>
    %add3A_2536 = arith.addf %dot_general3A_2530, %get3A_2535 : vector<63x128xf32>
    %get3A_2537 = arith.constant 101 : index
    %get3A_2538 = arith.constant 0 : index
    %get3A_2539 = arith.constant 0 : index
    %get3A_2540 = vector.load %arg3[%get3A_2537, %get3A_2538, %get3A_2539] : memref<128x64x128xf32, #tpu.memory_space<vmem>>, vector<1x63x128xf32>
    %get3A_2541 = vector.shape_cast %get3A_2540 : vector<1x63x128xf32> to vector<63x128xf32>
    %add3A_2542 = arith.addf %add3A_2536, %get3A_2541 : vector<63x128xf32>
    %swap3A_2543 = arith.constant 101 : index
    %swap3A_2544 = arith.constant 0 : index
    %swap3A_2545 = arith.constant 0 : index
    %swap3A_2546 = vector.load %arg5[%swap3A_2543, %swap3A_2544, %swap3A_2545] : memref<128x63x128xf32, #tpu.memory_space<vmem>>, vector<1x63x128xf32>
    %swap3A_2547 = vector.shape_cast %swap3A_2546 : vector<1x63x128xf32> to vector<63x128xf32>
    %swap3A_2548 = vector.shape_cast %add3A_2542 : vector<63x128xf32> to vector<1x63x128xf32>
    tpu.vector_store %arg5[%swap3A_2543, %swap3A_2544, %swap3A_2545], %swap3A_2548 {strides = array<i32>} : memref<128x63x128xf32, #tpu.memory_space<vmem>>, vector<1x63x128xf32>,
    %get3A_2549 = arith.constant 102 : index
    %get3A_2550 = arith.constant 0 : index
    %get3A_2551 = arith.constant 0 : index
    %get3A_2552 = vector.load %arg1[%get3A_2549, %get3A_2550, %get3A_2551] : memref<128x63x26xf32, #tpu.memory_space<vmem>>, vector<1x63x26xf32>
    %get3A_2553 = vector.shape_cast %get3A_2552 : vector<1x63x26xf32> to vector<63x26xf32>
    %dot_general3A_2554 = arith.constant dense<0.000000e+00> : vector<63x128xf32>
    %dot_general3A_2555 = tpu.matmul %get3A_2553, %get3A_1, %dot_general3A_2554 {dimension_numbers = #tpu.dot_dimension_numbers<[1], [0], [0], [1], [0, 0, 1, 1], [], []>, transpose_lhs_hint = false} : vector<63x26xf32>, vector<26x128xf32>, vector<63x128xf32> -> vector<63x128xf32>
    %get3A_2556 = arith.constant 102 : index
    %get3A_2557 = arith.constant 0 : index
    %get3A_2558 = arith.constant 0 : index
    %get3A_2559 = vector.load %arg2[%get3A_2556, %get3A_2557, %get3A_2558] : memref<128x63x128xf32, #tpu.memory_space<vmem>>, vector<1x63x128xf32>
    %get3A_2560 = vector.shape_cast %get3A_2559 : vector<1x63x128xf32> to vector<63x128xf32>
    %add3A_2561 = arith.addf %dot_general3A_2555, %get3A_2560 : vector<63x128xf32>
    %get3A_2562 = arith.constant 102 : index
    %get3A_2563 = arith.constant 0 : index
    %get3A_2564 = arith.constant 0 : index
    %get3A_2565 = vector.load %arg3[%get3A_2562, %get3A_2563, %get3A_2564] : memref<128x64x128xf32, #tpu.memory_space<vmem>>, vector<1x63x128xf32>
    %get3A_2566 = vector.shape_cast %get3A_2565 : vector<1x63x128xf32> to vector<63x128xf32>
    %add3A_2567 = arith.addf %add3A_2561, %get3A_2566 : vector<63x128xf32>
    %swap3A_2568 = arith.constant 102 : index
    %swap3A_2569 = arith.constant 0 : index
    %swap3A_2570 = arith.constant 0 : index
    %swap3A_2571 = vector.load %arg5[%swap3A_2568, %swap3A_2569, %swap3A_2570] : memref<128x63x128xf32, #tpu.memory_space<vmem>>, vector<1x63x128xf32>
    %swap3A_2572 = vector.shape_cast %swap3A_2571 : vector<1x63x128xf32> to vector<63x128xf32>
    %swap3A_2573 = vector.shape_cast %add3A_2567 : vector<63x128xf32> to vector<1x63x128xf32>
    tpu.vector_store %arg5[%swap3A_2568, %swap3A_2569, %swap3A_2570], %swap3A_2573 {strides = array<i32>} : memref<128x63x128xf32, #tpu.memory_space<vmem>>, vector<1x63x128xf32>,
    %get3A_2574 = arith.constant 103 : index
    %get3A_2575 = arith.constant 0 : index
    %get3A_2576 = arith.constant 0 : index
    %get3A_2577 = vector.load %arg1[%get3A_2574, %get3A_2575, %get3A_2576] : memref<128x63x26xf32, #tpu.memory_space<vmem>>, vector<1x63x26xf32>
    %get3A_2578 = vector.shape_cast %get3A_2577 : vector<1x63x26xf32> to vector<63x26xf32>
    %dot_general3A_2579 = arith.constant dense<0.000000e+00> : vector<63x128xf32>
    %dot_general3A_2580 = tpu.matmul %get3A_2578, %get3A_1, %dot_general3A_2579 {dimension_numbers = #tpu.dot_dimension_numbers<[1], [0], [0], [1], [0, 0, 1, 1], [], []>, transpose_lhs_hint = false} : vector<63x26xf32>, vector<26x128xf32>, vector<63x128xf32> -> vector<63x128xf32>
    %get3A_2581 = arith.constant 103 : index
    %get3A_2582 = arith.constant 0 : index
    %get3A_2583 = arith.constant 0 : index
    %get3A_2584 = vector.load %arg2[%get3A_2581, %get3A_2582, %get3A_2583] : memref<128x63x128xf32, #tpu.memory_space<vmem>>, vector<1x63x128xf32>
    %get3A_2585 = vector.shape_cast %get3A_2584 : vector<1x63x128xf32> to vector<63x128xf32>
    %add3A_2586 = arith.addf %dot_general3A_2580, %get3A_2585 : vector<63x128xf32>
    %get3A_2587 = arith.constant 103 : index
    %get3A_2588 = arith.constant 0 : index
    %get3A_2589 = arith.constant 0 : index
    %get3A_2590 = vector.load %arg3[%get3A_2587, %get3A_2588, %get3A_2589] : memref<128x64x128xf32, #tpu.memory_space<vmem>>, vector<1x63x128xf32>
    %get3A_2591 = vector.shape_cast %get3A_2590 : vector<1x63x128xf32> to vector<63x128xf32>
    %add3A_2592 = arith.addf %add3A_2586, %get3A_2591 : vector<63x128xf32>
    %swap3A_2593 = arith.constant 103 : index
    %swap3A_2594 = arith.constant 0 : index
    %swap3A_2595 = arith.constant 0 : index
    %swap3A_2596 = vector.load %arg5[%swap3A_2593, %swap3A_2594, %swap3A_2595] : memref<128x63x128xf32, #tpu.memory_space<vmem>>, vector<1x63x128xf32>
    %swap3A_2597 = vector.shape_cast %swap3A_2596 : vector<1x63x128xf32> to vector<63x128xf32>
    %swap3A_2598 = vector.shape_cast %add3A_2592 : vector<63x128xf32> to vector<1x63x128xf32>
    tpu.vector_store %arg5[%swap3A_2593, %swap3A_2594, %swap3A_2595], %swap3A_2598 {strides = array<i32>} : memref<128x63x128xf32, #tpu.memory_space<vmem>>, vector<1x63x128xf32>,
    %get3A_2599 = arith.constant 104 : index
    %get3A_2600 = arith.constant 0 : index
    %get3A_2601 = arith.constant 0 : index
    %get3A_2602 = vector.load %arg1[%get3A_2599, %get3A_2600, %get3A_2601] : memref<128x63x26xf32, #tpu.memory_space<vmem>>, vector<1x63x26xf32>
    %get3A_2603 = vector.shape_cast %get3A_2602 : vector<1x63x26xf32> to vector<63x26xf32>
    %dot_general3A_2604 = arith.constant dense<0.000000e+00> : vector<63x128xf32>
    %dot_general3A_2605 = tpu.matmul %get3A_2603, %get3A_1, %dot_general3A_2604 {dimension_numbers = #tpu.dot_dimension_numbers<[1], [0], [0], [1], [0, 0, 1, 1], [], []>, transpose_lhs_hint = false} : vector<63x26xf32>, vector<26x128xf32>, vector<63x128xf32> -> vector<63x128xf32>
    %get3A_2606 = arith.constant 104 : index
    %get3A_2607 = arith.constant 0 : index
    %get3A_2608 = arith.constant 0 : index
    %get3A_2609 = vector.load %arg2[%get3A_2606, %get3A_2607, %get3A_2608] : memref<128x63x128xf32, #tpu.memory_space<vmem>>, vector<1x63x128xf32>
    %get3A_2610 = vector.shape_cast %get3A_2609 : vector<1x63x128xf32> to vector<63x128xf32>
    %add3A_2611 = arith.addf %dot_general3A_2605, %get3A_2610 : vector<63x128xf32>
    %get3A_2612 = arith.constant 104 : index
    %get3A_2613 = arith.constant 0 : index
    %get3A_2614 = arith.constant 0 : index
    %get3A_2615 = vector.load %arg3[%get3A_2612, %get3A_2613, %get3A_2614] : memref<128x64x128xf32, #tpu.memory_space<vmem>>, vector<1x63x128xf32>
    %get3A_2616 = vector.shape_cast %get3A_2615 : vector<1x63x128xf32> to vector<63x128xf32>
    %add3A_2617 = arith.addf %add3A_2611, %get3A_2616 : vector<63x128xf32>
    %swap3A_2618 = arith.constant 104 : index
    %swap3A_2619 = arith.constant 0 : index
    %swap3A_2620 = arith.constant 0 : index
    %swap3A_2621 = vector.load %arg5[%swap3A_2618, %swap3A_2619, %swap3A_2620] : memref<128x63x128xf32, #tpu.memory_space<vmem>>, vector<1x63x128xf32>
    %swap3A_2622 = vector.shape_cast %swap3A_2621 : vector<1x63x128xf32> to vector<63x128xf32>
    %swap3A_2623 = vector.shape_cast %add3A_2617 : vector<63x128xf32> to vector<1x63x128xf32>
    tpu.vector_store %arg5[%swap3A_2618, %swap3A_2619, %swap3A_2620], %swap3A_2623 {strides = array<i32>} : memref<128x63x128xf32, #tpu.memory_space<vmem>>, vector<1x63x128xf32>,
    %get3A_2624 = arith.constant 105 : index
    %get3A_2625 = arith.constant 0 : index
    %get3A_2626 = arith.constant 0 : index
    %get3A_2627 = vector.load %arg1[%get3A_2624, %get3A_2625, %get3A_2626] : memref<128x63x26xf32, #tpu.memory_space<vmem>>, vector<1x63x26xf32>
    %get3A_2628 = vector.shape_cast %get3A_2627 : vector<1x63x26xf32> to vector<63x26xf32>
    %dot_general3A_2629 = arith.constant dense<0.000000e+00> : vector<63x128xf32>
    %dot_general3A_2630 = tpu.matmul %get3A_2628, %get3A_1, %dot_general3A_2629 {dimension_numbers = #tpu.dot_dimension_numbers<[1], [0], [0], [1], [0, 0, 1, 1], [], []>, transpose_lhs_hint = false} : vector<63x26xf32>, vector<26x128xf32>, vector<63x128xf32> -> vector<63x128xf32>
    %get3A_2631 = arith.constant 105 : index
    %get3A_2632 = arith.constant 0 : index
    %get3A_2633 = arith.constant 0 : index
    %get3A_2634 = vector.load %arg2[%get3A_2631, %get3A_2632, %get3A_2633] : memref<128x63x128xf32, #tpu.memory_space<vmem>>, vector<1x63x128xf32>
    %get3A_2635 = vector.shape_cast %get3A_2634 : vector<1x63x128xf32> to vector<63x128xf32>
    %add3A_2636 = arith.addf %dot_general3A_2630, %get3A_2635 : vector<63x128xf32>
    %get3A_2637 = arith.constant 105 : index
    %get3A_2638 = arith.constant 0 : index
    %get3A_2639 = arith.constant 0 : index
    %get3A_2640 = vector.load %arg3[%get3A_2637, %get3A_2638, %get3A_2639] : memref<128x64x128xf32, #tpu.memory_space<vmem>>, vector<1x63x128xf32>
    %get3A_2641 = vector.shape_cast %get3A_2640 : vector<1x63x128xf32> to vector<63x128xf32>
    %add3A_2642 = arith.addf %add3A_2636, %get3A_2641 : vector<63x128xf32>
    %swap3A_2643 = arith.constant 105 : index
    %swap3A_2644 = arith.constant 0 : index
    %swap3A_2645 = arith.constant 0 : index
    %swap3A_2646 = vector.load %arg5[%swap3A_2643, %swap3A_2644, %swap3A_2645] : memref<128x63x128xf32, #tpu.memory_space<vmem>>, vector<1x63x128xf32>
    %swap3A_2647 = vector.shape_cast %swap3A_2646 : vector<1x63x128xf32> to vector<63x128xf32>
    %swap3A_2648 = vector.shape_cast %add3A_2642 : vector<63x128xf32> to vector<1x63x128xf32>
    tpu.vector_store %arg5[%swap3A_2643, %swap3A_2644, %swap3A_2645], %swap3A_2648 {strides = array<i32>} : memref<128x63x128xf32, #tpu.memory_space<vmem>>, vector<1x63x128xf32>,
    %get3A_2649 = arith.constant 106 : index
    %get3A_2650 = arith.constant 0 : index
    %get3A_2651 = arith.constant 0 : index
    %get3A_2652 = vector.load %arg1[%get3A_2649, %get3A_2650, %get3A_2651] : memref<128x63x26xf32, #tpu.memory_space<vmem>>, vector<1x63x26xf32>
    %get3A_2653 = vector.shape_cast %get3A_2652 : vector<1x63x26xf32> to vector<63x26xf32>
    %dot_general3A_2654 = arith.constant dense<0.000000e+00> : vector<63x128xf32>
    %dot_general3A_2655 = tpu.matmul %get3A_2653, %get3A_1, %dot_general3A_2654 {dimension_numbers = #tpu.dot_dimension_numbers<[1], [0], [0], [1], [0, 0, 1, 1], [], []>, transpose_lhs_hint = false} : vector<63x26xf32>, vector<26x128xf32>, vector<63x128xf32> -> vector<63x128xf32>
    %get3A_2656 = arith.constant 106 : index
    %get3A_2657 = arith.constant 0 : index
    %get3A_2658 = arith.constant 0 : index
    %get3A_2659 = vector.load %arg2[%get3A_2656, %get3A_2657, %get3A_2658] : memref<128x63x128xf32, #tpu.memory_space<vmem>>, vector<1x63x128xf32>
    %get3A_2660 = vector.shape_cast %get3A_2659 : vector<1x63x128xf32> to vector<63x128xf32>
    %add3A_2661 = arith.addf %dot_general3A_2655, %get3A_2660 : vector<63x128xf32>
    %get3A_2662 = arith.constant 106 : index
    %get3A_2663 = arith.constant 0 : index
    %get3A_2664 = arith.constant 0 : index
    %get3A_2665 = vector.load %arg3[%get3A_2662, %get3A_2663, %get3A_2664] : memref<128x64x128xf32, #tpu.memory_space<vmem>>, vector<1x63x128xf32>
    %get3A_2666 = vector.shape_cast %get3A_2665 : vector<1x63x128xf32> to vector<63x128xf32>
    %add3A_2667 = arith.addf %add3A_2661, %get3A_2666 : vector<63x128xf32>
    %swap3A_2668 = arith.constant 106 : index
    %swap3A_2669 = arith.constant 0 : index
    %swap3A_2670 = arith.constant 0 : index
    %swap3A_2671 = vector.load %arg5[%swap3A_2668, %swap3A_2669, %swap3A_2670] : memref<128x63x128xf32, #tpu.memory_space<vmem>>, vector<1x63x128xf32>
    %swap3A_2672 = vector.shape_cast %swap3A_2671 : vector<1x63x128xf32> to vector<63x128xf32>
    %swap3A_2673 = vector.shape_cast %add3A_2667 : vector<63x128xf32> to vector<1x63x128xf32>
    tpu.vector_store %arg5[%swap3A_2668, %swap3A_2669, %swap3A_2670], %swap3A_2673 {strides = array<i32>} : memref<128x63x128xf32, #tpu.memory_space<vmem>>, vector<1x63x128xf32>,
    %get3A_2674 = arith.constant 107 : index
    %get3A_2675 = arith.constant 0 : index
    %get3A_2676 = arith.constant 0 : index
    %get3A_2677 = vector.load %arg1[%get3A_2674, %get3A_2675, %get3A_2676] : memref<128x63x26xf32, #tpu.memory_space<vmem>>, vector<1x63x26xf32>
    %get3A_2678 = vector.shape_cast %get3A_2677 : vector<1x63x26xf32> to vector<63x26xf32>
    %dot_general3A_2679 = arith.constant dense<0.000000e+00> : vector<63x128xf32>
    %dot_general3A_2680 = tpu.matmul %get3A_2678, %get3A_1, %dot_general3A_2679 {dimension_numbers = #tpu.dot_dimension_numbers<[1], [0], [0], [1], [0, 0, 1, 1], [], []>, transpose_lhs_hint = false} : vector<63x26xf32>, vector<26x128xf32>, vector<63x128xf32> -> vector<63x128xf32>
    %get3A_2681 = arith.constant 107 : index
    %get3A_2682 = arith.constant 0 : index
    %get3A_2683 = arith.constant 0 : index
    %get3A_2684 = vector.load %arg2[%get3A_2681, %get3A_2682, %get3A_2683] : memref<128x63x128xf32, #tpu.memory_space<vmem>>, vector<1x63x128xf32>
    %get3A_2685 = vector.shape_cast %get3A_2684 : vector<1x63x128xf32> to vector<63x128xf32>
    %add3A_2686 = arith.addf %dot_general3A_2680, %get3A_2685 : vector<63x128xf32>
    %get3A_2687 = arith.constant 107 : index
    %get3A_2688 = arith.constant 0 : index
    %get3A_2689 = arith.constant 0 : index
    %get3A_2690 = vector.load %arg3[%get3A_2687, %get3A_2688, %get3A_2689] : memref<128x64x128xf32, #tpu.memory_space<vmem>>, vector<1x63x128xf32>
    %get3A_2691 = vector.shape_cast %get3A_2690 : vector<1x63x128xf32> to vector<63x128xf32>
    %add3A_2692 = arith.addf %add3A_2686, %get3A_2691 : vector<63x128xf32>
    %swap3A_2693 = arith.constant 107 : index
    %swap3A_2694 = arith.constant 0 : index
    %swap3A_2695 = arith.constant 0 : index
    %swap3A_2696 = vector.load %arg5[%swap3A_2693, %swap3A_2694, %swap3A_2695] : memref<128x63x128xf32, #tpu.memory_space<vmem>>, vector<1x63x128xf32>
    %swap3A_2697 = vector.shape_cast %swap3A_2696 : vector<1x63x128xf32> to vector<63x128xf32>
    %swap3A_2698 = vector.shape_cast %add3A_2692 : vector<63x128xf32> to vector<1x63x128xf32>
    tpu.vector_store %arg5[%swap3A_2693, %swap3A_2694, %swap3A_2695], %swap3A_2698 {strides = array<i32>} : memref<128x63x128xf32, #tpu.memory_space<vmem>>, vector<1x63x128xf32>,
    %get3A_2699 = arith.constant 108 : index
    %get3A_2700 = arith.constant 0 : index
    %get3A_2701 = arith.constant 0 : index
    %get3A_2702 = vector.load %arg1[%get3A_2699, %get3A_2700, %get3A_2701] : memref<128x63x26xf32, #tpu.memory_space<vmem>>, vector<1x63x26xf32>
    %get3A_2703 = vector.shape_cast %get3A_2702 : vector<1x63x26xf32> to vector<63x26xf32>
    %dot_general3A_2704 = arith.constant dense<0.000000e+00> : vector<63x128xf32>
    %dot_general3A_2705 = tpu.matmul %get3A_2703, %get3A_1, %dot_general3A_2704 {dimension_numbers = #tpu.dot_dimension_numbers<[1], [0], [0], [1], [0, 0, 1, 1], [], []>, transpose_lhs_hint = false} : vector<63x26xf32>, vector<26x128xf32>, vector<63x128xf32> -> vector<63x128xf32>
    %get3A_2706 = arith.constant 108 : index
    %get3A_2707 = arith.constant 0 : index
    %get3A_2708 = arith.constant 0 : index
    %get3A_2709 = vector.load %arg2[%get3A_2706, %get3A_2707, %get3A_2708] : memref<128x63x128xf32, #tpu.memory_space<vmem>>, vector<1x63x128xf32>
    %get3A_2710 = vector.shape_cast %get3A_2709 : vector<1x63x128xf32> to vector<63x128xf32>
    %add3A_2711 = arith.addf %dot_general3A_2705, %get3A_2710 : vector<63x128xf32>
    %get3A_2712 = arith.constant 108 : index
    %get3A_2713 = arith.constant 0 : index
    %get3A_2714 = arith.constant 0 : index
    %get3A_2715 = vector.load %arg3[%get3A_2712, %get3A_2713, %get3A_2714] : memref<128x64x128xf32, #tpu.memory_space<vmem>>, vector<1x63x128xf32>
    %get3A_2716 = vector.shape_cast %get3A_2715 : vector<1x63x128xf32> to vector<63x128xf32>
    %add3A_2717 = arith.addf %add3A_2711, %get3A_2716 : vector<63x128xf32>
    %swap3A_2718 = arith.constant 108 : index
    %swap3A_2719 = arith.constant 0 : index
    %swap3A_2720 = arith.constant 0 : index
    %swap3A_2721 = vector.load %arg5[%swap3A_2718, %swap3A_2719, %swap3A_2720] : memref<128x63x128xf32, #tpu.memory_space<vmem>>, vector<1x63x128xf32>
    %swap3A_2722 = vector.shape_cast %swap3A_2721 : vector<1x63x128xf32> to vector<63x128xf32>
    %swap3A_2723 = vector.shape_cast %add3A_2717 : vector<63x128xf32> to vector<1x63x128xf32>
    tpu.vector_store %arg5[%swap3A_2718, %swap3A_2719, %swap3A_2720], %swap3A_2723 {strides = array<i32>} : memref<128x63x128xf32, #tpu.memory_space<vmem>>, vector<1x63x128xf32>,
    %get3A_2724 = arith.constant 109 : index
    %get3A_2725 = arith.constant 0 : index
    %get3A_2726 = arith.constant 0 : index
    %get3A_2727 = vector.load %arg1[%get3A_2724, %get3A_2725, %get3A_2726] : memref<128x63x26xf32, #tpu.memory_space<vmem>>, vector<1x63x26xf32>
    %get3A_2728 = vector.shape_cast %get3A_2727 : vector<1x63x26xf32> to vector<63x26xf32>
    %dot_general3A_2729 = arith.constant dense<0.000000e+00> : vector<63x128xf32>
    %dot_general3A_2730 = tpu.matmul %get3A_2728, %get3A_1, %dot_general3A_2729 {dimension_numbers = #tpu.dot_dimension_numbers<[1], [0], [0], [1], [0, 0, 1, 1], [], []>, transpose_lhs_hint = false} : vector<63x26xf32>, vector<26x128xf32>, vector<63x128xf32> -> vector<63x128xf32>
    %get3A_2731 = arith.constant 109 : index
    %get3A_2732 = arith.constant 0 : index
    %get3A_2733 = arith.constant 0 : index
    %get3A_2734 = vector.load %arg2[%get3A_2731, %get3A_2732, %get3A_2733] : memref<128x63x128xf32, #tpu.memory_space<vmem>>, vector<1x63x128xf32>
    %get3A_2735 = vector.shape_cast %get3A_2734 : vector<1x63x128xf32> to vector<63x128xf32>
    %add3A_2736 = arith.addf %dot_general3A_2730, %get3A_2735 : vector<63x128xf32>
    %get3A_2737 = arith.constant 109 : index
    %get3A_2738 = arith.constant 0 : index
    %get3A_2739 = arith.constant 0 : index
    %get3A_2740 = vector.load %arg3[%get3A_2737, %get3A_2738, %get3A_2739] : memref<128x64x128xf32, #tpu.memory_space<vmem>>, vector<1x63x128xf32>
    %get3A_2741 = vector.shape_cast %get3A_2740 : vector<1x63x128xf32> to vector<63x128xf32>
    %add3A_2742 = arith.addf %add3A_2736, %get3A_2741 : vector<63x128xf32>
    %swap3A_2743 = arith.constant 109 : index
    %swap3A_2744 = arith.constant 0 : index
    %swap3A_2745 = arith.constant 0 : index
    %swap3A_2746 = vector.load %arg5[%swap3A_2743, %swap3A_2744, %swap3A_2745] : memref<128x63x128xf32, #tpu.memory_space<vmem>>, vector<1x63x128xf32>
    %swap3A_2747 = vector.shape_cast %swap3A_2746 : vector<1x63x128xf32> to vector<63x128xf32>
    %swap3A_2748 = vector.shape_cast %add3A_2742 : vector<63x128xf32> to vector<1x63x128xf32>
    tpu.vector_store %arg5[%swap3A_2743, %swap3A_2744, %swap3A_2745], %swap3A_2748 {strides = array<i32>} : memref<128x63x128xf32, #tpu.memory_space<vmem>>, vector<1x63x128xf32>,
    %get3A_2749 = arith.constant 110 : index
    %get3A_2750 = arith.constant 0 : index
    %get3A_2751 = arith.constant 0 : index
    %get3A_2752 = vector.load %arg1[%get3A_2749, %get3A_2750, %get3A_2751] : memref<128x63x26xf32, #tpu.memory_space<vmem>>, vector<1x63x26xf32>
    %get3A_2753 = vector.shape_cast %get3A_2752 : vector<1x63x26xf32> to vector<63x26xf32>
    %dot_general3A_2754 = arith.constant dense<0.000000e+00> : vector<63x128xf32>
    %dot_general3A_2755 = tpu.matmul %get3A_2753, %get3A_1, %dot_general3A_2754 {dimension_numbers = #tpu.dot_dimension_numbers<[1], [0], [0], [1], [0, 0, 1, 1], [], []>, transpose_lhs_hint = false} : vector<63x26xf32>, vector<26x128xf32>, vector<63x128xf32> -> vector<63x128xf32>
    %get3A_2756 = arith.constant 110 : index
    %get3A_2757 = arith.constant 0 : index
    %get3A_2758 = arith.constant 0 : index
    %get3A_2759 = vector.load %arg2[%get3A_2756, %get3A_2757, %get3A_2758] : memref<128x63x128xf32, #tpu.memory_space<vmem>>, vector<1x63x128xf32>
    %get3A_2760 = vector.shape_cast %get3A_2759 : vector<1x63x128xf32> to vector<63x128xf32>
    %add3A_2761 = arith.addf %dot_general3A_2755, %get3A_2760 : vector<63x128xf32>
    %get3A_2762 = arith.constant 110 : index
    %get3A_2763 = arith.constant 0 : index
    %get3A_2764 = arith.constant 0 : index
    %get3A_2765 = vector.load %arg3[%get3A_2762, %get3A_2763, %get3A_2764] : memref<128x64x128xf32, #tpu.memory_space<vmem>>, vector<1x63x128xf32>
    %get3A_2766 = vector.shape_cast %get3A_2765 : vector<1x63x128xf32> to vector<63x128xf32>
    %add3A_2767 = arith.addf %add3A_2761, %get3A_2766 : vector<63x128xf32>
    %swap3A_2768 = arith.constant 110 : index
    %swap3A_2769 = arith.constant 0 : index
    %swap3A_2770 = arith.constant 0 : index
    %swap3A_2771 = vector.load %arg5[%swap3A_2768, %swap3A_2769, %swap3A_2770] : memref<128x63x128xf32, #tpu.memory_space<vmem>>, vector<1x63x128xf32>
    %swap3A_2772 = vector.shape_cast %swap3A_2771 : vector<1x63x128xf32> to vector<63x128xf32>
    %swap3A_2773 = vector.shape_cast %add3A_2767 : vector<63x128xf32> to vector<1x63x128xf32>
    tpu.vector_store %arg5[%swap3A_2768, %swap3A_2769, %swap3A_2770], %swap3A_2773 {strides = array<i32>} : memref<128x63x128xf32, #tpu.memory_space<vmem>>, vector<1x63x128xf32>,
    %get3A_2774 = arith.constant 111 : index
    %get3A_2775 = arith.constant 0 : index
    %get3A_2776 = arith.constant 0 : index
    %get3A_2777 = vector.load %arg1[%get3A_2774, %get3A_2775, %get3A_2776] : memref<128x63x26xf32, #tpu.memory_space<vmem>>, vector<1x63x26xf32>
    %get3A_2778 = vector.shape_cast %get3A_2777 : vector<1x63x26xf32> to vector<63x26xf32>
    %dot_general3A_2779 = arith.constant dense<0.000000e+00> : vector<63x128xf32>
    %dot_general3A_2780 = tpu.matmul %get3A_2778, %get3A_1, %dot_general3A_2779 {dimension_numbers = #tpu.dot_dimension_numbers<[1], [0], [0], [1], [0, 0, 1, 1], [], []>, transpose_lhs_hint = false} : vector<63x26xf32>, vector<26x128xf32>, vector<63x128xf32> -> vector<63x128xf32>
    %get3A_2781 = arith.constant 111 : index
    %get3A_2782 = arith.constant 0 : index
    %get3A_2783 = arith.constant 0 : index
    %get3A_2784 = vector.load %arg2[%get3A_2781, %get3A_2782, %get3A_2783] : memref<128x63x128xf32, #tpu.memory_space<vmem>>, vector<1x63x128xf32>
    %get3A_2785 = vector.shape_cast %get3A_2784 : vector<1x63x128xf32> to vector<63x128xf32>
    %add3A_2786 = arith.addf %dot_general3A_2780, %get3A_2785 : vector<63x128xf32>
    %get3A_2787 = arith.constant 111 : index
    %get3A_2788 = arith.constant 0 : index
    %get3A_2789 = arith.constant 0 : index
    %get3A_2790 = vector.load %arg3[%get3A_2787, %get3A_2788, %get3A_2789] : memref<128x64x128xf32, #tpu.memory_space<vmem>>, vector<1x63x128xf32>
    %get3A_2791 = vector.shape_cast %get3A_2790 : vector<1x63x128xf32> to vector<63x128xf32>
    %add3A_2792 = arith.addf %add3A_2786, %get3A_2791 : vector<63x128xf32>
    %swap3A_2793 = arith.constant 111 : index
    %swap3A_2794 = arith.constant 0 : index
    %swap3A_2795 = arith.constant 0 : index
    %swap3A_2796 = vector.load %arg5[%swap3A_2793, %swap3A_2794, %swap3A_2795] : memref<128x63x128xf32, #tpu.memory_space<vmem>>, vector<1x63x128xf32>
    %swap3A_2797 = vector.shape_cast %swap3A_2796 : vector<1x63x128xf32> to vector<63x128xf32>
    %swap3A_2798 = vector.shape_cast %add3A_2792 : vector<63x128xf32> to vector<1x63x128xf32>
    tpu.vector_store %arg5[%swap3A_2793, %swap3A_2794, %swap3A_2795], %swap3A_2798 {strides = array<i32>} : memref<128x63x128xf32, #tpu.memory_space<vmem>>, vector<1x63x128xf32>,
    %get3A_2799 = arith.constant 112 : index
    %get3A_2800 = arith.constant 0 : index
    %get3A_2801 = arith.constant 0 : index
    %get3A_2802 = vector.load %arg1[%get3A_2799, %get3A_2800, %get3A_2801] : memref<128x63x26xf32, #tpu.memory_space<vmem>>, vector<1x63x26xf32>
    %get3A_2803 = vector.shape_cast %get3A_2802 : vector<1x63x26xf32> to vector<63x26xf32>
    %dot_general3A_2804 = arith.constant dense<0.000000e+00> : vector<63x128xf32>
    %dot_general3A_2805 = tpu.matmul %get3A_2803, %get3A_1, %dot_general3A_2804 {dimension_numbers = #tpu.dot_dimension_numbers<[1], [0], [0], [1], [0, 0, 1, 1], [], []>, transpose_lhs_hint = false} : vector<63x26xf32>, vector<26x128xf32>, vector<63x128xf32> -> vector<63x128xf32>
    %get3A_2806 = arith.constant 112 : index
    %get3A_2807 = arith.constant 0 : index
    %get3A_2808 = arith.constant 0 : index
    %get3A_2809 = vector.load %arg2[%get3A_2806, %get3A_2807, %get3A_2808] : memref<128x63x128xf32, #tpu.memory_space<vmem>>, vector<1x63x128xf32>
    %get3A_2810 = vector.shape_cast %get3A_2809 : vector<1x63x128xf32> to vector<63x128xf32>
    %add3A_2811 = arith.addf %dot_general3A_2805, %get3A_2810 : vector<63x128xf32>
    %get3A_2812 = arith.constant 112 : index
    %get3A_2813 = arith.constant 0 : index
    %get3A_2814 = arith.constant 0 : index
    %get3A_2815 = vector.load %arg3[%get3A_2812, %get3A_2813, %get3A_2814] : memref<128x64x128xf32, #tpu.memory_space<vmem>>, vector<1x63x128xf32>
    %get3A_2816 = vector.shape_cast %get3A_2815 : vector<1x63x128xf32> to vector<63x128xf32>
    %add3A_2817 = arith.addf %add3A_2811, %get3A_2816 : vector<63x128xf32>
    %swap3A_2818 = arith.constant 112 : index
    %swap3A_2819 = arith.constant 0 : index
    %swap3A_2820 = arith.constant 0 : index
    %swap3A_2821 = vector.load %arg5[%swap3A_2818, %swap3A_2819, %swap3A_2820] : memref<128x63x128xf32, #tpu.memory_space<vmem>>, vector<1x63x128xf32>
    %swap3A_2822 = vector.shape_cast %swap3A_2821 : vector<1x63x128xf32> to vector<63x128xf32>
    %swap3A_2823 = vector.shape_cast %add3A_2817 : vector<63x128xf32> to vector<1x63x128xf32>
    tpu.vector_store %arg5[%swap3A_2818, %swap3A_2819, %swap3A_2820], %swap3A_2823 {strides = array<i32>} : memref<128x63x128xf32, #tpu.memory_space<vmem>>, vector<1x63x128xf32>,
    %get3A_2824 = arith.constant 113 : index
    %get3A_2825 = arith.constant 0 : index
    %get3A_2826 = arith.constant 0 : index
    %get3A_2827 = vector.load %arg1[%get3A_2824, %get3A_2825, %get3A_2826] : memref<128x63x26xf32, #tpu.memory_space<vmem>>, vector<1x63x26xf32>
    %get3A_2828 = vector.shape_cast %get3A_2827 : vector<1x63x26xf32> to vector<63x26xf32>
    %dot_general3A_2829 = arith.constant dense<0.000000e+00> : vector<63x128xf32>
    %dot_general3A_2830 = tpu.matmul %get3A_2828, %get3A_1, %dot_general3A_2829 {dimension_numbers = #tpu.dot_dimension_numbers<[1], [0], [0], [1], [0, 0, 1, 1], [], []>, transpose_lhs_hint = false} : vector<63x26xf32>, vector<26x128xf32>, vector<63x128xf32> -> vector<63x128xf32>
    %get3A_2831 = arith.constant 113 : index
    %get3A_2832 = arith.constant 0 : index
    %get3A_2833 = arith.constant 0 : index
    %get3A_2834 = vector.load %arg2[%get3A_2831, %get3A_2832, %get3A_2833] : memref<128x63x128xf32, #tpu.memory_space<vmem>>, vector<1x63x128xf32>
    %get3A_2835 = vector.shape_cast %get3A_2834 : vector<1x63x128xf32> to vector<63x128xf32>
    %add3A_2836 = arith.addf %dot_general3A_2830, %get3A_2835 : vector<63x128xf32>
    %get3A_2837 = arith.constant 113 : index
    %get3A_2838 = arith.constant 0 : index
    %get3A_2839 = arith.constant 0 : index
    %get3A_2840 = vector.load %arg3[%get3A_2837, %get3A_2838, %get3A_2839] : memref<128x64x128xf32, #tpu.memory_space<vmem>>, vector<1x63x128xf32>
    %get3A_2841 = vector.shape_cast %get3A_2840 : vector<1x63x128xf32> to vector<63x128xf32>
    %add3A_2842 = arith.addf %add3A_2836, %get3A_2841 : vector<63x128xf32>
    %swap3A_2843 = arith.constant 113 : index
    %swap3A_2844 = arith.constant 0 : index
    %swap3A_2845 = arith.constant 0 : index
    %swap3A_2846 = vector.load %arg5[%swap3A_2843, %swap3A_2844, %swap3A_2845] : memref<128x63x128xf32, #tpu.memory_space<vmem>>, vector<1x63x128xf32>
    %swap3A_2847 = vector.shape_cast %swap3A_2846 : vector<1x63x128xf32> to vector<63x128xf32>
    %swap3A_2848 = vector.shape_cast %add3A_2842 : vector<63x128xf32> to vector<1x63x128xf32>
    tpu.vector_store %arg5[%swap3A_2843, %swap3A_2844, %swap3A_2845], %swap3A_2848 {strides = array<i32>} : memref<128x63x128xf32, #tpu.memory_space<vmem>>, vector<1x63x128xf32>,
    %get3A_2849 = arith.constant 114 : index
    %get3A_2850 = arith.constant 0 : index
    %get3A_2851 = arith.constant 0 : index
    %get3A_2852 = vector.load %arg1[%get3A_2849, %get3A_2850, %get3A_2851] : memref<128x63x26xf32, #tpu.memory_space<vmem>>, vector<1x63x26xf32>
    %get3A_2853 = vector.shape_cast %get3A_2852 : vector<1x63x26xf32> to vector<63x26xf32>
    %dot_general3A_2854 = arith.constant dense<0.000000e+00> : vector<63x128xf32>
    %dot_general3A_2855 = tpu.matmul %get3A_2853, %get3A_1, %dot_general3A_2854 {dimension_numbers = #tpu.dot_dimension_numbers<[1], [0], [0], [1], [0, 0, 1, 1], [], []>, transpose_lhs_hint = false} : vector<63x26xf32>, vector<26x128xf32>, vector<63x128xf32> -> vector<63x128xf32>
    %get3A_2856 = arith.constant 114 : index
    %get3A_2857 = arith.constant 0 : index
    %get3A_2858 = arith.constant 0 : index
    %get3A_2859 = vector.load %arg2[%get3A_2856, %get3A_2857, %get3A_2858] : memref<128x63x128xf32, #tpu.memory_space<vmem>>, vector<1x63x128xf32>
    %get3A_2860 = vector.shape_cast %get3A_2859 : vector<1x63x128xf32> to vector<63x128xf32>
    %add3A_2861 = arith.addf %dot_general3A_2855, %get3A_2860 : vector<63x128xf32>
    %get3A_2862 = arith.constant 114 : index
    %get3A_2863 = arith.constant 0 : index
    %get3A_2864 = arith.constant 0 : index
    %get3A_2865 = vector.load %arg3[%get3A_2862, %get3A_2863, %get3A_2864] : memref<128x64x128xf32, #tpu.memory_space<vmem>>, vector<1x63x128xf32>
    %get3A_2866 = vector.shape_cast %get3A_2865 : vector<1x63x128xf32> to vector<63x128xf32>
    %add3A_2867 = arith.addf %add3A_2861, %get3A_2866 : vector<63x128xf32>
    %swap3A_2868 = arith.constant 114 : index
    %swap3A_2869 = arith.constant 0 : index
    %swap3A_2870 = arith.constant 0 : index
    %swap3A_2871 = vector.load %arg5[%swap3A_2868, %swap3A_2869, %swap3A_2870] : memref<128x63x128xf32, #tpu.memory_space<vmem>>, vector<1x63x128xf32>
    %swap3A_2872 = vector.shape_cast %swap3A_2871 : vector<1x63x128xf32> to vector<63x128xf32>
    %swap3A_2873 = vector.shape_cast %add3A_2867 : vector<63x128xf32> to vector<1x63x128xf32>
    tpu.vector_store %arg5[%swap3A_2868, %swap3A_2869, %swap3A_2870], %swap3A_2873 {strides = array<i32>} : memref<128x63x128xf32, #tpu.memory_space<vmem>>, vector<1x63x128xf32>,
    %get3A_2874 = arith.constant 115 : index
    %get3A_2875 = arith.constant 0 : index
    %get3A_2876 = arith.constant 0 : index
    %get3A_2877 = vector.load %arg1[%get3A_2874, %get3A_2875, %get3A_2876] : memref<128x63x26xf32, #tpu.memory_space<vmem>>, vector<1x63x26xf32>
    %get3A_2878 = vector.shape_cast %get3A_2877 : vector<1x63x26xf32> to vector<63x26xf32>
    %dot_general3A_2879 = arith.constant dense<0.000000e+00> : vector<63x128xf32>
    %dot_general3A_2880 = tpu.matmul %get3A_2878, %get3A_1, %dot_general3A_2879 {dimension_numbers = #tpu.dot_dimension_numbers<[1], [0], [0], [1], [0, 0, 1, 1], [], []>, transpose_lhs_hint = false} : vector<63x26xf32>, vector<26x128xf32>, vector<63x128xf32> -> vector<63x128xf32>
    %get3A_2881 = arith.constant 115 : index
    %get3A_2882 = arith.constant 0 : index
    %get3A_2883 = arith.constant 0 : index
    %get3A_2884 = vector.load %arg2[%get3A_2881, %get3A_2882, %get3A_2883] : memref<128x63x128xf32, #tpu.memory_space<vmem>>, vector<1x63x128xf32>
    %get3A_2885 = vector.shape_cast %get3A_2884 : vector<1x63x128xf32> to vector<63x128xf32>
    %add3A_2886 = arith.addf %dot_general3A_2880, %get3A_2885 : vector<63x128xf32>
    %get3A_2887 = arith.constant 115 : index
    %get3A_2888 = arith.constant 0 : index
    %get3A_2889 = arith.constant 0 : index
    %get3A_2890 = vector.load %arg3[%get3A_2887, %get3A_2888, %get3A_2889] : memref<128x64x128xf32, #tpu.memory_space<vmem>>, vector<1x63x128xf32>
    %get3A_2891 = vector.shape_cast %get3A_2890 : vector<1x63x128xf32> to vector<63x128xf32>
    %add3A_2892 = arith.addf %add3A_2886, %get3A_2891 : vector<63x128xf32>
    %swap3A_2893 = arith.constant 115 : index
    %swap3A_2894 = arith.constant 0 : index
    %swap3A_2895 = arith.constant 0 : index
    %swap3A_2896 = vector.load %arg5[%swap3A_2893, %swap3A_2894, %swap3A_2895] : memref<128x63x128xf32, #tpu.memory_space<vmem>>, vector<1x63x128xf32>
    %swap3A_2897 = vector.shape_cast %swap3A_2896 : vector<1x63x128xf32> to vector<63x128xf32>
    %swap3A_2898 = vector.shape_cast %add3A_2892 : vector<63x128xf32> to vector<1x63x128xf32>
    tpu.vector_store %arg5[%swap3A_2893, %swap3A_2894, %swap3A_2895], %swap3A_2898 {strides = array<i32>} : memref<128x63x128xf32, #tpu.memory_space<vmem>>, vector<1x63x128xf32>,
    %get3A_2899 = arith.constant 116 : index
    %get3A_2900 = arith.constant 0 : index
    %get3A_2901 = arith.constant 0 : index
    %get3A_2902 = vector.load %arg1[%get3A_2899, %get3A_2900, %get3A_2901] : memref<128x63x26xf32, #tpu.memory_space<vmem>>, vector<1x63x26xf32>
    %get3A_2903 = vector.shape_cast %get3A_2902 : vector<1x63x26xf32> to vector<63x26xf32>
    %dot_general3A_2904 = arith.constant dense<0.000000e+00> : vector<63x128xf32>
    %dot_general3A_2905 = tpu.matmul %get3A_2903, %get3A_1, %dot_general3A_2904 {dimension_numbers = #tpu.dot_dimension_numbers<[1], [0], [0], [1], [0, 0, 1, 1], [], []>, transpose_lhs_hint = false} : vector<63x26xf32>, vector<26x128xf32>, vector<63x128xf32> -> vector<63x128xf32>
    %get3A_2906 = arith.constant 116 : index
    %get3A_2907 = arith.constant 0 : index
    %get3A_2908 = arith.constant 0 : index
    %get3A_2909 = vector.load %arg2[%get3A_2906, %get3A_2907, %get3A_2908] : memref<128x63x128xf32, #tpu.memory_space<vmem>>, vector<1x63x128xf32>
    %get3A_2910 = vector.shape_cast %get3A_2909 : vector<1x63x128xf32> to vector<63x128xf32>
    %add3A_2911 = arith.addf %dot_general3A_2905, %get3A_2910 : vector<63x128xf32>
    %get3A_2912 = arith.constant 116 : index
    %get3A_2913 = arith.constant 0 : index
    %get3A_2914 = arith.constant 0 : index
    %get3A_2915 = vector.load %arg3[%get3A_2912, %get3A_2913, %get3A_2914] : memref<128x64x128xf32, #tpu.memory_space<vmem>>, vector<1x63x128xf32>
    %get3A_2916 = vector.shape_cast %get3A_2915 : vector<1x63x128xf32> to vector<63x128xf32>
    %add3A_2917 = arith.addf %add3A_2911, %get3A_2916 : vector<63x128xf32>
    %swap3A_2918 = arith.constant 116 : index
    %swap3A_2919 = arith.constant 0 : index
    %swap3A_2920 = arith.constant 0 : index
    %swap3A_2921 = vector.load %arg5[%swap3A_2918, %swap3A_2919, %swap3A_2920] : memref<128x63x128xf32, #tpu.memory_space<vmem>>, vector<1x63x128xf32>
    %swap3A_2922 = vector.shape_cast %swap3A_2921 : vector<1x63x128xf32> to vector<63x128xf32>
    %swap3A_2923 = vector.shape_cast %add3A_2917 : vector<63x128xf32> to vector<1x63x128xf32>
    tpu.vector_store %arg5[%swap3A_2918, %swap3A_2919, %swap3A_2920], %swap3A_2923 {strides = array<i32>} : memref<128x63x128xf32, #tpu.memory_space<vmem>>, vector<1x63x128xf32>,
    %get3A_2924 = arith.constant 117 : index
    %get3A_2925 = arith.constant 0 : index
    %get3A_2926 = arith.constant 0 : index
    %get3A_2927 = vector.load %arg1[%get3A_2924, %get3A_2925, %get3A_2926] : memref<128x63x26xf32, #tpu.memory_space<vmem>>, vector<1x63x26xf32>
    %get3A_2928 = vector.shape_cast %get3A_2927 : vector<1x63x26xf32> to vector<63x26xf32>
    %dot_general3A_2929 = arith.constant dense<0.000000e+00> : vector<63x128xf32>
    %dot_general3A_2930 = tpu.matmul %get3A_2928, %get3A_1, %dot_general3A_2929 {dimension_numbers = #tpu.dot_dimension_numbers<[1], [0], [0], [1], [0, 0, 1, 1], [], []>, transpose_lhs_hint = false} : vector<63x26xf32>, vector<26x128xf32>, vector<63x128xf32> -> vector<63x128xf32>
    %get3A_2931 = arith.constant 117 : index
    %get3A_2932 = arith.constant 0 : index
    %get3A_2933 = arith.constant 0 : index
    %get3A_2934 = vector.load %arg2[%get3A_2931, %get3A_2932, %get3A_2933] : memref<128x63x128xf32, #tpu.memory_space<vmem>>, vector<1x63x128xf32>
    %get3A_2935 = vector.shape_cast %get3A_2934 : vector<1x63x128xf32> to vector<63x128xf32>
    %add3A_2936 = arith.addf %dot_general3A_2930, %get3A_2935 : vector<63x128xf32>
    %get3A_2937 = arith.constant 117 : index
    %get3A_2938 = arith.constant 0 : index
    %get3A_2939 = arith.constant 0 : index
    %get3A_2940 = vector.load %arg3[%get3A_2937, %get3A_2938, %get3A_2939] : memref<128x64x128xf32, #tpu.memory_space<vmem>>, vector<1x63x128xf32>
    %get3A_2941 = vector.shape_cast %get3A_2940 : vector<1x63x128xf32> to vector<63x128xf32>
    %add3A_2942 = arith.addf %add3A_2936, %get3A_2941 : vector<63x128xf32>
    %swap3A_2943 = arith.constant 117 : index
    %swap3A_2944 = arith.constant 0 : index
    %swap3A_2945 = arith.constant 0 : index
    %swap3A_2946 = vector.load %arg5[%swap3A_2943, %swap3A_2944, %swap3A_2945] : memref<128x63x128xf32, #tpu.memory_space<vmem>>, vector<1x63x128xf32>
    %swap3A_2947 = vector.shape_cast %swap3A_2946 : vector<1x63x128xf32> to vector<63x128xf32>
    %swap3A_2948 = vector.shape_cast %add3A_2942 : vector<63x128xf32> to vector<1x63x128xf32>
    tpu.vector_store %arg5[%swap3A_2943, %swap3A_2944, %swap3A_2945], %swap3A_2948 {strides = array<i32>} : memref<128x63x128xf32, #tpu.memory_space<vmem>>, vector<1x63x128xf32>,
    %get3A_2949 = arith.constant 118 : index
    %get3A_2950 = arith.constant 0 : index
    %get3A_2951 = arith.constant 0 : index
    %get3A_2952 = vector.load %arg1[%get3A_2949, %get3A_2950, %get3A_2951] : memref<128x63x26xf32, #tpu.memory_space<vmem>>, vector<1x63x26xf32>
    %get3A_2953 = vector.shape_cast %get3A_2952 : vector<1x63x26xf32> to vector<63x26xf32>
    %dot_general3A_2954 = arith.constant dense<0.000000e+00> : vector<63x128xf32>
    %dot_general3A_2955 = tpu.matmul %get3A_2953, %get3A_1, %dot_general3A_2954 {dimension_numbers = #tpu.dot_dimension_numbers<[1], [0], [0], [1], [0, 0, 1, 1], [], []>, transpose_lhs_hint = false} : vector<63x26xf32>, vector<26x128xf32>, vector<63x128xf32> -> vector<63x128xf32>
    %get3A_2956 = arith.constant 118 : index
    %get3A_2957 = arith.constant 0 : index
    %get3A_2958 = arith.constant 0 : index
    %get3A_2959 = vector.load %arg2[%get3A_2956, %get3A_2957, %get3A_2958] : memref<128x63x128xf32, #tpu.memory_space<vmem>>, vector<1x63x128xf32>
    %get3A_2960 = vector.shape_cast %get3A_2959 : vector<1x63x128xf32> to vector<63x128xf32>
    %add3A_2961 = arith.addf %dot_general3A_2955, %get3A_2960 : vector<63x128xf32>
    %get3A_2962 = arith.constant 118 : index
    %get3A_2963 = arith.constant 0 : index
    %get3A_2964 = arith.constant 0 : index
    %get3A_2965 = vector.load %arg3[%get3A_2962, %get3A_2963, %get3A_2964] : memref<128x64x128xf32, #tpu.memory_space<vmem>>, vector<1x63x128xf32>
    %get3A_2966 = vector.shape_cast %get3A_2965 : vector<1x63x128xf32> to vector<63x128xf32>
    %add3A_2967 = arith.addf %add3A_2961, %get3A_2966 : vector<63x128xf32>
    %swap3A_2968 = arith.constant 118 : index
    %swap3A_2969 = arith.constant 0 : index
    %swap3A_2970 = arith.constant 0 : index
    %swap3A_2971 = vector.load %arg5[%swap3A_2968, %swap3A_2969, %swap3A_2970] : memref<128x63x128xf32, #tpu.memory_space<vmem>>, vector<1x63x128xf32>
    %swap3A_2972 = vector.shape_cast %swap3A_2971 : vector<1x63x128xf32> to vector<63x128xf32>
    %swap3A_2973 = vector.shape_cast %add3A_2967 : vector<63x128xf32> to vector<1x63x128xf32>
    tpu.vector_store %arg5[%swap3A_2968, %swap3A_2969, %swap3A_2970], %swap3A_2973 {strides = array<i32>} : memref<128x63x128xf32, #tpu.memory_space<vmem>>, vector<1x63x128xf32>,
    %get3A_2974 = arith.constant 119 : index
    %get3A_2975 = arith.constant 0 : index
    %get3A_2976 = arith.constant 0 : index
    %get3A_2977 = vector.load %arg1[%get3A_2974, %get3A_2975, %get3A_2976] : memref<128x63x26xf32, #tpu.memory_space<vmem>>, vector<1x63x26xf32>
    %get3A_2978 = vector.shape_cast %get3A_2977 : vector<1x63x26xf32> to vector<63x26xf32>
    %dot_general3A_2979 = arith.constant dense<0.000000e+00> : vector<63x128xf32>
    %dot_general3A_2980 = tpu.matmul %get3A_2978, %get3A_1, %dot_general3A_2979 {dimension_numbers = #tpu.dot_dimension_numbers<[1], [0], [0], [1], [0, 0, 1, 1], [], []>, transpose_lhs_hint = false} : vector<63x26xf32>, vector<26x128xf32>, vector<63x128xf32> -> vector<63x128xf32>
    %get3A_2981 = arith.constant 119 : index
    %get3A_2982 = arith.constant 0 : index
    %get3A_2983 = arith.constant 0 : index
    %get3A_2984 = vector.load %arg2[%get3A_2981, %get3A_2982, %get3A_2983] : memref<128x63x128xf32, #tpu.memory_space<vmem>>, vector<1x63x128xf32>
    %get3A_2985 = vector.shape_cast %get3A_2984 : vector<1x63x128xf32> to vector<63x128xf32>
    %add3A_2986 = arith.addf %dot_general3A_2980, %get3A_2985 : vector<63x128xf32>
    %get3A_2987 = arith.constant 119 : index
    %get3A_2988 = arith.constant 0 : index
    %get3A_2989 = arith.constant 0 : index
    %get3A_2990 = vector.load %arg3[%get3A_2987, %get3A_2988, %get3A_2989] : memref<128x64x128xf32, #tpu.memory_space<vmem>>, vector<1x63x128xf32>
    %get3A_2991 = vector.shape_cast %get3A_2990 : vector<1x63x128xf32> to vector<63x128xf32>
    %add3A_2992 = arith.addf %add3A_2986, %get3A_2991 : vector<63x128xf32>
    %swap3A_2993 = arith.constant 119 : index
    %swap3A_2994 = arith.constant 0 : index
    %swap3A_2995 = arith.constant 0 : index
    %swap3A_2996 = vector.load %arg5[%swap3A_2993, %swap3A_2994, %swap3A_2995] : memref<128x63x128xf32, #tpu.memory_space<vmem>>, vector<1x63x128xf32>
    %swap3A_2997 = vector.shape_cast %swap3A_2996 : vector<1x63x128xf32> to vector<63x128xf32>
    %swap3A_2998 = vector.shape_cast %add3A_2992 : vector<63x128xf32> to vector<1x63x128xf32>
    tpu.vector_store %arg5[%swap3A_2993, %swap3A_2994, %swap3A_2995], %swap3A_2998 {strides = array<i32>} : memref<128x63x128xf32, #tpu.memory_space<vmem>>, vector<1x63x128xf32>,
    %get3A_2999 = arith.constant 120 : index
    %get3A_3000 = arith.constant 0 : index
    %get3A_3001 = arith.constant 0 : index
    %get3A_3002 = vector.load %arg1[%get3A_2999, %get3A_3000, %get3A_3001] : memref<128x63x26xf32, #tpu.memory_space<vmem>>, vector<1x63x26xf32>
    %get3A_3003 = vector.shape_cast %get3A_3002 : vector<1x63x26xf32> to vector<63x26xf32>
    %dot_general3A_3004 = arith.constant dense<0.000000e+00> : vector<63x128xf32>
    %dot_general3A_3005 = tpu.matmul %get3A_3003, %get3A_1, %dot_general3A_3004 {dimension_numbers = #tpu.dot_dimension_numbers<[1], [0], [0], [1], [0, 0, 1, 1], [], []>, transpose_lhs_hint = false} : vector<63x26xf32>, vector<26x128xf32>, vector<63x128xf32> -> vector<63x128xf32>
    %get3A_3006 = arith.constant 120 : index
    %get3A_3007 = arith.constant 0 : index
    %get3A_3008 = arith.constant 0 : index
    %get3A_3009 = vector.load %arg2[%get3A_3006, %get3A_3007, %get3A_3008] : memref<128x63x128xf32, #tpu.memory_space<vmem>>, vector<1x63x128xf32>
    %get3A_3010 = vector.shape_cast %get3A_3009 : vector<1x63x128xf32> to vector<63x128xf32>
    %add3A_3011 = arith.addf %dot_general3A_3005, %get3A_3010 : vector<63x128xf32>
    %get3A_3012 = arith.constant 120 : index
    %get3A_3013 = arith.constant 0 : index
    %get3A_3014 = arith.constant 0 : index
    %get3A_3015 = vector.load %arg3[%get3A_3012, %get3A_3013, %get3A_3014] : memref<128x64x128xf32, #tpu.memory_space<vmem>>, vector<1x63x128xf32>
    %get3A_3016 = vector.shape_cast %get3A_3015 : vector<1x63x128xf32> to vector<63x128xf32>
    %add3A_3017 = arith.addf %add3A_3011, %get3A_3016 : vector<63x128xf32>
    %swap3A_3018 = arith.constant 120 : index
    %swap3A_3019 = arith.constant 0 : index
    %swap3A_3020 = arith.constant 0 : index
    %swap3A_3021 = vector.load %arg5[%swap3A_3018, %swap3A_3019, %swap3A_3020] : memref<128x63x128xf32, #tpu.memory_space<vmem>>, vector<1x63x128xf32>
    %swap3A_3022 = vector.shape_cast %swap3A_3021 : vector<1x63x128xf32> to vector<63x128xf32>
    %swap3A_3023 = vector.shape_cast %add3A_3017 : vector<63x128xf32> to vector<1x63x128xf32>
    tpu.vector_store %arg5[%swap3A_3018, %swap3A_3019, %swap3A_3020], %swap3A_3023 {strides = array<i32>} : memref<128x63x128xf32, #tpu.memory_space<vmem>>, vector<1x63x128xf32>,
    %get3A_3024 = arith.constant 121 : index
    %get3A_3025 = arith.constant 0 : index
    %get3A_3026 = arith.constant 0 : index
    %get3A_3027 = vector.load %arg1[%get3A_3024, %get3A_3025, %get3A_3026] : memref<128x63x26xf32, #tpu.memory_space<vmem>>, vector<1x63x26xf32>
    %get3A_3028 = vector.shape_cast %get3A_3027 : vector<1x63x26xf32> to vector<63x26xf32>
    %dot_general3A_3029 = arith.constant dense<0.000000e+00> : vector<63x128xf32>
    %dot_general3A_3030 = tpu.matmul %get3A_3028, %get3A_1, %dot_general3A_3029 {dimension_numbers = #tpu.dot_dimension_numbers<[1], [0], [0], [1], [0, 0, 1, 1], [], []>, transpose_lhs_hint = false} : vector<63x26xf32>, vector<26x128xf32>, vector<63x128xf32> -> vector<63x128xf32>
    %get3A_3031 = arith.constant 121 : index
    %get3A_3032 = arith.constant 0 : index
    %get3A_3033 = arith.constant 0 : index
    %get3A_3034 = vector.load %arg2[%get3A_3031, %get3A_3032, %get3A_3033] : memref<128x63x128xf32, #tpu.memory_space<vmem>>, vector<1x63x128xf32>
    %get3A_3035 = vector.shape_cast %get3A_3034 : vector<1x63x128xf32> to vector<63x128xf32>
    %add3A_3036 = arith.addf %dot_general3A_3030, %get3A_3035 : vector<63x128xf32>
    %get3A_3037 = arith.constant 121 : index
    %get3A_3038 = arith.constant 0 : index
    %get3A_3039 = arith.constant 0 : index
    %get3A_3040 = vector.load %arg3[%get3A_3037, %get3A_3038, %get3A_3039] : memref<128x64x128xf32, #tpu.memory_space<vmem>>, vector<1x63x128xf32>
    %get3A_3041 = vector.shape_cast %get3A_3040 : vector<1x63x128xf32> to vector<63x128xf32>
    %add3A_3042 = arith.addf %add3A_3036, %get3A_3041 : vector<63x128xf32>
    %swap3A_3043 = arith.constant 121 : index
    %swap3A_3044 = arith.constant 0 : index
    %swap3A_3045 = arith.constant 0 : index
    %swap3A_3046 = vector.load %arg5[%swap3A_3043, %swap3A_3044, %swap3A_3045] : memref<128x63x128xf32, #tpu.memory_space<vmem>>, vector<1x63x128xf32>
    %swap3A_3047 = vector.shape_cast %swap3A_3046 : vector<1x63x128xf32> to vector<63x128xf32>
    %swap3A_3048 = vector.shape_cast %add3A_3042 : vector<63x128xf32> to vector<1x63x128xf32>
    tpu.vector_store %arg5[%swap3A_3043, %swap3A_3044, %swap3A_3045], %swap3A_3048 {strides = array<i32>} : memref<128x63x128xf32, #tpu.memory_space<vmem>>, vector<1x63x128xf32>,
    %get3A_3049 = arith.constant 122 : index
    %get3A_3050 = arith.constant 0 : index
    %get3A_3051 = arith.constant 0 : index
    %get3A_3052 = vector.load %arg1[%get3A_3049, %get3A_3050, %get3A_3051] : memref<128x63x26xf32, #tpu.memory_space<vmem>>, vector<1x63x26xf32>
    %get3A_3053 = vector.shape_cast %get3A_3052 : vector<1x63x26xf32> to vector<63x26xf32>
    %dot_general3A_3054 = arith.constant dense<0.000000e+00> : vector<63x128xf32>
    %dot_general3A_3055 = tpu.matmul %get3A_3053, %get3A_1, %dot_general3A_3054 {dimension_numbers = #tpu.dot_dimension_numbers<[1], [0], [0], [1], [0, 0, 1, 1], [], []>, transpose_lhs_hint = false} : vector<63x26xf32>, vector<26x128xf32>, vector<63x128xf32> -> vector<63x128xf32>
    %get3A_3056 = arith.constant 122 : index
    %get3A_3057 = arith.constant 0 : index
    %get3A_3058 = arith.constant 0 : index
    %get3A_3059 = vector.load %arg2[%get3A_3056, %get3A_3057, %get3A_3058] : memref<128x63x128xf32, #tpu.memory_space<vmem>>, vector<1x63x128xf32>
    %get3A_3060 = vector.shape_cast %get3A_3059 : vector<1x63x128xf32> to vector<63x128xf32>
    %add3A_3061 = arith.addf %dot_general3A_3055, %get3A_3060 : vector<63x128xf32>
    %get3A_3062 = arith.constant 122 : index
    %get3A_3063 = arith.constant 0 : index
    %get3A_3064 = arith.constant 0 : index
    %get3A_3065 = vector.load %arg3[%get3A_3062, %get3A_3063, %get3A_3064] : memref<128x64x128xf32, #tpu.memory_space<vmem>>, vector<1x63x128xf32>
    %get3A_3066 = vector.shape_cast %get3A_3065 : vector<1x63x128xf32> to vector<63x128xf32>
    %add3A_3067 = arith.addf %add3A_3061, %get3A_3066 : vector<63x128xf32>
    %swap3A_3068 = arith.constant 122 : index
    %swap3A_3069 = arith.constant 0 : index
    %swap3A_3070 = arith.constant 0 : index
    %swap3A_3071 = vector.load %arg5[%swap3A_3068, %swap3A_3069, %swap3A_3070] : memref<128x63x128xf32, #tpu.memory_space<vmem>>, vector<1x63x128xf32>
    %swap3A_3072 = vector.shape_cast %swap3A_3071 : vector<1x63x128xf32> to vector<63x128xf32>
    %swap3A_3073 = vector.shape_cast %add3A_3067 : vector<63x128xf32> to vector<1x63x128xf32>
    tpu.vector_store %arg5[%swap3A_3068, %swap3A_3069, %swap3A_3070], %swap3A_3073 {strides = array<i32>} : memref<128x63x128xf32, #tpu.memory_space<vmem>>, vector<1x63x128xf32>,
    %get3A_3074 = arith.constant 123 : index
    %get3A_3075 = arith.constant 0 : index
    %get3A_3076 = arith.constant 0 : index
    %get3A_3077 = vector.load %arg1[%get3A_3074, %get3A_3075, %get3A_3076] : memref<128x63x26xf32, #tpu.memory_space<vmem>>, vector<1x63x26xf32>
    %get3A_3078 = vector.shape_cast %get3A_3077 : vector<1x63x26xf32> to vector<63x26xf32>
    %dot_general3A_3079 = arith.constant dense<0.000000e+00> : vector<63x128xf32>
    %dot_general3A_3080 = tpu.matmul %get3A_3078, %get3A_1, %dot_general3A_3079 {dimension_numbers = #tpu.dot_dimension_numbers<[1], [0], [0], [1], [0, 0, 1, 1], [], []>, transpose_lhs_hint = false} : vector<63x26xf32>, vector<26x128xf32>, vector<63x128xf32> -> vector<63x128xf32>
    %get3A_3081 = arith.constant 123 : index
    %get3A_3082 = arith.constant 0 : index
    %get3A_3083 = arith.constant 0 : index
    %get3A_3084 = vector.load %arg2[%get3A_3081, %get3A_3082, %get3A_3083] : memref<128x63x128xf32, #tpu.memory_space<vmem>>, vector<1x63x128xf32>
    %get3A_3085 = vector.shape_cast %get3A_3084 : vector<1x63x128xf32> to vector<63x128xf32>
    %add3A_3086 = arith.addf %dot_general3A_3080, %get3A_3085 : vector<63x128xf32>
    %get3A_3087 = arith.constant 123 : index
    %get3A_3088 = arith.constant 0 : index
    %get3A_3089 = arith.constant 0 : index
    %get3A_3090 = vector.load %arg3[%get3A_3087, %get3A_3088, %get3A_3089] : memref<128x64x128xf32, #tpu.memory_space<vmem>>, vector<1x63x128xf32>
    %get3A_3091 = vector.shape_cast %get3A_3090 : vector<1x63x128xf32> to vector<63x128xf32>
    %add3A_3092 = arith.addf %add3A_3086, %get3A_3091 : vector<63x128xf32>
    %swap3A_3093 = arith.constant 123 : index
    %swap3A_3094 = arith.constant 0 : index
    %swap3A_3095 = arith.constant 0 : index
    %swap3A_3096 = vector.load %arg5[%swap3A_3093, %swap3A_3094, %swap3A_3095] : memref<128x63x128xf32, #tpu.memory_space<vmem>>, vector<1x63x128xf32>
    %swap3A_3097 = vector.shape_cast %swap3A_3096 : vector<1x63x128xf32> to vector<63x128xf32>
    %swap3A_3098 = vector.shape_cast %add3A_3092 : vector<63x128xf32> to vector<1x63x128xf32>
    tpu.vector_store %arg5[%swap3A_3093, %swap3A_3094, %swap3A_3095], %swap3A_3098 {strides = array<i32>} : memref<128x63x128xf32, #tpu.memory_space<vmem>>, vector<1x63x128xf32>,
    %get3A_3099 = arith.constant 124 : index
    %get3A_3100 = arith.constant 0 : index
    %get3A_3101 = arith.constant 0 : index
    %get3A_3102 = vector.load %arg1[%get3A_3099, %get3A_3100, %get3A_3101] : memref<128x63x26xf32, #tpu.memory_space<vmem>>, vector<1x63x26xf32>
    %get3A_3103 = vector.shape_cast %get3A_3102 : vector<1x63x26xf32> to vector<63x26xf32>
    %dot_general3A_3104 = arith.constant dense<0.000000e+00> : vector<63x128xf32>
    %dot_general3A_3105 = tpu.matmul %get3A_3103, %get3A_1, %dot_general3A_3104 {dimension_numbers = #tpu.dot_dimension_numbers<[1], [0], [0], [1], [0, 0, 1, 1], [], []>, transpose_lhs_hint = false} : vector<63x26xf32>, vector<26x128xf32>, vector<63x128xf32> -> vector<63x128xf32>
    %get3A_3106 = arith.constant 124 : index
    %get3A_3107 = arith.constant 0 : index
    %get3A_3108 = arith.constant 0 : index
    %get3A_3109 = vector.load %arg2[%get3A_3106, %get3A_3107, %get3A_3108] : memref<128x63x128xf32, #tpu.memory_space<vmem>>, vector<1x63x128xf32>
    %get3A_3110 = vector.shape_cast %get3A_3109 : vector<1x63x128xf32> to vector<63x128xf32>
    %add3A_3111 = arith.addf %dot_general3A_3105, %get3A_3110 : vector<63x128xf32>
    %get3A_3112 = arith.constant 124 : index
    %get3A_3113 = arith.constant 0 : index
    %get3A_3114 = arith.constant 0 : index
    %get3A_3115 = vector.load %arg3[%get3A_3112, %get3A_3113, %get3A_3114] : memref<128x64x128xf32, #tpu.memory_space<vmem>>, vector<1x63x128xf32>
    %get3A_3116 = vector.shape_cast %get3A_3115 : vector<1x63x128xf32> to vector<63x128xf32>
    %add3A_3117 = arith.addf %add3A_3111, %get3A_3116 : vector<63x128xf32>
    %swap3A_3118 = arith.constant 124 : index
    %swap3A_3119 = arith.constant 0 : index
    %swap3A_3120 = arith.constant 0 : index
    %swap3A_3121 = vector.load %arg5[%swap3A_3118, %swap3A_3119, %swap3A_3120] : memref<128x63x128xf32, #tpu.memory_space<vmem>>, vector<1x63x128xf32>
    %swap3A_3122 = vector.shape_cast %swap3A_3121 : vector<1x63x128xf32> to vector<63x128xf32>
    %swap3A_3123 = vector.shape_cast %add3A_3117 : vector<63x128xf32> to vector<1x63x128xf32>
    tpu.vector_store %arg5[%swap3A_3118, %swap3A_3119, %swap3A_3120], %swap3A_3123 {strides = array<i32>} : memref<128x63x128xf32, #tpu.memory_space<vmem>>, vector<1x63x128xf32>,
    %get3A_3124 = arith.constant 125 : index
    %get3A_3125 = arith.constant 0 : index
    %get3A_3126 = arith.constant 0 : index
    %get3A_3127 = vector.load %arg1[%get3A_3124, %get3A_3125, %get3A_3126] : memref<128x63x26xf32, #tpu.memory_space<vmem>>, vector<1x63x26xf32>
    %get3A_3128 = vector.shape_cast %get3A_3127 : vector<1x63x26xf32> to vector<63x26xf32>
    %dot_general3A_3129 = arith.constant dense<0.000000e+00> : vector<63x128xf32>
    %dot_general3A_3130 = tpu.matmul %get3A_3128, %get3A_1, %dot_general3A_3129 {dimension_numbers = #tpu.dot_dimension_numbers<[1], [0], [0], [1], [0, 0, 1, 1], [], []>, transpose_lhs_hint = false} : vector<63x26xf32>, vector<26x128xf32>, vector<63x128xf32> -> vector<63x128xf32>
    %get3A_3131 = arith.constant 125 : index
    %get3A_3132 = arith.constant 0 : index
    %get3A_3133 = arith.constant 0 : index
    %get3A_3134 = vector.load %arg2[%get3A_3131, %get3A_3132, %get3A_3133] : memref<128x63x128xf32, #tpu.memory_space<vmem>>, vector<1x63x128xf32>
    %get3A_3135 = vector.shape_cast %get3A_3134 : vector<1x63x128xf32> to vector<63x128xf32>
    %add3A_3136 = arith.addf %dot_general3A_3130, %get3A_3135 : vector<63x128xf32>
    %get3A_3137 = arith.constant 125 : index
    %get3A_3138 = arith.constant 0 : index
    %get3A_3139 = arith.constant 0 : index
    %get3A_3140 = vector.load %arg3[%get3A_3137, %get3A_3138, %get3A_3139] : memref<128x64x128xf32, #tpu.memory_space<vmem>>, vector<1x63x128xf32>
    %get3A_3141 = vector.shape_cast %get3A_3140 : vector<1x63x128xf32> to vector<63x128xf32>
    %add3A_3142 = arith.addf %add3A_3136, %get3A_3141 : vector<63x128xf32>
    %swap3A_3143 = arith.constant 125 : index
    %swap3A_3144 = arith.constant 0 : index
    %swap3A_3145 = arith.constant 0 : index
    %swap3A_3146 = vector.load %arg5[%swap3A_3143, %swap3A_3144, %swap3A_3145] : memref<128x63x128xf32, #tpu.memory_space<vmem>>, vector<1x63x128xf32>
    %swap3A_3147 = vector.shape_cast %swap3A_3146 : vector<1x63x128xf32> to vector<63x128xf32>
    %swap3A_3148 = vector.shape_cast %add3A_3142 : vector<63x128xf32> to vector<1x63x128xf32>
    tpu.vector_store %arg5[%swap3A_3143, %swap3A_3144, %swap3A_3145], %swap3A_3148 {strides = array<i32>} : memref<128x63x128xf32, #tpu.memory_space<vmem>>, vector<1x63x128xf32>,
    %get3A_3149 = arith.constant 126 : index
    %get3A_3150 = arith.constant 0 : index
    %get3A_3151 = arith.constant 0 : index
    %get3A_3152 = vector.load %arg1[%get3A_3149, %get3A_3150, %get3A_3151] : memref<128x63x26xf32, #tpu.memory_space<vmem>>, vector<1x63x26xf32>
    %get3A_3153 = vector.shape_cast %get3A_3152 : vector<1x63x26xf32> to vector<63x26xf32>
    %dot_general3A_3154 = arith.constant dense<0.000000e+00> : vector<63x128xf32>
    %dot_general3A_3155 = tpu.matmul %get3A_3153, %get3A_1, %dot_general3A_3154 {dimension_numbers = #tpu.dot_dimension_numbers<[1], [0], [0], [1], [0, 0, 1, 1], [], []>, transpose_lhs_hint = false} : vector<63x26xf32>, vector<26x128xf32>, vector<63x128xf32> -> vector<63x128xf32>
    %get3A_3156 = arith.constant 126 : index
    %get3A_3157 = arith.constant 0 : index
    %get3A_3158 = arith.constant 0 : index
    %get3A_3159 = vector.load %arg2[%get3A_3156, %get3A_3157, %get3A_3158] : memref<128x63x128xf32, #tpu.memory_space<vmem>>, vector<1x63x128xf32>
    %get3A_3160 = vector.shape_cast %get3A_3159 : vector<1x63x128xf32> to vector<63x128xf32>
    %add3A_3161 = arith.addf %dot_general3A_3155, %get3A_3160 : vector<63x128xf32>
    %get3A_3162 = arith.constant 126 : index
    %get3A_3163 = arith.constant 0 : index
    %get3A_3164 = arith.constant 0 : index
    %get3A_3165 = vector.load %arg3[%get3A_3162, %get3A_3163, %get3A_3164] : memref<128x64x128xf32, #tpu.memory_space<vmem>>, vector<1x63x128xf32>
    %get3A_3166 = vector.shape_cast %get3A_3165 : vector<1x63x128xf32> to vector<63x128xf32>
    %add3A_3167 = arith.addf %add3A_3161, %get3A_3166 : vector<63x128xf32>
    %swap3A_3168 = arith.constant 126 : index
    %swap3A_3169 = arith.constant 0 : index
    %swap3A_3170 = arith.constant 0 : index
    %swap3A_3171 = vector.load %arg5[%swap3A_3168, %swap3A_3169, %swap3A_3170] : memref<128x63x128xf32, #tpu.memory_space<vmem>>, vector<1x63x128xf32>
    %swap3A_3172 = vector.shape_cast %swap3A_3171 : vector<1x63x128xf32> to vector<63x128xf32>
    %swap3A_3173 = vector.shape_cast %add3A_3167 : vector<63x128xf32> to vector<1x63x128xf32>
    tpu.vector_store %arg5[%swap3A_3168, %swap3A_3169, %swap3A_3170], %swap3A_3173 {strides = array<i32>} : memref<128x63x128xf32, #tpu.memory_space<vmem>>, vector<1x63x128xf32>,
    %get3A_3174 = arith.constant 127 : index
    %get3A_3175 = arith.constant 0 : index
    %get3A_3176 = arith.constant 0 : index
    %get3A_3177 = vector.load %arg1[%get3A_3174, %get3A_3175, %get3A_3176] : memref<128x63x26xf32, #tpu.memory_space<vmem>>, vector<1x63x26xf32>
    %get3A_3178 = vector.shape_cast %get3A_3177 : vector<1x63x26xf32> to vector<63x26xf32>
    %dot_general3A_3179 = arith.constant dense<0.000000e+00> : vector<63x128xf32>
    %dot_general3A_3180 = tpu.matmul %get3A_3178, %get3A_1, %dot_general3A_3179 {dimension_numbers = #tpu.dot_dimension_numbers<[1], [0], [0], [1], [0, 0, 1, 1], [], []>, transpose_lhs_hint = false} : vector<63x26xf32>, vector<26x128xf32>, vector<63x128xf32> -> vector<63x128xf32>
    %get3A_3181 = arith.constant 127 : index
    %get3A_3182 = arith.constant 0 : index
    %get3A_3183 = arith.constant 0 : index
    %get3A_3184 = vector.load %arg2[%get3A_3181, %get3A_3182, %get3A_3183] : memref<128x63x128xf32, #tpu.memory_space<vmem>>, vector<1x63x128xf32>
    %get3A_3185 = vector.shape_cast %get3A_3184 : vector<1x63x128xf32> to vector<63x128xf32>
    %add3A_3186 = arith.addf %dot_general3A_3180, %get3A_3185 : vector<63x128xf32>
    %get3A_3187 = arith.constant 127 : index
    %get3A_3188 = arith.constant 0 : index
    %get3A_3189 = arith.constant 0 : index
    %get3A_3190 = vector.load %arg3[%get3A_3187, %get3A_3188, %get3A_3189] : memref<128x64x128xf32, #tpu.memory_space<vmem>>, vector<1x63x128xf32>
    %get3A_3191 = vector.shape_cast %get3A_3190 : vector<1x63x128xf32> to vector<63x128xf32>
    %add3A_3192 = arith.addf %add3A_3186, %get3A_3191 : vector<63x128xf32>
    %swap3A_3193 = arith.constant 127 : index
    %swap3A_3194 = arith.constant 0 : index
    %swap3A_3195 = arith.constant 0 : index
    %swap3A_3196 = vector.load %arg5[%swap3A_3193, %swap3A_3194, %swap3A_3195] : memref<128x63x128xf32, #tpu.memory_space<vmem>>, vector<1x63x128xf32>
    %swap3A_3197 = vector.shape_cast %swap3A_3196 : vector<1x63x128xf32> to vector<63x128xf32>
    %swap3A_3198 = vector.shape_cast %add3A_3192 : vector<63x128xf32> to vector<1x63x128xf32>
    tpu.vector_store %arg5[%swap3A_3193, %swap3A_3194, %swap3A_3195], %swap3A_3198 {strides = array<i32>} : memref<128x63x128xf32, #tpu.memory_space<vmem>>, vector<1x63x128xf32>,
    return
  }
  func.func @transform_0(%arg0: i32) -> (i32, i32, i32) {
    %c0_i32 = arith.constant 0 : i32
    %c0_i32_0 = arith.constant 0 : i32
    %c0_i32_1 = arith.constant 0 : i32
    return %arg0, %c0_i32, %c0_i32_0 : i32, i32, i32
  }
  func.func @transform_1(%arg0: i32) -> (i32, i32, i32) {
    %c0_i32 = arith.constant 0 : i32
    %c0_i32_0 = arith.constant 0 : i32
    %c0_i32_1 = arith.constant 0 : i32
    return %arg0, %c0_i32, %c0_i32_0 : i32, i32, i32
  }
  func.func @transform_2(%arg0: i32) -> (i32, i32, i32) {
    %c0_i32 = arith.constant 0 : i32
    %c0_i32_0 = arith.constant 0 : i32
    %c0_i32_1 = arith.constant 0 : i32
    return %arg0, %c0_i32, %c0_i32_0 : i32, i32, i32
  }
  func.func @transform_3(%arg0: i32) -> (i32, i32) {
    %c0_i32 = arith.constant 0 : i32
    %c0_i32_0 = arith.constant 0 : i32
    %c0_i32_1 = arith.constant 0 : i32
    return %c0_i32, %c0_i32_0 : i32, i32
  }
  func.func @transform_4(%arg0: i32) -> (i32, i32, i32) {
    %c0_i32 = arith.constant 0 : i32
    %c0_i32_0 = arith.constant 0 : i32
    %c0_i32_1 = arith.constant 0 : i32
    return %arg0, %c0_i32, %c0_i32_0 : i32, i32, i32
  }
}

</mosaic_0001>

<sc_bundles>
// kernel: kernel.4.cloned.1.call-start
scs
__scs_entry_jumppad:
0x0: {  	(pc) =	sbr.rel $0x88, $3  }
0x1: {  	(tag) =	ssettag $0x0;
	lr =	simm.s32 $0x1  }
0x2: {  	[smem:$0x3F98] =	sst lr;
	_ =	strace $0xD0000000  }
0x3: {  	_ = 	snop  }
0x4: {  	_ = 	snop  }
0x5: {  	_ = 	snop  }
0x6: {  	_ = 	snop  }
0x7: {  	_ = 	snop  }
__scs_overlays_trampoline_lowered:
0x8: {  	[smem:$0x3FA7] =	sst s0  }
0x9: {  	[smem:$0x3FA8] =	sst s1  }
0xa: {  	[smem:$0x3FA9] =	sst s2  }
0xb: {  	[smem:$0x3FAA] =	sst s3  }
0xc: {  	[smem:$0x3FAB] =	sst s4  }
0xd: {  	[smem:$0x3FAC] =	sst s5  }
0xe: {  	[smem:$0x3FAD] =	sst s6  }
0xf: {  	[smem:$0x3FAE] =	sst s7  }
0x10: {  	[smem:$0x3FAF] =	sst s8  }
0x11: {  	[smem:$0x3FB0] =	sst s9;
	s0 =	simm.s32 @!p0 $0x0  }
0x12: {  	s1 =	sld [smem:$0x3F96];
	s0 =	simm.s32 @p0 $0x1  }
0x13: {  	[smem:$0x3FB1] =	sst s0;
	s0 =	simm.s32 @!p1 $0x0  }
0x14: {  	s2 =	sld [smem:$0x3F95];
	s0 =	simm.s32 @p1 $0x1  }
0x15: {  	[smem:$0x3FB2] =	sst s0;
	s0 =	simm.s32 @!p2 $0x0  }
0x16: {  	s3 =	sld [smem:$0x3FDB];
	s0 =	simm.s32 @p2 $0x1  }
0x17: {  	s4 =	simm.s32 $0x1BF5;
	[smem:$0x3FB4] =	sst s0  }
0x18: {  	s0 =	sld [smem:$0x3F97];
	_ =	swait.ge [sflag:s4], $0x0  }
0x19: {  	s7 =	sld [smem:$0x3F98]  }
0x1a: {  	s8 =	sadd.s32 $0xFFFFE003, lr  }
0x1b: {  	s9 =	sadd.s32 $0xFFFFFEF7, lr;
	s5 =	simm.s32 $0xFFFFFFFF;
	p2 =	slt.u32 s8, $0xFFFFF086  }
0x1c: {  	p1 =	slt.u32 s9, $0xF7A;
	s5 =	simm.s32 @!p2 $0x0  }
0x1d: {  	s5 =	simm.s32 @p1 $0x1;
	p0 =	seq.s32 s7, s2  }
0x1e: {  	s7 =	smul.u32 @!p0 $0xF7A, s2;
	p2 =	seq.s32 @!p0 s5, $0x0  }
0x1f: {  	s9 =	smul.u32 $0xF7A, s1;
	s8 =	simm.s32 @!p0 $0x1BF5;
	p2 =	por !p2, p0  }
0x20: {  	[sflag:s8] =	ssyncset.s32 @!p0 $0xFFFFF086;
	s6 =	sadd.s32 @!p0 s3, s7;
	s7 =	simm.s32 @!p0 $0x108  }
0x21: {  	s3 =	sadd.s32 s3, s9;
	s6 =	sadd.s32 @!p0 $0x88, s6;
	s7 =	simm.s32 @p2 $0x1082  }
0x22: {  	[simem:s7], [sflag:s8] =	dma.local @!p0 [hbm:s6], $0xF7A  }
0x23: {  	s9 =	sor.u32 $0xD0000000, s2;
	s6 =	simm.s32 $0x108;
	_ =	swait.ge @!p0 [sflag:s8], $0x0  }
0x24: {  	s3 =	sadd.s32 $0x88, s3;
	s6 =	simm.s32 @!p1 $0x1082;
	[sflag:s4] =	ssyncset.s32 $0xFFFFF086  }
0x25: {  	[simem:s6], [sflag:s4] =	dma.local [hbm:s3], $0xF7A  }
0x26: {  	[smem:$0x3F98] =	sst s1;
	(tag) =	ssettag s2;
	_ =	strace s9  }
0x27: {  	s1 =	sld [smem:$0x3FA8]  }
0x28: {  	s2 =	sld [smem:$0x3FA9]  }
0x29: {  	s4 =	sld [smem:$0x3FAB]  }
0x2a: {  	p0 =	seq.s32 s5, $0x0;
	s5 =	sld [smem:$0x3FAC]  }
0x2b: {  	s6 =	sld [smem:$0x3FAD]  }
0x2c: {  	s7 =	sld [smem:$0x3FAE]  }
0x2d: {  	s3 =	simm.s32 $0x108;
	s8 =	sld [smem:$0x3FAF]  }
0x2e: {  	s3 =	simm.s32 @!p0 $0x1082;
	s9 =	sld [smem:$0x3FB0]  }
0x2f: {  	lr =	sadd.s32 s0, s3;
	s0 =	sld [smem:$0x3FA7]  }
0x30: {  	s3 =	sld [smem:$0x3FAA]  }
0x31: {  	[smem:$0x3FB3] =	sst s10  }
0x32: {  	s10 =	sld [smem:$0x3FB1];
	_ =	sdelay $0x3  }
0x33: {  	p0 =	seq.s32 s10, $0x1;
	s10 =	sld [smem:$0x3FB3];
	_ =	sdelay $0x3  }
0x34: {  	[smem:$0x3FB3] =	sst s10  }
0x35: {  	s10 =	sld [smem:$0x3FB2];
	_ =	sdelay $0x3  }
0x36: {  	p1 =	seq.s32 s10, $0x1;
	s10 =	sld [smem:$0x3FB3];
	_ =	sdelay $0x3  }
0x37: {  	[smem:$0x3FB3] =	sst s10  }
0x38: {  	s10 =	sld [smem:$0x3FB4]  }
0x39: {  	_ = 	snop;
	(pc) =	sbr.ind lr, $3  }
0x3a: {  	_ = 	snop  }
0x3b: {  	_ = 	snop  }
0x3c: {  	p2 =	seq.s32 s10, $0x1;
	s10 =	sld [smem:$0x3FB3]  }
0x3d: {  	_ =	shalt  }
0x3e: {  	_ =	shalt  }
0x3f: {  	_ =	shalt  }
0x40: {  	_ =	shalt  }
0x41: {  	_ =	shalt  }
0x42: {  	_ =	shalt  }
0x43: {  	_ =	shalt  }
0x44: {  	_ =	shalt  }
0x45: {  	_ =	shalt  }
0x46: {  	_ =	shalt  }
0x47: {  	_ =	shalt  }
0x48: {  	_ =	shalt  }
0x49: {  	_ =	shalt  }
0x4a: {  	_ =	shalt  }
0x4b: {  	_ =	shalt  }
0x4c: {  	_ =	shalt  }
0x4d: {  	_ =	shalt  }
0x4e: {  	_ =	shalt  }
0x4f: {  	_ =	shalt  }
0x50: {  	_ =	shalt  }
0x51: {  	_ =	shalt  }
0x52: {  	_ =	shalt  }
0x53: {  	_ =	shalt  }
0x54: {  	_ =	shalt  }
0x55: {  	_ =	shalt  }
0x56: {  	_ =	shalt  }
0x57: {  	_ =	shalt  }
0x58: {  	_ =	shalt  }
0x59: {  	_ =	shalt  }
0x5a: {  	_ =	shalt  }
0x5b: {  	_ =	shalt  }
0x5c: {  	_ =	shalt  }
0x5d: {  	_ =	shalt  }
0x5e: {  	_ =	shalt  }
0x5f: {  	_ =	shalt  }
0x60: {  	_ =	shalt  }
0x61: {  	_ =	shalt  }
0x62: {  	_ =	shalt  }
0x63: {  	_ =	shalt  }
0x64: {  	_ =	shalt  }
0x65: {  	_ =	shalt  }
0x66: {  	_ =	shalt  }
0x67: {  	_ =	shalt  }
0x68: {  	_ =	shalt  }
0x69: {  	_ =	shalt  }
0x6a: {  	_ =	shalt  }
0x6b: {  	_ =	shalt  }
0x6c: {  	_ =	shalt  }
0x6d: {  	_ =	shalt  }
0x6e: {  	_ =	shalt  }
0x6f: {  	_ =	shalt  }
0x70: {  	_ =	shalt  }
0x71: {  	_ =	shalt  }
0x72: {  	_ =	shalt  }
0x73: {  	_ =	shalt  }
0x74: {  	_ =	shalt  }
0x75: {  	_ =	shalt  }
0x76: {  	_ =	shalt  }
0x77: {  	_ =	shalt  }
0x78: {  	_ =	shalt  }
0x79: {  	_ =	shalt  }
0x7a: {  	_ =	shalt  }
0x7b: {  	_ =	shalt  }
0x7c: {  	_ =	shalt  }
0x7d: {  	_ =	shalt  }
0x7e: {  	_ =	shalt  }
0x7f: {  	_ =	shalt  }
0x80: {  	_ =	shalt  }
0x81: {  	_ =	shalt  }
0x82: {  	_ =	shalt  }
0x83: {  	_ =	shalt  }
0x84: {  	_ =	shalt  }
0x85: {  	_ =	shalt  }
0x86: {  	_ =	shalt  }
0x87: {  	_ =	shalt  }
.Lfunc_end0:
.L_simem_size_0:
called_computation_lowered:
.L_overlay_start_0:
0x88: {  	s2 =	sld [smem:$0x3FD9]  }
0x89: {  	s3 =	sld [smem:$0x3FFE];
	_ =	sdelay $0x1  }
0x8a: {  	s1 =	srdreg.scid  }
0x8b: {  	s0 =	sand.u32 $0x1, s1  }
0x8c: {  	s17 =	sshll.u32 s0, $0xA;
	s2 =	sadd.s32 s3, s2  }
0x8d: {  	s2 =	sadd.s32 s2, s17  }
0x8e: {  	[smem:$0x3FBF] =	sst s2  }
0x8f: {  	_ = 	snop  }
0x90: {  	s2 =	sld [smem:$0x3FD0];
	(tm) =	ssettm $0x1  }
0x91: {  	s18 =	sld [smem:$0x3FFB];
	_ =	sdelay $0x3  }
0x92: {  	_ =	strace s18  }
0x93: {  	s3 =	sld [smem:$0x3FFC];
	_ =	sdelay $0x3  }
0x94: {  	_ =	strace s3  }
0x95: {  	s3 =	sld [smem:$0x3FFD];
	_ =	sdelay $0x3  }
0x96: {  	_ =	strace s3  }
0x97: {  	_ =	strace $0x8FFFFFFF  }
0x98: {  	s19 =	sld [smem:$0x3FDB];
	_ =	sdelay $0x1  }
0x99: {  	s4 =	simm.s32 $_scs_section_size  }
0x9a: {  	s5 =	simm.s32 $_size__tile_overlayer_lowered;
	s6 =	simm.s32 $_tile_overlayer_lowered  }
0x9b: {  	s22 =	simm.s32 $0x1BFF;
	s21 =	sshll.u32 s6, $0x1;
	s3 =	sadd.s32 s4, s19  }
0x9c: {  	s7 =	simm.s32 $0x0;
	s20 =	sshll.u32 s5, $0x1;
	s5 =	sadd.s32 s21, s3  }
0x9d: {  	[timem:s7], [sflag:s22] =	dma.local [hbm:s5], s20  }
0x9e: {  	_ =	swait.ge [sflag:s22], s20  }
0x9f: {  	s4 =	ssub.s32 $0x0, s20;
	[sflag:s22] =	ssyncset.done $0x0  }
0xa0: {  	[sflag:s22] =	ssyncadd.s32 s4;
	_ =	sdelay $0x1  }
0xa1: {  	s23 =	simm.s32 $0x1B8B  }
0xa2: {  	_ =	swait.ge [sflag:s23], $0x1  }
0xa3: {  	[sflag:s23] =	ssyncset.done $0x0  }
0xa4: {  	s25 =	simm.s32 $0x1B8E;
	s24 =	sld [smem:$0x3FFE];
	[sflag:s23] =	ssyncadd.s32 $0xFFFFFFFF  }
0xa5: {  	s26 =	simm.s32 $execute0_lowered;
	[smem:$0x3FD2] =	sst s25  }
0xa6: {  	s5 =	sshll.u32 s26, $0x1;
	_ =	strace $0x80000046;
	[dreg:$0x1] =	wrdreg $0xFFFFFFFF  }
0xa7: {  	s28 =	simm.s32 $_size_execute0_lowered;
	s3 =	sadd.s32 s3, s5;
	[dreg:$0x0] =	wrdreg $0x0  }
0xa8: {  	s5 =	sshll.u32 s28, $0x1;
	[dreg:$0x2] =	wrdreg s3  }
0xa9: {  	[dreg:$0x3] =	wrdreg s5  }
0xaa: {  	[dreg:$0x4] =	wrdreg $0xC0  }
0xab: {  	_ =	task [dreg:s7], $0x5FFFF  }
0xac: {  	[dreg:$0x1] =	wrdreg $0xFFFFFFFF  }
0xad: {  	[dreg:$0x0] =	wrdreg $0x60  }
0xae: {  	[dreg:$0x2] =	wrdreg s2  }
0xaf: {  	[dreg:$0x3] =	wrdreg s24  }
0xb0: {  	[dreg:$0x4] =	wrdreg $0x9  }
0xb1: {  	_ =	task.clear_ibuf [dreg:s7], $0x5FFFF;
	_ =	strace $0x90000046  }
0xb2: {  	s29 =	simm.s32 $0x9;
	_ =	strace $0x80000048  }
0xb3: {  	_ =	swait.ge [sflag:s29], $0x1  }
0xb4: {  	[sflag:s29] =	ssyncadd.s32 $0xFFFFFFFF  }
0xb5: {  	_ =	strace $0x90000048  }
0xb6: {  	_ =	sfence  }
0xb7: {  	s30 =	sld [smem:$0x0];
	_ =	sdelay $0x2  }
0xb8: {  	s31 =	sshll.u32 s1, $0xD;
	s1 =	sshrl.u32 s1, $0x2  }
0xb9: {  	s3 =	sand.u32 $0x4000, s31;
	s1 =	sadd.s32 s1, s30  }
0xba: {  	s0 =	sor.u32 s3, s0;
	s1 =	sshll.u32 s1, $0x11  }
0xbb: {  	s0 =	sor.u32 s1, s0  }
0xbc: {  	s0 =	sadd.s32 $0x8F2B, s0  }
0xbd: {  	[sflag:s0] =	ssyncadd.remote.s32 $0x1  }
0xbe: {  	_ =	sfence.sel $0xFFFF  }
0xbf: {  	[dreg:$0x0] =	wrdreg $0xFFFFFFFF;
	(pc) =	sbr.abs _section_cstart, $3  }
0xc0: {  	[dreg:$0x1] =	wrdreg $0xFFFFFFFF  }
0xc1: {  	_ =	task.clear_ibuf [dreg:s7], $0x2FFFF;
	_ =	strace $0x9FFFFFFF  }
0xc2: {  	(tm) =	ssettm $0x7FFFFFFF  }
0xc3: {  	_ =	shalt  }
tec
execute0_lowered:
.L_overlay_start_1:
0x0: {  	(tag) =	ssettag $0x1  }
0x1: {  	v0 =	vlaneseq.u32;
	s1 =	rddreg [dreg:$0x0]  }
0x2: {  	s4 =	rddreg [dreg:$0x1];
	v1 =	vmul.u32 $0x1A, v0;
	v21 =	vor.u32 $0x10, v0;
	v22 =	vor.u32 $0x20, v0  }
0x3: {  	s0 =	rddreg [dreg:$0x2];
	s2 =	simm.s32 $0x0;
	v23 =	vor.u32 $0x30, v0;
	v24 =	vor.u32 $0x40, v0;
	v25 =	vor.u32 $0x50, v0  }
0x4: {  	s3 =	srdreg.scid;
	s9 =	simm.s32 $0x1;
	s10 =	simm.s32 $0x80;
	v26 =	vor.u32 $0x60, v0;
	v27 =	vor.u32 $0x70, v0;
	v2 =	vadd.s32 $0x3, v1  }
0x5: {  	s11 =	simm.s32 $0x400;
	s12 =	simm.s32 $0x2700;
	s13 =	simm.s32 $0x2880;
	v3 =	vadd.s32 $0x4, v1;
	v4 =	vadd.s32 $0x5, v1;
	v5 =	vadd.s32 $0x2, v1  }
0x6: {  	s14 =	simm.s32 $0x0;
	[smem:$0x7FF] =	sst s2;
	s6 =	sand.u32 $0x1, s3;
	v6 =	vadd.s32 $0x1A0, v1;
	v7 =	vadd.s32 $0x1A3, v1;
	v8 =	vadd.s32 $0x1A4, v1  }
0x7: {  	s3 =	sadd.s32 $0x3400, s4;
	s5 =	sadd.s32 $0x3A00, s4;
	s7 =	ssub.s32 $0x2, s6;
	v9 =	vadd.s32 $0x1A5, v1;
	v10 =	vadd.s32 $0x1A2, v1;
	v11 =	vadd.s32 $0x340, v1  }
0x8: {  	s4 =	stileid.u32;
	_ =	strace $0x80000047;
	v12 =	vadd.s32 $0x343, v1;
	s8 =	sshrl.u32 s7, $0x1;
	v13 =	vadd.s32 $0x344, v1;
	v14 =	vadd.s32 $0x345, v1  }
0x9: {  	s31 =	sshll.u32 s4, $0x6;
	s6 =	sshll.u32 s6, $0x5;
	v15 =	vadd.s32 $0x342, v1;
	v16 =	vadd.s32 $0x4E0, v1;
	v17 =	vadd.s32 $0x4E3, v1;
	s7 =	ssub.s32 s7, s8  }
0xa: {  	v18 =	vadd.s32 $0x4E4, v1;
	s6 =	sor.u32 s6, s31;
	v19 =	vadd.s32 $0x4E5, v1;
	v20 =	vadd.s32 $0x4E2, v1;
	s8 =	simm.s32 $0x680;
	s7 =	smax.u32 s7, $0x1  }
.LBB2_1:
0xb: {  	[tilespmem:s8], [sflag:$0x1] =	stream.linear.gather [hbm4b:s3+s2], $0x2080, $0x38;
	[tilespmem:$0x4880] =	vst v63  }
0xc: {  	_ =	swait.ge [sflag:s9], $0x2080  }
0xd: {  	[sflag:s9] =	ssyncset.done $0x0  }
0xe: {  	s15 =	simm.s32 $0x0;
	[sflag:s9] =	ssyncadd.s32 $0xFFFFDF80  }
.LBB2_2:
0xf: {  	s16 =	sadd.s32 s6, s15  }
0x10: {  	s17 =	sshrl.u32 s16, $0x3  }
0x11: {  	s18 =	sshll.u32 s15, $0x7;
	s17 =	smul.u32 $0x3400, s17  }
0x12: {  	s18 =	sand.u32 $0x380, s18  }
0x13: {  	s17 =	sor.u32 s18, s17  }
0x14: {  	s17 =	sshrl.u32 s17, $0x3  }
0x15: {  	s26 =	simm.s32 $0x0;
	s25 =	sadd.s32 s1, s17  }
0x16: {  	[tilespmem:s26], [sflag:$0x1] =	stream.strided.gather [hbm4b:s25+s10], $0x680, s11, s10, $0x38;
	[tilespmem:$0x4880] =	vst v63  }
0x17: {  	_ =	swait.ge [sflag:s9], $0x680  }
0x18: {  	[sflag:s9] =	ssyncset.done $0x0  }
0x19: {  	[sflag:s9] =	ssyncadd.s32 $0xFFFFF980  }
0x1a: {  	v28 =	vld.idx.msk [tilespmem:v1+s26+$0x0], $0xffff;
	_ =	sdelay $0x4  }
0x1b: {  	v28 =	vtrunc.f32 v28  }
0x1c: {  	v28 =	vcvt.f32.s32 v28;
	_ =	sdelay $0x1  }
0x1d: {  	v28 =	vshll.u32 v28, $0x7  }
0x1e: {  	[tilespmem:$0x2700] =	vst v28  }
0x1f: {  	v28 =	vld.idx.msk [tilespmem:v2+s26+$0x0], $0xffff;
	_ =	sdelay $0x4  }
0x20: {  	v28 =	vtrunc.f32 v28  }
0x21: {  	v28 =	vcvt.f32.s32 v28;
	_ =	sdelay $0x1  }
0x22: {  	v28 =	vshll.u32 v28, $0x7  }
0x23: {  	v28 =	vadd.s32 $0xA00, v28  }
0x24: {  	[tilespmem:$0x2740] =	vst v28  }
0x25: {  	v28 =	vld.idx.msk [tilespmem:v3+s26+$0x0], $0xffff;
	_ =	sdelay $0x4  }
0x26: {  	v28 =	vtrunc.f32 v28  }
0x27: {  	v28 =	vcvt.f32.s32 v28;
	_ =	sdelay $0x1  }
0x28: {  	v28 =	vshll.u32 v28, $0x7  }
0x29: {  	v28 =	vadd.s32 $0x1900, v28  }
0x2a: {  	[tilespmem:$0x2780] =	vst v28  }
0x2b: {  	v28 =	vld.idx.msk [tilespmem:v4+s26+$0x0], $0xffff;
	_ =	sdelay $0x4  }
0x2c: {  	v28 =	vtrunc.f32 v28  }
0x2d: {  	v28 =	vcvt.f32.s32 v28;
	_ =	sdelay $0x1  }
0x2e: {  	v28 =	vshll.u32 v28, $0x7  }
0x2f: {  	v28 =	vadd.s32 $0x1D00, v28  }
0x30: {  	[tilespmem:$0x27C0] =	vst v28  }
0x31: {  	v28 =	vld.idx.msk [tilespmem:v5+s26+$0x0], $0xffff;
	_ =	sdelay $0x4  }
0x32: {  	v28 =	vtrunc.f32 v28  }
0x33: {  	v28 =	vcvt.f32.s32 v28;
	_ =	sdelay $0x1  }
0x34: {  	v28 =	vshll.u32 v28, $0x7  }
0x35: {  	v28 =	vadd.s32 $0x1E80, v28  }
0x36: {  	[tilespmem:$0x2800] =	vst v28  }
0x37: {  	v28 =	vld.idx.msk [tilespmem:v6+s26+$0x0], $0xffff;
	_ =	sdelay $0x4  }
0x38: {  	v28 =	vtrunc.f32 v28  }
0x39: {  	v28 =	vcvt.f32.s32 v28;
	_ =	sdelay $0x1  }
0x3a: {  	v28 =	vshll.u32 v28, $0x7  }
0x3b: {  	[tilespmem:$0x2710] =	vst v28  }
0x3c: {  	v28 =	vld.idx.msk [tilespmem:v7+s26+$0x0], $0xffff;
	_ =	sdelay $0x4  }
0x3d: {  	v28 =	vtrunc.f32 v28  }
0x3e: {  	v28 =	vcvt.f32.s32 v28;
	_ =	sdelay $0x1  }
0x3f: {  	v28 =	vshll.u32 v28, $0x7  }
0x40: {  	v28 =	vadd.s32 $0xA00, v28  }
0x41: {  	[tilespmem:$0x2750] =	vst v28  }
0x42: {  	v28 =	vld.idx.msk [tilespmem:v8+s26+$0x0], $0xffff;
	_ =	sdelay $0x4  }
0x43: {  	v28 =	vtrunc.f32 v28  }
0x44: {  	v28 =	vcvt.f32.s32 v28;
	_ =	sdelay $0x1  }
0x45: {  	v28 =	vshll.u32 v28, $0x7  }
0x46: {  	v28 =	vadd.s32 $0x1900, v28  }
0x47: {  	[tilespmem:$0x2790] =	vst v28  }
0x48: {  	v28 =	vld.idx.msk [tilespmem:v9+s26+$0x0], $0xffff;
	_ =	sdelay $0x4  }
0x49: {  	v28 =	vtrunc.f32 v28  }
0x4a: {  	v28 =	vcvt.f32.s32 v28;
	_ =	sdelay $0x1  }
0x4b: {  	v28 =	vshll.u32 v28, $0x7  }
0x4c: {  	v28 =	vadd.s32 $0x1D00, v28  }
0x4d: {  	[tilespmem:$0x27D0] =	vst v28  }
0x4e: {  	v28 =	vld.idx.msk [tilespmem:v10+s26+$0x0], $0xffff;
	_ =	sdelay $0x4  }
0x4f: {  	v28 =	vtrunc.f32 v28  }
0x50: {  	v28 =	vcvt.f32.s32 v28;
	_ =	sdelay $0x1  }
0x51: {  	v28 =	vshll.u32 v28, $0x7  }
0x52: {  	v28 =	vadd.s32 $0x1E80, v28  }
0x53: {  	[tilespmem:$0x2810] =	vst v28  }
0x54: {  	v28 =	vld.idx.msk [tilespmem:v11+s26+$0x0], $0xffff;
	_ =	sdelay $0x4  }
0x55: {  	v28 =	vtrunc.f32 v28  }
0x56: {  	v28 =	vcvt.f32.s32 v28;
	_ =	sdelay $0x1  }
0x57: {  	v28 =	vshll.u32 v28, $0x7  }
0x58: {  	[tilespmem:$0x2720] =	vst v28  }
0x59: {  	v28 =	vld.idx.msk [tilespmem:v12+s26+$0x0], $0xffff;
	_ =	sdelay $0x4  }
0x5a: {  	v28 =	vtrunc.f32 v28  }
0x5b: {  	v28 =	vcvt.f32.s32 v28;
	_ =	sdelay $0x1  }
0x5c: {  	v28 =	vshll.u32 v28, $0x7  }
0x5d: {  	v28 =	vadd.s32 $0xA00, v28  }
0x5e: {  	[tilespmem:$0x2760] =	vst v28  }
0x5f: {  	v28 =	vld.idx.msk [tilespmem:v13+s26+$0x0], $0xffff;
	_ =	sdelay $0x4  }
0x60: {  	v28 =	vtrunc.f32 v28  }
0x61: {  	v28 =	vcvt.f32.s32 v28;
	_ =	sdelay $0x1  }
0x62: {  	v28 =	vshll.u32 v28, $0x7  }
0x63: {  	v28 =	vadd.s32 $0x1900, v28  }
0x64: {  	[tilespmem:$0x27A0] =	vst v28  }
0x65: {  	v28 =	vld.idx.msk [tilespmem:v14+s26+$0x0], $0xffff;
	_ =	sdelay $0x4  }
0x66: {  	v28 =	vtrunc.f32 v28  }
0x67: {  	v28 =	vcvt.f32.s32 v28;
	_ =	sdelay $0x1  }
0x68: {  	v28 =	vshll.u32 v28, $0x7  }
0x69: {  	v28 =	vadd.s32 $0x1D00, v28  }
0x6a: {  	[tilespmem:$0x27E0] =	vst v28  }
0x6b: {  	v28 =	vld.idx.msk [tilespmem:v15+s26+$0x0], $0xffff;
	_ =	sdelay $0x4  }
0x6c: {  	v28 =	vtrunc.f32 v28  }
0x6d: {  	v28 =	vcvt.f32.s32 v28;
	_ =	sdelay $0x1  }
0x6e: {  	v28 =	vshll.u32 v28, $0x7  }
0x6f: {  	v28 =	vadd.s32 $0x1E80, v28  }
0x70: {  	[tilespmem:$0x2820] =	vst v28  }
0x71: {  	v28 =	vld.idx.msk [tilespmem:v16+s26+$0x0], $0xffff;
	_ =	sdelay $0x4  }
0x72: {  	v28 =	vtrunc.f32 v28  }
0x73: {  	v28 =	vcvt.f32.s32 v28;
	_ =	sdelay $0x1  }
0x74: {  	v28 =	vshll.u32 v28, $0x7  }
0x75: {  	[tilespmem:$0x2730] =	vst v28  }
0x76: {  	v28 =	vld.idx.msk [tilespmem:v17+s26+$0x0], $0xffff;
	_ =	sdelay $0x4  }
0x77: {  	v28 =	vtrunc.f32 v28  }
0x78: {  	v28 =	vcvt.f32.s32 v28;
	_ =	sdelay $0x1  }
0x79: {  	v28 =	vshll.u32 v28, $0x7  }
0x7a: {  	v28 =	vadd.s32 $0xA00, v28  }
0x7b: {  	[tilespmem:$0x2770] =	vst v28  }
0x7c: {  	v28 =	vld.idx.msk [tilespmem:v18+s26+$0x0], $0xffff;
	_ =	sdelay $0x4  }
0x7d: {  	v28 =	vtrunc.f32 v28  }
0x7e: {  	v28 =	vcvt.f32.s32 v28;
	_ =	sdelay $0x1  }
0x7f: {  	v28 =	vshll.u32 v28, $0x7  }
0x80: {  	v28 =	vadd.s32 $0x1900, v28  }
0x81: {  	[tilespmem:$0x27B0] =	vst v28  }
0x82: {  	v28 =	vld.idx.msk [tilespmem:v19+s26+$0x0], $0xffff;
	_ =	sdelay $0x4  }
0x83: {  	v28 =	vtrunc.f32 v28  }
0x84: {  	v28 =	vcvt.f32.s32 v28;
	_ =	sdelay $0x1  }
0x85: {  	v28 =	vshll.u32 v28, $0x7  }
0x86: {  	v28 =	vadd.s32 $0x1D00, v28  }
0x87: {  	[tilespmem:$0x27F0] =	vst v28  }
0x88: {  	v28 =	vld.idx.msk [tilespmem:v20+s26+$0x0], $0xffff;
	_ =	sdelay $0x4  }
0x89: {  	s28 =	simm.s32 $0x40;
	v28 =	vtrunc.f32 v28  }
0x8a: {  	v29 =	vmov s28;
	v28 =	vcvt.f32.s32 v28  }
0x8b: {  	v30 =	vmov s26  }
0x8c: {  	s29 =	simm.s32 $0x80;
	v28 =	vshll.u32 v28, $0x7  }
0x8d: {  	v31 =	vmov s29;
	v28 =	vadd.s32 $0x1E80, v28  }
0x8e: {  	s30 =	simm.s32 $0xC0;
	[tilespmem:$0x2830] =	vst v28  }
0x8f: {  	v28 =	vld.idx.msk [tilespmem:v29+s12+$0x0], $0xffff;
	v29 =	vmov s30  }
0x90: {  	s31 =	simm.s32 $0x100;
	v30 =	vld.idx.msk [tilespmem:v30+s12+$0x0], $0xffff  }
0x91: {  	v32 =	vmov s31  }
0x92: {  	v31 =	vld.idx.msk [tilespmem:v31+s12+$0x0], $0xffff;
	_ =	sdelay $0x1  }
0x93: {  	v29 =	vld.idx.msk [tilespmem:v29+s12+$0x0], $0xffff;
	v33 =	vadd.s32 v0, v28  }
0x94: {  	v34 =	vadd.s32 v0, v30  }
0x95: {  	v32 =	vld.idx.msk [tilespmem:v32+s12+$0x0], $0xffff  }
0x96: {  	v35 =	vadd.s32 v0, v31;
	_ =	sdelay $0x1  }
0x97: {  	v33 =	vld.idx.msk [tilespmem:v33+s8+$0x0], $0xffff;
	v36 =	vadd.s32 v0, v29  }
0x98: {  	v34 =	vld.idx.msk [tilespmem:v34+s8+$0x0], $0xffff  }
0x99: {  	v37 =	vadd.s32 v0, v32  }
0x9a: {  	v35 =	vld.idx.msk [tilespmem:v35+s8+$0x0], $0xffff;
	_ =	sdelay $0x1  }
0x9b: {  	v36 =	vld.idx.msk [tilespmem:v36+s8+$0x0], $0xffff  }
0x9c: {  	v33 =	vadd.f32 v33, v34  }
0x9d: {  	v49 =	vld.idx.msk [tilespmem:v37+s8+$0x0], $0xffff  }
0x9e: {  	v33 =	vadd.f32 v35, v33;
	_ =	sdelay $0x1  }
0x9f: {  	v50 =	vadd.s32 v21, v30;
	v33 =	vadd.f32 v36, v33  }
0xa0: {  	v51 =	vadd.s32 v21, v28  }
0xa1: {  	v33 =	vadd.f32 v49, v33  }
0xa2: {  	s17 =	simm.s32 $0x28C0;
	v52 =	vadd.s32 v21, v31  }
0xa3: {  	[tilespmem:s17+$0xFFFFFFC0] =	vst v33  }
0xa4: {  	v53 =	vadd.s32 v21, v29;
	v33 =	vld.idx.msk [tilespmem:v50+s8+$0x0], $0xffff  }
0xa5: {  	v36 =	vld.idx.msk [tilespmem:v51+s8+$0x0], $0xffff  }
0xa6: {  	v54 =	vadd.s32 v21, v32  }
0xa7: {  	v34 =	vld.idx.msk [tilespmem:v52+s8+$0x0], $0xffff;
	_ =	sdelay $0x1  }
0xa8: {  	v35 =	vld.idx.msk [tilespmem:v53+s8+$0x0], $0xffff  }
0xa9: {  	v33 =	vadd.f32 v36, v33  }
0xaa: {  	v55 =	vld.idx.msk [tilespmem:v54+s8+$0x0], $0xffff  }
0xab: {  	v33 =	vadd.f32 v34, v33;
	_ =	sdelay $0x1  }
0xac: {  	v56 =	vadd.s32 v22, v30;
	v33 =	vadd.f32 v35, v33  }
0xad: {  	v57 =	vadd.s32 v22, v28  }
0xae: {  	v33 =	vadd.f32 v55, v33  }
0xaf: {  	v58 =	vadd.s32 v22, v31  }
0xb0: {  	[tilespmem:s17+$0xFFFFFFD0] =	vst v33  }
0xb1: {  	v59 =	vadd.s32 v22, v29;
	v33 =	vld.idx.msk [tilespmem:v56+s8+$0x0], $0xffff  }
0xb2: {  	v35 =	vld.idx.msk [tilespmem:v57+s8+$0x0], $0xffff  }
0xb3: {  	v60 =	vadd.s32 v22, v32  }
0xb4: {  	v36 =	vld.idx.msk [tilespmem:v58+s8+$0x0], $0xffff;
	_ =	sdelay $0x1  }
0xb5: {  	v34 =	vld.idx.msk [tilespmem:v59+s8+$0x0], $0xffff  }
0xb6: {  	v33 =	vadd.f32 v35, v33  }
0xb7: {  	v61 =	vld.idx.msk [tilespmem:v60+s8+$0x0], $0xffff  }
0xb8: {  	v33 =	vadd.f32 v36, v33;
	_ =	sdelay $0x1  }
0xb9: {  	v62 =	vadd.s32 v23, v30;
	v33 =	vadd.f32 v34, v33  }
0xba: {  	v63 =	vadd.s32 v23, v28  }
0xbb: {  	v33 =	vadd.f32 v61, v33  }
0xbc: {  	v40 =	vadd.s32 v23, v31  }
0xbd: {  	[tilespmem:s17+$0xFFFFFFE0] =	vst v33  }
0xbe: {  	v41 =	vadd.s32 v23, v29;
	v33 =	vld.idx.msk [tilespmem:v62+s8+$0x0], $0xffff  }
0xbf: {  	v36 =	vld.idx.msk [tilespmem:v63+s8+$0x0], $0xffff  }
0xc0: {  	v42 =	vadd.s32 v23, v32  }
0xc1: {  	v35 =	vld.idx.msk [tilespmem:v40+s8+$0x0], $0xffff;
	_ =	sdelay $0x1  }
0xc2: {  	v34 =	vld.idx.msk [tilespmem:v41+s8+$0x0], $0xffff  }
0xc3: {  	v33 =	vadd.f32 v36, v33  }
0xc4: {  	v43 =	vld.idx.msk [tilespmem:v42+s8+$0x0], $0xffff  }
0xc5: {  	v33 =	vadd.f32 v35, v33;
	_ =	sdelay $0x1  }
0xc6: {  	v44 =	vadd.s32 v24, v30;
	v33 =	vadd.f32 v34, v33  }
0xc7: {  	v45 =	vadd.s32 v24, v28  }
0xc8: {  	v33 =	vadd.f32 v43, v33  }
0xc9: {  	v46 =	vadd.s32 v24, v31  }
0xca: {  	[tilespmem:s17+$0xFFFFFFF0] =	vst v33  }
0xcb: {  	v47 =	vadd.s32 v24, v29;
	v33 =	vld.idx.msk [tilespmem:v44+s8+$0x0], $0xffff  }
0xcc: {  	v35 =	vld.idx.msk [tilespmem:v45+s8+$0x0], $0xffff  }
0xcd: {  	v48 =	vadd.s32 v24, v32  }
0xce: {  	v36 =	vld.idx.msk [tilespmem:v46+s8+$0x0], $0xffff;
	_ =	sdelay $0x1  }
0xcf: {  	v34 =	vld.idx.msk [tilespmem:v47+s8+$0x0], $0xffff  }
0xd0: {  	v33 =	vadd.f32 v35, v33  }
0xd1: {  	v49 =	vld.idx.msk [tilespmem:v48+s8+$0x0], $0xffff  }
0xd2: {  	v33 =	vadd.f32 v36, v33;
	_ =	sdelay $0x1  }
0xd3: {  	v50 =	vadd.s32 v25, v30;
	v33 =	vadd.f32 v34, v33  }
0xd4: {  	v51 =	vadd.s32 v25, v28  }
0xd5: {  	v33 =	vadd.f32 v49, v33  }
0xd6: {  	v52 =	vadd.s32 v25, v31  }
0xd7: {  	[tilespmem:s17+$0x0] =	vst v33  }
0xd8: {  	v53 =	vadd.s32 v25, v29;
	v34 =	vld.idx.msk [tilespmem:v50+s8+$0x0], $0xffff  }
0xd9: {  	v36 =	vld.idx.msk [tilespmem:v51+s8+$0x0], $0xffff  }
0xda: {  	v54 =	vadd.s32 v25, v32  }
0xdb: {  	v35 =	vld.idx.msk [tilespmem:v52+s8+$0x0], $0xffff;
	_ =	sdelay $0x1  }
0xdc: {  	v33 =	vld.idx.msk [tilespmem:v53+s8+$0x0], $0xffff  }
0xdd: {  	v34 =	vadd.f32 v36, v34  }
0xde: {  	v55 =	vld.idx.msk [tilespmem:v54+s8+$0x0], $0xffff  }
0xdf: {  	v34 =	vadd.f32 v35, v34;
	_ =	sdelay $0x1  }
0xe0: {  	v56 =	vadd.s32 v26, v30;
	v33 =	vadd.f32 v33, v34  }
0xe1: {  	v57 =	vadd.s32 v26, v28  }
0xe2: {  	v33 =	vadd.f32 v55, v33  }
0xe3: {  	v58 =	vadd.s32 v26, v31  }
0xe4: {  	[tilespmem:s17+$0x10] =	vst v33  }
0xe5: {  	v59 =	vadd.s32 v26, v29;
	v34 =	vld.idx.msk [tilespmem:v56+s8+$0x0], $0xffff  }
0xe6: {  	v35 =	vld.idx.msk [tilespmem:v57+s8+$0x0], $0xffff  }
0xe7: {  	v60 =	vadd.s32 v26, v32  }
0xe8: {  	v36 =	vld.idx.msk [tilespmem:v58+s8+$0x0], $0xffff;
	_ =	sdelay $0x1  }
0xe9: {  	v33 =	vld.idx.msk [tilespmem:v59+s8+$0x0], $0xffff  }
0xea: {  	v34 =	vadd.f32 v35, v34  }
0xeb: {  	v61 =	vld.idx.msk [tilespmem:v60+s8+$0x0], $0xffff  }
0xec: {  	v34 =	vadd.f32 v36, v34;
	_ =	sdelay $0x1  }
0xed: {  	v30 =	vadd.s32 v27, v30;
	v33 =	vadd.f32 v33, v34  }
0xee: {  	v28 =	vadd.s32 v27, v28  }
0xef: {  	v62 =	vadd.s32 v27, v31;
	v33 =	vadd.f32 v61, v33  }
0xf0: {  	v29 =	vadd.s32 v27, v29  }
0xf1: {  	v63 =	vadd.s32 v27, v32;
	[tilespmem:s17+$0x20] =	vst v33  }
0xf2: {  	v31 =	vld.idx.msk [tilespmem:v30+s8+$0x0], $0xffff  }
0xf3: {  	v32 =	vld.idx.msk [tilespmem:v28+s8+$0x0], $0xffff  }
0xf4: {  	v30 =	vld.idx.msk [tilespmem:v62+s8+$0x0], $0xffff  }
0xf5: {  	v29 =	vld.idx.msk [tilespmem:v29+s8+$0x0], $0xffff  }
0xf6: {  	s19 =	simm.s32 $0x1;
	s18 =	simm.s32 $0x28C0;
	v28 =	vld.idx.msk [tilespmem:v63+s8+$0x0], $0xffff  }
.LBB2_3:
0xf7: {  	p0 =	sne.s32 s19, $0x3E  }
0xf8: {  	s17 =	sadd.s32 $0x80, s17;
	s20 =	smov.u32 s19;
	s19 =	sadd.s32 $0x1, s19;
	v31 =	vadd.f32 v32, v31  }
0xf9: {  	_ = 	snop  }
0xfa: {  	v30 =	vadd.f32 v30, v31  }
0xfb: {  	s21 =	sadd.s32 $0x40, s20;
	v31 =	vmov s20  }
0xfc: {  	v32 =	vmov s21;
	v29 =	vadd.f32 v29, v30  }
0xfd: {  	s21 =	sadd.s32 $0x80, s20  }
0xfe: {  	v33 =	vmov s21;
	v28 =	vadd.f32 v28, v29;
	_ =	sdelay $0x1  }
0xff: {  	s21 =	sadd.s32 $0xC0, s20;
	[tilespmem:s18+$0x30] =	vst v28;
	s18 =	smov.u32 s17  }
0x100: {  	v28 =	vld.idx.msk [tilespmem:v32+s12+$0x0], $0xffff;
	v32 =	vmov s21  }
0x101: {  	s20 =	sadd.s32 $0x100, s20;
	v30 =	vld.idx.msk [tilespmem:v31+s12+$0x0], $0xffff  }
0x102: {  	v29 =	vld.idx.msk [tilespmem:v33+s12+$0x0], $0xffff;
	v33 =	vmov s20;
	_ =	sdelay $0x2  }
0x103: {  	v31 =	vld.idx.msk [tilespmem:v32+s12+$0x0], $0xffff  }
0x104: {  	v34 =	vadd.s32 v0, v28  }
0x105: {  	v32 =	vld.idx.msk [tilespmem:v33+s12+$0x0], $0xffff;
	v33 =	vadd.s32 v0, v30  }
0x106: {  	v35 =	vadd.s32 v0, v29;
	_ =	sdelay $0x2  }
0x107: {  	v36 =	vadd.s32 v0, v31;
	v34 =	vld.idx.msk [tilespmem:v34+s8+$0x0], $0xffff  }
0x108: {  	v33 =	vld.idx.msk [tilespmem:v33+s8+$0x0], $0xffff  }
0x109: {  	v37 =	vadd.s32 v0, v32  }
0x10a: {  	v35 =	vld.idx.msk [tilespmem:v35+s8+$0x0], $0xffff;
	_ =	sdelay $0x1  }
0x10b: {  	v36 =	vld.idx.msk [tilespmem:v36+s8+$0x0], $0xffff;
	_ =	sdelay $0x1  }
0x10c: {  	v33 =	vadd.f32 v34, v33;
	v34 =	vld.idx.msk [tilespmem:v37+s8+$0x0], $0xffff;
	_ =	sdelay $0x1  }
0x10d: {  	v33 =	vadd.f32 v35, v33;
	_ =	sdelay $0x1  }
0x10e: {  	v35 =	vadd.s32 v21, v30;
	v33 =	vadd.f32 v36, v33  }
0x10f: {  	v36 =	vadd.s32 v21, v28  }
0x110: {  	v33 =	vadd.f32 v34, v33  }
0x111: {  	v34 =	vadd.s32 v21, v29  }
0x112: {  	[tilespmem:s17+$0xFFFFFFC0] =	vst v33  }
0x113: {  	v33 =	vld.idx.msk [tilespmem:v35+s8+$0x0], $0xffff;
	v35 =	vadd.s32 v21, v31  }
0x114: {  	v36 =	vld.idx.msk [tilespmem:v36+s8+$0x0], $0xffff  }
0x115: {  	v37 =	vadd.s32 v21, v32  }
0x116: {  	v34 =	vld.idx.msk [tilespmem:v34+s8+$0x0], $0xffff;
	_ =	sdelay $0x1  }
0x117: {  	v35 =	vld.idx.msk [tilespmem:v35+s8+$0x0], $0xffff;
	_ =	sdelay $0x1  }
0x118: {  	v33 =	vadd.f32 v36, v33;
	v36 =	vld.idx.msk [tilespmem:v37+s8+$0x0], $0xffff;
	_ =	sdelay $0x1  }
0x119: {  	v33 =	vadd.f32 v34, v33;
	_ =	sdelay $0x1  }
0x11a: {  	v34 =	vadd.s32 v22, v30;
	v33 =	vadd.f32 v35, v33  }
0x11b: {  	v35 =	vadd.s32 v22, v28  }
0x11c: {  	v33 =	vadd.f32 v36, v33  }
0x11d: {  	v36 =	vadd.s32 v22, v29  }
0x11e: {  	[tilespmem:s17+$0xFFFFFFD0] =	vst v33  }
0x11f: {  	v33 =	vld.idx.msk [tilespmem:v34+s8+$0x0], $0xffff;
	v34 =	vadd.s32 v22, v31  }
0x120: {  	v35 =	vld.idx.msk [tilespmem:v35+s8+$0x0], $0xffff  }
0x121: {  	v37 =	vadd.s32 v22, v32  }
0x122: {  	v36 =	vld.idx.msk [tilespmem:v36+s8+$0x0], $0xffff;
	_ =	sdelay $0x1  }
0x123: {  	v34 =	vld.idx.msk [tilespmem:v34+s8+$0x0], $0xffff;
	_ =	sdelay $0x1  }
0x124: {  	v33 =	vadd.f32 v35, v33;
	v35 =	vld.idx.msk [tilespmem:v37+s8+$0x0], $0xffff;
	_ =	sdelay $0x1  }
0x125: {  	v33 =	vadd.f32 v36, v33;
	_ =	sdelay $0x1  }
0x126: {  	v33 =	vadd.f32 v34, v33;
	v34 =	vadd.s32 v23, v30  }
0x127: {  	v36 =	vadd.s32 v23, v28  }
0x128: {  	v33 =	vadd.f32 v35, v33  }
0x129: {  	v35 =	vadd.s32 v23, v29  }
0x12a: {  	[tilespmem:s17+$0xFFFFFFE0] =	vst v33  }
0x12b: {  	v33 =	vld.idx.msk [tilespmem:v34+s8+$0x0], $0xffff;
	v34 =	vadd.s32 v23, v31  }
0x12c: {  	v36 =	vld.idx.msk [tilespmem:v36+s8+$0x0], $0xffff  }
0x12d: {  	v37 =	vadd.s32 v23, v32  }
0x12e: {  	v35 =	vld.idx.msk [tilespmem:v35+s8+$0x0], $0xffff;
	_ =	sdelay $0x1  }
0x12f: {  	v34 =	vld.idx.msk [tilespmem:v34+s8+$0x0], $0xffff;
	_ =	sdelay $0x1  }
0x130: {  	v33 =	vadd.f32 v36, v33;
	v36 =	vld.idx.msk [tilespmem:v37+s8+$0x0], $0xffff;
	_ =	sdelay $0x1  }
0x131: {  	v33 =	vadd.f32 v35, v33;
	_ =	sdelay $0x1  }
0x132: {  	v33 =	vadd.f32 v34, v33;
	v34 =	vadd.s32 v24, v30  }
0x133: {  	v35 =	vadd.s32 v24, v28  }
0x134: {  	v33 =	vadd.f32 v36, v33  }
0x135: {  	v36 =	vadd.s32 v24, v29  }
0x136: {  	[tilespmem:s17+$0xFFFFFFF0] =	vst v33  }
0x137: {  	v33 =	vld.idx.msk [tilespmem:v34+s8+$0x0], $0xffff;
	v34 =	vadd.s32 v24, v31  }
0x138: {  	v35 =	vld.idx.msk [tilespmem:v35+s8+$0x0], $0xffff  }
0x139: {  	v37 =	vadd.s32 v24, v32  }
0x13a: {  	v36 =	vld.idx.msk [tilespmem:v36+s8+$0x0], $0xffff;
	_ =	sdelay $0x1  }
0x13b: {  	v34 =	vld.idx.msk [tilespmem:v34+s8+$0x0], $0xffff;
	_ =	sdelay $0x1  }
0x13c: {  	v33 =	vadd.f32 v35, v33;
	v35 =	vld.idx.msk [tilespmem:v37+s8+$0x0], $0xffff;
	_ =	sdelay $0x1  }
0x13d: {  	v33 =	vadd.f32 v36, v33;
	_ =	sdelay $0x1  }
0x13e: {  	v33 =	vadd.f32 v34, v33;
	v34 =	vadd.s32 v25, v30  }
0x13f: {  	v36 =	vadd.s32 v25, v28  }
0x140: {  	v33 =	vadd.f32 v35, v33;
	v35 =	vadd.s32 v25, v29  }
0x141: {  	v37 =	vadd.s32 v25, v31  }
0x142: {  	[tilespmem:s17+$0x0] =	vst v33;
	v33 =	vadd.s32 v25, v32  }
0x143: {  	v34 =	vld.idx.msk [tilespmem:v34+s8+$0x0], $0xffff  }
0x144: {  	v36 =	vld.idx.msk [tilespmem:v36+s8+$0x0], $0xffff  }
0x145: {  	v35 =	vld.idx.msk [tilespmem:v35+s8+$0x0], $0xffff  }
0x146: {  	v37 =	vld.idx.msk [tilespmem:v37+s8+$0x0], $0xffff  }
0x147: {  	v33 =	vld.idx.msk [tilespmem:v33+s8+$0x0], $0xffff;
	_ =	sdelay $0x2  }
0x148: {  	v34 =	vadd.f32 v36, v34;
	_ =	sdelay $0x1  }
0x149: {  	v34 =	vadd.f32 v35, v34;
	_ =	sdelay $0x1  }
0x14a: {  	v35 =	vadd.s32 v26, v30;
	v34 =	vadd.f32 v37, v34  }
0x14b: {  	v36 =	vadd.s32 v26, v28  }
0x14c: {  	v33 =	vadd.f32 v33, v34;
	v34 =	vadd.s32 v26, v29  }
0x14d: {  	v37 =	vadd.s32 v26, v31  }
0x14e: {  	[tilespmem:s17+$0x10] =	vst v33;
	v33 =	vadd.s32 v26, v32  }
0x14f: {  	v35 =	vld.idx.msk [tilespmem:v35+s8+$0x0], $0xffff  }
0x150: {  	v36 =	vld.idx.msk [tilespmem:v36+s8+$0x0], $0xffff  }
0x151: {  	v34 =	vld.idx.msk [tilespmem:v34+s8+$0x0], $0xffff  }
0x152: {  	v37 =	vld.idx.msk [tilespmem:v37+s8+$0x0], $0xffff  }
0x153: {  	v33 =	vld.idx.msk [tilespmem:v33+s8+$0x0], $0xffff;
	_ =	sdelay $0x2  }
0x154: {  	v35 =	vadd.f32 v36, v35;
	_ =	sdelay $0x1  }
0x155: {  	v34 =	vadd.f32 v34, v35;
	_ =	sdelay $0x1  }
0x156: {  	v30 =	vadd.s32 v27, v30;
	v34 =	vadd.f32 v37, v34  }
0x157: {  	v28 =	vadd.s32 v27, v28  }
0x158: {  	v29 =	vadd.s32 v27, v29;
	v33 =	vadd.f32 v33, v34  }
0x159: {  	v34 =	vadd.s32 v27, v31  }
0x15a: {  	[tilespmem:s17+$0x20] =	vst v33;
	v33 =	vadd.s32 v27, v32  }
.Ltmp0:
0x15b: {  	v31 =	vld.idx.msk [tilespmem:v30+s8+$0x0], $0xffff;
	(pc) =	sbr.rel @p0 .LBB2_3-.Ltmp0, $4  }
0x15c: {  	v32 =	vld.idx.msk [tilespmem:v28+s8+$0x0], $0xffff  }
0x15d: {  	v30 =	vld.idx.msk [tilespmem:v29+s8+$0x0], $0xffff  }
0x15e: {  	v29 =	vld.idx.msk [tilespmem:v34+s8+$0x0], $0xffff  }
0x15f: {  	v28 =	vld.idx.msk [tilespmem:v33+s8+$0x0], $0xffff  }
0x160: {  	_ = 	snop  }
0x161: {  	v31 =	vadd.f32 v32, v31;
	_ =	sdelay $0x1  }
0x162: {  	v30 =	vadd.f32 v30, v31;
	_ =	sdelay $0x1  }
0x163: {  	v29 =	vadd.f32 v29, v30;
	_ =	sdelay $0x1  }
0x164: {  	s15 =	sadd.s32 $0x1, s15;
	v28 =	vadd.f32 v28, v29  }
0x165: {  	s16 =	sshll.u32 s16, $0xA;
	p0 =	sne.s32 s15, $0x20  }
.Ltmp1:
0x166: {  	s16 =	sadd.s32 s5, s16;
	[tilespmem:s18+$0x30] =	vst v28;
	(pc) =	sbr.rel @p0 .LBB2_2-.Ltmp1, $4  }
0x167: {  	[hbm4b:s16+s2] =	stream.linear.scatter [tilespmem:s13], [sflag:$0x1], $0x2000, $0x38;
	[tilespmem:$0x4880] =	vst v63  }
0x168: {  	_ =	swait.ge [sflag:s9], $0x2000  }
0x169: {  	[sflag:s9] =	ssyncset.done $0x0  }
0x16a: {  	[sflag:s9] =	ssyncadd.s32 $0xFFFFE000  }
0x16b: {  	s14 =	sadd.s32 $0x1, s14  }
0x16c: {  	p0 =	sne.s32 s14, s7  }
.Ltmp2:
0x16d: {  	_ = 	snop;
	(pc) =	sbr.rel @p0 .LBB2_1-.Ltmp2, $1  }
0x16e: {  	_ =	sdelay $0x3  }
0x16f: {  	_ =	sfence.sel $0x180000  }
0x170: {  	[bflag:$0x0] =	sbarrier.arrive $0xFFFF  }
0x171: {  	p0 =	sne.s32 s4, $0x0;
	_ =	strace $0x90000047  }
0x172: {  	s0 =	sadd.s32 @!p0 $0x100000, s0;
	[bflag:$0x2] =	sbarrier.arrive $0xFFFF  }
0x173: {  	[sflag:s0] =	ssyncadd.tile.s32 @!p0 $0x1;
	_ =	shalt  }
.Lfunc_end2:
_tile_overlayer_lowered:
.L_overlay_start_2:
0x174: {  	(tag) =	ssettag $0x2  }
0x175: {  	s0 =	rddreg [dreg:$0x0];
	s2 =	stileid.u32  }
0x176: {  	s1 =	rddreg [dreg:$0x1];
	p0 =	sne.s32 s2, $0x0  }
0x177: {  	s3 =	rddreg [dreg:$0x2];
	[bflag:$0x3] =	sbarrier.arrive $0xFFFF;
	s2 =	simm.s32 @!p0 $0x1C01  }
0x178: {  	[timem:s3], [sflag:s2] =	dma.local @!p0 [hbm:s0], s1  }
0x179: {  	s0 =	simm.s32 @!p0 $0x1  }
0x17a: {  	_ =	swait.ge @!p0 [sflag:s0], s1  }
0x17b: {  	s1 =	ssub.s32 @!p0 $0x0, s1;
	[sflag:s0] =	ssyncset.done @!p0 $0x0  }
0x17c: {  	[sflag:s0] =	ssyncadd.s32 @!p0 s1  }
0x17d: {  	[bflag:$0x3] =	sbarrier.arrive $0xFFFF  }
0x17e: {  	_ =	shalt  }

</sc_bundles>
